<compile_context>
chip_gen: v7x
topology: tpu7x:2x2x1
jax: 0.10.2.dev20260603
libtpu: 0.0.44.dev20260713+nightly
codegen_flags: <defaults>
</compile_context>

<pallas_src>
import functools

import jax
import jax.numpy as jnp
import numpy as np
from jax import lax
from jax.experimental import pallas as pl
from jax.experimental.pallas import tpu as pltpu
from jax.experimental.pallas import tpu_sc as plsc

BS = 8
NQ = 900
NC = 92
TPI = 25
TT = BS * TPI
PAD = 32
PCOLS = BS * PAD
NQP = 912

_SQRT2 = np.float32(np.sqrt(np.float32(2.0)))
_DEN = np.float32(2.5) * _SQRT2
_HN = np.float32(0.3) * _SQRT2
_NEG = np.float32(-3.0e38)
_MARK = np.float32(-1e-7)
_BIGI = np.int32(2147483647)


def _phase_a(logits_ref, pb_ref, tb_ref, lab_ref,
             gap_ref, row_ref, v0_ref, v1_ref, B_ref):
    for b in range(BS):
        x = logits_ref[b]
        m = jnp.max(x, axis=1, keepdims=True)
        e = jnp.exp(x - m)
        s = jnp.sum(e, axis=1, keepdims=True)
        prob = e / s

        lab = lab_ref[b]
        onehot = (lab == jax.lax.broadcasted_iota(jnp.int32, (PAD, NC), 1)
                  ).astype(jnp.float32)
        clsprob = jax.lax.dot_general(
            onehot, prob, (((1,), (1,)), ((), ())),
            preferred_element_type=jnp.float32)

        pb = pb_ref[b]
        qcx, qcy, qw, qh = pb[0:1], pb[1:2], pb[2:3], pb[3:4]
        tb = tb_ref[b]
        tcx, tcy, tw, th = tb[:, 0:1], tb[:, 1:2], tb[:, 2:3], tb[:, 3:4]

        cbbox = (jnp.abs(qcx - tcx) + jnp.abs(qcy - tcy)
                 + jnp.abs(qw - tw) + jnp.abs(qh - th))

        qx0, qx1 = qcx - 0.5 * qw, qcx + 0.5 * qw
        qy0, qy1 = qcy - 0.5 * qh, qcy + 0.5 * qh
        tx0, tx1 = tcx - 0.5 * tw, tcx + 0.5 * tw
        ty0, ty1 = tcy - 0.5 * th, tcy + 0.5 * th

        area_q = (qx1 - qx0) * (qy1 - qy0)
        area_t = (tx1 - tx0) * (ty1 - ty0)
        iw = jnp.clip(jnp.minimum(qx1, tx1) - jnp.maximum(qx0, tx0), 0.0, None)
        ih = jnp.clip(jnp.minimum(qy1, ty1) - jnp.maximum(qy0, ty0), 0.0, None)
        inter = iw * ih
        union = area_q + area_t - inter
        iou = inter / union
        ew = jnp.clip(jnp.maximum(qx1, tx1) - jnp.minimum(qx0, tx0), 0.0, None)
        eh = jnp.clip(jnp.maximum(qy1, ty1) - jnp.minimum(qy0, ty0), 0.0, None)
        earea = ew * eh
        giou = iou - (earea - union) / earea

        C = 5.0 * cbbox + 1.0 * (-clsprob) + 2.0 * (-giou)

        z = (-C - (-5.5)) / _DEN
        p = 0.5 * (1.0 + jax.lax.erf(z))
        fxa = _HN * jax.lax.erf_inv(p)
        B_ref[PAD * b:PAD * (b + 1), :] = fxa

    col_iota = jax.lax.broadcasted_iota(jnp.int32, (PCOLS, 1), 0)
    q_iota = jax.lax.broadcasted_iota(jnp.int32, (PCOLS, NQ), 1)
    pad_col = (col_iota % PAD) >= TPI

    B = B_ref[...]
    Bc = jnp.minimum(B, 100.0)
    max1 = jnp.max(Bc, axis=1, keepdims=True)
    amax_c = jnp.min(jnp.where(Bc == max1, q_iota, NQ),
                     axis=1, keepdims=True)
    second = jnp.max(jnp.where(q_iota == amax_c, _NEG, Bc),
                     axis=1, keepdims=True)
    gap_ref[...] = jnp.where(pad_col, -1.0, max1 - second)
    maxu = jnp.max(B, axis=1, keepdims=True)
    row_ref[...] = jnp.min(jnp.where(B == maxu, q_iota, NQ),
                           axis=1, keepdims=True)
    v0_ref[0:1, 0:NQ] = B_ref[0:1, :]
    v0_ref[0:1, NQ:NQP] = jnp.full((1, NQP - NQ), _NEG)
    v1_ref[0:1, 0:NQ] = B_ref[1:2, :]
    v1_ref[0:1, NQ:NQP] = jnp.full((1, NQP - NQ), _NEG)


def _emit(mark_ref, out_ref):
    q_sub = jax.lax.broadcasted_iota(jnp.int32, (NQ, PCOLS), 0)
    out_ref[...] = (q_sub == mark_ref[...]).astype(jnp.uint8)


def _i16():
    return jax.lax.broadcasted_iota(jnp.int32, (16,), 0)


def _extract_f(chunk, lane):
    return jnp.max(jnp.where(_i16() == lane, chunk, _NEG))


def _extract_i(chunk, lane):
    return jnp.max(jnp.where(_i16() == lane, chunk,
                             jnp.int32(-2147483647)))


def _sc_loop(gap_hbm, row_hbm, v0_hbm, v1_hbm, mark_hbm,
             gap_v, row_v, v0_v, v1_v, mark_v):
    @pl.when((lax.axis_index("c") == 0) & (lax.axis_index("s") == 0))
    def _():
        pltpu.sync_copy(gap_hbm, gap_v)
        pltpu.sync_copy(row_hbm, row_v)
        pltpu.sync_copy(v0_hbm, v0_v)
        pltpu.sync_copy(v1_hbm, v1_v)

        neg1 = jnp.full((16,), -1, jnp.int32)

        def initm(i, carry):
            mark_v[pl.ds(i * 16, 16)] = neg1
            return carry
        lax.fori_loop(0, PCOLS // 16, initm, 0)

        def sweep_stats(vref):
            def p1(i, carry):
                mu, iu, mc, ic = carry
                c = vref[pl.ds(i * 16, 16)]
                cc = jnp.minimum(c, 100.0)
                idx = _i16() + i * 16
                bu = c > mu
                mu = jnp.where(bu, c, mu)
                iu = jnp.where(bu, idx, iu)
                bc = cc > mc
                mc = jnp.where(bc, cc, mc)
                ic = jnp.where(bc, idx, ic)
                return mu, iu, mc, ic
            init = (jnp.full((16,), _NEG), jnp.full((16,), _BIGI),
                    jnp.full((16,), _NEG), jnp.full((16,), _BIGI))
            mu, iu, mc, ic = lax.fori_loop(0, NQP // 16, p1, init)
            m_u = jnp.max(mu)
            a_u = jnp.min(jnp.where(mu == m_u, iu, _BIGI))
            m_c = jnp.max(mc)
            a_c = jnp.min(jnp.where(mc == m_c, ic, _BIGI))

            def p2(i, sv):
                c = jnp.minimum(vref[pl.ds(i * 16, 16)], 100.0)
                idx = _i16() + i * 16
                c = jnp.where(idx == a_c, _NEG, c)
                return jnp.maximum(sv, c)
            sv = lax.fori_loop(0, NQP // 16, p2, jnp.full((16,), _NEG))
            s_c = jnp.max(sv)
            return m_u, a_u, m_c, a_c, s_c

        st0 = sweep_stats(v0_v)
        st1 = sweep_stats(v1_v)

        cmax = jnp.full((16,), _NEG)
        for k in range(PCOLS // 16):
            cmax = jnp.where(_i16() == k,
                             jnp.max(gap_v[pl.ds(k * 16, 16)]), cmax)

        def body(_, carry):
            st0, st1, cmax = carry
            g01 = gap_v[pl.ds(0, 16)]
            g01 = jnp.where(_i16() == 0, st0[2] - st0[4], g01)
            g01 = jnp.where(_i16() == 1, st1[2] - st1[4], g01)
            gap_v[pl.ds(0, 16)] = g01
            cmax = jnp.where(_i16() == 0, jnp.max(g01), cmax)

            gmax = jnp.max(cmax)
            kch = jnp.min(jnp.where(cmax == gmax, _i16(), _BIGI))
            cbase = kch * 16
            gch = gap_v[pl.ds(cbase, 16)]
            clane = jnp.min(jnp.where(gch == gmax, _i16(), _BIGI))
            col = cbase + clane
            chr_ = row_v[pl.ds(cbase, 16)]
            rother = _extract_i(chr_, clane)
            row = jnp.where(col == 0, st0[1],
                            jnp.where(col == 1, st1[1], rother))
            row_v[pl.ds(cbase, 16)] = jnp.where(
                _i16() == clane,
                jnp.where(row == 0, jnp.int32(1), jnp.int32(0)), chr_)
            rbase = (row // 16) * 16
            rlane = row - rbase

            def upd(vref, st, j):
                def reset(_):
                    zero = jnp.zeros((16,), jnp.float32)

                    def zloop(i, c):
                        vref[pl.ds(i * 16, 16)] = zero
                        return c
                    lax.fori_loop(0, NQP // 16, zloop, 0)
                    ch = vref[pl.ds(rbase, 16)]
                    vref[pl.ds(rbase, 16)] = jnp.where(
                        _i16() == rlane, _MARK, ch)
                    a = jnp.where(row == 0, jnp.int32(1), jnp.int32(0))
                    z32 = jnp.float32(0.0)
                    return (z32, a, z32, a, z32)

                def knock(_):
                    ch = vref[pl.ds(rbase, 16)]
                    x = _extract_f(ch, rlane)
                    vref[pl.ds(rbase, 16)] = jnp.where(
                        _i16() == rlane, 0.0, ch)
                    m_u, a_u, m_c, a_c, s_c = st
                    need = ((row == a_u) | (row == a_c)
                            | (jnp.minimum(x, 100.0) >= s_c) | (x < 0.0))
                    return lax.cond(need, lambda __: sweep_stats(vref),
                                    lambda __: st, 0)

                return lax.cond(col == j, reset, knock, 0)

            st0 = upd(v0_v, st0, 0)
            st1 = upd(v1_v, st1, 1)

            ch0 = mark_v[pl.ds(0, 16)]
            mark_v[pl.ds(0, 16)] = jnp.where(
                (_i16() <= 1) & (ch0 == row), jnp.int32(-1), ch0)
            ch = mark_v[pl.ds(cbase, 16)]
            mark_v[pl.ds(cbase, 16)] = jnp.where(_i16() == clane, row, ch)

            chg = gap_v[pl.ds(cbase, 16)]
            chg = jnp.where(_i16() == clane, jnp.float32(0.0), chg)
            gap_v[pl.ds(cbase, 16)] = chg
            cmax = jnp.where(_i16() == kch, jnp.max(chg), cmax)
            return st0, st1, cmax

        lax.fori_loop(0, TT, body, (st0, st1, cmax))
        pltpu.sync_copy(mark_v, mark_hbm)


@jax.jit
def kernel(pred_logits, pred_boxes, tgt_labels, tgt_boxes):
    pb = jnp.transpose(pred_boxes, (0, 2, 1))
    tb = tgt_boxes.reshape(BS, TPI, 4)
    tb = jnp.pad(tb, ((0, 0), (0, PAD - TPI), (0, 0)))
    lab = tgt_labels.reshape(BS, TPI)
    lab = jnp.pad(lab, ((0, 0), (0, PAD - TPI)))[..., None]

    gap0, rowstat, v0, v1 = pl.pallas_call(
        _phase_a,
        out_shape=[
            jax.ShapeDtypeStruct((PCOLS, 1), jnp.float32),
            jax.ShapeDtypeStruct((PCOLS, 1), jnp.int32),
            jax.ShapeDtypeStruct((1, NQP), jnp.float32),
            jax.ShapeDtypeStruct((1, NQP), jnp.float32),
        ],
        scratch_shapes=[pltpu.VMEM((PCOLS, NQ), jnp.float32)],
    )(pred_logits, pb, tb, lab)

    gap0 = gap0.reshape(PCOLS)
    rowstat = rowstat.reshape(PCOLS)
    v0 = v0.reshape(NQP)
    v1 = v1.reshape(NQP)

    mesh = plsc.VectorSubcoreMesh(core_axis_name="c", subcore_axis_name="s")
    marker = pl.kernel(
        _sc_loop,
        mesh=mesh,
        compiler_params=pltpu.CompilerParams(needs_layout_passes=False),
        out_type=jax.ShapeDtypeStruct((PCOLS,), jnp.int32),
        scratch_types=[
            pltpu.VMEM((PCOLS,), jnp.float32),
            pltpu.VMEM((PCOLS,), jnp.int32),
            pltpu.VMEM((NQP,), jnp.float32),
            pltpu.VMEM((NQP,), jnp.float32),
            pltpu.VMEM((PCOLS,), jnp.int32),
        ],
    )(gap0, rowstat, v0, v1)

    out = pl.pallas_call(
        _emit,
        out_shape=jax.ShapeDtypeStruct((NQ, PCOLS), jnp.uint8),
    )(marker.reshape(1, PCOLS))

    sel = (np.arange(TT) // TPI) * PAD + (np.arange(TT) % TPI)
    return out[:, sel].astype(jnp.bool_)

# --- scband reference (transcript-rebuilt; emitter-appended) ---
"""Pipeline reference for scband-hungarian-matcher-34162169872919 (READ-ONLY COPY).

The authoritative reference and input builder live on the scoring server;
editing this copy changes nothing except your own understanding.
"""

import jax, jax.numpy as jnp
import numpy as np
from jax.scipy.special import erf, erfinv

BS = 8
NQ = 900
NC = 92
TGT_PER_IMG = 25
TT = BS * TGT_PER_IMG
COST_CLASS = 1.0
COST_BBOX = 5.0
COST_GIOU = 2.0


def box_cxcywh_to_xyxy(b):
    cx, cy, w, h = b[..., 0], b[..., 1], b[..., 2], b[..., 3]
    return jnp.stack([cx - 0.5 * w, cy - 0.5 * h, cx + 0.5 * w, cy + 0.5 * h], axis=-1)


def generalized_box_iou(boxes1, boxes2):
    area1 = (boxes1[:, 2] - boxes1[:, 0]) * (boxes1[:, 3] - boxes1[:, 1])
    area2 = (boxes2[:, 2] - boxes2[:, 0]) * (boxes2[:, 3] - boxes2[:, 1])
    lt = jnp.maximum(boxes1[:, None, :2], boxes2[None, :, :2])
    rb = jnp.minimum(boxes1[:, None, 2:], boxes2[None, :, 2:])
    wh = jnp.clip(rb - lt, 0.0, None)
    inter = wh[..., 0] * wh[..., 1]
    union = area1[:, None] + area2[None, :] - inter
    iou = inter / union
    lt2 = jnp.minimum(boxes1[:, None, :2], boxes2[None, :, :2])
    rb2 = jnp.maximum(boxes1[:, None, 2:], boxes2[None, :, 2:])
    wh2 = jnp.clip(rb2 - lt2, 0.0, None)
    area = wh2[..., 0] * wh2[..., 1]
    return iou - (area - union) / area


def normal_cdf(x, loc, scale):
    return 0.5 * (1.0 + erf((x - loc) / (scale * jnp.sqrt(2.0))))


def halfnormal_icdf(p, scale):
    return scale * jnp.sqrt(2.0) * erfinv(p)


def cost_matrix(pred_logits, pred_boxes, tgt_labels, tgt_boxes):
    bs, nq = pred_logits.shape[:2]
    out_prob = jax.nn.softmax(pred_logits.reshape(bs * nq, -1), axis=-1)
    out_bbox = pred_boxes.reshape(bs * nq, 4)
    cost_class = -out_prob[:, tgt_labels]
    cost_bbox = jnp.sum(jnp.abs(out_bbox[:, None, :] - tgt_boxes[None, :, :]), axis=-1)
    cost_giou = -generalized_box_iou(box_cxcywh_to_xyxy(out_bbox), box_cxcywh_to_xyxy(tgt_boxes))
    C = COST_BBOX * cost_bbox + COST_CLASS * cost_class + COST_GIOU * cost_giou
    return C.reshape(bs, nq, -1)


def setup_inputs(seed: int = 0):
    key = jax.random.key(seed)
    k1, k2, k3, k4 = jax.random.split(key, 4)
    pred_logits = jax.random.normal(k1, (BS, NQ, NC), dtype=jnp.float32)
    pred_boxes = jax.random.uniform(k2, (BS, NQ, 4), dtype=jnp.float32, minval=0.05, maxval=0.95)
    tgt_labels = jax.random.randint(k3, (TT,), 0, NC, dtype=jnp.int32)
    tgt_boxes = jax.random.uniform(k4, (TT, 4), dtype=jnp.float32, minval=0.05, maxval=0.95)
    return {"pred_logits": pred_logits, "pred_boxes": pred_boxes, "tgt_labels": tgt_labels, "tgt_boxes": tgt_boxes}


def reference(pred_logits, pred_boxes, tgt_labels, tgt_boxes):
    C = cost_matrix(pred_logits, pred_boxes, tgt_labels, tgt_boxes)
    prob = normal_cdf(-C, -5.5, 2.5)
    fxa = halfnormal_icdf(prob, 0.3)
    fxa_t = jnp.transpose(fxa, (0, 2, 1))  # [bs, TT, nq]
    batch_idx = jnp.repeat(jnp.arange(BS), TGT_PER_IMG)
    fx = fxa_t[batch_idx, jnp.arange(TT)]  # [TT, nq] -- boolean block-diag mask selection
    row_lookups = jnp.repeat(jnp.repeat(jnp.eye(BS, dtype=jnp.int32), TGT_PER_IMG, axis=0), TGT_PER_IMG, axis=1)

    B0 = fx.T  # [nq, TT]

    def body(i, B):
        # torch.topk(clamp(B, max=100), 2, dim=0).values -> [2, TT]; diff(n=1, dim=0)[0] -> [TT]
        vals = jax.lax.top_k(jnp.minimum(B, 100.0).T, 2)[0]  # [TT, 2], descending
        deltas = vals[:, 1] - vals[:, 0]
        col = jnp.argmax(jnp.abs(deltas))
        row = jnp.argmax(B[:, col])
        B = B.at[:, col].set(0.0)
        B = B.at[row, row_lookups[col]].set(0.0)
        B = B.at[row, col].set(-1e-07)
        return B

    B = jax.lax.fori_loop(0, TT, body, B0)
    assign = B < 0  # [nq, TT] boolean assignment matrix
    return assign

if __name__ == "__main__":
    import jax
    _d = setup_inputs()
    print(jax.jit(kernel)(*tuple(_d.values())))

</pallas_src>

<mosaic_0001>
#map = affine_map<(d0, d1) -> (0)>
module attributes {stable_mosaic.version = 14 : i64} {
  func.func @_sc_loop(%arg0: i32, %arg1: i32, %arg2: memref<256xf32, #tpu.memory_space<hbm>>, %arg3: memref<256xi32, #tpu.memory_space<hbm>>, %arg4: memref<912xf32, #tpu.memory_space<hbm>>, %arg5: memref<912xf32, #tpu.memory_space<hbm>>, %arg6: memref<256xi32, #tpu.memory_space<hbm>>, %arg7: memref<256xf32, #tpu.memory_space<vmem>>, %arg8: memref<256xi32, #tpu.memory_space<vmem>>, %arg9: memref<912xf32, #tpu.memory_space<vmem>>, %arg10: memref<912xf32, #tpu.memory_space<vmem>>, %arg11: memref<256xi32, #tpu.memory_space<vmem>>) attributes {dimension_semantics = [#tpu.dimension_semantics<core_parallel>, #tpu.dimension_semantics<subcore_parallel>], iteration_bounds = array<i64: 2, 16>, scalar_prefetch = 0 : i64, scratch_operands = 5 : i64, tpu.core_type = #tpu.core_type<sc_vector_subcore>, window_params = [{transform_indices = #map}, {transform_indices = #map}, {transform_indices = #map}, {transform_indices = #map}, {transform_indices = #map}]} {
    %eq3A = arith.constant 0 : i32
    %eq3A_0 = arith.cmpi eq, %arg0, %eq3A : i32
    %eq3A_1 = arith.constant 0 : i32
    %eq3A_2 = arith.cmpi eq, %arg1, %eq3A_1 : i32
    %and3A = arith.andi %eq3A_0, %eq3A_2 : i1
    %convert_element_type3A = arith.extui %and3A : i1 to i32
    %cond3A = arith.constant 0 : i32
    %cond3A_3 = arith.cmpi ne, %convert_element_type3A, %cond3A : i32
    scf.if %cond3A_3 {
      "tpu.region"() ({
        %run_scoped3A = tpu.sem_alloc : memref<!tpu.dma_semaphore, #tpu.memory_space<semaphore_mem>>
        tpu.enqueue_dma source(%arg2 : memref<256xf32, #tpu.memory_space<hbm>>) target(%arg7 : memref<256xf32, #tpu.memory_space<vmem>>) target_semaphore(%run_scoped3A : memref<!tpu.dma_semaphore, #tpu.memory_space<semaphore_mem>>)
        tpu.wait_dma2 semaphore(%run_scoped3A : memref<!tpu.dma_semaphore, #tpu.memory_space<semaphore_mem>>) src(%arg2 : memref<256xf32, #tpu.memory_space<hbm>>) dst(%arg7 : memref<256xf32, #tpu.memory_space<vmem>>)
        tpu.yield
      }) : () -> ()
      "tpu.region"() ({
        %run_scoped3A = tpu.sem_alloc : memref<!tpu.dma_semaphore, #tpu.memory_space<semaphore_mem>>
        tpu.enqueue_dma source(%arg3 : memref<256xi32, #tpu.memory_space<hbm>>) target(%arg8 : memref<256xi32, #tpu.memory_space<vmem>>) target_semaphore(%run_scoped3A : memref<!tpu.dma_semaphore, #tpu.memory_space<semaphore_mem>>)
        tpu.wait_dma2 semaphore(%run_scoped3A : memref<!tpu.dma_semaphore, #tpu.memory_space<semaphore_mem>>) src(%arg3 : memref<256xi32, #tpu.memory_space<hbm>>) dst(%arg8 : memref<256xi32, #tpu.memory_space<vmem>>)
        tpu.yield
      }) : () -> ()
      "tpu.region"() ({
        %run_scoped3A = tpu.sem_alloc : memref<!tpu.dma_semaphore, #tpu.memory_space<semaphore_mem>>
        tpu.enqueue_dma source(%arg4 : memref<912xf32, #tpu.memory_space<hbm>>) target(%arg9 : memref<912xf32, #tpu.memory_space<vmem>>) target_semaphore(%run_scoped3A : memref<!tpu.dma_semaphore, #tpu.memory_space<semaphore_mem>>)
        tpu.wait_dma2 semaphore(%run_scoped3A : memref<!tpu.dma_semaphore, #tpu.memory_space<semaphore_mem>>) src(%arg4 : memref<912xf32, #tpu.memory_space<hbm>>) dst(%arg9 : memref<912xf32, #tpu.memory_space<vmem>>)
        tpu.yield
      }) : () -> ()
      "tpu.region"() ({
        %run_scoped3A = tpu.sem_alloc : memref<!tpu.dma_semaphore, #tpu.memory_space<semaphore_mem>>
        tpu.enqueue_dma source(%arg5 : memref<912xf32, #tpu.memory_space<hbm>>) target(%arg10 : memref<912xf32, #tpu.memory_space<vmem>>) target_semaphore(%run_scoped3A : memref<!tpu.dma_semaphore, #tpu.memory_space<semaphore_mem>>)
        tpu.wait_dma2 semaphore(%run_scoped3A : memref<!tpu.dma_semaphore, #tpu.memory_space<semaphore_mem>>) src(%arg5 : memref<912xf32, #tpu.memory_space<hbm>>) dst(%arg10 : memref<912xf32, #tpu.memory_space<vmem>>)
        tpu.yield
      }) : () -> ()
      %broadcast_in_dim3A = arith.constant -1 : i32
      %broadcast_in_dim3A_4 = vector.broadcast %broadcast_in_dim3A : i32 to vector<16xi32>
      %scan3A = arith.constant 0 : i32
      %scan3A_5 = arith.constant 0 : i32
      %scan3A_6 = arith.constant 16 : i32
      %scan3A_7 = arith.addi %scan3A_5, %scan3A_6 : i32
      %scan3A_8 = arith.constant 1 : i32
      scf.for %scan3A_324 = %scan3A_5 to %scan3A_7 step %scan3A_8  : i32 {
        %mul3A = arith.constant 16 : i32
        %mul3A_325 = arith.muli %scan3A_324, %mul3A : i32
        %swap3A = arith.index_cast %mul3A_325 : i32 to index
        %swap3A_326 = tpu.vector_load %arg11[%swap3A] {strides = array<i32>} : memref<256xi32, #tpu.memory_space<vmem>>, vector<16xi32>,
        tpu.vector_store %arg11[%swap3A], %broadcast_in_dim3A_4 {strides = array<i32>} : memref<256xi32, #tpu.memory_space<vmem>>, vector<16xi32>,
      }
      %scan3A_9 = arith.constant 16 : i32
      %broadcast_in_dim3A_10 = arith.constant -3.000000e+38 : f32
      %broadcast_in_dim3A_11 = vector.broadcast %broadcast_in_dim3A_10 : f32 to vector<16xf32>
      %broadcast_in_dim3A_12 = arith.constant 2147483647 : i32
      %broadcast_in_dim3A_13 = vector.broadcast %broadcast_in_dim3A_12 : i32 to vector<16xi32>
      %broadcast_in_dim3A_14 = arith.constant -3.000000e+38 : f32
      %broadcast_in_dim3A_15 = vector.broadcast %broadcast_in_dim3A_14 : f32 to vector<16xf32>
      %broadcast_in_dim3A_16 = arith.constant 2147483647 : i32
      %broadcast_in_dim3A_17 = vector.broadcast %broadcast_in_dim3A_16 : i32 to vector<16xi32>
      %scan3A_18 = arith.constant 0 : i32
      %scan3A_19 = arith.constant 57 : i32
      %scan3A_20 = arith.addi %scan3A_18, %scan3A_19 : i32
      %scan3A_21 = arith.constant 1 : i32
      %scan3A_22:4 = scf.for %scan3A_324 = %scan3A_18 to %scan3A_20 step %scan3A_21 iter_args(%scan3A_325 = %broadcast_in_dim3A_11, %scan3A_326 = %broadcast_in_dim3A_13, %scan3A_327 = %broadcast_in_dim3A_15, %scan3A_328 = %broadcast_in_dim3A_17) -> (vector<16xf32>, vector<16xi32>, vector<16xf32>, vector<16xi32>)  : i32 {
        %mul3A = arith.constant 16 : i32
        %mul3A_329 = arith.muli %scan3A_324, %mul3A : i32
        %get3A_330 = arith.index_cast %mul3A_329 : i32 to index
        %get3A_331 = tpu.vector_load %arg9[%get3A_330] {strides = array<i32>} : memref<912xf32, #tpu.memory_space<vmem>>, vector<16xf32>,
        %min3A = arith.constant 1.000000e+02 : f32
        %min3A_332 = vector.broadcast %min3A : f32 to vector<16xf32>
        %min3A_333 = arith.minimumf %get3A_331, %min3A_332 : vector<16xf32>
        %iota3A_334 = tpu.iota {dimensions = array<i32: 0>} : vector<16xi32>
        %mul3A_335 = arith.constant 16 : i32
        %mul3A_336 = arith.muli %scan3A_324, %mul3A_335 : i32
        %add3A = vector.broadcast %mul3A_336 : i32 to vector<16xi32>
        %add3A_337 = arith.addi %iota3A_334, %add3A : vector<16xi32>
        %gt3A = arith.cmpf ogt, %get3A_331, %scan3A_325 : vector<16xf32>
        %select_n3A_338 = arith.select %gt3A, %get3A_331, %scan3A_325 : vector<16xi1>, vector<16xf32>
        %select_n3A_339 = arith.select %gt3A, %add3A_337, %scan3A_326 : vector<16xi1>, vector<16xi32>
        %gt3A_340 = arith.cmpf ogt, %min3A_333, %scan3A_327 : vector<16xf32>
        %select_n3A_341 = arith.select %gt3A_340, %min3A_333, %scan3A_327 : vector<16xi1>, vector<16xf32>
        %select_n3A_342 = arith.select %gt3A_340, %add3A_337, %scan3A_328 : vector<16xi1>, vector<16xi32>
        scf.yield %select_n3A_338, %select_n3A_339, %select_n3A_341, %select_n3A_342 : vector<16xf32>, vector<16xi32>, vector<16xf32>, vector<16xi32>
      }
      %scan3A_23 = arith.constant 57 : i32
      %reduce_max3A = arith.constant true
      %reduce_max3A_24 = vector.broadcast %reduce_max3A : i1 to vector<16xi1>
      %reduce_max3A_25 = tpu.scan <max>, %scan3A_22#0 masked %reduce_max3A_24 : vector<16xf32>, vector<16xi1> -> vector<16xf32>
      %reduce_max3A_26 = vector.extract %reduce_max3A_25[15] : f32 from vector<16xf32>
      %eq3A_27 = vector.broadcast %reduce_max3A_26 : f32 to vector<16xf32>
      %eq3A_28 = arith.cmpf oeq, %scan3A_22#0, %eq3A_27 : vector<16xf32>
      %jit3A = arith.constant 2147483647 : i32
      %broadcast_in_dim3A_29 = vector.broadcast %jit3A : i32 to vector<16xi32>
      %select_n3A = arith.select %eq3A_28, %scan3A_22#1, %broadcast_in_dim3A_29 : vector<16xi1>, vector<16xi32>
      %reduce_min3A = arith.constant true
      %reduce_min3A_30 = vector.broadcast %reduce_min3A : i1 to vector<16xi1>
      %reduce_min3A_31 = arith.constant -2147483648 : i32
      %reduce_min3A_32 = vector.broadcast %reduce_min3A_31 : i32 to vector<16xi32>
      %reduce_min3A_33 = arith.xori %select_n3A, %reduce_min3A_32 : vector<16xi32>
      %reduce_min3A_34 = tpu.scan <min>, %reduce_min3A_33 masked %reduce_min3A_30 : vector<16xi32>, vector<16xi1> -> vector<16xi32>
      %reduce_min3A_35 = arith.xori %reduce_min3A_34, %reduce_min3A_32 : vector<16xi32>
      %reduce_min3A_36 = vector.extract %reduce_min3A_35[15] : i32 from vector<16xi32>
      %reduce_max3A_37 = arith.constant true
      %reduce_max3A_38 = vector.broadcast %reduce_max3A_37 : i1 to vector<16xi1>
      %reduce_max3A_39 = tpu.scan <max>, %scan3A_22#2 masked %reduce_max3A_38 : vector<16xf32>, vector<16xi1> -> vector<16xf32>
      %reduce_max3A_40 = vector.extract %reduce_max3A_39[15] : f32 from vector<16xf32>
      %eq3A_41 = vector.broadcast %reduce_max3A_40 : f32 to vector<16xf32>
      %eq3A_42 = arith.cmpf oeq, %scan3A_22#2, %eq3A_41 : vector<16xf32>
      %jit3A_43 = arith.constant 2147483647 : i32
      %broadcast_in_dim3A_44 = vector.broadcast %jit3A_43 : i32 to vector<16xi32>
      %select_n3A_45 = arith.select %eq3A_42, %scan3A_22#3, %broadcast_in_dim3A_44 : vector<16xi1>, vector<16xi32>
      %reduce_min3A_46 = arith.constant true
      %reduce_min3A_47 = vector.broadcast %reduce_min3A_46 : i1 to vector<16xi1>
      %reduce_min3A_48 = arith.constant -2147483648 : i32
      %reduce_min3A_49 = vector.broadcast %reduce_min3A_48 : i32 to vector<16xi32>
      %reduce_min3A_50 = arith.xori %select_n3A_45, %reduce_min3A_49 : vector<16xi32>
      %reduce_min3A_51 = tpu.scan <min>, %reduce_min3A_50 masked %reduce_min3A_47 : vector<16xi32>, vector<16xi1> -> vector<16xi32>
      %reduce_min3A_52 = arith.xori %reduce_min3A_51, %reduce_min3A_49 : vector<16xi32>
      %reduce_min3A_53 = vector.extract %reduce_min3A_52[15] : i32 from vector<16xi32>
      %broadcast_in_dim3A_54 = arith.constant -3.000000e+38 : f32
      %broadcast_in_dim3A_55 = vector.broadcast %broadcast_in_dim3A_54 : f32 to vector<16xf32>
      %scan3A_56 = arith.constant 0 : i32
      %scan3A_57 = arith.constant 57 : i32
      %scan3A_58 = arith.addi %scan3A_56, %scan3A_57 : i32
      %scan3A_59 = arith.constant 1 : i32
      %scan3A_60 = scf.for %scan3A_324 = %scan3A_56 to %scan3A_58 step %scan3A_59 iter_args(%scan3A_325 = %broadcast_in_dim3A_55) -> (vector<16xf32>)  : i32 {
        %mul3A = arith.constant 16 : i32
        %mul3A_326 = arith.muli %scan3A_324, %mul3A : i32
        %get3A_327 = arith.index_cast %mul3A_326 : i32 to index
        %get3A_328 = tpu.vector_load %arg9[%get3A_327] {strides = array<i32>} : memref<912xf32, #tpu.memory_space<vmem>>, vector<16xf32>,
        %min3A = arith.constant 1.000000e+02 : f32
        %min3A_329 = vector.broadcast %min3A : f32 to vector<16xf32>
        %min3A_330 = arith.minimumf %get3A_328, %min3A_329 : vector<16xf32>
        %iota3A_331 = tpu.iota {dimensions = array<i32: 0>} : vector<16xi32>
        %mul3A_332 = arith.constant 16 : i32
        %mul3A_333 = arith.muli %scan3A_324, %mul3A_332 : i32
        %add3A = vector.broadcast %mul3A_333 : i32 to vector<16xi32>
        %add3A_334 = arith.addi %iota3A_331, %add3A : vector<16xi32>
        %eq3A_335 = vector.broadcast %reduce_min3A_53 : i32 to vector<16xi32>
        %eq3A_336 = arith.cmpi eq, %add3A_334, %eq3A_335 : vector<16xi32>
        %jit3A_337 = arith.constant -3.000000e+38 : f32
        %broadcast_in_dim3A_338 = vector.broadcast %jit3A_337 : f32 to vector<16xf32>
        %select_n3A_339 = arith.select %eq3A_336, %broadcast_in_dim3A_338, %min3A_330 : vector<16xi1>, vector<16xf32>
        %max3A = arith.maximumf %scan3A_325, %select_n3A_339 : vector<16xf32>
        scf.yield %max3A : vector<16xf32>
      }
      %scan3A_61 = arith.constant 57 : i32
      %reduce_max3A_62 = arith.constant true
      %reduce_max3A_63 = vector.broadcast %reduce_max3A_62 : i1 to vector<16xi1>
      %reduce_max3A_64 = tpu.scan <max>, %scan3A_60 masked %reduce_max3A_63 : vector<16xf32>, vector<16xi1> -> vector<16xf32>
      %reduce_max3A_65 = vector.extract %reduce_max3A_64[15] : f32 from vector<16xf32>
      %broadcast_in_dim3A_66 = arith.constant -3.000000e+38 : f32
      %broadcast_in_dim3A_67 = vector.broadcast %broadcast_in_dim3A_66 : f32 to vector<16xf32>
      %broadcast_in_dim3A_68 = arith.constant 2147483647 : i32
      %broadcast_in_dim3A_69 = vector.broadcast %broadcast_in_dim3A_68 : i32 to vector<16xi32>
      %broadcast_in_dim3A_70 = arith.constant -3.000000e+38 : f32
      %broadcast_in_dim3A_71 = vector.broadcast %broadcast_in_dim3A_70 : f32 to vector<16xf32>
      %broadcast_in_dim3A_72 = arith.constant 2147483647 : i32
      %broadcast_in_dim3A_73 = vector.broadcast %broadcast_in_dim3A_72 : i32 to vector<16xi32>
      %scan3A_74 = arith.constant 0 : i32
      %scan3A_75 = arith.constant 57 : i32
      %scan3A_76 = arith.addi %scan3A_74, %scan3A_75 : i32
      %scan3A_77 = arith.constant 1 : i32
      %scan3A_78:4 = scf.for %scan3A_324 = %scan3A_74 to %scan3A_76 step %scan3A_77 iter_args(%scan3A_325 = %broadcast_in_dim3A_67, %scan3A_326 = %broadcast_in_dim3A_69, %scan3A_327 = %broadcast_in_dim3A_71, %scan3A_328 = %broadcast_in_dim3A_73) -> (vector<16xf32>, vector<16xi32>, vector<16xf32>, vector<16xi32>)  : i32 {
        %mul3A = arith.constant 16 : i32
        %mul3A_329 = arith.muli %scan3A_324, %mul3A : i32
        %get3A_330 = arith.index_cast %mul3A_329 : i32 to index
        %get3A_331 = tpu.vector_load %arg10[%get3A_330] {strides = array<i32>} : memref<912xf32, #tpu.memory_space<vmem>>, vector<16xf32>,
        %min3A = arith.constant 1.000000e+02 : f32
        %min3A_332 = vector.broadcast %min3A : f32 to vector<16xf32>
        %min3A_333 = arith.minimumf %get3A_331, %min3A_332 : vector<16xf32>
        %iota3A_334 = tpu.iota {dimensions = array<i32: 0>} : vector<16xi32>
        %mul3A_335 = arith.constant 16 : i32
        %mul3A_336 = arith.muli %scan3A_324, %mul3A_335 : i32
        %add3A = vector.broadcast %mul3A_336 : i32 to vector<16xi32>
        %add3A_337 = arith.addi %iota3A_334, %add3A : vector<16xi32>
        %gt3A = arith.cmpf ogt, %get3A_331, %scan3A_325 : vector<16xf32>
        %select_n3A_338 = arith.select %gt3A, %get3A_331, %scan3A_325 : vector<16xi1>, vector<16xf32>
        %select_n3A_339 = arith.select %gt3A, %add3A_337, %scan3A_326 : vector<16xi1>, vector<16xi32>
        %gt3A_340 = arith.cmpf ogt, %min3A_333, %scan3A_327 : vector<16xf32>
        %select_n3A_341 = arith.select %gt3A_340, %min3A_333, %scan3A_327 : vector<16xi1>, vector<16xf32>
        %select_n3A_342 = arith.select %gt3A_340, %add3A_337, %scan3A_328 : vector<16xi1>, vector<16xi32>
        scf.yield %select_n3A_338, %select_n3A_339, %select_n3A_341, %select_n3A_342 : vector<16xf32>, vector<16xi32>, vector<16xf32>, vector<16xi32>
      }
      %scan3A_79 = arith.constant 57 : i32
      %reduce_max3A_80 = arith.constant true
      %reduce_max3A_81 = vector.broadcast %reduce_max3A_80 : i1 to vector<16xi1>
      %reduce_max3A_82 = tpu.scan <max>, %scan3A_78#0 masked %reduce_max3A_81 : vector<16xf32>, vector<16xi1> -> vector<16xf32>
      %reduce_max3A_83 = vector.extract %reduce_max3A_82[15] : f32 from vector<16xf32>
      %eq3A_84 = vector.broadcast %reduce_max3A_83 : f32 to vector<16xf32>
      %eq3A_85 = arith.cmpf oeq, %scan3A_78#0, %eq3A_84 : vector<16xf32>
      %jit3A_86 = arith.constant 2147483647 : i32
      %broadcast_in_dim3A_87 = vector.broadcast %jit3A_86 : i32 to vector<16xi32>
      %select_n3A_88 = arith.select %eq3A_85, %scan3A_78#1, %broadcast_in_dim3A_87 : vector<16xi1>, vector<16xi32>
      %reduce_min3A_89 = arith.constant true
      %reduce_min3A_90 = vector.broadcast %reduce_min3A_89 : i1 to vector<16xi1>
      %reduce_min3A_91 = arith.constant -2147483648 : i32
      %reduce_min3A_92 = vector.broadcast %reduce_min3A_91 : i32 to vector<16xi32>
      %reduce_min3A_93 = arith.xori %select_n3A_88, %reduce_min3A_92 : vector<16xi32>
      %reduce_min3A_94 = tpu.scan <min>, %reduce_min3A_93 masked %reduce_min3A_90 : vector<16xi32>, vector<16xi1> -> vector<16xi32>
      %reduce_min3A_95 = arith.xori %reduce_min3A_94, %reduce_min3A_92 : vector<16xi32>
      %reduce_min3A_96 = vector.extract %reduce_min3A_95[15] : i32 from vector<16xi32>
      %reduce_max3A_97 = arith.constant true
      %reduce_max3A_98 = vector.broadcast %reduce_max3A_97 : i1 to vector<16xi1>
      %reduce_max3A_99 = tpu.scan <max>, %scan3A_78#2 masked %reduce_max3A_98 : vector<16xf32>, vector<16xi1> -> vector<16xf32>
      %reduce_max3A_100 = vector.extract %reduce_max3A_99[15] : f32 from vector<16xf32>
      %eq3A_101 = vector.broadcast %reduce_max3A_100 : f32 to vector<16xf32>
      %eq3A_102 = arith.cmpf oeq, %scan3A_78#2, %eq3A_101 : vector<16xf32>
      %jit3A_103 = arith.constant 2147483647 : i32
      %broadcast_in_dim3A_104 = vector.broadcast %jit3A_103 : i32 to vector<16xi32>
      %select_n3A_105 = arith.select %eq3A_102, %scan3A_78#3, %broadcast_in_dim3A_104 : vector<16xi1>, vector<16xi32>
      %reduce_min3A_106 = arith.constant true
      %reduce_min3A_107 = vector.broadcast %reduce_min3A_106 : i1 to vector<16xi1>
      %reduce_min3A_108 = arith.constant -2147483648 : i32
      %reduce_min3A_109 = vector.broadcast %reduce_min3A_108 : i32 to vector<16xi32>
      %reduce_min3A_110 = arith.xori %select_n3A_105, %reduce_min3A_109 : vector<16xi32>
      %reduce_min3A_111 = tpu.scan <min>, %reduce_min3A_110 masked %reduce_min3A_107 : vector<16xi32>, vector<16xi1> -> vector<16xi32>
      %reduce_min3A_112 = arith.xori %reduce_min3A_111, %reduce_min3A_109 : vector<16xi32>
      %reduce_min3A_113 = vector.extract %reduce_min3A_112[15] : i32 from vector<16xi32>
      %broadcast_in_dim3A_114 = arith.constant -3.000000e+38 : f32
      %broadcast_in_dim3A_115 = vector.broadcast %broadcast_in_dim3A_114 : f32 to vector<16xf32>
      %scan3A_116 = arith.constant 0 : i32
      %scan3A_117 = arith.constant 57 : i32
      %scan3A_118 = arith.addi %scan3A_116, %scan3A_117 : i32
      %scan3A_119 = arith.constant 1 : i32
      %scan3A_120 = scf.for %scan3A_324 = %scan3A_116 to %scan3A_118 step %scan3A_119 iter_args(%scan3A_325 = %broadcast_in_dim3A_115) -> (vector<16xf32>)  : i32 {
        %mul3A = arith.constant 16 : i32
        %mul3A_326 = arith.muli %scan3A_324, %mul3A : i32
        %get3A_327 = arith.index_cast %mul3A_326 : i32 to index
        %get3A_328 = tpu.vector_load %arg10[%get3A_327] {strides = array<i32>} : memref<912xf32, #tpu.memory_space<vmem>>, vector<16xf32>,
        %min3A = arith.constant 1.000000e+02 : f32
        %min3A_329 = vector.broadcast %min3A : f32 to vector<16xf32>
        %min3A_330 = arith.minimumf %get3A_328, %min3A_329 : vector<16xf32>
        %iota3A_331 = tpu.iota {dimensions = array<i32: 0>} : vector<16xi32>
        %mul3A_332 = arith.constant 16 : i32
        %mul3A_333 = arith.muli %scan3A_324, %mul3A_332 : i32
        %add3A = vector.broadcast %mul3A_333 : i32 to vector<16xi32>
        %add3A_334 = arith.addi %iota3A_331, %add3A : vector<16xi32>
        %eq3A_335 = vector.broadcast %reduce_min3A_113 : i32 to vector<16xi32>
        %eq3A_336 = arith.cmpi eq, %add3A_334, %eq3A_335 : vector<16xi32>
        %jit3A_337 = arith.constant -3.000000e+38 : f32
        %broadcast_in_dim3A_338 = vector.broadcast %jit3A_337 : f32 to vector<16xf32>
        %select_n3A_339 = arith.select %eq3A_336, %broadcast_in_dim3A_338, %min3A_330 : vector<16xi1>, vector<16xf32>
        %max3A = arith.maximumf %scan3A_325, %select_n3A_339 : vector<16xf32>
        scf.yield %max3A : vector<16xf32>
      }
      %scan3A_121 = arith.constant 57 : i32
      %reduce_max3A_122 = arith.constant true
      %reduce_max3A_123 = vector.broadcast %reduce_max3A_122 : i1 to vector<16xi1>
      %reduce_max3A_124 = tpu.scan <max>, %scan3A_120 masked %reduce_max3A_123 : vector<16xf32>, vector<16xi1> -> vector<16xf32>
      %reduce_max3A_125 = vector.extract %reduce_max3A_124[15] : f32 from vector<16xf32>
      %broadcast_in_dim3A_126 = arith.constant -3.000000e+38 : f32
      %broadcast_in_dim3A_127 = vector.broadcast %broadcast_in_dim3A_126 : f32 to vector<16xf32>
      %iota3A = tpu.iota {dimensions = array<i32: 0>} : vector<16xi32>
      %eq3A_128 = arith.constant 0 : i32
      %eq3A_129 = vector.broadcast %eq3A_128 : i32 to vector<16xi32>
      %eq3A_130 = arith.cmpi eq, %iota3A, %eq3A_129 : vector<16xi32>
      %get3A = arith.constant 0 : index
      %get3A_131 = tpu.vector_load %arg7[%get3A] {strides = array<i32>} : memref<256xf32, #tpu.memory_space<vmem>>, vector<16xf32>,
      %reduce_max3A_132 = arith.constant true
      %reduce_max3A_133 = vector.broadcast %reduce_max3A_132 : i1 to vector<16xi1>
      %reduce_max3A_134 = tpu.scan <max>, %get3A_131 masked %reduce_max3A_133 : vector<16xf32>, vector<16xi1> -> vector<16xf32>
      %reduce_max3A_135 = vector.extract %reduce_max3A_134[15] : f32 from vector<16xf32>
      %broadcast_in_dim3A_136 = vector.broadcast %reduce_max3A_135 : f32 to vector<16xf32>
      %select_n3A_137 = arith.select %eq3A_130, %broadcast_in_dim3A_136, %broadcast_in_dim3A_127 : vector<16xi1>, vector<16xf32>
      %iota3A_138 = tpu.iota {dimensions = array<i32: 0>} : vector<16xi32>
      %eq3A_139 = arith.constant 1 : i32
      %eq3A_140 = vector.broadcast %eq3A_139 : i32 to vector<16xi32>
      %eq3A_141 = arith.cmpi eq, %iota3A_138, %eq3A_140 : vector<16xi32>
      %get3A_142 = arith.constant 16 : index
      %get3A_143 = tpu.vector_load %arg7[%get3A_142] {strides = array<i32>} : memref<256xf32, #tpu.memory_space<vmem>>, vector<16xf32>,
      %reduce_max3A_144 = arith.constant true
      %reduce_max3A_145 = vector.broadcast %reduce_max3A_144 : i1 to vector<16xi1>
      %reduce_max3A_146 = tpu.scan <max>, %get3A_143 masked %reduce_max3A_145 : vector<16xf32>, vector<16xi1> -> vector<16xf32>
      %reduce_max3A_147 = vector.extract %reduce_max3A_146[15] : f32 from vector<16xf32>
      %broadcast_in_dim3A_148 = vector.broadcast %reduce_max3A_147 : f32 to vector<16xf32>
      %select_n3A_149 = arith.select %eq3A_141, %broadcast_in_dim3A_148, %select_n3A_137 : vector<16xi1>, vector<16xf32>
      %iota3A_150 = tpu.iota {dimensions = array<i32: 0>} : vector<16xi32>
      %eq3A_151 = arith.constant 2 : i32
      %eq3A_152 = vector.broadcast %eq3A_151 : i32 to vector<16xi32>
      %eq3A_153 = arith.cmpi eq, %iota3A_150, %eq3A_152 : vector<16xi32>
      %get3A_154 = arith.constant 32 : index
      %get3A_155 = tpu.vector_load %arg7[%get3A_154] {strides = array<i32>} : memref<256xf32, #tpu.memory_space<vmem>>, vector<16xf32>,
      %reduce_max3A_156 = arith.constant true
      %reduce_max3A_157 = vector.broadcast %reduce_max3A_156 : i1 to vector<16xi1>
      %reduce_max3A_158 = tpu.scan <max>, %get3A_155 masked %reduce_max3A_157 : vector<16xf32>, vector<16xi1> -> vector<16xf32>
      %reduce_max3A_159 = vector.extract %reduce_max3A_158[15] : f32 from vector<16xf32>
      %broadcast_in_dim3A_160 = vector.broadcast %reduce_max3A_159 : f32 to vector<16xf32>
      %select_n3A_161 = arith.select %eq3A_153, %broadcast_in_dim3A_160, %select_n3A_149 : vector<16xi1>, vector<16xf32>
      %iota3A_162 = tpu.iota {dimensions = array<i32: 0>} : vector<16xi32>
      %eq3A_163 = arith.constant 3 : i32
      %eq3A_164 = vector.broadcast %eq3A_163 : i32 to vector<16xi32>
      %eq3A_165 = arith.cmpi eq, %iota3A_162, %eq3A_164 : vector<16xi32>
      %get3A_166 = arith.constant 48 : index
      %get3A_167 = tpu.vector_load %arg7[%get3A_166] {strides = array<i32>} : memref<256xf32, #tpu.memory_space<vmem>>, vector<16xf32>,
      %reduce_max3A_168 = arith.constant true
      %reduce_max3A_169 = vector.broadcast %reduce_max3A_168 : i1 to vector<16xi1>
      %reduce_max3A_170 = tpu.scan <max>, %get3A_167 masked %reduce_max3A_169 : vector<16xf32>, vector<16xi1> -> vector<16xf32>
      %reduce_max3A_171 = vector.extract %reduce_max3A_170[15] : f32 from vector<16xf32>
      %broadcast_in_dim3A_172 = vector.broadcast %reduce_max3A_171 : f32 to vector<16xf32>
      %select_n3A_173 = arith.select %eq3A_165, %broadcast_in_dim3A_172, %select_n3A_161 : vector<16xi1>, vector<16xf32>
      %iota3A_174 = tpu.iota {dimensions = array<i32: 0>} : vector<16xi32>
      %eq3A_175 = arith.constant 4 : i32
      %eq3A_176 = vector.broadcast %eq3A_175 : i32 to vector<16xi32>
      %eq3A_177 = arith.cmpi eq, %iota3A_174, %eq3A_176 : vector<16xi32>
      %get3A_178 = arith.constant 64 : index
      %get3A_179 = tpu.vector_load %arg7[%get3A_178] {strides = array<i32>} : memref<256xf32, #tpu.memory_space<vmem>>, vector<16xf32>,
      %reduce_max3A_180 = arith.constant true
      %reduce_max3A_181 = vector.broadcast %reduce_max3A_180 : i1 to vector<16xi1>
      %reduce_max3A_182 = tpu.scan <max>, %get3A_179 masked %reduce_max3A_181 : vector<16xf32>, vector<16xi1> -> vector<16xf32>
      %reduce_max3A_183 = vector.extract %reduce_max3A_182[15] : f32 from vector<16xf32>
      %broadcast_in_dim3A_184 = vector.broadcast %reduce_max3A_183 : f32 to vector<16xf32>
      %select_n3A_185 = arith.select %eq3A_177, %broadcast_in_dim3A_184, %select_n3A_173 : vector<16xi1>, vector<16xf32>
      %iota3A_186 = tpu.iota {dimensions = array<i32: 0>} : vector<16xi32>
      %eq3A_187 = arith.constant 5 : i32
      %eq3A_188 = vector.broadcast %eq3A_187 : i32 to vector<16xi32>
      %eq3A_189 = arith.cmpi eq, %iota3A_186, %eq3A_188 : vector<16xi32>
      %get3A_190 = arith.constant 80 : index
      %get3A_191 = tpu.vector_load %arg7[%get3A_190] {strides = array<i32>} : memref<256xf32, #tpu.memory_space<vmem>>, vector<16xf32>,
      %reduce_max3A_192 = arith.constant true
      %reduce_max3A_193 = vector.broadcast %reduce_max3A_192 : i1 to vector<16xi1>
      %reduce_max3A_194 = tpu.scan <max>, %get3A_191 masked %reduce_max3A_193 : vector<16xf32>, vector<16xi1> -> vector<16xf32>
      %reduce_max3A_195 = vector.extract %reduce_max3A_194[15] : f32 from vector<16xf32>
      %broadcast_in_dim3A_196 = vector.broadcast %reduce_max3A_195 : f32 to vector<16xf32>
      %select_n3A_197 = arith.select %eq3A_189, %broadcast_in_dim3A_196, %select_n3A_185 : vector<16xi1>, vector<16xf32>
      %iota3A_198 = tpu.iota {dimensions = array<i32: 0>} : vector<16xi32>
      %eq3A_199 = arith.constant 6 : i32
      %eq3A_200 = vector.broadcast %eq3A_199 : i32 to vector<16xi32>
      %eq3A_201 = arith.cmpi eq, %iota3A_198, %eq3A_200 : vector<16xi32>
      %get3A_202 = arith.constant 96 : index
      %get3A_203 = tpu.vector_load %arg7[%get3A_202] {strides = array<i32>} : memref<256xf32, #tpu.memory_space<vmem>>, vector<16xf32>,
      %reduce_max3A_204 = arith.constant true
      %reduce_max3A_205 = vector.broadcast %reduce_max3A_204 : i1 to vector<16xi1>
      %reduce_max3A_206 = tpu.scan <max>, %get3A_203 masked %reduce_max3A_205 : vector<16xf32>, vector<16xi1> -> vector<16xf32>
      %reduce_max3A_207 = vector.extract %reduce_max3A_206[15] : f32 from vector<16xf32>
      %broadcast_in_dim3A_208 = vector.broadcast %reduce_max3A_207 : f32 to vector<16xf32>
      %select_n3A_209 = arith.select %eq3A_201, %broadcast_in_dim3A_208, %select_n3A_197 : vector<16xi1>, vector<16xf32>
      %iota3A_210 = tpu.iota {dimensions = array<i32: 0>} : vector<16xi32>
      %eq3A_211 = arith.constant 7 : i32
      %eq3A_212 = vector.broadcast %eq3A_211 : i32 to vector<16xi32>
      %eq3A_213 = arith.cmpi eq, %iota3A_210, %eq3A_212 : vector<16xi32>
      %get3A_214 = arith.constant 112 : index
      %get3A_215 = tpu.vector_load %arg7[%get3A_214] {strides = array<i32>} : memref<256xf32, #tpu.memory_space<vmem>>, vector<16xf32>,
      %reduce_max3A_216 = arith.constant true
      %reduce_max3A_217 = vector.broadcast %reduce_max3A_216 : i1 to vector<16xi1>
      %reduce_max3A_218 = tpu.scan <max>, %get3A_215 masked %reduce_max3A_217 : vector<16xf32>, vector<16xi1> -> vector<16xf32>
      %reduce_max3A_219 = vector.extract %reduce_max3A_218[15] : f32 from vector<16xf32>
      %broadcast_in_dim3A_220 = vector.broadcast %reduce_max3A_219 : f32 to vector<16xf32>
      %select_n3A_221 = arith.select %eq3A_213, %broadcast_in_dim3A_220, %select_n3A_209 : vector<16xi1>, vector<16xf32>
      %iota3A_222 = tpu.iota {dimensions = array<i32: 0>} : vector<16xi32>
      %eq3A_223 = arith.constant 8 : i32
      %eq3A_224 = vector.broadcast %eq3A_223 : i32 to vector<16xi32>
      %eq3A_225 = arith.cmpi eq, %iota3A_222, %eq3A_224 : vector<16xi32>
      %get3A_226 = arith.constant 128 : index
      %get3A_227 = tpu.vector_load %arg7[%get3A_226] {strides = array<i32>} : memref<256xf32, #tpu.memory_space<vmem>>, vector<16xf32>,
      %reduce_max3A_228 = arith.constant true
      %reduce_max3A_229 = vector.broadcast %reduce_max3A_228 : i1 to vector<16xi1>
      %reduce_max3A_230 = tpu.scan <max>, %get3A_227 masked %reduce_max3A_229 : vector<16xf32>, vector<16xi1> -> vector<16xf32>
      %reduce_max3A_231 = vector.extract %reduce_max3A_230[15] : f32 from vector<16xf32>
      %broadcast_in_dim3A_232 = vector.broadcast %reduce_max3A_231 : f32 to vector<16xf32>
      %select_n3A_233 = arith.select %eq3A_225, %broadcast_in_dim3A_232, %select_n3A_221 : vector<16xi1>, vector<16xf32>
      %iota3A_234 = tpu.iota {dimensions = array<i32: 0>} : vector<16xi32>
      %eq3A_235 = arith.constant 9 : i32
      %eq3A_236 = vector.broadcast %eq3A_235 : i32 to vector<16xi32>
      %eq3A_237 = arith.cmpi eq, %iota3A_234, %eq3A_236 : vector<16xi32>
      %get3A_238 = arith.constant 144 : index
      %get3A_239 = tpu.vector_load %arg7[%get3A_238] {strides = array<i32>} : memref<256xf32, #tpu.memory_space<vmem>>, vector<16xf32>,
      %reduce_max3A_240 = arith.constant true
      %reduce_max3A_241 = vector.broadcast %reduce_max3A_240 : i1 to vector<16xi1>
      %reduce_max3A_242 = tpu.scan <max>, %get3A_239 masked %reduce_max3A_241 : vector<16xf32>, vector<16xi1> -> vector<16xf32>
      %reduce_max3A_243 = vector.extract %reduce_max3A_242[15] : f32 from vector<16xf32>
      %broadcast_in_dim3A_244 = vector.broadcast %reduce_max3A_243 : f32 to vector<16xf32>
      %select_n3A_245 = arith.select %eq3A_237, %broadcast_in_dim3A_244, %select_n3A_233 : vector<16xi1>, vector<16xf32>
      %iota3A_246 = tpu.iota {dimensions = array<i32: 0>} : vector<16xi32>
      %eq3A_247 = arith.constant 10 : i32
      %eq3A_248 = vector.broadcast %eq3A_247 : i32 to vector<16xi32>
      %eq3A_249 = arith.cmpi eq, %iota3A_246, %eq3A_248 : vector<16xi32>
      %get3A_250 = arith.constant 160 : index
      %get3A_251 = tpu.vector_load %arg7[%get3A_250] {strides = array<i32>} : memref<256xf32, #tpu.memory_space<vmem>>, vector<16xf32>,
      %reduce_max3A_252 = arith.constant true
      %reduce_max3A_253 = vector.broadcast %reduce_max3A_252 : i1 to vector<16xi1>
      %reduce_max3A_254 = tpu.scan <max>, %get3A_251 masked %reduce_max3A_253 : vector<16xf32>, vector<16xi1> -> vector<16xf32>
      %reduce_max3A_255 = vector.extract %reduce_max3A_254[15] : f32 from vector<16xf32>
      %broadcast_in_dim3A_256 = vector.broadcast %reduce_max3A_255 : f32 to vector<16xf32>
      %select_n3A_257 = arith.select %eq3A_249, %broadcast_in_dim3A_256, %select_n3A_245 : vector<16xi1>, vector<16xf32>
      %iota3A_258 = tpu.iota {dimensions = array<i32: 0>} : vector<16xi32>
      %eq3A_259 = arith.constant 11 : i32
      %eq3A_260 = vector.broadcast %eq3A_259 : i32 to vector<16xi32>
      %eq3A_261 = arith.cmpi eq, %iota3A_258, %eq3A_260 : vector<16xi32>
      %get3A_262 = arith.constant 176 : index
      %get3A_263 = tpu.vector_load %arg7[%get3A_262] {strides = array<i32>} : memref<256xf32, #tpu.memory_space<vmem>>, vector<16xf32>,
      %reduce_max3A_264 = arith.constant true
      %reduce_max3A_265 = vector.broadcast %reduce_max3A_264 : i1 to vector<16xi1>
      %reduce_max3A_266 = tpu.scan <max>, %get3A_263 masked %reduce_max3A_265 : vector<16xf32>, vector<16xi1> -> vector<16xf32>
      %reduce_max3A_267 = vector.extract %reduce_max3A_266[15] : f32 from vector<16xf32>
      %broadcast_in_dim3A_268 = vector.broadcast %reduce_max3A_267 : f32 to vector<16xf32>
      %select_n3A_269 = arith.select %eq3A_261, %broadcast_in_dim3A_268, %select_n3A_257 : vector<16xi1>, vector<16xf32>
      %iota3A_270 = tpu.iota {dimensions = array<i32: 0>} : vector<16xi32>
      %eq3A_271 = arith.constant 12 : i32
      %eq3A_272 = vector.broadcast %eq3A_271 : i32 to vector<16xi32>
      %eq3A_273 = arith.cmpi eq, %iota3A_270, %eq3A_272 : vector<16xi32>
      %get3A_274 = arith.constant 192 : index
      %get3A_275 = tpu.vector_load %arg7[%get3A_274] {strides = array<i32>} : memref<256xf32, #tpu.memory_space<vmem>>, vector<16xf32>,
      %reduce_max3A_276 = arith.constant true
      %reduce_max3A_277 = vector.broadcast %reduce_max3A_276 : i1 to vector<16xi1>
      %reduce_max3A_278 = tpu.scan <max>, %get3A_275 masked %reduce_max3A_277 : vector<16xf32>, vector<16xi1> -> vector<16xf32>
      %reduce_max3A_279 = vector.extract %reduce_max3A_278[15] : f32 from vector<16xf32>
      %broadcast_in_dim3A_280 = vector.broadcast %reduce_max3A_279 : f32 to vector<16xf32>
      %select_n3A_281 = arith.select %eq3A_273, %broadcast_in_dim3A_280, %select_n3A_269 : vector<16xi1>, vector<16xf32>
      %iota3A_282 = tpu.iota {dimensions = array<i32: 0>} : vector<16xi32>
      %eq3A_283 = arith.constant 13 : i32
      %eq3A_284 = vector.broadcast %eq3A_283 : i32 to vector<16xi32>
      %eq3A_285 = arith.cmpi eq, %iota3A_282, %eq3A_284 : vector<16xi32>
      %get3A_286 = arith.constant 208 : index
      %get3A_287 = tpu.vector_load %arg7[%get3A_286] {strides = array<i32>} : memref<256xf32, #tpu.memory_space<vmem>>, vector<16xf32>,
      %reduce_max3A_288 = arith.constant true
      %reduce_max3A_289 = vector.broadcast %reduce_max3A_288 : i1 to vector<16xi1>
      %reduce_max3A_290 = tpu.scan <max>, %get3A_287 masked %reduce_max3A_289 : vector<16xf32>, vector<16xi1> -> vector<16xf32>
      %reduce_max3A_291 = vector.extract %reduce_max3A_290[15] : f32 from vector<16xf32>
      %broadcast_in_dim3A_292 = vector.broadcast %reduce_max3A_291 : f32 to vector<16xf32>
      %select_n3A_293 = arith.select %eq3A_285, %broadcast_in_dim3A_292, %select_n3A_281 : vector<16xi1>, vector<16xf32>
      %iota3A_294 = tpu.iota {dimensions = array<i32: 0>} : vector<16xi32>
      %eq3A_295 = arith.constant 14 : i32
      %eq3A_296 = vector.broadcast %eq3A_295 : i32 to vector<16xi32>
      %eq3A_297 = arith.cmpi eq, %iota3A_294, %eq3A_296 : vector<16xi32>
      %get3A_298 = arith.constant 224 : index
      %get3A_299 = tpu.vector_load %arg7[%get3A_298] {strides = array<i32>} : memref<256xf32, #tpu.memory_space<vmem>>, vector<16xf32>,
      %reduce_max3A_300 = arith.constant true
      %reduce_max3A_301 = vector.broadcast %reduce_max3A_300 : i1 to vector<16xi1>
      %reduce_max3A_302 = tpu.scan <max>, %get3A_299 masked %reduce_max3A_301 : vector<16xf32>, vector<16xi1> -> vector<16xf32>
      %reduce_max3A_303 = vector.extract %reduce_max3A_302[15] : f32 from vector<16xf32>
      %broadcast_in_dim3A_304 = vector.broadcast %reduce_max3A_303 : f32 to vector<16xf32>
      %select_n3A_305 = arith.select %eq3A_297, %broadcast_in_dim3A_304, %select_n3A_293 : vector<16xi1>, vector<16xf32>
      %iota3A_306 = tpu.iota {dimensions = array<i32: 0>} : vector<16xi32>
      %eq3A_307 = arith.constant 15 : i32
      %eq3A_308 = vector.broadcast %eq3A_307 : i32 to vector<16xi32>
      %eq3A_309 = arith.cmpi eq, %iota3A_306, %eq3A_308 : vector<16xi32>
      %get3A_310 = arith.constant 240 : index
      %get3A_311 = tpu.vector_load %arg7[%get3A_310] {strides = array<i32>} : memref<256xf32, #tpu.memory_space<vmem>>, vector<16xf32>,
      %reduce_max3A_312 = arith.constant true
      %reduce_max3A_313 = vector.broadcast %reduce_max3A_312 : i1 to vector<16xi1>
      %reduce_max3A_314 = tpu.scan <max>, %get3A_311 masked %reduce_max3A_313 : vector<16xf32>, vector<16xi1> -> vector<16xf32>
      %reduce_max3A_315 = vector.extract %reduce_max3A_314[15] : f32 from vector<16xf32>
      %broadcast_in_dim3A_316 = vector.broadcast %reduce_max3A_315 : f32 to vector<16xf32>
      %select_n3A_317 = arith.select %eq3A_309, %broadcast_in_dim3A_316, %select_n3A_305 : vector<16xi1>, vector<16xf32>
      %scan3A_318 = arith.constant 0 : i32
      %scan3A_319 = arith.constant 200 : i32
      %scan3A_320 = arith.addi %scan3A_318, %scan3A_319 : i32
      %scan3A_321 = arith.constant 1 : i32
      %scan3A_322:11 = scf.for %scan3A_324 = %scan3A_318 to %scan3A_320 step %scan3A_321 iter_args(%scan3A_325 = %reduce_max3A_26, %scan3A_326 = %reduce_min3A_36, %scan3A_327 = %reduce_max3A_40, %scan3A_328 = %reduce_min3A_53, %scan3A_329 = %reduce_max3A_65, %scan3A_330 = %reduce_max3A_83, %scan3A_331 = %reduce_min3A_96, %scan3A_332 = %reduce_max3A_100, %scan3A_333 = %reduce_min3A_113, %scan3A_334 = %reduce_max3A_125, %scan3A_335 = %select_n3A_317) -> (f32, i32, f32, i32, f32, f32, i32, f32, i32, f32, vector<16xf32>)  : i32 {
        %get3A_336 = arith.constant 0 : index
        %get3A_337 = tpu.vector_load %arg7[%get3A_336] {strides = array<i32>} : memref<256xf32, #tpu.memory_space<vmem>>, vector<16xf32>,
        %iota3A_338 = tpu.iota {dimensions = array<i32: 0>} : vector<16xi32>
        %eq3A_339 = arith.constant 0 : i32
        %eq3A_340 = vector.broadcast %eq3A_339 : i32 to vector<16xi32>
        %eq3A_341 = arith.cmpi eq, %iota3A_338, %eq3A_340 : vector<16xi32>
        %sub3A = arith.subf %scan3A_327, %scan3A_329 : f32
        %broadcast_in_dim3A_342 = vector.broadcast %sub3A : f32 to vector<16xf32>
        %select_n3A_343 = arith.select %eq3A_341, %broadcast_in_dim3A_342, %get3A_337 : vector<16xi1>, vector<16xf32>
        %iota3A_344 = tpu.iota {dimensions = array<i32: 0>} : vector<16xi32>
        %eq3A_345 = arith.constant 1 : i32
        %eq3A_346 = vector.broadcast %eq3A_345 : i32 to vector<16xi32>
        %eq3A_347 = arith.cmpi eq, %iota3A_344, %eq3A_346 : vector<16xi32>
        %sub3A_348 = arith.subf %scan3A_332, %scan3A_334 : f32
        %broadcast_in_dim3A_349 = vector.broadcast %sub3A_348 : f32 to vector<16xf32>
        %select_n3A_350 = arith.select %eq3A_347, %broadcast_in_dim3A_349, %select_n3A_343 : vector<16xi1>, vector<16xf32>
        %swap3A = arith.constant 0 : index
        %swap3A_351 = tpu.vector_load %arg7[%swap3A] {strides = array<i32>} : memref<256xf32, #tpu.memory_space<vmem>>, vector<16xf32>,
        tpu.vector_store %arg7[%swap3A], %select_n3A_350 {strides = array<i32>} : memref<256xf32, #tpu.memory_space<vmem>>, vector<16xf32>,
        %iota3A_352 = tpu.iota {dimensions = array<i32: 0>} : vector<16xi32>
        %eq3A_353 = arith.constant 0 : i32
        %eq3A_354 = vector.broadcast %eq3A_353 : i32 to vector<16xi32>
        %eq3A_355 = arith.cmpi eq, %iota3A_352, %eq3A_354 : vector<16xi32>
        %reduce_max3A_356 = arith.constant true
        %reduce_max3A_357 = vector.broadcast %reduce_max3A_356 : i1 to vector<16xi1>
        %reduce_max3A_358 = tpu.scan <max>, %select_n3A_350 masked %reduce_max3A_357 : vector<16xf32>, vector<16xi1> -> vector<16xf32>
        %reduce_max3A_359 = vector.extract %reduce_max3A_358[15] : f32 from vector<16xf32>
        %broadcast_in_dim3A_360 = vector.broadcast %reduce_max3A_359 : f32 to vector<16xf32>
        %select_n3A_361 = arith.select %eq3A_355, %broadcast_in_dim3A_360, %scan3A_335 : vector<16xi1>, vector<16xf32>
        %reduce_max3A_362 = arith.constant true
        %reduce_max3A_363 = vector.broadcast %reduce_max3A_362 : i1 to vector<16xi1>
        %reduce_max3A_364 = tpu.scan <max>, %select_n3A_361 masked %reduce_max3A_363 : vector<16xf32>, vector<16xi1> -> vector<16xf32>
        %reduce_max3A_365 = vector.extract %reduce_max3A_364[15] : f32 from vector<16xf32>
        %eq3A_366 = vector.broadcast %reduce_max3A_365 : f32 to vector<16xf32>
        %eq3A_367 = arith.cmpf oeq, %select_n3A_361, %eq3A_366 : vector<16xf32>
        %iota3A_368 = tpu.iota {dimensions = array<i32: 0>} : vector<16xi32>
        %jit3A_369 = arith.constant 2147483647 : i32
        %broadcast_in_dim3A_370 = vector.broadcast %jit3A_369 : i32 to vector<16xi32>
        %select_n3A_371 = arith.select %eq3A_367, %iota3A_368, %broadcast_in_dim3A_370 : vector<16xi1>, vector<16xi32>
        %reduce_min3A_372 = arith.constant true
        %reduce_min3A_373 = vector.broadcast %reduce_min3A_372 : i1 to vector<16xi1>
        %reduce_min3A_374 = arith.constant -2147483648 : i32
        %reduce_min3A_375 = vector.broadcast %reduce_min3A_374 : i32 to vector<16xi32>
        %reduce_min3A_376 = arith.xori %select_n3A_371, %reduce_min3A_375 : vector<16xi32>
        %reduce_min3A_377 = tpu.scan <min>, %reduce_min3A_376 masked %reduce_min3A_373 : vector<16xi32>, vector<16xi1> -> vector<16xi32>
        %reduce_min3A_378 = arith.xori %reduce_min3A_377, %reduce_min3A_375 : vector<16xi32>
        %reduce_min3A_379 = vector.extract %reduce_min3A_378[15] : i32 from vector<16xi32>
        %mul3A = arith.constant 16 : i32
        %mul3A_380 = arith.muli %reduce_min3A_379, %mul3A : i32
        %get3A_381 = arith.index_cast %mul3A_380 : i32 to index
        %get3A_382 = tpu.vector_load %arg7[%get3A_381] {strides = array<i32>} : memref<256xf32, #tpu.memory_space<vmem>>, vector<16xf32>,
        %eq3A_383 = vector.broadcast %reduce_max3A_365 : f32 to vector<16xf32>
        %eq3A_384 = arith.cmpf oeq, %get3A_382, %eq3A_383 : vector<16xf32>
        %iota3A_385 = tpu.iota {dimensions = array<i32: 0>} : vector<16xi32>
        %jit3A_386 = arith.constant 2147483647 : i32
        %broadcast_in_dim3A_387 = vector.broadcast %jit3A_386 : i32 to vector<16xi32>
        %select_n3A_388 = arith.select %eq3A_384, %iota3A_385, %broadcast_in_dim3A_387 : vector<16xi1>, vector<16xi32>
        %reduce_min3A_389 = arith.constant true
        %reduce_min3A_390 = vector.broadcast %reduce_min3A_389 : i1 to vector<16xi1>
        %reduce_min3A_391 = arith.constant -2147483648 : i32
        %reduce_min3A_392 = vector.broadcast %reduce_min3A_391 : i32 to vector<16xi32>
        %reduce_min3A_393 = arith.xori %select_n3A_388, %reduce_min3A_392 : vector<16xi32>
        %reduce_min3A_394 = tpu.scan <min>, %reduce_min3A_393 masked %reduce_min3A_390 : vector<16xi32>, vector<16xi1> -> vector<16xi32>
        %reduce_min3A_395 = arith.xori %reduce_min3A_394, %reduce_min3A_392 : vector<16xi32>
        %reduce_min3A_396 = vector.extract %reduce_min3A_395[15] : i32 from vector<16xi32>
        %add3A = arith.addi %mul3A_380, %reduce_min3A_396 : i32
        %get3A_397 = arith.index_cast %mul3A_380 : i32 to index
        %get3A_398 = tpu.vector_load %arg8[%get3A_397] {strides = array<i32>} : memref<256xi32, #tpu.memory_space<vmem>>, vector<16xi32>,
        %iota3A_399 = tpu.iota {dimensions = array<i32: 0>} : vector<16xi32>
        %eq3A_400 = vector.broadcast %reduce_min3A_396 : i32 to vector<16xi32>
        %eq3A_401 = arith.cmpi eq, %iota3A_399, %eq3A_400 : vector<16xi32>
        %jit3A_402 = arith.constant -2147483647 : i32
        %broadcast_in_dim3A_403 = vector.broadcast %jit3A_402 : i32 to vector<16xi32>
        %select_n3A_404 = arith.select %eq3A_401, %get3A_398, %broadcast_in_dim3A_403 : vector<16xi1>, vector<16xi32>
        %reduce_max3A_405 = arith.constant true
        %reduce_max3A_406 = vector.broadcast %reduce_max3A_405 : i1 to vector<16xi1>
        %reduce_max3A_407 = arith.constant -2147483648 : i32
        %reduce_max3A_408 = vector.broadcast %reduce_max3A_407 : i32 to vector<16xi32>
        %reduce_max3A_409 = arith.xori %select_n3A_404, %reduce_max3A_408 : vector<16xi32>
        %reduce_max3A_410 = tpu.scan <max>, %reduce_max3A_409 masked %reduce_max3A_406 : vector<16xi32>, vector<16xi1> -> vector<16xi32>
        %reduce_max3A_411 = arith.xori %reduce_max3A_410, %reduce_max3A_408 : vector<16xi32>
        %reduce_max3A_412 = vector.extract %reduce_max3A_411[15] : i32 from vector<16xi32>
        %eq3A_413 = arith.constant 0 : i32
        %eq3A_414 = arith.cmpi eq, %add3A, %eq3A_413 : i32
        %eq3A_415 = arith.constant 1 : i32
        %eq3A_416 = arith.cmpi eq, %add3A, %eq3A_415 : i32
        %select_n3A_417 = arith.select %eq3A_416, %scan3A_331, %reduce_max3A_412 : i32
        %select_n3A_418 = arith.select %eq3A_414, %scan3A_326, %select_n3A_417 : i32
        %iota3A_419 = tpu.iota {dimensions = array<i32: 0>} : vector<16xi32>
        %eq3A_420 = vector.broadcast %reduce_min3A_396 : i32 to vector<16xi32>
        %eq3A_421 = arith.cmpi eq, %iota3A_419, %eq3A_420 : vector<16xi32>
        %eq3A_422 = arith.constant 0 : i32
        %eq3A_423 = arith.cmpi eq, %select_n3A_418, %eq3A_422 : i32
        %jit3A_424 = arith.constant 1 : i32
        %jit3A_425 = arith.constant 0 : i32
        %select_n3A_426 = arith.select %eq3A_423, %jit3A_424, %jit3A_425 : i32
        %broadcast_in_dim3A_427 = vector.broadcast %select_n3A_426 : i32 to vector<16xi32>
        %select_n3A_428 = arith.select %eq3A_421, %broadcast_in_dim3A_427, %get3A_398 : vector<16xi1>, vector<16xi32>
        %swap3A_429 = arith.index_cast %mul3A_380 : i32 to index
        %swap3A_430 = tpu.vector_load %arg8[%swap3A_429] {strides = array<i32>} : memref<256xi32, #tpu.memory_space<vmem>>, vector<16xi32>,
        tpu.vector_store %arg8[%swap3A_429], %select_n3A_428 {strides = array<i32>} : memref<256xi32, #tpu.memory_space<vmem>>, vector<16xi32>,
        %jit3A_431 = arith.constant 16 : i32
        %div3A = arith.divsi %select_n3A_418, %jit3A_431 : i32
        %sign3A = arith.constant 0 : i32
        %sign3A_432 = arith.cmpi sgt, %select_n3A_418, %sign3A : i32
        %sign3A_433 = arith.extui %sign3A_432 : i1 to i32
        %sign3A_434 = arith.constant 0 : i32
        %sign3A_435 = arith.cmpi slt, %select_n3A_418, %sign3A_434 : i32
        %sign3A_436 = arith.extui %sign3A_435 : i1 to i32
        %sign3A_437 = arith.subi %sign3A_433, %sign3A_436 : i32
        %sign3A_438 = arith.constant 0 : i32
        %sign3A_439 = arith.cmpi sgt, %jit3A_431, %sign3A_438 : i32
        %sign3A_440 = arith.extui %sign3A_439 : i1 to i32
        %sign3A_441 = arith.constant 0 : i32
        %sign3A_442 = arith.cmpi slt, %jit3A_431, %sign3A_441 : i32
        %sign3A_443 = arith.extui %sign3A_442 : i1 to i32
        %sign3A_444 = arith.subi %sign3A_440, %sign3A_443 : i32
        %ne3A = arith.cmpi ne, %sign3A_437, %sign3A_444 : i32
        %rem3A = arith.remsi %select_n3A_418, %jit3A_431 : i32
        %ne3A_445 = arith.constant 0 : i32
        %ne3A_446 = arith.cmpi ne, %rem3A, %ne3A_445 : i32
        %and3A_447 = arith.andi %ne3A, %ne3A_446 : i1
        %sub3A_448 = arith.constant 1 : i32
        %sub3A_449 = arith.subi %div3A, %sub3A_448 : i32
        %select_n3A_450 = arith.select %and3A_447, %sub3A_449, %div3A : i32
        %mul3A_451 = arith.constant 16 : i32
        %mul3A_452 = arith.muli %select_n3A_450, %mul3A_451 : i32
        %sub3A_453 = arith.subi %select_n3A_418, %mul3A_452 : i32
        %eq3A_454 = arith.constant 0 : i32
        %eq3A_455 = arith.cmpi eq, %add3A, %eq3A_454 : i32
        %convert_element_type3A_456 = arith.extui %eq3A_455 : i1 to i32
        %cond3A_457 = arith.constant 0 : i32
        %cond3A_458 = arith.constant 0 : i32
        %cond3A_459 = arith.cmpi ne, %convert_element_type3A_456, %cond3A_458 : i32
        %cond3A_460:5 = scf.if %cond3A_459 -> (f32, i32, f32, i32, f32) {
          %broadcast_in_dim3A_509 = arith.constant 0.000000e+00 : f32
          %broadcast_in_dim3A_510 = vector.broadcast %broadcast_in_dim3A_509 : f32 to vector<16xf32>
          %scan3A_511 = arith.constant 0 : i32
          %scan3A_512 = arith.constant 0 : i32
          %scan3A_513 = arith.constant 57 : i32
          %scan3A_514 = arith.addi %scan3A_512, %scan3A_513 : i32
          %scan3A_515 = arith.constant 1 : i32
          scf.for %scan3A_535 = %scan3A_512 to %scan3A_514 step %scan3A_515  : i32 {
            %mul3A_536 = arith.constant 16 : i32
            %mul3A_537 = arith.muli %scan3A_535, %mul3A_536 : i32
            %swap3A_538 = arith.index_cast %mul3A_537 : i32 to index
            %swap3A_539 = tpu.vector_load %arg9[%swap3A_538] {strides = array<i32>} : memref<912xf32, #tpu.memory_space<vmem>>, vector<16xf32>,
            tpu.vector_store %arg9[%swap3A_538], %broadcast_in_dim3A_510 {strides = array<i32>} : memref<912xf32, #tpu.memory_space<vmem>>, vector<16xf32>,
          }
          %scan3A_516 = arith.constant 57 : i32
          %get3A_517 = arith.index_cast %mul3A_452 : i32 to index
          %get3A_518 = tpu.vector_load %arg9[%get3A_517] {strides = array<i32>} : memref<912xf32, #tpu.memory_space<vmem>>, vector<16xf32>,
          %iota3A_519 = tpu.iota {dimensions = array<i32: 0>} : vector<16xi32>
          %eq3A_520 = vector.broadcast %sub3A_453 : i32 to vector<16xi32>
          %eq3A_521 = arith.cmpi eq, %iota3A_519, %eq3A_520 : vector<16xi32>
          %jit3A_522 = arith.constant -1.000000e-07 : f32
          %broadcast_in_dim3A_523 = vector.broadcast %jit3A_522 : f32 to vector<16xf32>
          %select_n3A_524 = arith.select %eq3A_521, %broadcast_in_dim3A_523, %get3A_518 : vector<16xi1>, vector<16xf32>
          %swap3A_525 = arith.index_cast %mul3A_452 : i32 to index
          %swap3A_526 = tpu.vector_load %arg9[%swap3A_525] {strides = array<i32>} : memref<912xf32, #tpu.memory_space<vmem>>, vector<16xf32>,
          tpu.vector_store %arg9[%swap3A_525], %select_n3A_524 {strides = array<i32>} : memref<912xf32, #tpu.memory_space<vmem>>, vector<16xf32>,
          %eq3A_527 = arith.constant 0 : i32
          %eq3A_528 = arith.cmpi eq, %select_n3A_418, %eq3A_527 : i32
          %jit3A_529 = arith.constant 1 : i32
          %jit3A_530 = arith.constant 0 : i32
          %select_n3A_531 = arith.select %eq3A_528, %jit3A_529, %jit3A_530 : i32
          %cond3A_532 = arith.constant 0.000000e+00 : f32
          %cond3A_533 = arith.constant 0.000000e+00 : f32
          %cond3A_534 = arith.constant 0.000000e+00 : f32
          scf.yield %cond3A_532, %select_n3A_531, %cond3A_533, %select_n3A_531, %cond3A_534 : f32, i32, f32, i32, f32
        } else {
          %get3A_509 = arith.index_cast %mul3A_452 : i32 to index
          %get3A_510 = tpu.vector_load %arg9[%get3A_509] {strides = array<i32>} : memref<912xf32, #tpu.memory_space<vmem>>, vector<16xf32>,
          %iota3A_511 = tpu.iota {dimensions = array<i32: 0>} : vector<16xi32>
          %eq3A_512 = vector.broadcast %sub3A_453 : i32 to vector<16xi32>
          %eq3A_513 = arith.cmpi eq, %iota3A_511, %eq3A_512 : vector<16xi32>
          %jit3A_514 = arith.constant -3.000000e+38 : f32
          %broadcast_in_dim3A_515 = vector.broadcast %jit3A_514 : f32 to vector<16xf32>
          %select_n3A_516 = arith.select %eq3A_513, %get3A_510, %broadcast_in_dim3A_515 : vector<16xi1>, vector<16xf32>
          %reduce_max3A_517 = arith.constant true
          %reduce_max3A_518 = vector.broadcast %reduce_max3A_517 : i1 to vector<16xi1>
          %reduce_max3A_519 = tpu.scan <max>, %select_n3A_516 masked %reduce_max3A_518 : vector<16xf32>, vector<16xi1> -> vector<16xf32>
          %reduce_max3A_520 = vector.extract %reduce_max3A_519[15] : f32 from vector<16xf32>
          %iota3A_521 = tpu.iota {dimensions = array<i32: 0>} : vector<16xi32>
          %eq3A_522 = vector.broadcast %sub3A_453 : i32 to vector<16xi32>
          %eq3A_523 = arith.cmpi eq, %iota3A_521, %eq3A_522 : vector<16xi32>
          %jit3A_524 = arith.constant 0.000000e+00 : f32
          %broadcast_in_dim3A_525 = vector.broadcast %jit3A_524 : f32 to vector<16xf32>
          %select_n3A_526 = arith.select %eq3A_523, %broadcast_in_dim3A_525, %get3A_510 : vector<16xi1>, vector<16xf32>
          %swap3A_527 = arith.index_cast %mul3A_452 : i32 to index
          %swap3A_528 = tpu.vector_load %arg9[%swap3A_527] {strides = array<i32>} : memref<912xf32, #tpu.memory_space<vmem>>, vector<16xf32>,
          tpu.vector_store %arg9[%swap3A_527], %select_n3A_526 {strides = array<i32>} : memref<912xf32, #tpu.memory_space<vmem>>, vector<16xf32>,
          %eq3A_529 = arith.cmpi eq, %select_n3A_418, %scan3A_326 : i32
          %eq3A_530 = arith.cmpi eq, %select_n3A_418, %scan3A_328 : i32
          %or3A = arith.ori %eq3A_529, %eq3A_530 : i1
          %min3A = arith.constant 1.000000e+02 : f32
          %min3A_531 = arith.minimumf %reduce_max3A_520, %min3A : f32
          %ge3A = arith.cmpf oge, %min3A_531, %scan3A_329 : f32
          %or3A_532 = arith.ori %or3A, %ge3A : i1
          %lt3A = arith.constant 0.000000e+00 : f32
          %lt3A_533 = arith.cmpf olt, %reduce_max3A_520, %lt3A : f32
          %or3A_534 = arith.ori %or3A_532, %lt3A_533 : i1
          %convert_element_type3A_535 = arith.extui %or3A_534 : i1 to i32
          %cond3A_536 = arith.constant 0 : i32
          %cond3A_537 = arith.constant 0 : i32
          %cond3A_538 = arith.cmpi ne, %convert_element_type3A_535, %cond3A_537 : i32
          %cond3A_539:5 = scf.if %cond3A_538 -> (f32, i32, f32, i32, f32) {
            %broadcast_in_dim3A_540 = arith.constant -3.000000e+38 : f32
            %broadcast_in_dim3A_541 = vector.broadcast %broadcast_in_dim3A_540 : f32 to vector<16xf32>
            %broadcast_in_dim3A_542 = arith.constant 2147483647 : i32
            %broadcast_in_dim3A_543 = vector.broadcast %broadcast_in_dim3A_542 : i32 to vector<16xi32>
            %broadcast_in_dim3A_544 = arith.constant -3.000000e+38 : f32
            %broadcast_in_dim3A_545 = vector.broadcast %broadcast_in_dim3A_544 : f32 to vector<16xf32>
            %broadcast_in_dim3A_546 = arith.constant 2147483647 : i32
            %broadcast_in_dim3A_547 = vector.broadcast %broadcast_in_dim3A_546 : i32 to vector<16xi32>
            %scan3A_548 = arith.constant 0 : i32
            %scan3A_549 = arith.constant 57 : i32
            %scan3A_550 = arith.addi %scan3A_548, %scan3A_549 : i32
            %scan3A_551 = arith.constant 1 : i32
            %scan3A_552:4 = scf.for %scan3A_600 = %scan3A_548 to %scan3A_550 step %scan3A_551 iter_args(%scan3A_601 = %broadcast_in_dim3A_541, %scan3A_602 = %broadcast_in_dim3A_543, %scan3A_603 = %broadcast_in_dim3A_545, %scan3A_604 = %broadcast_in_dim3A_547) -> (vector<16xf32>, vector<16xi32>, vector<16xf32>, vector<16xi32>)  : i32 {
              %mul3A_605 = arith.constant 16 : i32
              %mul3A_606 = arith.muli %scan3A_600, %mul3A_605 : i32
              %get3A_607 = arith.index_cast %mul3A_606 : i32 to index
              %get3A_608 = tpu.vector_load %arg9[%get3A_607] {strides = array<i32>} : memref<912xf32, #tpu.memory_space<vmem>>, vector<16xf32>,
              %min3A_609 = arith.constant 1.000000e+02 : f32
              %min3A_610 = vector.broadcast %min3A_609 : f32 to vector<16xf32>
              %min3A_611 = arith.minimumf %get3A_608, %min3A_610 : vector<16xf32>
              %iota3A_612 = tpu.iota {dimensions = array<i32: 0>} : vector<16xi32>
              %mul3A_613 = arith.constant 16 : i32
              %mul3A_614 = arith.muli %scan3A_600, %mul3A_613 : i32
              %add3A_615 = vector.broadcast %mul3A_614 : i32 to vector<16xi32>
              %add3A_616 = arith.addi %iota3A_612, %add3A_615 : vector<16xi32>
              %gt3A = arith.cmpf ogt, %get3A_608, %scan3A_601 : vector<16xf32>
              %select_n3A_617 = arith.select %gt3A, %get3A_608, %scan3A_601 : vector<16xi1>, vector<16xf32>
              %select_n3A_618 = arith.select %gt3A, %add3A_616, %scan3A_602 : vector<16xi1>, vector<16xi32>
              %gt3A_619 = arith.cmpf ogt, %min3A_611, %scan3A_603 : vector<16xf32>
              %select_n3A_620 = arith.select %gt3A_619, %min3A_611, %scan3A_603 : vector<16xi1>, vector<16xf32>
              %select_n3A_621 = arith.select %gt3A_619, %add3A_616, %scan3A_604 : vector<16xi1>, vector<16xi32>
              scf.yield %select_n3A_617, %select_n3A_618, %select_n3A_620, %select_n3A_621 : vector<16xf32>, vector<16xi32>, vector<16xf32>, vector<16xi32>
            }
            %scan3A_553 = arith.constant 57 : i32
            %reduce_max3A_554 = arith.constant true
            %reduce_max3A_555 = vector.broadcast %reduce_max3A_554 : i1 to vector<16xi1>
            %reduce_max3A_556 = tpu.scan <max>, %scan3A_552#0 masked %reduce_max3A_555 : vector<16xf32>, vector<16xi1> -> vector<16xf32>
            %reduce_max3A_557 = vector.extract %reduce_max3A_556[15] : f32 from vector<16xf32>
            %eq3A_558 = vector.broadcast %reduce_max3A_557 : f32 to vector<16xf32>
            %eq3A_559 = arith.cmpf oeq, %scan3A_552#0, %eq3A_558 : vector<16xf32>
            %jit3A_560 = arith.constant 2147483647 : i32
            %broadcast_in_dim3A_561 = vector.broadcast %jit3A_560 : i32 to vector<16xi32>
            %select_n3A_562 = arith.select %eq3A_559, %scan3A_552#1, %broadcast_in_dim3A_561 : vector<16xi1>, vector<16xi32>
            %reduce_min3A_563 = arith.constant true
            %reduce_min3A_564 = vector.broadcast %reduce_min3A_563 : i1 to vector<16xi1>
            %reduce_min3A_565 = arith.constant -2147483648 : i32
            %reduce_min3A_566 = vector.broadcast %reduce_min3A_565 : i32 to vector<16xi32>
            %reduce_min3A_567 = arith.xori %select_n3A_562, %reduce_min3A_566 : vector<16xi32>
            %reduce_min3A_568 = tpu.scan <min>, %reduce_min3A_567 masked %reduce_min3A_564 : vector<16xi32>, vector<16xi1> -> vector<16xi32>
            %reduce_min3A_569 = arith.xori %reduce_min3A_568, %reduce_min3A_566 : vector<16xi32>
            %reduce_min3A_570 = vector.extract %reduce_min3A_569[15] : i32 from vector<16xi32>
            %reduce_max3A_571 = arith.constant true
            %reduce_max3A_572 = vector.broadcast %reduce_max3A_571 : i1 to vector<16xi1>
            %reduce_max3A_573 = tpu.scan <max>, %scan3A_552#2 masked %reduce_max3A_572 : vector<16xf32>, vector<16xi1> -> vector<16xf32>
            %reduce_max3A_574 = vector.extract %reduce_max3A_573[15] : f32 from vector<16xf32>
            %eq3A_575 = vector.broadcast %reduce_max3A_574 : f32 to vector<16xf32>
            %eq3A_576 = arith.cmpf oeq, %scan3A_552#2, %eq3A_575 : vector<16xf32>
            %jit3A_577 = arith.constant 2147483647 : i32
            %broadcast_in_dim3A_578 = vector.broadcast %jit3A_577 : i32 to vector<16xi32>
            %select_n3A_579 = arith.select %eq3A_576, %scan3A_552#3, %broadcast_in_dim3A_578 : vector<16xi1>, vector<16xi32>
            %reduce_min3A_580 = arith.constant true
            %reduce_min3A_581 = vector.broadcast %reduce_min3A_580 : i1 to vector<16xi1>
            %reduce_min3A_582 = arith.constant -2147483648 : i32
            %reduce_min3A_583 = vector.broadcast %reduce_min3A_582 : i32 to vector<16xi32>
            %reduce_min3A_584 = arith.xori %select_n3A_579, %reduce_min3A_583 : vector<16xi32>
            %reduce_min3A_585 = tpu.scan <min>, %reduce_min3A_584 masked %reduce_min3A_581 : vector<16xi32>, vector<16xi1> -> vector<16xi32>
            %reduce_min3A_586 = arith.xori %reduce_min3A_585, %reduce_min3A_583 : vector<16xi32>
            %reduce_min3A_587 = vector.extract %reduce_min3A_586[15] : i32 from vector<16xi32>
            %broadcast_in_dim3A_588 = arith.constant -3.000000e+38 : f32
            %broadcast_in_dim3A_589 = vector.broadcast %broadcast_in_dim3A_588 : f32 to vector<16xf32>
            %scan3A_590 = arith.constant 0 : i32
            %scan3A_591 = arith.constant 57 : i32
            %scan3A_592 = arith.addi %scan3A_590, %scan3A_591 : i32
            %scan3A_593 = arith.constant 1 : i32
            %scan3A_594 = scf.for %scan3A_600 = %scan3A_590 to %scan3A_592 step %scan3A_593 iter_args(%scan3A_601 = %broadcast_in_dim3A_589) -> (vector<16xf32>)  : i32 {
              %mul3A_602 = arith.constant 16 : i32
              %mul3A_603 = arith.muli %scan3A_600, %mul3A_602 : i32
              %get3A_604 = arith.index_cast %mul3A_603 : i32 to index
              %get3A_605 = tpu.vector_load %arg9[%get3A_604] {strides = array<i32>} : memref<912xf32, #tpu.memory_space<vmem>>, vector<16xf32>,
              %min3A_606 = arith.constant 1.000000e+02 : f32
              %min3A_607 = vector.broadcast %min3A_606 : f32 to vector<16xf32>
              %min3A_608 = arith.minimumf %get3A_605, %min3A_607 : vector<16xf32>
              %iota3A_609 = tpu.iota {dimensions = array<i32: 0>} : vector<16xi32>
              %mul3A_610 = arith.constant 16 : i32
              %mul3A_611 = arith.muli %scan3A_600, %mul3A_610 : i32
              %add3A_612 = vector.broadcast %mul3A_611 : i32 to vector<16xi32>
              %add3A_613 = arith.addi %iota3A_609, %add3A_612 : vector<16xi32>
              %eq3A_614 = vector.broadcast %reduce_min3A_587 : i32 to vector<16xi32>
              %eq3A_615 = arith.cmpi eq, %add3A_613, %eq3A_614 : vector<16xi32>
              %jit3A_616 = arith.constant -3.000000e+38 : f32
              %broadcast_in_dim3A_617 = vector.broadcast %jit3A_616 : f32 to vector<16xf32>
              %select_n3A_618 = arith.select %eq3A_615, %broadcast_in_dim3A_617, %min3A_608 : vector<16xi1>, vector<16xf32>
              %max3A = arith.maximumf %scan3A_601, %select_n3A_618 : vector<16xf32>
              scf.yield %max3A : vector<16xf32>
            }
            %scan3A_595 = arith.constant 57 : i32
            %reduce_max3A_596 = arith.constant true
            %reduce_max3A_597 = vector.broadcast %reduce_max3A_596 : i1 to vector<16xi1>
            %reduce_max3A_598 = tpu.scan <max>, %scan3A_594 masked %reduce_max3A_597 : vector<16xf32>, vector<16xi1> -> vector<16xf32>
            %reduce_max3A_599 = vector.extract %reduce_max3A_598[15] : f32 from vector<16xf32>
            scf.yield %reduce_max3A_557, %reduce_min3A_570, %reduce_max3A_574, %reduce_min3A_587, %reduce_max3A_599 : f32, i32, f32, i32, f32
          } else {
            scf.yield %scan3A_325, %scan3A_326, %scan3A_327, %scan3A_328, %scan3A_329 : f32, i32, f32, i32, f32
          }
          scf.yield %cond3A_539#0, %cond3A_539#1, %cond3A_539#2, %cond3A_539#3, %cond3A_539#4 : f32, i32, f32, i32, f32
        }
        %eq3A_461 = arith.constant 1 : i32
        %eq3A_462 = arith.cmpi eq, %add3A, %eq3A_461 : i32
        %convert_element_type3A_463 = arith.extui %eq3A_462 : i1 to i32
        %cond3A_464 = arith.constant 0 : i32
        %cond3A_465 = arith.constant 0 : i32
        %cond3A_466 = arith.cmpi ne, %convert_element_type3A_463, %cond3A_465 : i32
        %cond3A_467:5 = scf.if %cond3A_466 -> (f32, i32, f32, i32, f32) {
          %broadcast_in_dim3A_509 = arith.constant 0.000000e+00 : f32
          %broadcast_in_dim3A_510 = vector.broadcast %broadcast_in_dim3A_509 : f32 to vector<16xf32>
          %scan3A_511 = arith.constant 0 : i32
          %scan3A_512 = arith.constant 0 : i32
          %scan3A_513 = arith.constant 57 : i32
          %scan3A_514 = arith.addi %scan3A_512, %scan3A_513 : i32
          %scan3A_515 = arith.constant 1 : i32
          scf.for %scan3A_535 = %scan3A_512 to %scan3A_514 step %scan3A_515  : i32 {
            %mul3A_536 = arith.constant 16 : i32
            %mul3A_537 = arith.muli %scan3A_535, %mul3A_536 : i32
            %swap3A_538 = arith.index_cast %mul3A_537 : i32 to index
            %swap3A_539 = tpu.vector_load %arg10[%swap3A_538] {strides = array<i32>} : memref<912xf32, #tpu.memory_space<vmem>>, vector<16xf32>,
            tpu.vector_store %arg10[%swap3A_538], %broadcast_in_dim3A_510 {strides = array<i32>} : memref<912xf32, #tpu.memory_space<vmem>>, vector<16xf32>,
          }
          %scan3A_516 = arith.constant 57 : i32
          %get3A_517 = arith.index_cast %mul3A_452 : i32 to index
          %get3A_518 = tpu.vector_load %arg10[%get3A_517] {strides = array<i32>} : memref<912xf32, #tpu.memory_space<vmem>>, vector<16xf32>,
          %iota3A_519 = tpu.iota {dimensions = array<i32: 0>} : vector<16xi32>
          %eq3A_520 = vector.broadcast %sub3A_453 : i32 to vector<16xi32>
          %eq3A_521 = arith.cmpi eq, %iota3A_519, %eq3A_520 : vector<16xi32>
          %jit3A_522 = arith.constant -1.000000e-07 : f32
          %broadcast_in_dim3A_523 = vector.broadcast %jit3A_522 : f32 to vector<16xf32>
          %select_n3A_524 = arith.select %eq3A_521, %broadcast_in_dim3A_523, %get3A_518 : vector<16xi1>, vector<16xf32>
          %swap3A_525 = arith.index_cast %mul3A_452 : i32 to index
          %swap3A_526 = tpu.vector_load %arg10[%swap3A_525] {strides = array<i32>} : memref<912xf32, #tpu.memory_space<vmem>>, vector<16xf32>,
          tpu.vector_store %arg10[%swap3A_525], %select_n3A_524 {strides = array<i32>} : memref<912xf32, #tpu.memory_space<vmem>>, vector<16xf32>,
          %eq3A_527 = arith.constant 0 : i32
          %eq3A_528 = arith.cmpi eq, %select_n3A_418, %eq3A_527 : i32
          %jit3A_529 = arith.constant 1 : i32
          %jit3A_530 = arith.constant 0 : i32
          %select_n3A_531 = arith.select %eq3A_528, %jit3A_529, %jit3A_530 : i32
          %cond3A_532 = arith.constant 0.000000e+00 : f32
          %cond3A_533 = arith.constant 0.000000e+00 : f32
          %cond3A_534 = arith.constant 0.000000e+00 : f32
          scf.yield %cond3A_532, %select_n3A_531, %cond3A_533, %select_n3A_531, %cond3A_534 : f32, i32, f32, i32, f32
        } else {
          %get3A_509 = arith.index_cast %mul3A_452 : i32 to index
          %get3A_510 = tpu.vector_load %arg10[%get3A_509] {strides = array<i32>} : memref<912xf32, #tpu.memory_space<vmem>>, vector<16xf32>,
          %iota3A_511 = tpu.iota {dimensions = array<i32: 0>} : vector<16xi32>
          %eq3A_512 = vector.broadcast %sub3A_453 : i32 to vector<16xi32>
          %eq3A_513 = arith.cmpi eq, %iota3A_511, %eq3A_512 : vector<16xi32>
          %jit3A_514 = arith.constant -3.000000e+38 : f32
          %broadcast_in_dim3A_515 = vector.broadcast %jit3A_514 : f32 to vector<16xf32>
          %select_n3A_516 = arith.select %eq3A_513, %get3A_510, %broadcast_in_dim3A_515 : vector<16xi1>, vector<16xf32>
          %reduce_max3A_517 = arith.constant true
          %reduce_max3A_518 = vector.broadcast %reduce_max3A_517 : i1 to vector<16xi1>
          %reduce_max3A_519 = tpu.scan <max>, %select_n3A_516 masked %reduce_max3A_518 : vector<16xf32>, vector<16xi1> -> vector<16xf32>
          %reduce_max3A_520 = vector.extract %reduce_max3A_519[15] : f32 from vector<16xf32>
          %iota3A_521 = tpu.iota {dimensions = array<i32: 0>} : vector<16xi32>
          %eq3A_522 = vector.broadcast %sub3A_453 : i32 to vector<16xi32>
          %eq3A_523 = arith.cmpi eq, %iota3A_521, %eq3A_522 : vector<16xi32>
          %jit3A_524 = arith.constant 0.000000e+00 : f32
          %broadcast_in_dim3A_525 = vector.broadcast %jit3A_524 : f32 to vector<16xf32>
          %select_n3A_526 = arith.select %eq3A_523, %broadcast_in_dim3A_525, %get3A_510 : vector<16xi1>, vector<16xf32>
          %swap3A_527 = arith.index_cast %mul3A_452 : i32 to index
          %swap3A_528 = tpu.vector_load %arg10[%swap3A_527] {strides = array<i32>} : memref<912xf32, #tpu.memory_space<vmem>>, vector<16xf32>,
          tpu.vector_store %arg10[%swap3A_527], %select_n3A_526 {strides = array<i32>} : memref<912xf32, #tpu.memory_space<vmem>>, vector<16xf32>,
          %eq3A_529 = arith.cmpi eq, %select_n3A_418, %scan3A_331 : i32
          %eq3A_530 = arith.cmpi eq, %select_n3A_418, %scan3A_333 : i32
          %or3A = arith.ori %eq3A_529, %eq3A_530 : i1
          %min3A = arith.constant 1.000000e+02 : f32
          %min3A_531 = arith.minimumf %reduce_max3A_520, %min3A : f32
          %ge3A = arith.cmpf oge, %min3A_531, %scan3A_334 : f32
          %or3A_532 = arith.ori %or3A, %ge3A : i1
          %lt3A = arith.constant 0.000000e+00 : f32
          %lt3A_533 = arith.cmpf olt, %reduce_max3A_520, %lt3A : f32
          %or3A_534 = arith.ori %or3A_532, %lt3A_533 : i1
          %convert_element_type3A_535 = arith.extui %or3A_534 : i1 to i32
          %cond3A_536 = arith.constant 0 : i32
          %cond3A_537 = arith.constant 0 : i32
          %cond3A_538 = arith.cmpi ne, %convert_element_type3A_535, %cond3A_537 : i32
          %cond3A_539:5 = scf.if %cond3A_538 -> (f32, i32, f32, i32, f32) {
            %broadcast_in_dim3A_540 = arith.constant -3.000000e+38 : f32
            %broadcast_in_dim3A_541 = vector.broadcast %broadcast_in_dim3A_540 : f32 to vector<16xf32>
            %broadcast_in_dim3A_542 = arith.constant 2147483647 : i32
            %broadcast_in_dim3A_543 = vector.broadcast %broadcast_in_dim3A_542 : i32 to vector<16xi32>
            %broadcast_in_dim3A_544 = arith.constant -3.000000e+38 : f32
            %broadcast_in_dim3A_545 = vector.broadcast %broadcast_in_dim3A_544 : f32 to vector<16xf32>
            %broadcast_in_dim3A_546 = arith.constant 2147483647 : i32
            %broadcast_in_dim3A_547 = vector.broadcast %broadcast_in_dim3A_546 : i32 to vector<16xi32>
            %scan3A_548 = arith.constant 0 : i32
            %scan3A_549 = arith.constant 57 : i32
            %scan3A_550 = arith.addi %scan3A_548, %scan3A_549 : i32
            %scan3A_551 = arith.constant 1 : i32
            %scan3A_552:4 = scf.for %scan3A_600 = %scan3A_548 to %scan3A_550 step %scan3A_551 iter_args(%scan3A_601 = %broadcast_in_dim3A_541, %scan3A_602 = %broadcast_in_dim3A_543, %scan3A_603 = %broadcast_in_dim3A_545, %scan3A_604 = %broadcast_in_dim3A_547) -> (vector<16xf32>, vector<16xi32>, vector<16xf32>, vector<16xi32>)  : i32 {
              %mul3A_605 = arith.constant 16 : i32
              %mul3A_606 = arith.muli %scan3A_600, %mul3A_605 : i32
              %get3A_607 = arith.index_cast %mul3A_606 : i32 to index
              %get3A_608 = tpu.vector_load %arg10[%get3A_607] {strides = array<i32>} : memref<912xf32, #tpu.memory_space<vmem>>, vector<16xf32>,
              %min3A_609 = arith.constant 1.000000e+02 : f32
              %min3A_610 = vector.broadcast %min3A_609 : f32 to vector<16xf32>
              %min3A_611 = arith.minimumf %get3A_608, %min3A_610 : vector<16xf32>
              %iota3A_612 = tpu.iota {dimensions = array<i32: 0>} : vector<16xi32>
              %mul3A_613 = arith.constant 16 : i32
              %mul3A_614 = arith.muli %scan3A_600, %mul3A_613 : i32
              %add3A_615 = vector.broadcast %mul3A_614 : i32 to vector<16xi32>
              %add3A_616 = arith.addi %iota3A_612, %add3A_615 : vector<16xi32>
              %gt3A = arith.cmpf ogt, %get3A_608, %scan3A_601 : vector<16xf32>
              %select_n3A_617 = arith.select %gt3A, %get3A_608, %scan3A_601 : vector<16xi1>, vector<16xf32>
              %select_n3A_618 = arith.select %gt3A, %add3A_616, %scan3A_602 : vector<16xi1>, vector<16xi32>
              %gt3A_619 = arith.cmpf ogt, %min3A_611, %scan3A_603 : vector<16xf32>
              %select_n3A_620 = arith.select %gt3A_619, %min3A_611, %scan3A_603 : vector<16xi1>, vector<16xf32>
              %select_n3A_621 = arith.select %gt3A_619, %add3A_616, %scan3A_604 : vector<16xi1>, vector<16xi32>
              scf.yield %select_n3A_617, %select_n3A_618, %select_n3A_620, %select_n3A_621 : vector<16xf32>, vector<16xi32>, vector<16xf32>, vector<16xi32>
            }
            %scan3A_553 = arith.constant 57 : i32
            %reduce_max3A_554 = arith.constant true
            %reduce_max3A_555 = vector.broadcast %reduce_max3A_554 : i1 to vector<16xi1>
            %reduce_max3A_556 = tpu.scan <max>, %scan3A_552#0 masked %reduce_max3A_555 : vector<16xf32>, vector<16xi1> -> vector<16xf32>
            %reduce_max3A_557 = vector.extract %reduce_max3A_556[15] : f32 from vector<16xf32>
            %eq3A_558 = vector.broadcast %reduce_max3A_557 : f32 to vector<16xf32>
            %eq3A_559 = arith.cmpf oeq, %scan3A_552#0, %eq3A_558 : vector<16xf32>
            %jit3A_560 = arith.constant 2147483647 : i32
            %broadcast_in_dim3A_561 = vector.broadcast %jit3A_560 : i32 to vector<16xi32>
            %select_n3A_562 = arith.select %eq3A_559, %scan3A_552#1, %broadcast_in_dim3A_561 : vector<16xi1>, vector<16xi32>
            %reduce_min3A_563 = arith.constant true
            %reduce_min3A_564 = vector.broadcast %reduce_min3A_563 : i1 to vector<16xi1>
            %reduce_min3A_565 = arith.constant -2147483648 : i32
            %reduce_min3A_566 = vector.broadcast %reduce_min3A_565 : i32 to vector<16xi32>
            %reduce_min3A_567 = arith.xori %select_n3A_562, %reduce_min3A_566 : vector<16xi32>
            %reduce_min3A_568 = tpu.scan <min>, %reduce_min3A_567 masked %reduce_min3A_564 : vector<16xi32>, vector<16xi1> -> vector<16xi32>
            %reduce_min3A_569 = arith.xori %reduce_min3A_568, %reduce_min3A_566 : vector<16xi32>
            %reduce_min3A_570 = vector.extract %reduce_min3A_569[15] : i32 from vector<16xi32>
            %reduce_max3A_571 = arith.constant true
            %reduce_max3A_572 = vector.broadcast %reduce_max3A_571 : i1 to vector<16xi1>
            %reduce_max3A_573 = tpu.scan <max>, %scan3A_552#2 masked %reduce_max3A_572 : vector<16xf32>, vector<16xi1> -> vector<16xf32>
            %reduce_max3A_574 = vector.extract %reduce_max3A_573[15] : f32 from vector<16xf32>
            %eq3A_575 = vector.broadcast %reduce_max3A_574 : f32 to vector<16xf32>
            %eq3A_576 = arith.cmpf oeq, %scan3A_552#2, %eq3A_575 : vector<16xf32>
            %jit3A_577 = arith.constant 2147483647 : i32
            %broadcast_in_dim3A_578 = vector.broadcast %jit3A_577 : i32 to vector<16xi32>
            %select_n3A_579 = arith.select %eq3A_576, %scan3A_552#3, %broadcast_in_dim3A_578 : vector<16xi1>, vector<16xi32>
            %reduce_min3A_580 = arith.constant true
            %reduce_min3A_581 = vector.broadcast %reduce_min3A_580 : i1 to vector<16xi1>
            %reduce_min3A_582 = arith.constant -2147483648 : i32
            %reduce_min3A_583 = vector.broadcast %reduce_min3A_582 : i32 to vector<16xi32>
            %reduce_min3A_584 = arith.xori %select_n3A_579, %reduce_min3A_583 : vector<16xi32>
            %reduce_min3A_585 = tpu.scan <min>, %reduce_min3A_584 masked %reduce_min3A_581 : vector<16xi32>, vector<16xi1> -> vector<16xi32>
            %reduce_min3A_586 = arith.xori %reduce_min3A_585, %reduce_min3A_583 : vector<16xi32>
            %reduce_min3A_587 = vector.extract %reduce_min3A_586[15] : i32 from vector<16xi32>
            %broadcast_in_dim3A_588 = arith.constant -3.000000e+38 : f32
            %broadcast_in_dim3A_589 = vector.broadcast %broadcast_in_dim3A_588 : f32 to vector<16xf32>
            %scan3A_590 = arith.constant 0 : i32
            %scan3A_591 = arith.constant 57 : i32
            %scan3A_592 = arith.addi %scan3A_590, %scan3A_591 : i32
            %scan3A_593 = arith.constant 1 : i32
            %scan3A_594 = scf.for %scan3A_600 = %scan3A_590 to %scan3A_592 step %scan3A_593 iter_args(%scan3A_601 = %broadcast_in_dim3A_589) -> (vector<16xf32>)  : i32 {
              %mul3A_602 = arith.constant 16 : i32
              %mul3A_603 = arith.muli %scan3A_600, %mul3A_602 : i32
              %get3A_604 = arith.index_cast %mul3A_603 : i32 to index
              %get3A_605 = tpu.vector_load %arg10[%get3A_604] {strides = array<i32>} : memref<912xf32, #tpu.memory_space<vmem>>, vector<16xf32>,
              %min3A_606 = arith.constant 1.000000e+02 : f32
              %min3A_607 = vector.broadcast %min3A_606 : f32 to vector<16xf32>
              %min3A_608 = arith.minimumf %get3A_605, %min3A_607 : vector<16xf32>
              %iota3A_609 = tpu.iota {dimensions = array<i32: 0>} : vector<16xi32>
              %mul3A_610 = arith.constant 16 : i32
              %mul3A_611 = arith.muli %scan3A_600, %mul3A_610 : i32
              %add3A_612 = vector.broadcast %mul3A_611 : i32 to vector<16xi32>
              %add3A_613 = arith.addi %iota3A_609, %add3A_612 : vector<16xi32>
              %eq3A_614 = vector.broadcast %reduce_min3A_587 : i32 to vector<16xi32>
              %eq3A_615 = arith.cmpi eq, %add3A_613, %eq3A_614 : vector<16xi32>
              %jit3A_616 = arith.constant -3.000000e+38 : f32
              %broadcast_in_dim3A_617 = vector.broadcast %jit3A_616 : f32 to vector<16xf32>
              %select_n3A_618 = arith.select %eq3A_615, %broadcast_in_dim3A_617, %min3A_608 : vector<16xi1>, vector<16xf32>
              %max3A = arith.maximumf %scan3A_601, %select_n3A_618 : vector<16xf32>
              scf.yield %max3A : vector<16xf32>
            }
            %scan3A_595 = arith.constant 57 : i32
            %reduce_max3A_596 = arith.constant true
            %reduce_max3A_597 = vector.broadcast %reduce_max3A_596 : i1 to vector<16xi1>
            %reduce_max3A_598 = tpu.scan <max>, %scan3A_594 masked %reduce_max3A_597 : vector<16xf32>, vector<16xi1> -> vector<16xf32>
            %reduce_max3A_599 = vector.extract %reduce_max3A_598[15] : f32 from vector<16xf32>
            scf.yield %reduce_max3A_557, %reduce_min3A_570, %reduce_max3A_574, %reduce_min3A_587, %reduce_max3A_599 : f32, i32, f32, i32, f32
          } else {
            scf.yield %scan3A_330, %scan3A_331, %scan3A_332, %scan3A_333, %scan3A_334 : f32, i32, f32, i32, f32
          }
          scf.yield %cond3A_539#0, %cond3A_539#1, %cond3A_539#2, %cond3A_539#3, %cond3A_539#4 : f32, i32, f32, i32, f32
        }
        %get3A_468 = arith.constant 0 : index
        %get3A_469 = tpu.vector_load %arg11[%get3A_468] {strides = array<i32>} : memref<256xi32, #tpu.memory_space<vmem>>, vector<16xi32>,
        %iota3A_470 = tpu.iota {dimensions = array<i32: 0>} : vector<16xi32>
        %le3A = arith.constant 1 : i32
        %le3A_471 = vector.broadcast %le3A : i32 to vector<16xi32>
        %le3A_472 = arith.cmpi sle, %iota3A_470, %le3A_471 : vector<16xi32>
        %eq3A_473 = vector.broadcast %select_n3A_418 : i32 to vector<16xi32>
        %eq3A_474 = arith.cmpi eq, %get3A_469, %eq3A_473 : vector<16xi32>
        %and3A_475 = arith.andi %le3A_472, %eq3A_474 : vector<16xi1>
        %jit3A_476 = arith.constant -1 : i32
        %broadcast_in_dim3A_477 = vector.broadcast %jit3A_476 : i32 to vector<16xi32>
        %select_n3A_478 = arith.select %and3A_475, %broadcast_in_dim3A_477, %get3A_469 : vector<16xi1>, vector<16xi32>
        %swap3A_479 = arith.constant 0 : index
        %swap3A_480 = tpu.vector_load %arg11[%swap3A_479] {strides = array<i32>} : memref<256xi32, #tpu.memory_space<vmem>>, vector<16xi32>,
        tpu.vector_store %arg11[%swap3A_479], %select_n3A_478 {strides = array<i32>} : memref<256xi32, #tpu.memory_space<vmem>>, vector<16xi32>,
        %get3A_481 = arith.index_cast %mul3A_380 : i32 to index
        %get3A_482 = tpu.vector_load %arg11[%get3A_481] {strides = array<i32>} : memref<256xi32, #tpu.memory_space<vmem>>, vector<16xi32>,
        %iota3A_483 = tpu.iota {dimensions = array<i32: 0>} : vector<16xi32>
        %eq3A_484 = vector.broadcast %reduce_min3A_396 : i32 to vector<16xi32>
        %eq3A_485 = arith.cmpi eq, %iota3A_483, %eq3A_484 : vector<16xi32>
        %broadcast_in_dim3A_486 = vector.broadcast %select_n3A_418 : i32 to vector<16xi32>
        %select_n3A_487 = arith.select %eq3A_485, %broadcast_in_dim3A_486, %get3A_482 : vector<16xi1>, vector<16xi32>
        %swap3A_488 = arith.index_cast %mul3A_380 : i32 to index
        %swap3A_489 = tpu.vector_load %arg11[%swap3A_488] {strides = array<i32>} : memref<256xi32, #tpu.memory_space<vmem>>, vector<16xi32>,
        tpu.vector_store %arg11[%swap3A_488], %select_n3A_487 {strides = array<i32>} : memref<256xi32, #tpu.memory_space<vmem>>, vector<16xi32>,
        %get3A_490 = arith.index_cast %mul3A_380 : i32 to index
        %get3A_491 = tpu.vector_load %arg7[%get3A_490] {strides = array<i32>} : memref<256xf32, #tpu.memory_space<vmem>>, vector<16xf32>,
        %iota3A_492 = tpu.iota {dimensions = array<i32: 0>} : vector<16xi32>
        %eq3A_493 = vector.broadcast %reduce_min3A_396 : i32 to vector<16xi32>
        %eq3A_494 = arith.cmpi eq, %iota3A_492, %eq3A_493 : vector<16xi32>
        %jit3A_495 = arith.constant 0.000000e+00 : f32
        %broadcast_in_dim3A_496 = vector.broadcast %jit3A_495 : f32 to vector<16xf32>
        %select_n3A_497 = arith.select %eq3A_494, %broadcast_in_dim3A_496, %get3A_491 : vector<16xi1>, vector<16xf32>
        %swap3A_498 = arith.index_cast %mul3A_380 : i32 to index
        %swap3A_499 = tpu.vector_load %arg7[%swap3A_498] {strides = array<i32>} : memref<256xf32, #tpu.memory_space<vmem>>, vector<16xf32>,
        tpu.vector_store %arg7[%swap3A_498], %select_n3A_497 {strides = array<i32>} : memref<256xf32, #tpu.memory_space<vmem>>, vector<16xf32>,
        %iota3A_500 = tpu.iota {dimensions = array<i32: 0>} : vector<16xi32>
        %eq3A_501 = vector.broadcast %reduce_min3A_379 : i32 to vector<16xi32>
        %eq3A_502 = arith.cmpi eq, %iota3A_500, %eq3A_501 : vector<16xi32>
        %reduce_max3A_503 = arith.constant true
        %reduce_max3A_504 = vector.broadcast %reduce_max3A_503 : i1 to vector<16xi1>
        %reduce_max3A_505 = tpu.scan <max>, %select_n3A_497 masked %reduce_max3A_504 : vector<16xf32>, vector<16xi1> -> vector<16xf32>
        %reduce_max3A_506 = vector.extract %reduce_max3A_505[15] : f32 from vector<16xf32>
        %broadcast_in_dim3A_507 = vector.broadcast %reduce_max3A_506 : f32 to vector<16xf32>
        %select_n3A_508 = arith.select %eq3A_502, %broadcast_in_dim3A_507, %select_n3A_361 : vector<16xi1>, vector<16xf32>
        scf.yield %cond3A_460#0, %cond3A_460#1, %cond3A_460#2, %cond3A_460#3, %cond3A_460#4, %cond3A_467#0, %cond3A_467#1, %cond3A_467#2, %cond3A_467#3, %cond3A_467#4, %select_n3A_508 : f32, i32, f32, i32, f32, f32, i32, f32, i32, f32, vector<16xf32>
      }
      %scan3A_323 = arith.constant 200 : i32
      "tpu.region"() ({
        %run_scoped3A = tpu.sem_alloc : memref<!tpu.dma_semaphore, #tpu.memory_space<semaphore_mem>>
        tpu.enqueue_dma source(%arg11 : memref<256xi32, #tpu.memory_space<vmem>>) target(%arg6 : memref<256xi32, #tpu.memory_space<hbm>>) target_semaphore(%run_scoped3A : memref<!tpu.dma_semaphore, #tpu.memory_space<semaphore_mem>>)
        tpu.wait_dma2 semaphore(%run_scoped3A : memref<!tpu.dma_semaphore, #tpu.memory_space<semaphore_mem>>) src(%arg11 : memref<256xi32, #tpu.memory_space<vmem>>) dst(%arg6 : memref<256xi32, #tpu.memory_space<hbm>>)
        tpu.yield
      }) : () -> ()
    } else {
    }
    return
  }
}

module attributes {stable_mosaic.version = 14 : i64} {
  func.func @_emit(%arg0: memref<1x256xi32, #tpu.memory_space<vmem>>, %arg1: memref<900x256xi8, #tpu.memory_space<vmem>>) attributes {dimension_semantics = [], scalar_prefetch = 0 : i64, scratch_operands = 0 : i64, tpu.core_type = #tpu.core_type<tc>} {
    %iota3A = tpu.iota {dimensions = array<i32: 0>} : vector<900x256xi32>
    %get3A = arith.constant 0 : index
    %get3A_0 = arith.constant 0 : index
    %get3A_1 = vector.load %arg0[%get3A, %get3A_0] : memref<1x256xi32, #tpu.memory_space<vmem>>, vector<1x256xi32>
    %eq3A = vector.broadcast %get3A_1 : vector<1x256xi32> to vector<900x256xi32>
    %eq3A_2 = arith.cmpi eq, %iota3A, %eq3A : vector<900x256xi32>
    %convert_element_type3A = arith.extui %eq3A_2 : vector<900x256xi1> to vector<900x256xi8>
    %swap3A = arith.constant 0 : index
    %swap3A_3 = arith.constant 0 : index
    %swap3A_4 = vector.load %arg1[%swap3A, %swap3A_3] : memref<900x256xi8, #tpu.memory_space<vmem>>, vector<900x256xi8>
    tpu.vector_store %arg1[%swap3A, %swap3A_3], %convert_element_type3A {strides = array<i32>} : memref<900x256xi8, #tpu.memory_space<vmem>>, vector<900x256xi8>,
    return
  }
}

module attributes {stable_mosaic.version = 14 : i64} {
  func.func @_phase_a(%arg0: memref<8x900x92xf32, #tpu.memory_space<vmem>>, %arg1: memref<8x4x900xf32, #tpu.memory_space<vmem>>, %arg2: memref<8x32x4xf32, #tpu.memory_space<vmem>>, %arg3: memref<8x32x1xi32, #tpu.memory_space<vmem>>, %arg4: memref<256x1xf32, #tpu.memory_space<vmem>>, %arg5: memref<256x1xi32, #tpu.memory_space<vmem>>, %arg6: memref<1x912xf32, #tpu.memory_space<vmem>>, %arg7: memref<1x912xf32, #tpu.memory_space<vmem>>, %arg8: memref<256x900xf32, #tpu.memory_space<vmem>>) attributes {dimension_semantics = [], scalar_prefetch = 0 : i64, scratch_operands = 1 : i64, tpu.core_type = #tpu.core_type<tc>} {
    %get3A = arith.constant 0 : index
    %get3A_0 = arith.constant 0 : index
    %get3A_1 = arith.constant 0 : index
    %get3A_2 = vector.load %arg0[%get3A, %get3A_0, %get3A_1] : memref<8x900x92xf32, #tpu.memory_space<vmem>>, vector<1x900x92xf32>
    %get3A_3 = vector.shape_cast %get3A_2 : vector<1x900x92xf32> to vector<900x92xf32>
    %reduce_max3A = arith.constant dense<0xFF800000> : vector<900xf32>
    %reduce_max3A_4 = vector.multi_reduction <maximumf>, %get3A_3, %reduce_max3A [1] : vector<900x92xf32> to vector<900xf32>
    %broadcast_in_dim3A = vector.shape_cast %reduce_max3A_4 : vector<900xf32> to vector<900x1xf32>
    %sub3A = vector.broadcast %broadcast_in_dim3A : vector<900x1xf32> to vector<900x92xf32>
    %sub3A_5 = arith.subf %get3A_3, %sub3A : vector<900x92xf32>
    %exp3A = math.exp %sub3A_5 : vector<900x92xf32>
    %reduce_sum3A = arith.constant dense<0.000000e+00> : vector<900xf32>
    %reduce_sum3A_6 = vector.multi_reduction <add>, %exp3A, %reduce_sum3A [1] : vector<900x92xf32> to vector<900xf32>
    %broadcast_in_dim3A_7 = vector.shape_cast %reduce_sum3A_6 : vector<900xf32> to vector<900x1xf32>
    %div3A = vector.broadcast %broadcast_in_dim3A_7 : vector<900x1xf32> to vector<900x92xf32>
    %div3A_8 = arith.divf %exp3A, %div3A : vector<900x92xf32>
    %get3A_9 = arith.constant 0 : index
    %get3A_10 = arith.constant 0 : index
    %get3A_11 = arith.constant 0 : index
    %get3A_12 = vector.load %arg3[%get3A_9, %get3A_10, %get3A_11] : memref<8x32x1xi32, #tpu.memory_space<vmem>>, vector<1x32x1xi32>
    %get3A_13 = vector.shape_cast %get3A_12 : vector<1x32x1xi32> to vector<32x1xi32>
    %iota3A = tpu.iota {dimensions = array<i32: 1>} : vector<32x92xi32>
    %eq3A = vector.broadcast %get3A_13 : vector<32x1xi32> to vector<32x92xi32>
    %eq3A_14 = arith.cmpi eq, %eq3A, %iota3A : vector<32x92xi32>
    %convert_element_type3A = arith.extui %eq3A_14 : vector<32x92xi1> to vector<32x92xi32>
    %convert_element_type3A_15 = arith.sitofp %convert_element_type3A : vector<32x92xi32> to vector<32x92xf32>
    %dot_general3A = arith.constant dense<0.000000e+00> : vector<32x900xf32>
    %dot_general3A_16 = tpu.matmul %convert_element_type3A_15, %div3A_8, %dot_general3A {dimension_numbers = #tpu.dot_dimension_numbers<[1], [1], [0], [0], [0, 0, 1, 0], [], []>, transpose_lhs_hint = false} : vector<32x92xf32>, vector<900x92xf32>, vector<32x900xf32> -> vector<32x900xf32>
    %get3A_17 = arith.constant 0 : index
    %get3A_18 = arith.constant 0 : index
    %get3A_19 = arith.constant 0 : index
    %get3A_20 = vector.load %arg1[%get3A_17, %get3A_18, %get3A_19] : memref<8x4x900xf32, #tpu.memory_space<vmem>>, vector<1x4x900xf32>
    %get3A_21 = vector.shape_cast %get3A_20 : vector<1x4x900xf32> to vector<4x900xf32>
    %slice3A = vector.extract_strided_slice %get3A_21 {offsets = [0, 0], sizes = [1, 900], strides = [1, 1]} : vector<4x900xf32> to vector<1x900xf32>
    %slice3A_22 = vector.extract_strided_slice %get3A_21 {offsets = [1, 0], sizes = [1, 900], strides = [1, 1]} : vector<4x900xf32> to vector<1x900xf32>
    %slice3A_23 = vector.extract_strided_slice %get3A_21 {offsets = [2, 0], sizes = [1, 900], strides = [1, 1]} : vector<4x900xf32> to vector<1x900xf32>
    %slice3A_24 = vector.extract_strided_slice %get3A_21 {offsets = [3, 0], sizes = [1, 900], strides = [1, 1]} : vector<4x900xf32> to vector<1x900xf32>
    %get3A_25 = arith.constant 0 : index
    %get3A_26 = arith.constant 0 : index
    %get3A_27 = arith.constant 0 : index
    %get3A_28 = vector.load %arg2[%get3A_25, %get3A_26, %get3A_27] : memref<8x32x4xf32, #tpu.memory_space<vmem>>, vector<1x32x4xf32>
    %get3A_29 = vector.shape_cast %get3A_28 : vector<1x32x4xf32> to vector<32x4xf32>
    %slice3A_30 = vector.extract_strided_slice %get3A_29 {offsets = [0, 0], sizes = [32, 1], strides = [1, 1]} : vector<32x4xf32> to vector<32x1xf32>
    %slice3A_31 = vector.extract_strided_slice %get3A_29 {offsets = [0, 1], sizes = [32, 1], strides = [1, 1]} : vector<32x4xf32> to vector<32x1xf32>
    %slice3A_32 = vector.extract_strided_slice %get3A_29 {offsets = [0, 2], sizes = [32, 1], strides = [1, 1]} : vector<32x4xf32> to vector<32x1xf32>
    %slice3A_33 = vector.extract_strided_slice %get3A_29 {offsets = [0, 3], sizes = [32, 1], strides = [1, 1]} : vector<32x4xf32> to vector<32x1xf32>
    %sub3A_34 = vector.broadcast %slice3A : vector<1x900xf32> to vector<32x900xf32>
    %sub3A_35 = vector.broadcast %slice3A_30 : vector<32x1xf32> to vector<32x900xf32>
    %sub3A_36 = arith.subf %sub3A_34, %sub3A_35 : vector<32x900xf32>
    %abs3A = math.absf %sub3A_36 : vector<32x900xf32>
    %sub3A_37 = vector.broadcast %slice3A_22 : vector<1x900xf32> to vector<32x900xf32>
    %sub3A_38 = vector.broadcast %slice3A_31 : vector<32x1xf32> to vector<32x900xf32>
    %sub3A_39 = arith.subf %sub3A_37, %sub3A_38 : vector<32x900xf32>
    %abs3A_40 = math.absf %sub3A_39 : vector<32x900xf32>
    %add3A = arith.addf %abs3A, %abs3A_40 : vector<32x900xf32>
    %sub3A_41 = vector.broadcast %slice3A_23 : vector<1x900xf32> to vector<32x900xf32>
    %sub3A_42 = vector.broadcast %slice3A_32 : vector<32x1xf32> to vector<32x900xf32>
    %sub3A_43 = arith.subf %sub3A_41, %sub3A_42 : vector<32x900xf32>
    %abs3A_44 = math.absf %sub3A_43 : vector<32x900xf32>
    %add3A_45 = arith.addf %add3A, %abs3A_44 : vector<32x900xf32>
    %sub3A_46 = vector.broadcast %slice3A_24 : vector<1x900xf32> to vector<32x900xf32>
    %sub3A_47 = vector.broadcast %slice3A_33 : vector<32x1xf32> to vector<32x900xf32>
    %sub3A_48 = arith.subf %sub3A_46, %sub3A_47 : vector<32x900xf32>
    %abs3A_49 = math.absf %sub3A_48 : vector<32x900xf32>
    %add3A_50 = arith.addf %add3A_45, %abs3A_49 : vector<32x900xf32>
    %mul3A = arith.constant 5.000000e-01 : f32
    %mul3A_51 = vector.broadcast %mul3A : f32 to vector<1x900xf32>
    %mul3A_52 = arith.mulf %mul3A_51, %slice3A_23 : vector<1x900xf32>
    %sub3A_53 = arith.subf %slice3A, %mul3A_52 : vector<1x900xf32>
    %mul3A_54 = arith.constant 5.000000e-01 : f32
    %mul3A_55 = vector.broadcast %mul3A_54 : f32 to vector<1x900xf32>
    %mul3A_56 = arith.mulf %mul3A_55, %slice3A_23 : vector<1x900xf32>
    %add3A_57 = arith.addf %slice3A, %mul3A_56 : vector<1x900xf32>
    %mul3A_58 = arith.constant 5.000000e-01 : f32
    %mul3A_59 = vector.broadcast %mul3A_58 : f32 to vector<1x900xf32>
    %mul3A_60 = arith.mulf %mul3A_59, %slice3A_24 : vector<1x900xf32>
    %sub3A_61 = arith.subf %slice3A_22, %mul3A_60 : vector<1x900xf32>
    %mul3A_62 = arith.constant 5.000000e-01 : f32
    %mul3A_63 = vector.broadcast %mul3A_62 : f32 to vector<1x900xf32>
    %mul3A_64 = arith.mulf %mul3A_63, %slice3A_24 : vector<1x900xf32>
    %add3A_65 = arith.addf %slice3A_22, %mul3A_64 : vector<1x900xf32>
    %mul3A_66 = arith.constant 5.000000e-01 : f32
    %mul3A_67 = vector.broadcast %mul3A_66 : f32 to vector<32x1xf32>
    %mul3A_68 = arith.mulf %mul3A_67, %slice3A_32 : vector<32x1xf32>
    %sub3A_69 = arith.subf %slice3A_30, %mul3A_68 : vector<32x1xf32>
    %mul3A_70 = arith.constant 5.000000e-01 : f32
    %mul3A_71 = vector.broadcast %mul3A_70 : f32 to vector<32x1xf32>
    %mul3A_72 = arith.mulf %mul3A_71, %slice3A_32 : vector<32x1xf32>
    %add3A_73 = arith.addf %slice3A_30, %mul3A_72 : vector<32x1xf32>
    %mul3A_74 = arith.constant 5.000000e-01 : f32
    %mul3A_75 = vector.broadcast %mul3A_74 : f32 to vector<32x1xf32>
    %mul3A_76 = arith.mulf %mul3A_75, %slice3A_33 : vector<32x1xf32>
    %sub3A_77 = arith.subf %slice3A_31, %mul3A_76 : vector<32x1xf32>
    %mul3A_78 = arith.constant 5.000000e-01 : f32
    %mul3A_79 = vector.broadcast %mul3A_78 : f32 to vector<32x1xf32>
    %mul3A_80 = arith.mulf %mul3A_79, %slice3A_33 : vector<32x1xf32>
    %add3A_81 = arith.addf %slice3A_31, %mul3A_80 : vector<32x1xf32>
    %sub3A_82 = arith.subf %add3A_57, %sub3A_53 : vector<1x900xf32>
    %sub3A_83 = arith.subf %add3A_65, %sub3A_61 : vector<1x900xf32>
    %mul3A_84 = arith.mulf %sub3A_82, %sub3A_83 : vector<1x900xf32>
    %sub3A_85 = arith.subf %add3A_73, %sub3A_69 : vector<32x1xf32>
    %sub3A_86 = arith.subf %add3A_81, %sub3A_77 : vector<32x1xf32>
    %mul3A_87 = arith.mulf %sub3A_85, %sub3A_86 : vector<32x1xf32>
    %min3A = vector.broadcast %add3A_57 : vector<1x900xf32> to vector<32x900xf32>
    %min3A_88 = vector.broadcast %add3A_73 : vector<32x1xf32> to vector<32x900xf32>
    %min3A_89 = arith.minimumf %min3A, %min3A_88 : vector<32x900xf32>
    %max3A = vector.broadcast %sub3A_53 : vector<1x900xf32> to vector<32x900xf32>
    %max3A_90 = vector.broadcast %sub3A_69 : vector<32x1xf32> to vector<32x900xf32>
    %max3A_91 = arith.maximumf %max3A, %max3A_90 : vector<32x900xf32>
    %sub3A_92 = arith.subf %min3A_89, %max3A_91 : vector<32x900xf32>
    %jit3A = arith.constant 0.000000e+00 : f32
    %max3A_93 = vector.broadcast %jit3A : f32 to vector<32x900xf32>
    %max3A_94 = arith.maximumf %max3A_93, %sub3A_92 : vector<32x900xf32>
    %min3A_95 = vector.broadcast %add3A_65 : vector<1x900xf32> to vector<32x900xf32>
    %min3A_96 = vector.broadcast %add3A_81 : vector<32x1xf32> to vector<32x900xf32>
    %min3A_97 = arith.minimumf %min3A_95, %min3A_96 : vector<32x900xf32>
    %max3A_98 = vector.broadcast %sub3A_61 : vector<1x900xf32> to vector<32x900xf32>
    %max3A_99 = vector.broadcast %sub3A_77 : vector<32x1xf32> to vector<32x900xf32>
    %max3A_100 = arith.maximumf %max3A_98, %max3A_99 : vector<32x900xf32>
    %sub3A_101 = arith.subf %min3A_97, %max3A_100 : vector<32x900xf32>
    %jit3A_102 = arith.constant 0.000000e+00 : f32
    %max3A_103 = vector.broadcast %jit3A_102 : f32 to vector<32x900xf32>
    %max3A_104 = arith.maximumf %max3A_103, %sub3A_101 : vector<32x900xf32>
    %mul3A_105 = arith.mulf %max3A_94, %max3A_104 : vector<32x900xf32>
    %add3A_106 = vector.broadcast %mul3A_84 : vector<1x900xf32> to vector<32x900xf32>
    %add3A_107 = vector.broadcast %mul3A_87 : vector<32x1xf32> to vector<32x900xf32>
    %add3A_108 = arith.addf %add3A_106, %add3A_107 : vector<32x900xf32>
    %sub3A_109 = arith.subf %add3A_108, %mul3A_105 : vector<32x900xf32>
    %div3A_110 = arith.divf %mul3A_105, %sub3A_109 : vector<32x900xf32>
    %max3A_111 = vector.broadcast %add3A_57 : vector<1x900xf32> to vector<32x900xf32>
    %max3A_112 = vector.broadcast %add3A_73 : vector<32x1xf32> to vector<32x900xf32>
    %max3A_113 = arith.maximumf %max3A_111, %max3A_112 : vector<32x900xf32>
    %min3A_114 = vector.broadcast %sub3A_53 : vector<1x900xf32> to vector<32x900xf32>
    %min3A_115 = vector.broadcast %sub3A_69 : vector<32x1xf32> to vector<32x900xf32>
    %min3A_116 = arith.minimumf %min3A_114, %min3A_115 : vector<32x900xf32>
    %sub3A_117 = arith.subf %max3A_113, %min3A_116 : vector<32x900xf32>
    %jit3A_118 = arith.constant 0.000000e+00 : f32
    %max3A_119 = vector.broadcast %jit3A_118 : f32 to vector<32x900xf32>
    %max3A_120 = arith.maximumf %max3A_119, %sub3A_117 : vector<32x900xf32>
    %max3A_121 = vector.broadcast %add3A_65 : vector<1x900xf32> to vector<32x900xf32>
    %max3A_122 = vector.broadcast %add3A_81 : vector<32x1xf32> to vector<32x900xf32>
    %max3A_123 = arith.maximumf %max3A_121, %max3A_122 : vector<32x900xf32>
    %min3A_124 = vector.broadcast %sub3A_61 : vector<1x900xf32> to vector<32x900xf32>
    %min3A_125 = vector.broadcast %sub3A_77 : vector<32x1xf32> to vector<32x900xf32>
    %min3A_126 = arith.minimumf %min3A_124, %min3A_125 : vector<32x900xf32>
    %sub3A_127 = arith.subf %max3A_123, %min3A_126 : vector<32x900xf32>
    %jit3A_128 = arith.constant 0.000000e+00 : f32
    %max3A_129 = vector.broadcast %jit3A_128 : f32 to vector<32x900xf32>
    %max3A_130 = arith.maximumf %max3A_129, %sub3A_127 : vector<32x900xf32>
    %mul3A_131 = arith.mulf %max3A_120, %max3A_130 : vector<32x900xf32>
    %sub3A_132 = arith.subf %mul3A_131, %sub3A_109 : vector<32x900xf32>
    %div3A_133 = arith.divf %sub3A_132, %mul3A_131 : vector<32x900xf32>
    %sub3A_134 = arith.subf %div3A_110, %div3A_133 : vector<32x900xf32>
    %mul3A_135 = arith.constant 5.000000e+00 : f32
    %mul3A_136 = vector.broadcast %mul3A_135 : f32 to vector<32x900xf32>
    %mul3A_137 = arith.mulf %mul3A_136, %add3A_50 : vector<32x900xf32>
    %neg3A = arith.constant 0.000000e+00 : f32
    %neg3A_138 = vector.broadcast %neg3A : f32 to vector<32x900xf32>
    %neg3A_139 = arith.subf %neg3A_138, %dot_general3A_16 : vector<32x900xf32>
    %mul3A_140 = arith.constant 1.000000e+00 : f32
    %mul3A_141 = vector.broadcast %mul3A_140 : f32 to vector<32x900xf32>
    %mul3A_142 = arith.mulf %mul3A_141, %neg3A_139 : vector<32x900xf32>
    %add3A_143 = arith.addf %mul3A_137, %mul3A_142 : vector<32x900xf32>
    %neg3A_144 = arith.constant 0.000000e+00 : f32
    %neg3A_145 = vector.broadcast %neg3A_144 : f32 to vector<32x900xf32>
    %neg3A_146 = arith.subf %neg3A_145, %sub3A_134 : vector<32x900xf32>
    %mul3A_147 = arith.constant 2.000000e+00 : f32
    %mul3A_148 = vector.broadcast %mul3A_147 : f32 to vector<32x900xf32>
    %mul3A_149 = arith.mulf %mul3A_148, %neg3A_146 : vector<32x900xf32>
    %add3A_150 = arith.addf %add3A_143, %mul3A_149 : vector<32x900xf32>
    %neg3A_151 = arith.constant 0.000000e+00 : f32
    %neg3A_152 = vector.broadcast %neg3A_151 : f32 to vector<32x900xf32>
    %neg3A_153 = arith.subf %neg3A_152, %add3A_150 : vector<32x900xf32>
    %sub3A_154 = arith.constant -5.500000e+00 : f32
    %sub3A_155 = vector.broadcast %sub3A_154 : f32 to vector<32x900xf32>
    %sub3A_156 = arith.subf %neg3A_153, %sub3A_155 : vector<32x900xf32>
    %div3A_157 = arith.constant 3.53553391 : f32
    %div3A_158 = vector.broadcast %div3A_157 : f32 to vector<32x900xf32>
    %div3A_159 = arith.divf %sub3A_156, %div3A_158 : vector<32x900xf32>
    %erf3A = math.erf %div3A_159 : vector<32x900xf32>
    %add3A_160 = arith.constant 1.000000e+00 : f32
    %add3A_161 = vector.broadcast %add3A_160 : f32 to vector<32x900xf32>
    %add3A_162 = arith.addf %add3A_161, %erf3A : vector<32x900xf32>
    %mul3A_163 = arith.constant 5.000000e-01 : f32
    %mul3A_164 = vector.broadcast %mul3A_163 : f32 to vector<32x900xf32>
    %mul3A_165 = arith.mulf %mul3A_164, %add3A_162 : vector<32x900xf32>
    %erf_inv3A = arith.constant 0.000000e+00 : f32
    %erf_inv3A_166 = vector.broadcast %erf_inv3A : f32 to vector<32x900xf32>
    %erf_inv3A_167 = arith.subf %erf_inv3A_166, %mul3A_165 : vector<32x900xf32>
    %erf_inv3A_168 = arith.mulf %mul3A_165, %erf_inv3A_167 : vector<32x900xf32>
    %erf_inv3A_169 = math.log1p %erf_inv3A_168 : vector<32x900xf32>
    %erf_inv3A_170 = arith.constant 0.000000e+00 : f32
    %erf_inv3A_171 = vector.broadcast %erf_inv3A_170 : f32 to vector<32x900xf32>
    %erf_inv3A_172 = arith.subf %erf_inv3A_171, %erf_inv3A_169 : vector<32x900xf32>
    %erf_inv3A_173 = arith.constant 5.000000e+00 : f32
    %erf_inv3A_174 = vector.broadcast %erf_inv3A_173 : f32 to vector<32x900xf32>
    %erf_inv3A_175 = arith.cmpf olt, %erf_inv3A_172, %erf_inv3A_174 : vector<32x900xf32>
    %erf_inv3A_176 = arith.constant 2.500000e+00 : f32
    %erf_inv3A_177 = vector.broadcast %erf_inv3A_176 : f32 to vector<32x900xf32>
    %erf_inv3A_178 = arith.subf %erf_inv3A_172, %erf_inv3A_177 : vector<32x900xf32>
    %erf_inv3A_179 = math.sqrt %erf_inv3A_172 : vector<32x900xf32>
    %erf_inv3A_180 = arith.constant 3.000000e+00 : f32
    %erf_inv3A_181 = vector.broadcast %erf_inv3A_180 : f32 to vector<32x900xf32>
    %erf_inv3A_182 = arith.subf %erf_inv3A_179, %erf_inv3A_181 : vector<32x900xf32>
    %erf_inv3A_183 = arith.select %erf_inv3A_175, %erf_inv3A_178, %erf_inv3A_182 : vector<32x900xi1>, vector<32x900xf32>
    %erf_inv3A_184 = arith.constant 2.81022636E-8 : f32
    %erf_inv3A_185 = arith.constant -2.00214257E-4 : f32
    %erf_inv3A_186 = vector.broadcast %erf_inv3A_184 : f32 to vector<32x900xf32>
    %erf_inv3A_187 = vector.broadcast %erf_inv3A_185 : f32 to vector<32x900xf32>
    %erf_inv3A_188 = arith.select %erf_inv3A_175, %erf_inv3A_186, %erf_inv3A_187 : vector<32x900xi1>, vector<32x900xf32>
    %erf_inv3A_189 = arith.constant 3.43273939E-7 : f32
    %erf_inv3A_190 = arith.constant 1.00950558E-4 : f32
    %erf_inv3A_191 = vector.broadcast %erf_inv3A_189 : f32 to vector<32x900xf32>
    %erf_inv3A_192 = vector.broadcast %erf_inv3A_190 : f32 to vector<32x900xf32>
    %erf_inv3A_193 = arith.select %erf_inv3A_175, %erf_inv3A_191, %erf_inv3A_192 : vector<32x900xi1>, vector<32x900xf32>
    %erf_inv3A_194 = arith.mulf %erf_inv3A_188, %erf_inv3A_183 : vector<32x900xf32>
    %erf_inv3A_195 = arith.addf %erf_inv3A_193, %erf_inv3A_194 : vector<32x900xf32>
    %erf_inv3A_196 = arith.constant -3.5233877E-6 : f32
    %erf_inv3A_197 = arith.constant 0.00134934322 : f32
    %erf_inv3A_198 = vector.broadcast %erf_inv3A_196 : f32 to vector<32x900xf32>
    %erf_inv3A_199 = vector.broadcast %erf_inv3A_197 : f32 to vector<32x900xf32>
    %erf_inv3A_200 = arith.select %erf_inv3A_175, %erf_inv3A_198, %erf_inv3A_199 : vector<32x900xi1>, vector<32x900xf32>
    %erf_inv3A_201 = arith.mulf %erf_inv3A_195, %erf_inv3A_183 : vector<32x900xf32>
    %erf_inv3A_202 = arith.addf %erf_inv3A_200, %erf_inv3A_201 : vector<32x900xf32>
    %erf_inv3A_203 = arith.constant -4.39150654E-6 : f32
    %erf_inv3A_204 = arith.constant -0.00367342844 : f32
    %erf_inv3A_205 = vector.broadcast %erf_inv3A_203 : f32 to vector<32x900xf32>
    %erf_inv3A_206 = vector.broadcast %erf_inv3A_204 : f32 to vector<32x900xf32>
    %erf_inv3A_207 = arith.select %erf_inv3A_175, %erf_inv3A_205, %erf_inv3A_206 : vector<32x900xi1>, vector<32x900xf32>
    %erf_inv3A_208 = arith.mulf %erf_inv3A_202, %erf_inv3A_183 : vector<32x900xf32>
    %erf_inv3A_209 = arith.addf %erf_inv3A_207, %erf_inv3A_208 : vector<32x900xf32>
    %erf_inv3A_210 = arith.constant 2.1858087E-4 : f32
    %erf_inv3A_211 = arith.constant 0.00573950773 : f32
    %erf_inv3A_212 = vector.broadcast %erf_inv3A_210 : f32 to vector<32x900xf32>
    %erf_inv3A_213 = vector.broadcast %erf_inv3A_211 : f32 to vector<32x900xf32>
    %erf_inv3A_214 = arith.select %erf_inv3A_175, %erf_inv3A_212, %erf_inv3A_213 : vector<32x900xi1>, vector<32x900xf32>
    %erf_inv3A_215 = arith.mulf %erf_inv3A_209, %erf_inv3A_183 : vector<32x900xf32>
    %erf_inv3A_216 = arith.addf %erf_inv3A_214, %erf_inv3A_215 : vector<32x900xf32>
    %erf_inv3A_217 = arith.constant -0.00125372503 : f32
    %erf_inv3A_218 = arith.constant -0.0076224613 : f32
    %erf_inv3A_219 = vector.broadcast %erf_inv3A_217 : f32 to vector<32x900xf32>
    %erf_inv3A_220 = vector.broadcast %erf_inv3A_218 : f32 to vector<32x900xf32>
    %erf_inv3A_221 = arith.select %erf_inv3A_175, %erf_inv3A_219, %erf_inv3A_220 : vector<32x900xi1>, vector<32x900xf32>
    %erf_inv3A_222 = arith.mulf %erf_inv3A_216, %erf_inv3A_183 : vector<32x900xf32>
    %erf_inv3A_223 = arith.addf %erf_inv3A_221, %erf_inv3A_222 : vector<32x900xf32>
    %erf_inv3A_224 = arith.constant -0.00417768164 : f32
    %erf_inv3A_225 = arith.constant 0.00943887047 : f32
    %erf_inv3A_226 = vector.broadcast %erf_inv3A_224 : f32 to vector<32x900xf32>
    %erf_inv3A_227 = vector.broadcast %erf_inv3A_225 : f32 to vector<32x900xf32>
    %erf_inv3A_228 = arith.select %erf_inv3A_175, %erf_inv3A_226, %erf_inv3A_227 : vector<32x900xi1>, vector<32x900xf32>
    %erf_inv3A_229 = arith.mulf %erf_inv3A_223, %erf_inv3A_183 : vector<32x900xf32>
    %erf_inv3A_230 = arith.addf %erf_inv3A_228, %erf_inv3A_229 : vector<32x900xf32>
    %erf_inv3A_231 = arith.constant 0.246640727 : f32
    %erf_inv3A_232 = arith.constant 1.00167406 : f32
    %erf_inv3A_233 = vector.broadcast %erf_inv3A_231 : f32 to vector<32x900xf32>
    %erf_inv3A_234 = vector.broadcast %erf_inv3A_232 : f32 to vector<32x900xf32>
    %erf_inv3A_235 = arith.select %erf_inv3A_175, %erf_inv3A_233, %erf_inv3A_234 : vector<32x900xi1>, vector<32x900xf32>
    %erf_inv3A_236 = arith.mulf %erf_inv3A_230, %erf_inv3A_183 : vector<32x900xf32>
    %erf_inv3A_237 = arith.addf %erf_inv3A_235, %erf_inv3A_236 : vector<32x900xf32>
    %erf_inv3A_238 = arith.constant 1.50140941 : f32
    %erf_inv3A_239 = arith.constant 2.83297682 : f32
    %erf_inv3A_240 = vector.broadcast %erf_inv3A_238 : f32 to vector<32x900xf32>
    %erf_inv3A_241 = vector.broadcast %erf_inv3A_239 : f32 to vector<32x900xf32>
    %erf_inv3A_242 = arith.select %erf_inv3A_175, %erf_inv3A_240, %erf_inv3A_241 : vector<32x900xi1>, vector<32x900xf32>
    %erf_inv3A_243 = arith.mulf %erf_inv3A_237, %erf_inv3A_183 : vector<32x900xf32>
    %erf_inv3A_244 = arith.addf %erf_inv3A_242, %erf_inv3A_243 : vector<32x900xf32>
    %erf_inv3A_245 = math.absf %mul3A_165 : vector<32x900xf32>
    %erf_inv3A_246 = arith.constant 1.000000e+00 : f32
    %erf_inv3A_247 = vector.broadcast %erf_inv3A_246 : f32 to vector<32x900xf32>
    %erf_inv3A_248 = arith.cmpf oeq, %erf_inv3A_245, %erf_inv3A_247 : vector<32x900xf32>
    %erf_inv3A_249 = arith.constant 0x7F800000 : f32
    %erf_inv3A_250 = vector.broadcast %erf_inv3A_249 : f32 to vector<32x900xf32>
    %erf_inv3A_251 = arith.mulf %erf_inv3A_250, %mul3A_165 : vector<32x900xf32>
    %erf_inv3A_252 = arith.mulf %erf_inv3A_244, %mul3A_165 : vector<32x900xf32>
    %erf_inv3A_253 = arith.select %erf_inv3A_248, %erf_inv3A_251, %erf_inv3A_252 : vector<32x900xi1>, vector<32x900xf32>
    %mul3A_254 = arith.constant 0.424264073 : f32
    %mul3A_255 = vector.broadcast %mul3A_254 : f32 to vector<32x900xf32>
    %mul3A_256 = arith.mulf %mul3A_255, %erf_inv3A_253 : vector<32x900xf32>
    %swap3A = arith.constant 0 : index
    %swap3A_257 = arith.constant 0 : index
    %swap3A_258 = vector.load %arg8[%swap3A, %swap3A_257] : memref<256x900xf32, #tpu.memory_space<vmem>>, vector<32x900xf32>
    tpu.vector_store %arg8[%swap3A, %swap3A_257], %mul3A_256 {strides = array<i32>} : memref<256x900xf32, #tpu.memory_space<vmem>>, vector<32x900xf32>,
    %get3A_259 = arith.constant 1 : index
    %get3A_260 = arith.constant 0 : index
    %get3A_261 = arith.constant 0 : index
    %get3A_262 = vector.load %arg0[%get3A_259, %get3A_260, %get3A_261] : memref<8x900x92xf32, #tpu.memory_space<vmem>>, vector<1x900x92xf32>
    %get3A_263 = vector.shape_cast %get3A_262 : vector<1x900x92xf32> to vector<900x92xf32>
    %reduce_max3A_264 = arith.constant dense<0xFF800000> : vector<900xf32>
    %reduce_max3A_265 = vector.multi_reduction <maximumf>, %get3A_263, %reduce_max3A_264 [1] : vector<900x92xf32> to vector<900xf32>
    %broadcast_in_dim3A_266 = vector.shape_cast %reduce_max3A_265 : vector<900xf32> to vector<900x1xf32>
    %sub3A_267 = vector.broadcast %broadcast_in_dim3A_266 : vector<900x1xf32> to vector<900x92xf32>
    %sub3A_268 = arith.subf %get3A_263, %sub3A_267 : vector<900x92xf32>
    %exp3A_269 = math.exp %sub3A_268 : vector<900x92xf32>
    %reduce_sum3A_270 = arith.constant dense<0.000000e+00> : vector<900xf32>
    %reduce_sum3A_271 = vector.multi_reduction <add>, %exp3A_269, %reduce_sum3A_270 [1] : vector<900x92xf32> to vector<900xf32>
    %broadcast_in_dim3A_272 = vector.shape_cast %reduce_sum3A_271 : vector<900xf32> to vector<900x1xf32>
    %div3A_273 = vector.broadcast %broadcast_in_dim3A_272 : vector<900x1xf32> to vector<900x92xf32>
    %div3A_274 = arith.divf %exp3A_269, %div3A_273 : vector<900x92xf32>
    %get3A_275 = arith.constant 1 : index
    %get3A_276 = arith.constant 0 : index
    %get3A_277 = arith.constant 0 : index
    %get3A_278 = vector.load %arg3[%get3A_275, %get3A_276, %get3A_277] : memref<8x32x1xi32, #tpu.memory_space<vmem>>, vector<1x32x1xi32>
    %get3A_279 = vector.shape_cast %get3A_278 : vector<1x32x1xi32> to vector<32x1xi32>
    %iota3A_280 = tpu.iota {dimensions = array<i32: 1>} : vector<32x92xi32>
    %eq3A_281 = vector.broadcast %get3A_279 : vector<32x1xi32> to vector<32x92xi32>
    %eq3A_282 = arith.cmpi eq, %eq3A_281, %iota3A_280 : vector<32x92xi32>
    %convert_element_type3A_283 = arith.extui %eq3A_282 : vector<32x92xi1> to vector<32x92xi32>
    %convert_element_type3A_284 = arith.sitofp %convert_element_type3A_283 : vector<32x92xi32> to vector<32x92xf32>
    %dot_general3A_285 = arith.constant dense<0.000000e+00> : vector<32x900xf32>
    %dot_general3A_286 = tpu.matmul %convert_element_type3A_284, %div3A_274, %dot_general3A_285 {dimension_numbers = #tpu.dot_dimension_numbers<[1], [1], [0], [0], [0, 0, 1, 0], [], []>, transpose_lhs_hint = false} : vector<32x92xf32>, vector<900x92xf32>, vector<32x900xf32> -> vector<32x900xf32>
    %get3A_287 = arith.constant 1 : index
    %get3A_288 = arith.constant 0 : index
    %get3A_289 = arith.constant 0 : index
    %get3A_290 = vector.load %arg1[%get3A_287, %get3A_288, %get3A_289] : memref<8x4x900xf32, #tpu.memory_space<vmem>>, vector<1x4x900xf32>
    %get3A_291 = vector.shape_cast %get3A_290 : vector<1x4x900xf32> to vector<4x900xf32>
    %slice3A_292 = vector.extract_strided_slice %get3A_291 {offsets = [0, 0], sizes = [1, 900], strides = [1, 1]} : vector<4x900xf32> to vector<1x900xf32>
    %slice3A_293 = vector.extract_strided_slice %get3A_291 {offsets = [1, 0], sizes = [1, 900], strides = [1, 1]} : vector<4x900xf32> to vector<1x900xf32>
    %slice3A_294 = vector.extract_strided_slice %get3A_291 {offsets = [2, 0], sizes = [1, 900], strides = [1, 1]} : vector<4x900xf32> to vector<1x900xf32>
    %slice3A_295 = vector.extract_strided_slice %get3A_291 {offsets = [3, 0], sizes = [1, 900], strides = [1, 1]} : vector<4x900xf32> to vector<1x900xf32>
    %get3A_296 = arith.constant 1 : index
    %get3A_297 = arith.constant 0 : index
    %get3A_298 = arith.constant 0 : index
    %get3A_299 = vector.load %arg2[%get3A_296, %get3A_297, %get3A_298] : memref<8x32x4xf32, #tpu.memory_space<vmem>>, vector<1x32x4xf32>
    %get3A_300 = vector.shape_cast %get3A_299 : vector<1x32x4xf32> to vector<32x4xf32>
    %slice3A_301 = vector.extract_strided_slice %get3A_300 {offsets = [0, 0], sizes = [32, 1], strides = [1, 1]} : vector<32x4xf32> to vector<32x1xf32>
    %slice3A_302 = vector.extract_strided_slice %get3A_300 {offsets = [0, 1], sizes = [32, 1], strides = [1, 1]} : vector<32x4xf32> to vector<32x1xf32>
    %slice3A_303 = vector.extract_strided_slice %get3A_300 {offsets = [0, 2], sizes = [32, 1], strides = [1, 1]} : vector<32x4xf32> to vector<32x1xf32>
    %slice3A_304 = vector.extract_strided_slice %get3A_300 {offsets = [0, 3], sizes = [32, 1], strides = [1, 1]} : vector<32x4xf32> to vector<32x1xf32>
    %sub3A_305 = vector.broadcast %slice3A_292 : vector<1x900xf32> to vector<32x900xf32>
    %sub3A_306 = vector.broadcast %slice3A_301 : vector<32x1xf32> to vector<32x900xf32>
    %sub3A_307 = arith.subf %sub3A_305, %sub3A_306 : vector<32x900xf32>
    %abs3A_308 = math.absf %sub3A_307 : vector<32x900xf32>
    %sub3A_309 = vector.broadcast %slice3A_293 : vector<1x900xf32> to vector<32x900xf32>
    %sub3A_310 = vector.broadcast %slice3A_302 : vector<32x1xf32> to vector<32x900xf32>
    %sub3A_311 = arith.subf %sub3A_309, %sub3A_310 : vector<32x900xf32>
    %abs3A_312 = math.absf %sub3A_311 : vector<32x900xf32>
    %add3A_313 = arith.addf %abs3A_308, %abs3A_312 : vector<32x900xf32>
    %sub3A_314 = vector.broadcast %slice3A_294 : vector<1x900xf32> to vector<32x900xf32>
    %sub3A_315 = vector.broadcast %slice3A_303 : vector<32x1xf32> to vector<32x900xf32>
    %sub3A_316 = arith.subf %sub3A_314, %sub3A_315 : vector<32x900xf32>
    %abs3A_317 = math.absf %sub3A_316 : vector<32x900xf32>
    %add3A_318 = arith.addf %add3A_313, %abs3A_317 : vector<32x900xf32>
    %sub3A_319 = vector.broadcast %slice3A_295 : vector<1x900xf32> to vector<32x900xf32>
    %sub3A_320 = vector.broadcast %slice3A_304 : vector<32x1xf32> to vector<32x900xf32>
    %sub3A_321 = arith.subf %sub3A_319, %sub3A_320 : vector<32x900xf32>
    %abs3A_322 = math.absf %sub3A_321 : vector<32x900xf32>
    %add3A_323 = arith.addf %add3A_318, %abs3A_322 : vector<32x900xf32>
    %mul3A_324 = arith.constant 5.000000e-01 : f32
    %mul3A_325 = vector.broadcast %mul3A_324 : f32 to vector<1x900xf32>
    %mul3A_326 = arith.mulf %mul3A_325, %slice3A_294 : vector<1x900xf32>
    %sub3A_327 = arith.subf %slice3A_292, %mul3A_326 : vector<1x900xf32>
    %mul3A_328 = arith.constant 5.000000e-01 : f32
    %mul3A_329 = vector.broadcast %mul3A_328 : f32 to vector<1x900xf32>
    %mul3A_330 = arith.mulf %mul3A_329, %slice3A_294 : vector<1x900xf32>
    %add3A_331 = arith.addf %slice3A_292, %mul3A_330 : vector<1x900xf32>
    %mul3A_332 = arith.constant 5.000000e-01 : f32
    %mul3A_333 = vector.broadcast %mul3A_332 : f32 to vector<1x900xf32>
    %mul3A_334 = arith.mulf %mul3A_333, %slice3A_295 : vector<1x900xf32>
    %sub3A_335 = arith.subf %slice3A_293, %mul3A_334 : vector<1x900xf32>
    %mul3A_336 = arith.constant 5.000000e-01 : f32
    %mul3A_337 = vector.broadcast %mul3A_336 : f32 to vector<1x900xf32>
    %mul3A_338 = arith.mulf %mul3A_337, %slice3A_295 : vector<1x900xf32>
    %add3A_339 = arith.addf %slice3A_293, %mul3A_338 : vector<1x900xf32>
    %mul3A_340 = arith.constant 5.000000e-01 : f32
    %mul3A_341 = vector.broadcast %mul3A_340 : f32 to vector<32x1xf32>
    %mul3A_342 = arith.mulf %mul3A_341, %slice3A_303 : vector<32x1xf32>
    %sub3A_343 = arith.subf %slice3A_301, %mul3A_342 : vector<32x1xf32>
    %mul3A_344 = arith.constant 5.000000e-01 : f32
    %mul3A_345 = vector.broadcast %mul3A_344 : f32 to vector<32x1xf32>
    %mul3A_346 = arith.mulf %mul3A_345, %slice3A_303 : vector<32x1xf32>
    %add3A_347 = arith.addf %slice3A_301, %mul3A_346 : vector<32x1xf32>
    %mul3A_348 = arith.constant 5.000000e-01 : f32
    %mul3A_349 = vector.broadcast %mul3A_348 : f32 to vector<32x1xf32>
    %mul3A_350 = arith.mulf %mul3A_349, %slice3A_304 : vector<32x1xf32>
    %sub3A_351 = arith.subf %slice3A_302, %mul3A_350 : vector<32x1xf32>
    %mul3A_352 = arith.constant 5.000000e-01 : f32
    %mul3A_353 = vector.broadcast %mul3A_352 : f32 to vector<32x1xf32>
    %mul3A_354 = arith.mulf %mul3A_353, %slice3A_304 : vector<32x1xf32>
    %add3A_355 = arith.addf %slice3A_302, %mul3A_354 : vector<32x1xf32>
    %sub3A_356 = arith.subf %add3A_331, %sub3A_327 : vector<1x900xf32>
    %sub3A_357 = arith.subf %add3A_339, %sub3A_335 : vector<1x900xf32>
    %mul3A_358 = arith.mulf %sub3A_356, %sub3A_357 : vector<1x900xf32>
    %sub3A_359 = arith.subf %add3A_347, %sub3A_343 : vector<32x1xf32>
    %sub3A_360 = arith.subf %add3A_355, %sub3A_351 : vector<32x1xf32>
    %mul3A_361 = arith.mulf %sub3A_359, %sub3A_360 : vector<32x1xf32>
    %min3A_362 = vector.broadcast %add3A_331 : vector<1x900xf32> to vector<32x900xf32>
    %min3A_363 = vector.broadcast %add3A_347 : vector<32x1xf32> to vector<32x900xf32>
    %min3A_364 = arith.minimumf %min3A_362, %min3A_363 : vector<32x900xf32>
    %max3A_365 = vector.broadcast %sub3A_327 : vector<1x900xf32> to vector<32x900xf32>
    %max3A_366 = vector.broadcast %sub3A_343 : vector<32x1xf32> to vector<32x900xf32>
    %max3A_367 = arith.maximumf %max3A_365, %max3A_366 : vector<32x900xf32>
    %sub3A_368 = arith.subf %min3A_364, %max3A_367 : vector<32x900xf32>
    %jit3A_369 = arith.constant 0.000000e+00 : f32
    %max3A_370 = vector.broadcast %jit3A_369 : f32 to vector<32x900xf32>
    %max3A_371 = arith.maximumf %max3A_370, %sub3A_368 : vector<32x900xf32>
    %min3A_372 = vector.broadcast %add3A_339 : vector<1x900xf32> to vector<32x900xf32>
    %min3A_373 = vector.broadcast %add3A_355 : vector<32x1xf32> to vector<32x900xf32>
    %min3A_374 = arith.minimumf %min3A_372, %min3A_373 : vector<32x900xf32>
    %max3A_375 = vector.broadcast %sub3A_335 : vector<1x900xf32> to vector<32x900xf32>
    %max3A_376 = vector.broadcast %sub3A_351 : vector<32x1xf32> to vector<32x900xf32>
    %max3A_377 = arith.maximumf %max3A_375, %max3A_376 : vector<32x900xf32>
    %sub3A_378 = arith.subf %min3A_374, %max3A_377 : vector<32x900xf32>
    %jit3A_379 = arith.constant 0.000000e+00 : f32
    %max3A_380 = vector.broadcast %jit3A_379 : f32 to vector<32x900xf32>
    %max3A_381 = arith.maximumf %max3A_380, %sub3A_378 : vector<32x900xf32>
    %mul3A_382 = arith.mulf %max3A_371, %max3A_381 : vector<32x900xf32>
    %add3A_383 = vector.broadcast %mul3A_358 : vector<1x900xf32> to vector<32x900xf32>
    %add3A_384 = vector.broadcast %mul3A_361 : vector<32x1xf32> to vector<32x900xf32>
    %add3A_385 = arith.addf %add3A_383, %add3A_384 : vector<32x900xf32>
    %sub3A_386 = arith.subf %add3A_385, %mul3A_382 : vector<32x900xf32>
    %div3A_387 = arith.divf %mul3A_382, %sub3A_386 : vector<32x900xf32>
    %max3A_388 = vector.broadcast %add3A_331 : vector<1x900xf32> to vector<32x900xf32>
    %max3A_389 = vector.broadcast %add3A_347 : vector<32x1xf32> to vector<32x900xf32>
    %max3A_390 = arith.maximumf %max3A_388, %max3A_389 : vector<32x900xf32>
    %min3A_391 = vector.broadcast %sub3A_327 : vector<1x900xf32> to vector<32x900xf32>
    %min3A_392 = vector.broadcast %sub3A_343 : vector<32x1xf32> to vector<32x900xf32>
    %min3A_393 = arith.minimumf %min3A_391, %min3A_392 : vector<32x900xf32>
    %sub3A_394 = arith.subf %max3A_390, %min3A_393 : vector<32x900xf32>
    %jit3A_395 = arith.constant 0.000000e+00 : f32
    %max3A_396 = vector.broadcast %jit3A_395 : f32 to vector<32x900xf32>
    %max3A_397 = arith.maximumf %max3A_396, %sub3A_394 : vector<32x900xf32>
    %max3A_398 = vector.broadcast %add3A_339 : vector<1x900xf32> to vector<32x900xf32>
    %max3A_399 = vector.broadcast %add3A_355 : vector<32x1xf32> to vector<32x900xf32>
    %max3A_400 = arith.maximumf %max3A_398, %max3A_399 : vector<32x900xf32>
    %min3A_401 = vector.broadcast %sub3A_335 : vector<1x900xf32> to vector<32x900xf32>
    %min3A_402 = vector.broadcast %sub3A_351 : vector<32x1xf32> to vector<32x900xf32>
    %min3A_403 = arith.minimumf %min3A_401, %min3A_402 : vector<32x900xf32>
    %sub3A_404 = arith.subf %max3A_400, %min3A_403 : vector<32x900xf32>
    %jit3A_405 = arith.constant 0.000000e+00 : f32
    %max3A_406 = vector.broadcast %jit3A_405 : f32 to vector<32x900xf32>
    %max3A_407 = arith.maximumf %max3A_406, %sub3A_404 : vector<32x900xf32>
    %mul3A_408 = arith.mulf %max3A_397, %max3A_407 : vector<32x900xf32>
    %sub3A_409 = arith.subf %mul3A_408, %sub3A_386 : vector<32x900xf32>
    %div3A_410 = arith.divf %sub3A_409, %mul3A_408 : vector<32x900xf32>
    %sub3A_411 = arith.subf %div3A_387, %div3A_410 : vector<32x900xf32>
    %mul3A_412 = arith.constant 5.000000e+00 : f32
    %mul3A_413 = vector.broadcast %mul3A_412 : f32 to vector<32x900xf32>
    %mul3A_414 = arith.mulf %mul3A_413, %add3A_323 : vector<32x900xf32>
    %neg3A_415 = arith.constant 0.000000e+00 : f32
    %neg3A_416 = vector.broadcast %neg3A_415 : f32 to vector<32x900xf32>
    %neg3A_417 = arith.subf %neg3A_416, %dot_general3A_286 : vector<32x900xf32>
    %mul3A_418 = arith.constant 1.000000e+00 : f32
    %mul3A_419 = vector.broadcast %mul3A_418 : f32 to vector<32x900xf32>
    %mul3A_420 = arith.mulf %mul3A_419, %neg3A_417 : vector<32x900xf32>
    %add3A_421 = arith.addf %mul3A_414, %mul3A_420 : vector<32x900xf32>
    %neg3A_422 = arith.constant 0.000000e+00 : f32
    %neg3A_423 = vector.broadcast %neg3A_422 : f32 to vector<32x900xf32>
    %neg3A_424 = arith.subf %neg3A_423, %sub3A_411 : vector<32x900xf32>
    %mul3A_425 = arith.constant 2.000000e+00 : f32
    %mul3A_426 = vector.broadcast %mul3A_425 : f32 to vector<32x900xf32>
    %mul3A_427 = arith.mulf %mul3A_426, %neg3A_424 : vector<32x900xf32>
    %add3A_428 = arith.addf %add3A_421, %mul3A_427 : vector<32x900xf32>
    %neg3A_429 = arith.constant 0.000000e+00 : f32
    %neg3A_430 = vector.broadcast %neg3A_429 : f32 to vector<32x900xf32>
    %neg3A_431 = arith.subf %neg3A_430, %add3A_428 : vector<32x900xf32>
    %sub3A_432 = arith.constant -5.500000e+00 : f32
    %sub3A_433 = vector.broadcast %sub3A_432 : f32 to vector<32x900xf32>
    %sub3A_434 = arith.subf %neg3A_431, %sub3A_433 : vector<32x900xf32>
    %div3A_435 = arith.constant 3.53553391 : f32
    %div3A_436 = vector.broadcast %div3A_435 : f32 to vector<32x900xf32>
    %div3A_437 = arith.divf %sub3A_434, %div3A_436 : vector<32x900xf32>
    %erf3A_438 = math.erf %div3A_437 : vector<32x900xf32>
    %add3A_439 = arith.constant 1.000000e+00 : f32
    %add3A_440 = vector.broadcast %add3A_439 : f32 to vector<32x900xf32>
    %add3A_441 = arith.addf %add3A_440, %erf3A_438 : vector<32x900xf32>
    %mul3A_442 = arith.constant 5.000000e-01 : f32
    %mul3A_443 = vector.broadcast %mul3A_442 : f32 to vector<32x900xf32>
    %mul3A_444 = arith.mulf %mul3A_443, %add3A_441 : vector<32x900xf32>
    %erf_inv3A_445 = arith.constant 0.000000e+00 : f32
    %erf_inv3A_446 = vector.broadcast %erf_inv3A_445 : f32 to vector<32x900xf32>
    %erf_inv3A_447 = arith.subf %erf_inv3A_446, %mul3A_444 : vector<32x900xf32>
    %erf_inv3A_448 = arith.mulf %mul3A_444, %erf_inv3A_447 : vector<32x900xf32>
    %erf_inv3A_449 = math.log1p %erf_inv3A_448 : vector<32x900xf32>
    %erf_inv3A_450 = arith.constant 0.000000e+00 : f32
    %erf_inv3A_451 = vector.broadcast %erf_inv3A_450 : f32 to vector<32x900xf32>
    %erf_inv3A_452 = arith.subf %erf_inv3A_451, %erf_inv3A_449 : vector<32x900xf32>
    %erf_inv3A_453 = arith.constant 5.000000e+00 : f32
    %erf_inv3A_454 = vector.broadcast %erf_inv3A_453 : f32 to vector<32x900xf32>
    %erf_inv3A_455 = arith.cmpf olt, %erf_inv3A_452, %erf_inv3A_454 : vector<32x900xf32>
    %erf_inv3A_456 = arith.constant 2.500000e+00 : f32
    %erf_inv3A_457 = vector.broadcast %erf_inv3A_456 : f32 to vector<32x900xf32>
    %erf_inv3A_458 = arith.subf %erf_inv3A_452, %erf_inv3A_457 : vector<32x900xf32>
    %erf_inv3A_459 = math.sqrt %erf_inv3A_452 : vector<32x900xf32>
    %erf_inv3A_460 = arith.constant 3.000000e+00 : f32
    %erf_inv3A_461 = vector.broadcast %erf_inv3A_460 : f32 to vector<32x900xf32>
    %erf_inv3A_462 = arith.subf %erf_inv3A_459, %erf_inv3A_461 : vector<32x900xf32>
    %erf_inv3A_463 = arith.select %erf_inv3A_455, %erf_inv3A_458, %erf_inv3A_462 : vector<32x900xi1>, vector<32x900xf32>
    %erf_inv3A_464 = arith.constant 2.81022636E-8 : f32
    %erf_inv3A_465 = arith.constant -2.00214257E-4 : f32
    %erf_inv3A_466 = vector.broadcast %erf_inv3A_464 : f32 to vector<32x900xf32>
    %erf_inv3A_467 = vector.broadcast %erf_inv3A_465 : f32 to vector<32x900xf32>
    %erf_inv3A_468 = arith.select %erf_inv3A_455, %erf_inv3A_466, %erf_inv3A_467 : vector<32x900xi1>, vector<32x900xf32>
    %erf_inv3A_469 = arith.constant 3.43273939E-7 : f32
    %erf_inv3A_470 = arith.constant 1.00950558E-4 : f32
    %erf_inv3A_471 = vector.broadcast %erf_inv3A_469 : f32 to vector<32x900xf32>
    %erf_inv3A_472 = vector.broadcast %erf_inv3A_470 : f32 to vector<32x900xf32>
    %erf_inv3A_473 = arith.select %erf_inv3A_455, %erf_inv3A_471, %erf_inv3A_472 : vector<32x900xi1>, vector<32x900xf32>
    %erf_inv3A_474 = arith.mulf %erf_inv3A_468, %erf_inv3A_463 : vector<32x900xf32>
    %erf_inv3A_475 = arith.addf %erf_inv3A_473, %erf_inv3A_474 : vector<32x900xf32>
    %erf_inv3A_476 = arith.constant -3.5233877E-6 : f32
    %erf_inv3A_477 = arith.constant 0.00134934322 : f32
    %erf_inv3A_478 = vector.broadcast %erf_inv3A_476 : f32 to vector<32x900xf32>
    %erf_inv3A_479 = vector.broadcast %erf_inv3A_477 : f32 to vector<32x900xf32>
    %erf_inv3A_480 = arith.select %erf_inv3A_455, %erf_inv3A_478, %erf_inv3A_479 : vector<32x900xi1>, vector<32x900xf32>
    %erf_inv3A_481 = arith.mulf %erf_inv3A_475, %erf_inv3A_463 : vector<32x900xf32>
    %erf_inv3A_482 = arith.addf %erf_inv3A_480, %erf_inv3A_481 : vector<32x900xf32>
    %erf_inv3A_483 = arith.constant -4.39150654E-6 : f32
    %erf_inv3A_484 = arith.constant -0.00367342844 : f32
    %erf_inv3A_485 = vector.broadcast %erf_inv3A_483 : f32 to vector<32x900xf32>
    %erf_inv3A_486 = vector.broadcast %erf_inv3A_484 : f32 to vector<32x900xf32>
    %erf_inv3A_487 = arith.select %erf_inv3A_455, %erf_inv3A_485, %erf_inv3A_486 : vector<32x900xi1>, vector<32x900xf32>
    %erf_inv3A_488 = arith.mulf %erf_inv3A_482, %erf_inv3A_463 : vector<32x900xf32>
    %erf_inv3A_489 = arith.addf %erf_inv3A_487, %erf_inv3A_488 : vector<32x900xf32>
    %erf_inv3A_490 = arith.constant 2.1858087E-4 : f32
    %erf_inv3A_491 = arith.constant 0.00573950773 : f32
    %erf_inv3A_492 = vector.broadcast %erf_inv3A_490 : f32 to vector<32x900xf32>
    %erf_inv3A_493 = vector.broadcast %erf_inv3A_491 : f32 to vector<32x900xf32>
    %erf_inv3A_494 = arith.select %erf_inv3A_455, %erf_inv3A_492, %erf_inv3A_493 : vector<32x900xi1>, vector<32x900xf32>
    %erf_inv3A_495 = arith.mulf %erf_inv3A_489, %erf_inv3A_463 : vector<32x900xf32>
    %erf_inv3A_496 = arith.addf %erf_inv3A_494, %erf_inv3A_495 : vector<32x900xf32>
    %erf_inv3A_497 = arith.constant -0.00125372503 : f32
    %erf_inv3A_498 = arith.constant -0.0076224613 : f32
    %erf_inv3A_499 = vector.broadcast %erf_inv3A_497 : f32 to vector<32x900xf32>
    %erf_inv3A_500 = vector.broadcast %erf_inv3A_498 : f32 to vector<32x900xf32>
    %erf_inv3A_501 = arith.select %erf_inv3A_455, %erf_inv3A_499, %erf_inv3A_500 : vector<32x900xi1>, vector<32x900xf32>
    %erf_inv3A_502 = arith.mulf %erf_inv3A_496, %erf_inv3A_463 : vector<32x900xf32>
    %erf_inv3A_503 = arith.addf %erf_inv3A_501, %erf_inv3A_502 : vector<32x900xf32>
    %erf_inv3A_504 = arith.constant -0.00417768164 : f32
    %erf_inv3A_505 = arith.constant 0.00943887047 : f32
    %erf_inv3A_506 = vector.broadcast %erf_inv3A_504 : f32 to vector<32x900xf32>
    %erf_inv3A_507 = vector.broadcast %erf_inv3A_505 : f32 to vector<32x900xf32>
    %erf_inv3A_508 = arith.select %erf_inv3A_455, %erf_inv3A_506, %erf_inv3A_507 : vector<32x900xi1>, vector<32x900xf32>
    %erf_inv3A_509 = arith.mulf %erf_inv3A_503, %erf_inv3A_463 : vector<32x900xf32>
    %erf_inv3A_510 = arith.addf %erf_inv3A_508, %erf_inv3A_509 : vector<32x900xf32>
    %erf_inv3A_511 = arith.constant 0.246640727 : f32
    %erf_inv3A_512 = arith.constant 1.00167406 : f32
    %erf_inv3A_513 = vector.broadcast %erf_inv3A_511 : f32 to vector<32x900xf32>
    %erf_inv3A_514 = vector.broadcast %erf_inv3A_512 : f32 to vector<32x900xf32>
    %erf_inv3A_515 = arith.select %erf_inv3A_455, %erf_inv3A_513, %erf_inv3A_514 : vector<32x900xi1>, vector<32x900xf32>
    %erf_inv3A_516 = arith.mulf %erf_inv3A_510, %erf_inv3A_463 : vector<32x900xf32>
    %erf_inv3A_517 = arith.addf %erf_inv3A_515, %erf_inv3A_516 : vector<32x900xf32>
    %erf_inv3A_518 = arith.constant 1.50140941 : f32
    %erf_inv3A_519 = arith.constant 2.83297682 : f32
    %erf_inv3A_520 = vector.broadcast %erf_inv3A_518 : f32 to vector<32x900xf32>
    %erf_inv3A_521 = vector.broadcast %erf_inv3A_519 : f32 to vector<32x900xf32>
    %erf_inv3A_522 = arith.select %erf_inv3A_455, %erf_inv3A_520, %erf_inv3A_521 : vector<32x900xi1>, vector<32x900xf32>
    %erf_inv3A_523 = arith.mulf %erf_inv3A_517, %erf_inv3A_463 : vector<32x900xf32>
    %erf_inv3A_524 = arith.addf %erf_inv3A_522, %erf_inv3A_523 : vector<32x900xf32>
    %erf_inv3A_525 = math.absf %mul3A_444 : vector<32x900xf32>
    %erf_inv3A_526 = arith.constant 1.000000e+00 : f32
    %erf_inv3A_527 = vector.broadcast %erf_inv3A_526 : f32 to vector<32x900xf32>
    %erf_inv3A_528 = arith.cmpf oeq, %erf_inv3A_525, %erf_inv3A_527 : vector<32x900xf32>
    %erf_inv3A_529 = arith.constant 0x7F800000 : f32
    %erf_inv3A_530 = vector.broadcast %erf_inv3A_529 : f32 to vector<32x900xf32>
    %erf_inv3A_531 = arith.mulf %erf_inv3A_530, %mul3A_444 : vector<32x900xf32>
    %erf_inv3A_532 = arith.mulf %erf_inv3A_524, %mul3A_444 : vector<32x900xf32>
    %erf_inv3A_533 = arith.select %erf_inv3A_528, %erf_inv3A_531, %erf_inv3A_532 : vector<32x900xi1>, vector<32x900xf32>
    %mul3A_534 = arith.constant 0.424264073 : f32
    %mul3A_535 = vector.broadcast %mul3A_534 : f32 to vector<32x900xf32>
    %mul3A_536 = arith.mulf %mul3A_535, %erf_inv3A_533 : vector<32x900xf32>
    %swap3A_537 = arith.constant 32 : index
    %swap3A_538 = arith.constant 0 : index
    %swap3A_539 = vector.load %arg8[%swap3A_537, %swap3A_538] : memref<256x900xf32, #tpu.memory_space<vmem>>, vector<32x900xf32>
    tpu.vector_store %arg8[%swap3A_537, %swap3A_538], %mul3A_536 {strides = array<i32>} : memref<256x900xf32, #tpu.memory_space<vmem>>, vector<32x900xf32>,
    %get3A_540 = arith.constant 2 : index
    %get3A_541 = arith.constant 0 : index
    %get3A_542 = arith.constant 0 : index
    %get3A_543 = vector.load %arg0[%get3A_540, %get3A_541, %get3A_542] : memref<8x900x92xf32, #tpu.memory_space<vmem>>, vector<1x900x92xf32>
    %get3A_544 = vector.shape_cast %get3A_543 : vector<1x900x92xf32> to vector<900x92xf32>
    %reduce_max3A_545 = arith.constant dense<0xFF800000> : vector<900xf32>
    %reduce_max3A_546 = vector.multi_reduction <maximumf>, %get3A_544, %reduce_max3A_545 [1] : vector<900x92xf32> to vector<900xf32>
    %broadcast_in_dim3A_547 = vector.shape_cast %reduce_max3A_546 : vector<900xf32> to vector<900x1xf32>
    %sub3A_548 = vector.broadcast %broadcast_in_dim3A_547 : vector<900x1xf32> to vector<900x92xf32>
    %sub3A_549 = arith.subf %get3A_544, %sub3A_548 : vector<900x92xf32>
    %exp3A_550 = math.exp %sub3A_549 : vector<900x92xf32>
    %reduce_sum3A_551 = arith.constant dense<0.000000e+00> : vector<900xf32>
    %reduce_sum3A_552 = vector.multi_reduction <add>, %exp3A_550, %reduce_sum3A_551 [1] : vector<900x92xf32> to vector<900xf32>
    %broadcast_in_dim3A_553 = vector.shape_cast %reduce_sum3A_552 : vector<900xf32> to vector<900x1xf32>
    %div3A_554 = vector.broadcast %broadcast_in_dim3A_553 : vector<900x1xf32> to vector<900x92xf32>
    %div3A_555 = arith.divf %exp3A_550, %div3A_554 : vector<900x92xf32>
    %get3A_556 = arith.constant 2 : index
    %get3A_557 = arith.constant 0 : index
    %get3A_558 = arith.constant 0 : index
    %get3A_559 = vector.load %arg3[%get3A_556, %get3A_557, %get3A_558] : memref<8x32x1xi32, #tpu.memory_space<vmem>>, vector<1x32x1xi32>
    %get3A_560 = vector.shape_cast %get3A_559 : vector<1x32x1xi32> to vector<32x1xi32>
    %iota3A_561 = tpu.iota {dimensions = array<i32: 1>} : vector<32x92xi32>
    %eq3A_562 = vector.broadcast %get3A_560 : vector<32x1xi32> to vector<32x92xi32>
    %eq3A_563 = arith.cmpi eq, %eq3A_562, %iota3A_561 : vector<32x92xi32>
    %convert_element_type3A_564 = arith.extui %eq3A_563 : vector<32x92xi1> to vector<32x92xi32>
    %convert_element_type3A_565 = arith.sitofp %convert_element_type3A_564 : vector<32x92xi32> to vector<32x92xf32>
    %dot_general3A_566 = arith.constant dense<0.000000e+00> : vector<32x900xf32>
    %dot_general3A_567 = tpu.matmul %convert_element_type3A_565, %div3A_555, %dot_general3A_566 {dimension_numbers = #tpu.dot_dimension_numbers<[1], [1], [0], [0], [0, 0, 1, 0], [], []>, transpose_lhs_hint = false} : vector<32x92xf32>, vector<900x92xf32>, vector<32x900xf32> -> vector<32x900xf32>
    %get3A_568 = arith.constant 2 : index
    %get3A_569 = arith.constant 0 : index
    %get3A_570 = arith.constant 0 : index
    %get3A_571 = vector.load %arg1[%get3A_568, %get3A_569, %get3A_570] : memref<8x4x900xf32, #tpu.memory_space<vmem>>, vector<1x4x900xf32>
    %get3A_572 = vector.shape_cast %get3A_571 : vector<1x4x900xf32> to vector<4x900xf32>
    %slice3A_573 = vector.extract_strided_slice %get3A_572 {offsets = [0, 0], sizes = [1, 900], strides = [1, 1]} : vector<4x900xf32> to vector<1x900xf32>
    %slice3A_574 = vector.extract_strided_slice %get3A_572 {offsets = [1, 0], sizes = [1, 900], strides = [1, 1]} : vector<4x900xf32> to vector<1x900xf32>
    %slice3A_575 = vector.extract_strided_slice %get3A_572 {offsets = [2, 0], sizes = [1, 900], strides = [1, 1]} : vector<4x900xf32> to vector<1x900xf32>
    %slice3A_576 = vector.extract_strided_slice %get3A_572 {offsets = [3, 0], sizes = [1, 900], strides = [1, 1]} : vector<4x900xf32> to vector<1x900xf32>
    %get3A_577 = arith.constant 2 : index
    %get3A_578 = arith.constant 0 : index
    %get3A_579 = arith.constant 0 : index
    %get3A_580 = vector.load %arg2[%get3A_577, %get3A_578, %get3A_579] : memref<8x32x4xf32, #tpu.memory_space<vmem>>, vector<1x32x4xf32>
    %get3A_581 = vector.shape_cast %get3A_580 : vector<1x32x4xf32> to vector<32x4xf32>
    %slice3A_582 = vector.extract_strided_slice %get3A_581 {offsets = [0, 0], sizes = [32, 1], strides = [1, 1]} : vector<32x4xf32> to vector<32x1xf32>
    %slice3A_583 = vector.extract_strided_slice %get3A_581 {offsets = [0, 1], sizes = [32, 1], strides = [1, 1]} : vector<32x4xf32> to vector<32x1xf32>
    %slice3A_584 = vector.extract_strided_slice %get3A_581 {offsets = [0, 2], sizes = [32, 1], strides = [1, 1]} : vector<32x4xf32> to vector<32x1xf32>
    %slice3A_585 = vector.extract_strided_slice %get3A_581 {offsets = [0, 3], sizes = [32, 1], strides = [1, 1]} : vector<32x4xf32> to vector<32x1xf32>
    %sub3A_586 = vector.broadcast %slice3A_573 : vector<1x900xf32> to vector<32x900xf32>
    %sub3A_587 = vector.broadcast %slice3A_582 : vector<32x1xf32> to vector<32x900xf32>
    %sub3A_588 = arith.subf %sub3A_586, %sub3A_587 : vector<32x900xf32>
    %abs3A_589 = math.absf %sub3A_588 : vector<32x900xf32>
    %sub3A_590 = vector.broadcast %slice3A_574 : vector<1x900xf32> to vector<32x900xf32>
    %sub3A_591 = vector.broadcast %slice3A_583 : vector<32x1xf32> to vector<32x900xf32>
    %sub3A_592 = arith.subf %sub3A_590, %sub3A_591 : vector<32x900xf32>
    %abs3A_593 = math.absf %sub3A_592 : vector<32x900xf32>
    %add3A_594 = arith.addf %abs3A_589, %abs3A_593 : vector<32x900xf32>
    %sub3A_595 = vector.broadcast %slice3A_575 : vector<1x900xf32> to vector<32x900xf32>
    %sub3A_596 = vector.broadcast %slice3A_584 : vector<32x1xf32> to vector<32x900xf32>
    %sub3A_597 = arith.subf %sub3A_595, %sub3A_596 : vector<32x900xf32>
    %abs3A_598 = math.absf %sub3A_597 : vector<32x900xf32>
    %add3A_599 = arith.addf %add3A_594, %abs3A_598 : vector<32x900xf32>
    %sub3A_600 = vector.broadcast %slice3A_576 : vector<1x900xf32> to vector<32x900xf32>
    %sub3A_601 = vector.broadcast %slice3A_585 : vector<32x1xf32> to vector<32x900xf32>
    %sub3A_602 = arith.subf %sub3A_600, %sub3A_601 : vector<32x900xf32>
    %abs3A_603 = math.absf %sub3A_602 : vector<32x900xf32>
    %add3A_604 = arith.addf %add3A_599, %abs3A_603 : vector<32x900xf32>
    %mul3A_605 = arith.constant 5.000000e-01 : f32
    %mul3A_606 = vector.broadcast %mul3A_605 : f32 to vector<1x900xf32>
    %mul3A_607 = arith.mulf %mul3A_606, %slice3A_575 : vector<1x900xf32>
    %sub3A_608 = arith.subf %slice3A_573, %mul3A_607 : vector<1x900xf32>
    %mul3A_609 = arith.constant 5.000000e-01 : f32
    %mul3A_610 = vector.broadcast %mul3A_609 : f32 to vector<1x900xf32>
    %mul3A_611 = arith.mulf %mul3A_610, %slice3A_575 : vector<1x900xf32>
    %add3A_612 = arith.addf %slice3A_573, %mul3A_611 : vector<1x900xf32>
    %mul3A_613 = arith.constant 5.000000e-01 : f32
    %mul3A_614 = vector.broadcast %mul3A_613 : f32 to vector<1x900xf32>
    %mul3A_615 = arith.mulf %mul3A_614, %slice3A_576 : vector<1x900xf32>
    %sub3A_616 = arith.subf %slice3A_574, %mul3A_615 : vector<1x900xf32>
    %mul3A_617 = arith.constant 5.000000e-01 : f32
    %mul3A_618 = vector.broadcast %mul3A_617 : f32 to vector<1x900xf32>
    %mul3A_619 = arith.mulf %mul3A_618, %slice3A_576 : vector<1x900xf32>
    %add3A_620 = arith.addf %slice3A_574, %mul3A_619 : vector<1x900xf32>
    %mul3A_621 = arith.constant 5.000000e-01 : f32
    %mul3A_622 = vector.broadcast %mul3A_621 : f32 to vector<32x1xf32>
    %mul3A_623 = arith.mulf %mul3A_622, %slice3A_584 : vector<32x1xf32>
    %sub3A_624 = arith.subf %slice3A_582, %mul3A_623 : vector<32x1xf32>
    %mul3A_625 = arith.constant 5.000000e-01 : f32
    %mul3A_626 = vector.broadcast %mul3A_625 : f32 to vector<32x1xf32>
    %mul3A_627 = arith.mulf %mul3A_626, %slice3A_584 : vector<32x1xf32>
    %add3A_628 = arith.addf %slice3A_582, %mul3A_627 : vector<32x1xf32>
    %mul3A_629 = arith.constant 5.000000e-01 : f32
    %mul3A_630 = vector.broadcast %mul3A_629 : f32 to vector<32x1xf32>
    %mul3A_631 = arith.mulf %mul3A_630, %slice3A_585 : vector<32x1xf32>
    %sub3A_632 = arith.subf %slice3A_583, %mul3A_631 : vector<32x1xf32>
    %mul3A_633 = arith.constant 5.000000e-01 : f32
    %mul3A_634 = vector.broadcast %mul3A_633 : f32 to vector<32x1xf32>
    %mul3A_635 = arith.mulf %mul3A_634, %slice3A_585 : vector<32x1xf32>
    %add3A_636 = arith.addf %slice3A_583, %mul3A_635 : vector<32x1xf32>
    %sub3A_637 = arith.subf %add3A_612, %sub3A_608 : vector<1x900xf32>
    %sub3A_638 = arith.subf %add3A_620, %sub3A_616 : vector<1x900xf32>
    %mul3A_639 = arith.mulf %sub3A_637, %sub3A_638 : vector<1x900xf32>
    %sub3A_640 = arith.subf %add3A_628, %sub3A_624 : vector<32x1xf32>
    %sub3A_641 = arith.subf %add3A_636, %sub3A_632 : vector<32x1xf32>
    %mul3A_642 = arith.mulf %sub3A_640, %sub3A_641 : vector<32x1xf32>
    %min3A_643 = vector.broadcast %add3A_612 : vector<1x900xf32> to vector<32x900xf32>
    %min3A_644 = vector.broadcast %add3A_628 : vector<32x1xf32> to vector<32x900xf32>
    %min3A_645 = arith.minimumf %min3A_643, %min3A_644 : vector<32x900xf32>
    %max3A_646 = vector.broadcast %sub3A_608 : vector<1x900xf32> to vector<32x900xf32>
    %max3A_647 = vector.broadcast %sub3A_624 : vector<32x1xf32> to vector<32x900xf32>
    %max3A_648 = arith.maximumf %max3A_646, %max3A_647 : vector<32x900xf32>
    %sub3A_649 = arith.subf %min3A_645, %max3A_648 : vector<32x900xf32>
    %jit3A_650 = arith.constant 0.000000e+00 : f32
    %max3A_651 = vector.broadcast %jit3A_650 : f32 to vector<32x900xf32>
    %max3A_652 = arith.maximumf %max3A_651, %sub3A_649 : vector<32x900xf32>
    %min3A_653 = vector.broadcast %add3A_620 : vector<1x900xf32> to vector<32x900xf32>
    %min3A_654 = vector.broadcast %add3A_636 : vector<32x1xf32> to vector<32x900xf32>
    %min3A_655 = arith.minimumf %min3A_653, %min3A_654 : vector<32x900xf32>
    %max3A_656 = vector.broadcast %sub3A_616 : vector<1x900xf32> to vector<32x900xf32>
    %max3A_657 = vector.broadcast %sub3A_632 : vector<32x1xf32> to vector<32x900xf32>
    %max3A_658 = arith.maximumf %max3A_656, %max3A_657 : vector<32x900xf32>
    %sub3A_659 = arith.subf %min3A_655, %max3A_658 : vector<32x900xf32>
    %jit3A_660 = arith.constant 0.000000e+00 : f32
    %max3A_661 = vector.broadcast %jit3A_660 : f32 to vector<32x900xf32>
    %max3A_662 = arith.maximumf %max3A_661, %sub3A_659 : vector<32x900xf32>
    %mul3A_663 = arith.mulf %max3A_652, %max3A_662 : vector<32x900xf32>
    %add3A_664 = vector.broadcast %mul3A_639 : vector<1x900xf32> to vector<32x900xf32>
    %add3A_665 = vector.broadcast %mul3A_642 : vector<32x1xf32> to vector<32x900xf32>
    %add3A_666 = arith.addf %add3A_664, %add3A_665 : vector<32x900xf32>
    %sub3A_667 = arith.subf %add3A_666, %mul3A_663 : vector<32x900xf32>
    %div3A_668 = arith.divf %mul3A_663, %sub3A_667 : vector<32x900xf32>
    %max3A_669 = vector.broadcast %add3A_612 : vector<1x900xf32> to vector<32x900xf32>
    %max3A_670 = vector.broadcast %add3A_628 : vector<32x1xf32> to vector<32x900xf32>
    %max3A_671 = arith.maximumf %max3A_669, %max3A_670 : vector<32x900xf32>
    %min3A_672 = vector.broadcast %sub3A_608 : vector<1x900xf32> to vector<32x900xf32>
    %min3A_673 = vector.broadcast %sub3A_624 : vector<32x1xf32> to vector<32x900xf32>
    %min3A_674 = arith.minimumf %min3A_672, %min3A_673 : vector<32x900xf32>
    %sub3A_675 = arith.subf %max3A_671, %min3A_674 : vector<32x900xf32>
    %jit3A_676 = arith.constant 0.000000e+00 : f32
    %max3A_677 = vector.broadcast %jit3A_676 : f32 to vector<32x900xf32>
    %max3A_678 = arith.maximumf %max3A_677, %sub3A_675 : vector<32x900xf32>
    %max3A_679 = vector.broadcast %add3A_620 : vector<1x900xf32> to vector<32x900xf32>
    %max3A_680 = vector.broadcast %add3A_636 : vector<32x1xf32> to vector<32x900xf32>
    %max3A_681 = arith.maximumf %max3A_679, %max3A_680 : vector<32x900xf32>
    %min3A_682 = vector.broadcast %sub3A_616 : vector<1x900xf32> to vector<32x900xf32>
    %min3A_683 = vector.broadcast %sub3A_632 : vector<32x1xf32> to vector<32x900xf32>
    %min3A_684 = arith.minimumf %min3A_682, %min3A_683 : vector<32x900xf32>
    %sub3A_685 = arith.subf %max3A_681, %min3A_684 : vector<32x900xf32>
    %jit3A_686 = arith.constant 0.000000e+00 : f32
    %max3A_687 = vector.broadcast %jit3A_686 : f32 to vector<32x900xf32>
    %max3A_688 = arith.maximumf %max3A_687, %sub3A_685 : vector<32x900xf32>
    %mul3A_689 = arith.mulf %max3A_678, %max3A_688 : vector<32x900xf32>
    %sub3A_690 = arith.subf %mul3A_689, %sub3A_667 : vector<32x900xf32>
    %div3A_691 = arith.divf %sub3A_690, %mul3A_689 : vector<32x900xf32>
    %sub3A_692 = arith.subf %div3A_668, %div3A_691 : vector<32x900xf32>
    %mul3A_693 = arith.constant 5.000000e+00 : f32
    %mul3A_694 = vector.broadcast %mul3A_693 : f32 to vector<32x900xf32>
    %mul3A_695 = arith.mulf %mul3A_694, %add3A_604 : vector<32x900xf32>
    %neg3A_696 = arith.constant 0.000000e+00 : f32
    %neg3A_697 = vector.broadcast %neg3A_696 : f32 to vector<32x900xf32>
    %neg3A_698 = arith.subf %neg3A_697, %dot_general3A_567 : vector<32x900xf32>
    %mul3A_699 = arith.constant 1.000000e+00 : f32
    %mul3A_700 = vector.broadcast %mul3A_699 : f32 to vector<32x900xf32>
    %mul3A_701 = arith.mulf %mul3A_700, %neg3A_698 : vector<32x900xf32>
    %add3A_702 = arith.addf %mul3A_695, %mul3A_701 : vector<32x900xf32>
    %neg3A_703 = arith.constant 0.000000e+00 : f32
    %neg3A_704 = vector.broadcast %neg3A_703 : f32 to vector<32x900xf32>
    %neg3A_705 = arith.subf %neg3A_704, %sub3A_692 : vector<32x900xf32>
    %mul3A_706 = arith.constant 2.000000e+00 : f32
    %mul3A_707 = vector.broadcast %mul3A_706 : f32 to vector<32x900xf32>
    %mul3A_708 = arith.mulf %mul3A_707, %neg3A_705 : vector<32x900xf32>
    %add3A_709 = arith.addf %add3A_702, %mul3A_708 : vector<32x900xf32>
    %neg3A_710 = arith.constant 0.000000e+00 : f32
    %neg3A_711 = vector.broadcast %neg3A_710 : f32 to vector<32x900xf32>
    %neg3A_712 = arith.subf %neg3A_711, %add3A_709 : vector<32x900xf32>
    %sub3A_713 = arith.constant -5.500000e+00 : f32
    %sub3A_714 = vector.broadcast %sub3A_713 : f32 to vector<32x900xf32>
    %sub3A_715 = arith.subf %neg3A_712, %sub3A_714 : vector<32x900xf32>
    %div3A_716 = arith.constant 3.53553391 : f32
    %div3A_717 = vector.broadcast %div3A_716 : f32 to vector<32x900xf32>
    %div3A_718 = arith.divf %sub3A_715, %div3A_717 : vector<32x900xf32>
    %erf3A_719 = math.erf %div3A_718 : vector<32x900xf32>
    %add3A_720 = arith.constant 1.000000e+00 : f32
    %add3A_721 = vector.broadcast %add3A_720 : f32 to vector<32x900xf32>
    %add3A_722 = arith.addf %add3A_721, %erf3A_719 : vector<32x900xf32>
    %mul3A_723 = arith.constant 5.000000e-01 : f32
    %mul3A_724 = vector.broadcast %mul3A_723 : f32 to vector<32x900xf32>
    %mul3A_725 = arith.mulf %mul3A_724, %add3A_722 : vector<32x900xf32>
    %erf_inv3A_726 = arith.constant 0.000000e+00 : f32
    %erf_inv3A_727 = vector.broadcast %erf_inv3A_726 : f32 to vector<32x900xf32>
    %erf_inv3A_728 = arith.subf %erf_inv3A_727, %mul3A_725 : vector<32x900xf32>
    %erf_inv3A_729 = arith.mulf %mul3A_725, %erf_inv3A_728 : vector<32x900xf32>
    %erf_inv3A_730 = math.log1p %erf_inv3A_729 : vector<32x900xf32>
    %erf_inv3A_731 = arith.constant 0.000000e+00 : f32
    %erf_inv3A_732 = vector.broadcast %erf_inv3A_731 : f32 to vector<32x900xf32>
    %erf_inv3A_733 = arith.subf %erf_inv3A_732, %erf_inv3A_730 : vector<32x900xf32>
    %erf_inv3A_734 = arith.constant 5.000000e+00 : f32
    %erf_inv3A_735 = vector.broadcast %erf_inv3A_734 : f32 to vector<32x900xf32>
    %erf_inv3A_736 = arith.cmpf olt, %erf_inv3A_733, %erf_inv3A_735 : vector<32x900xf32>
    %erf_inv3A_737 = arith.constant 2.500000e+00 : f32
    %erf_inv3A_738 = vector.broadcast %erf_inv3A_737 : f32 to vector<32x900xf32>
    %erf_inv3A_739 = arith.subf %erf_inv3A_733, %erf_inv3A_738 : vector<32x900xf32>
    %erf_inv3A_740 = math.sqrt %erf_inv3A_733 : vector<32x900xf32>
    %erf_inv3A_741 = arith.constant 3.000000e+00 : f32
    %erf_inv3A_742 = vector.broadcast %erf_inv3A_741 : f32 to vector<32x900xf32>
    %erf_inv3A_743 = arith.subf %erf_inv3A_740, %erf_inv3A_742 : vector<32x900xf32>
    %erf_inv3A_744 = arith.select %erf_inv3A_736, %erf_inv3A_739, %erf_inv3A_743 : vector<32x900xi1>, vector<32x900xf32>
    %erf_inv3A_745 = arith.constant 2.81022636E-8 : f32
    %erf_inv3A_746 = arith.constant -2.00214257E-4 : f32
    %erf_inv3A_747 = vector.broadcast %erf_inv3A_745 : f32 to vector<32x900xf32>
    %erf_inv3A_748 = vector.broadcast %erf_inv3A_746 : f32 to vector<32x900xf32>
    %erf_inv3A_749 = arith.select %erf_inv3A_736, %erf_inv3A_747, %erf_inv3A_748 : vector<32x900xi1>, vector<32x900xf32>
    %erf_inv3A_750 = arith.constant 3.43273939E-7 : f32
    %erf_inv3A_751 = arith.constant 1.00950558E-4 : f32
    %erf_inv3A_752 = vector.broadcast %erf_inv3A_750 : f32 to vector<32x900xf32>
    %erf_inv3A_753 = vector.broadcast %erf_inv3A_751 : f32 to vector<32x900xf32>
    %erf_inv3A_754 = arith.select %erf_inv3A_736, %erf_inv3A_752, %erf_inv3A_753 : vector<32x900xi1>, vector<32x900xf32>
    %erf_inv3A_755 = arith.mulf %erf_inv3A_749, %erf_inv3A_744 : vector<32x900xf32>
    %erf_inv3A_756 = arith.addf %erf_inv3A_754, %erf_inv3A_755 : vector<32x900xf32>
    %erf_inv3A_757 = arith.constant -3.5233877E-6 : f32
    %erf_inv3A_758 = arith.constant 0.00134934322 : f32
    %erf_inv3A_759 = vector.broadcast %erf_inv3A_757 : f32 to vector<32x900xf32>
    %erf_inv3A_760 = vector.broadcast %erf_inv3A_758 : f32 to vector<32x900xf32>
    %erf_inv3A_761 = arith.select %erf_inv3A_736, %erf_inv3A_759, %erf_inv3A_760 : vector<32x900xi1>, vector<32x900xf32>
    %erf_inv3A_762 = arith.mulf %erf_inv3A_756, %erf_inv3A_744 : vector<32x900xf32>
    %erf_inv3A_763 = arith.addf %erf_inv3A_761, %erf_inv3A_762 : vector<32x900xf32>
    %erf_inv3A_764 = arith.constant -4.39150654E-6 : f32
    %erf_inv3A_765 = arith.constant -0.00367342844 : f32
    %erf_inv3A_766 = vector.broadcast %erf_inv3A_764 : f32 to vector<32x900xf32>
    %erf_inv3A_767 = vector.broadcast %erf_inv3A_765 : f32 to vector<32x900xf32>
    %erf_inv3A_768 = arith.select %erf_inv3A_736, %erf_inv3A_766, %erf_inv3A_767 : vector<32x900xi1>, vector<32x900xf32>
    %erf_inv3A_769 = arith.mulf %erf_inv3A_763, %erf_inv3A_744 : vector<32x900xf32>
    %erf_inv3A_770 = arith.addf %erf_inv3A_768, %erf_inv3A_769 : vector<32x900xf32>
    %erf_inv3A_771 = arith.constant 2.1858087E-4 : f32
    %erf_inv3A_772 = arith.constant 0.00573950773 : f32
    %erf_inv3A_773 = vector.broadcast %erf_inv3A_771 : f32 to vector<32x900xf32>
    %erf_inv3A_774 = vector.broadcast %erf_inv3A_772 : f32 to vector<32x900xf32>
    %erf_inv3A_775 = arith.select %erf_inv3A_736, %erf_inv3A_773, %erf_inv3A_774 : vector<32x900xi1>, vector<32x900xf32>
    %erf_inv3A_776 = arith.mulf %erf_inv3A_770, %erf_inv3A_744 : vector<32x900xf32>
    %erf_inv3A_777 = arith.addf %erf_inv3A_775, %erf_inv3A_776 : vector<32x900xf32>
    %erf_inv3A_778 = arith.constant -0.00125372503 : f32
    %erf_inv3A_779 = arith.constant -0.0076224613 : f32
    %erf_inv3A_780 = vector.broadcast %erf_inv3A_778 : f32 to vector<32x900xf32>
    %erf_inv3A_781 = vector.broadcast %erf_inv3A_779 : f32 to vector<32x900xf32>
    %erf_inv3A_782 = arith.select %erf_inv3A_736, %erf_inv3A_780, %erf_inv3A_781 : vector<32x900xi1>, vector<32x900xf32>
    %erf_inv3A_783 = arith.mulf %erf_inv3A_777, %erf_inv3A_744 : vector<32x900xf32>
    %erf_inv3A_784 = arith.addf %erf_inv3A_782, %erf_inv3A_783 : vector<32x900xf32>
    %erf_inv3A_785 = arith.constant -0.00417768164 : f32
    %erf_inv3A_786 = arith.constant 0.00943887047 : f32
    %erf_inv3A_787 = vector.broadcast %erf_inv3A_785 : f32 to vector<32x900xf32>
    %erf_inv3A_788 = vector.broadcast %erf_inv3A_786 : f32 to vector<32x900xf32>
    %erf_inv3A_789 = arith.select %erf_inv3A_736, %erf_inv3A_787, %erf_inv3A_788 : vector<32x900xi1>, vector<32x900xf32>
    %erf_inv3A_790 = arith.mulf %erf_inv3A_784, %erf_inv3A_744 : vector<32x900xf32>
    %erf_inv3A_791 = arith.addf %erf_inv3A_789, %erf_inv3A_790 : vector<32x900xf32>
    %erf_inv3A_792 = arith.constant 0.246640727 : f32
    %erf_inv3A_793 = arith.constant 1.00167406 : f32
    %erf_inv3A_794 = vector.broadcast %erf_inv3A_792 : f32 to vector<32x900xf32>
    %erf_inv3A_795 = vector.broadcast %erf_inv3A_793 : f32 to vector<32x900xf32>
    %erf_inv3A_796 = arith.select %erf_inv3A_736, %erf_inv3A_794, %erf_inv3A_795 : vector<32x900xi1>, vector<32x900xf32>
    %erf_inv3A_797 = arith.mulf %erf_inv3A_791, %erf_inv3A_744 : vector<32x900xf32>
    %erf_inv3A_798 = arith.addf %erf_inv3A_796, %erf_inv3A_797 : vector<32x900xf32>
    %erf_inv3A_799 = arith.constant 1.50140941 : f32
    %erf_inv3A_800 = arith.constant 2.83297682 : f32
    %erf_inv3A_801 = vector.broadcast %erf_inv3A_799 : f32 to vector<32x900xf32>
    %erf_inv3A_802 = vector.broadcast %erf_inv3A_800 : f32 to vector<32x900xf32>
    %erf_inv3A_803 = arith.select %erf_inv3A_736, %erf_inv3A_801, %erf_inv3A_802 : vector<32x900xi1>, vector<32x900xf32>
    %erf_inv3A_804 = arith.mulf %erf_inv3A_798, %erf_inv3A_744 : vector<32x900xf32>
    %erf_inv3A_805 = arith.addf %erf_inv3A_803, %erf_inv3A_804 : vector<32x900xf32>
    %erf_inv3A_806 = math.absf %mul3A_725 : vector<32x900xf32>
    %erf_inv3A_807 = arith.constant 1.000000e+00 : f32
    %erf_inv3A_808 = vector.broadcast %erf_inv3A_807 : f32 to vector<32x900xf32>
    %erf_inv3A_809 = arith.cmpf oeq, %erf_inv3A_806, %erf_inv3A_808 : vector<32x900xf32>
    %erf_inv3A_810 = arith.constant 0x7F800000 : f32
    %erf_inv3A_811 = vector.broadcast %erf_inv3A_810 : f32 to vector<32x900xf32>
    %erf_inv3A_812 = arith.mulf %erf_inv3A_811, %mul3A_725 : vector<32x900xf32>
    %erf_inv3A_813 = arith.mulf %erf_inv3A_805, %mul3A_725 : vector<32x900xf32>
    %erf_inv3A_814 = arith.select %erf_inv3A_809, %erf_inv3A_812, %erf_inv3A_813 : vector<32x900xi1>, vector<32x900xf32>
    %mul3A_815 = arith.constant 0.424264073 : f32
    %mul3A_816 = vector.broadcast %mul3A_815 : f32 to vector<32x900xf32>
    %mul3A_817 = arith.mulf %mul3A_816, %erf_inv3A_814 : vector<32x900xf32>
    %swap3A_818 = arith.constant 64 : index
    %swap3A_819 = arith.constant 0 : index
    %swap3A_820 = vector.load %arg8[%swap3A_818, %swap3A_819] : memref<256x900xf32, #tpu.memory_space<vmem>>, vector<32x900xf32>
    tpu.vector_store %arg8[%swap3A_818, %swap3A_819], %mul3A_817 {strides = array<i32>} : memref<256x900xf32, #tpu.memory_space<vmem>>, vector<32x900xf32>,
    %get3A_821 = arith.constant 3 : index
    %get3A_822 = arith.constant 0 : index
    %get3A_823 = arith.constant 0 : index
    %get3A_824 = vector.load %arg0[%get3A_821, %get3A_822, %get3A_823] : memref<8x900x92xf32, #tpu.memory_space<vmem>>, vector<1x900x92xf32>
    %get3A_825 = vector.shape_cast %get3A_824 : vector<1x900x92xf32> to vector<900x92xf32>
    %reduce_max3A_826 = arith.constant dense<0xFF800000> : vector<900xf32>
    %reduce_max3A_827 = vector.multi_reduction <maximumf>, %get3A_825, %reduce_max3A_826 [1] : vector<900x92xf32> to vector<900xf32>
    %broadcast_in_dim3A_828 = vector.shape_cast %reduce_max3A_827 : vector<900xf32> to vector<900x1xf32>
    %sub3A_829 = vector.broadcast %broadcast_in_dim3A_828 : vector<900x1xf32> to vector<900x92xf32>
    %sub3A_830 = arith.subf %get3A_825, %sub3A_829 : vector<900x92xf32>
    %exp3A_831 = math.exp %sub3A_830 : vector<900x92xf32>
    %reduce_sum3A_832 = arith.constant dense<0.000000e+00> : vector<900xf32>
    %reduce_sum3A_833 = vector.multi_reduction <add>, %exp3A_831, %reduce_sum3A_832 [1] : vector<900x92xf32> to vector<900xf32>
    %broadcast_in_dim3A_834 = vector.shape_cast %reduce_sum3A_833 : vector<900xf32> to vector<900x1xf32>
    %div3A_835 = vector.broadcast %broadcast_in_dim3A_834 : vector<900x1xf32> to vector<900x92xf32>
    %div3A_836 = arith.divf %exp3A_831, %div3A_835 : vector<900x92xf32>
    %get3A_837 = arith.constant 3 : index
    %get3A_838 = arith.constant 0 : index
    %get3A_839 = arith.constant 0 : index
    %get3A_840 = vector.load %arg3[%get3A_837, %get3A_838, %get3A_839] : memref<8x32x1xi32, #tpu.memory_space<vmem>>, vector<1x32x1xi32>
    %get3A_841 = vector.shape_cast %get3A_840 : vector<1x32x1xi32> to vector<32x1xi32>
    %iota3A_842 = tpu.iota {dimensions = array<i32: 1>} : vector<32x92xi32>
    %eq3A_843 = vector.broadcast %get3A_841 : vector<32x1xi32> to vector<32x92xi32>
    %eq3A_844 = arith.cmpi eq, %eq3A_843, %iota3A_842 : vector<32x92xi32>
    %convert_element_type3A_845 = arith.extui %eq3A_844 : vector<32x92xi1> to vector<32x92xi32>
    %convert_element_type3A_846 = arith.sitofp %convert_element_type3A_845 : vector<32x92xi32> to vector<32x92xf32>
    %dot_general3A_847 = arith.constant dense<0.000000e+00> : vector<32x900xf32>
    %dot_general3A_848 = tpu.matmul %convert_element_type3A_846, %div3A_836, %dot_general3A_847 {dimension_numbers = #tpu.dot_dimension_numbers<[1], [1], [0], [0], [0, 0, 1, 0], [], []>, transpose_lhs_hint = false} : vector<32x92xf32>, vector<900x92xf32>, vector<32x900xf32> -> vector<32x900xf32>
    %get3A_849 = arith.constant 3 : index
    %get3A_850 = arith.constant 0 : index
    %get3A_851 = arith.constant 0 : index
    %get3A_852 = vector.load %arg1[%get3A_849, %get3A_850, %get3A_851] : memref<8x4x900xf32, #tpu.memory_space<vmem>>, vector<1x4x900xf32>
    %get3A_853 = vector.shape_cast %get3A_852 : vector<1x4x900xf32> to vector<4x900xf32>
    %slice3A_854 = vector.extract_strided_slice %get3A_853 {offsets = [0, 0], sizes = [1, 900], strides = [1, 1]} : vector<4x900xf32> to vector<1x900xf32>
    %slice3A_855 = vector.extract_strided_slice %get3A_853 {offsets = [1, 0], sizes = [1, 900], strides = [1, 1]} : vector<4x900xf32> to vector<1x900xf32>
    %slice3A_856 = vector.extract_strided_slice %get3A_853 {offsets = [2, 0], sizes = [1, 900], strides = [1, 1]} : vector<4x900xf32> to vector<1x900xf32>
    %slice3A_857 = vector.extract_strided_slice %get3A_853 {offsets = [3, 0], sizes = [1, 900], strides = [1, 1]} : vector<4x900xf32> to vector<1x900xf32>
    %get3A_858 = arith.constant 3 : index
    %get3A_859 = arith.constant 0 : index
    %get3A_860 = arith.constant 0 : index
    %get3A_861 = vector.load %arg2[%get3A_858, %get3A_859, %get3A_860] : memref<8x32x4xf32, #tpu.memory_space<vmem>>, vector<1x32x4xf32>
    %get3A_862 = vector.shape_cast %get3A_861 : vector<1x32x4xf32> to vector<32x4xf32>
    %slice3A_863 = vector.extract_strided_slice %get3A_862 {offsets = [0, 0], sizes = [32, 1], strides = [1, 1]} : vector<32x4xf32> to vector<32x1xf32>
    %slice3A_864 = vector.extract_strided_slice %get3A_862 {offsets = [0, 1], sizes = [32, 1], strides = [1, 1]} : vector<32x4xf32> to vector<32x1xf32>
    %slice3A_865 = vector.extract_strided_slice %get3A_862 {offsets = [0, 2], sizes = [32, 1], strides = [1, 1]} : vector<32x4xf32> to vector<32x1xf32>
    %slice3A_866 = vector.extract_strided_slice %get3A_862 {offsets = [0, 3], sizes = [32, 1], strides = [1, 1]} : vector<32x4xf32> to vector<32x1xf32>
    %sub3A_867 = vector.broadcast %slice3A_854 : vector<1x900xf32> to vector<32x900xf32>
    %sub3A_868 = vector.broadcast %slice3A_863 : vector<32x1xf32> to vector<32x900xf32>
    %sub3A_869 = arith.subf %sub3A_867, %sub3A_868 : vector<32x900xf32>
    %abs3A_870 = math.absf %sub3A_869 : vector<32x900xf32>
    %sub3A_871 = vector.broadcast %slice3A_855 : vector<1x900xf32> to vector<32x900xf32>
    %sub3A_872 = vector.broadcast %slice3A_864 : vector<32x1xf32> to vector<32x900xf32>
    %sub3A_873 = arith.subf %sub3A_871, %sub3A_872 : vector<32x900xf32>
    %abs3A_874 = math.absf %sub3A_873 : vector<32x900xf32>
    %add3A_875 = arith.addf %abs3A_870, %abs3A_874 : vector<32x900xf32>
    %sub3A_876 = vector.broadcast %slice3A_856 : vector<1x900xf32> to vector<32x900xf32>
    %sub3A_877 = vector.broadcast %slice3A_865 : vector<32x1xf32> to vector<32x900xf32>
    %sub3A_878 = arith.subf %sub3A_876, %sub3A_877 : vector<32x900xf32>
    %abs3A_879 = math.absf %sub3A_878 : vector<32x900xf32>
    %add3A_880 = arith.addf %add3A_875, %abs3A_879 : vector<32x900xf32>
    %sub3A_881 = vector.broadcast %slice3A_857 : vector<1x900xf32> to vector<32x900xf32>
    %sub3A_882 = vector.broadcast %slice3A_866 : vector<32x1xf32> to vector<32x900xf32>
    %sub3A_883 = arith.subf %sub3A_881, %sub3A_882 : vector<32x900xf32>
    %abs3A_884 = math.absf %sub3A_883 : vector<32x900xf32>
    %add3A_885 = arith.addf %add3A_880, %abs3A_884 : vector<32x900xf32>
    %mul3A_886 = arith.constant 5.000000e-01 : f32
    %mul3A_887 = vector.broadcast %mul3A_886 : f32 to vector<1x900xf32>
    %mul3A_888 = arith.mulf %mul3A_887, %slice3A_856 : vector<1x900xf32>
    %sub3A_889 = arith.subf %slice3A_854, %mul3A_888 : vector<1x900xf32>
    %mul3A_890 = arith.constant 5.000000e-01 : f32
    %mul3A_891 = vector.broadcast %mul3A_890 : f32 to vector<1x900xf32>
    %mul3A_892 = arith.mulf %mul3A_891, %slice3A_856 : vector<1x900xf32>
    %add3A_893 = arith.addf %slice3A_854, %mul3A_892 : vector<1x900xf32>
    %mul3A_894 = arith.constant 5.000000e-01 : f32
    %mul3A_895 = vector.broadcast %mul3A_894 : f32 to vector<1x900xf32>
    %mul3A_896 = arith.mulf %mul3A_895, %slice3A_857 : vector<1x900xf32>
    %sub3A_897 = arith.subf %slice3A_855, %mul3A_896 : vector<1x900xf32>
    %mul3A_898 = arith.constant 5.000000e-01 : f32
    %mul3A_899 = vector.broadcast %mul3A_898 : f32 to vector<1x900xf32>
    %mul3A_900 = arith.mulf %mul3A_899, %slice3A_857 : vector<1x900xf32>
    %add3A_901 = arith.addf %slice3A_855, %mul3A_900 : vector<1x900xf32>
    %mul3A_902 = arith.constant 5.000000e-01 : f32
    %mul3A_903 = vector.broadcast %mul3A_902 : f32 to vector<32x1xf32>
    %mul3A_904 = arith.mulf %mul3A_903, %slice3A_865 : vector<32x1xf32>
    %sub3A_905 = arith.subf %slice3A_863, %mul3A_904 : vector<32x1xf32>
    %mul3A_906 = arith.constant 5.000000e-01 : f32
    %mul3A_907 = vector.broadcast %mul3A_906 : f32 to vector<32x1xf32>
    %mul3A_908 = arith.mulf %mul3A_907, %slice3A_865 : vector<32x1xf32>
    %add3A_909 = arith.addf %slice3A_863, %mul3A_908 : vector<32x1xf32>
    %mul3A_910 = arith.constant 5.000000e-01 : f32
    %mul3A_911 = vector.broadcast %mul3A_910 : f32 to vector<32x1xf32>
    %mul3A_912 = arith.mulf %mul3A_911, %slice3A_866 : vector<32x1xf32>
    %sub3A_913 = arith.subf %slice3A_864, %mul3A_912 : vector<32x1xf32>
    %mul3A_914 = arith.constant 5.000000e-01 : f32
    %mul3A_915 = vector.broadcast %mul3A_914 : f32 to vector<32x1xf32>
    %mul3A_916 = arith.mulf %mul3A_915, %slice3A_866 : vector<32x1xf32>
    %add3A_917 = arith.addf %slice3A_864, %mul3A_916 : vector<32x1xf32>
    %sub3A_918 = arith.subf %add3A_893, %sub3A_889 : vector<1x900xf32>
    %sub3A_919 = arith.subf %add3A_901, %sub3A_897 : vector<1x900xf32>
    %mul3A_920 = arith.mulf %sub3A_918, %sub3A_919 : vector<1x900xf32>
    %sub3A_921 = arith.subf %add3A_909, %sub3A_905 : vector<32x1xf32>
    %sub3A_922 = arith.subf %add3A_917, %sub3A_913 : vector<32x1xf32>
    %mul3A_923 = arith.mulf %sub3A_921, %sub3A_922 : vector<32x1xf32>
    %min3A_924 = vector.broadcast %add3A_893 : vector<1x900xf32> to vector<32x900xf32>
    %min3A_925 = vector.broadcast %add3A_909 : vector<32x1xf32> to vector<32x900xf32>
    %min3A_926 = arith.minimumf %min3A_924, %min3A_925 : vector<32x900xf32>
    %max3A_927 = vector.broadcast %sub3A_889 : vector<1x900xf32> to vector<32x900xf32>
    %max3A_928 = vector.broadcast %sub3A_905 : vector<32x1xf32> to vector<32x900xf32>
    %max3A_929 = arith.maximumf %max3A_927, %max3A_928 : vector<32x900xf32>
    %sub3A_930 = arith.subf %min3A_926, %max3A_929 : vector<32x900xf32>
    %jit3A_931 = arith.constant 0.000000e+00 : f32
    %max3A_932 = vector.broadcast %jit3A_931 : f32 to vector<32x900xf32>
    %max3A_933 = arith.maximumf %max3A_932, %sub3A_930 : vector<32x900xf32>
    %min3A_934 = vector.broadcast %add3A_901 : vector<1x900xf32> to vector<32x900xf32>
    %min3A_935 = vector.broadcast %add3A_917 : vector<32x1xf32> to vector<32x900xf32>
    %min3A_936 = arith.minimumf %min3A_934, %min3A_935 : vector<32x900xf32>
    %max3A_937 = vector.broadcast %sub3A_897 : vector<1x900xf32> to vector<32x900xf32>
    %max3A_938 = vector.broadcast %sub3A_913 : vector<32x1xf32> to vector<32x900xf32>
    %max3A_939 = arith.maximumf %max3A_937, %max3A_938 : vector<32x900xf32>
    %sub3A_940 = arith.subf %min3A_936, %max3A_939 : vector<32x900xf32>
    %jit3A_941 = arith.constant 0.000000e+00 : f32
    %max3A_942 = vector.broadcast %jit3A_941 : f32 to vector<32x900xf32>
    %max3A_943 = arith.maximumf %max3A_942, %sub3A_940 : vector<32x900xf32>
    %mul3A_944 = arith.mulf %max3A_933, %max3A_943 : vector<32x900xf32>
    %add3A_945 = vector.broadcast %mul3A_920 : vector<1x900xf32> to vector<32x900xf32>
    %add3A_946 = vector.broadcast %mul3A_923 : vector<32x1xf32> to vector<32x900xf32>
    %add3A_947 = arith.addf %add3A_945, %add3A_946 : vector<32x900xf32>
    %sub3A_948 = arith.subf %add3A_947, %mul3A_944 : vector<32x900xf32>
    %div3A_949 = arith.divf %mul3A_944, %sub3A_948 : vector<32x900xf32>
    %max3A_950 = vector.broadcast %add3A_893 : vector<1x900xf32> to vector<32x900xf32>
    %max3A_951 = vector.broadcast %add3A_909 : vector<32x1xf32> to vector<32x900xf32>
    %max3A_952 = arith.maximumf %max3A_950, %max3A_951 : vector<32x900xf32>
    %min3A_953 = vector.broadcast %sub3A_889 : vector<1x900xf32> to vector<32x900xf32>
    %min3A_954 = vector.broadcast %sub3A_905 : vector<32x1xf32> to vector<32x900xf32>
    %min3A_955 = arith.minimumf %min3A_953, %min3A_954 : vector<32x900xf32>
    %sub3A_956 = arith.subf %max3A_952, %min3A_955 : vector<32x900xf32>
    %jit3A_957 = arith.constant 0.000000e+00 : f32
    %max3A_958 = vector.broadcast %jit3A_957 : f32 to vector<32x900xf32>
    %max3A_959 = arith.maximumf %max3A_958, %sub3A_956 : vector<32x900xf32>
    %max3A_960 = vector.broadcast %add3A_901 : vector<1x900xf32> to vector<32x900xf32>
    %max3A_961 = vector.broadcast %add3A_917 : vector<32x1xf32> to vector<32x900xf32>
    %max3A_962 = arith.maximumf %max3A_960, %max3A_961 : vector<32x900xf32>
    %min3A_963 = vector.broadcast %sub3A_897 : vector<1x900xf32> to vector<32x900xf32>
    %min3A_964 = vector.broadcast %sub3A_913 : vector<32x1xf32> to vector<32x900xf32>
    %min3A_965 = arith.minimumf %min3A_963, %min3A_964 : vector<32x900xf32>
    %sub3A_966 = arith.subf %max3A_962, %min3A_965 : vector<32x900xf32>
    %jit3A_967 = arith.constant 0.000000e+00 : f32
    %max3A_968 = vector.broadcast %jit3A_967 : f32 to vector<32x900xf32>
    %max3A_969 = arith.maximumf %max3A_968, %sub3A_966 : vector<32x900xf32>
    %mul3A_970 = arith.mulf %max3A_959, %max3A_969 : vector<32x900xf32>
    %sub3A_971 = arith.subf %mul3A_970, %sub3A_948 : vector<32x900xf32>
    %div3A_972 = arith.divf %sub3A_971, %mul3A_970 : vector<32x900xf32>
    %sub3A_973 = arith.subf %div3A_949, %div3A_972 : vector<32x900xf32>
    %mul3A_974 = arith.constant 5.000000e+00 : f32
    %mul3A_975 = vector.broadcast %mul3A_974 : f32 to vector<32x900xf32>
    %mul3A_976 = arith.mulf %mul3A_975, %add3A_885 : vector<32x900xf32>
    %neg3A_977 = arith.constant 0.000000e+00 : f32
    %neg3A_978 = vector.broadcast %neg3A_977 : f32 to vector<32x900xf32>
    %neg3A_979 = arith.subf %neg3A_978, %dot_general3A_848 : vector<32x900xf32>
    %mul3A_980 = arith.constant 1.000000e+00 : f32
    %mul3A_981 = vector.broadcast %mul3A_980 : f32 to vector<32x900xf32>
    %mul3A_982 = arith.mulf %mul3A_981, %neg3A_979 : vector<32x900xf32>
    %add3A_983 = arith.addf %mul3A_976, %mul3A_982 : vector<32x900xf32>
    %neg3A_984 = arith.constant 0.000000e+00 : f32
    %neg3A_985 = vector.broadcast %neg3A_984 : f32 to vector<32x900xf32>
    %neg3A_986 = arith.subf %neg3A_985, %sub3A_973 : vector<32x900xf32>
    %mul3A_987 = arith.constant 2.000000e+00 : f32
    %mul3A_988 = vector.broadcast %mul3A_987 : f32 to vector<32x900xf32>
    %mul3A_989 = arith.mulf %mul3A_988, %neg3A_986 : vector<32x900xf32>
    %add3A_990 = arith.addf %add3A_983, %mul3A_989 : vector<32x900xf32>
    %neg3A_991 = arith.constant 0.000000e+00 : f32
    %neg3A_992 = vector.broadcast %neg3A_991 : f32 to vector<32x900xf32>
    %neg3A_993 = arith.subf %neg3A_992, %add3A_990 : vector<32x900xf32>
    %sub3A_994 = arith.constant -5.500000e+00 : f32
    %sub3A_995 = vector.broadcast %sub3A_994 : f32 to vector<32x900xf32>
    %sub3A_996 = arith.subf %neg3A_993, %sub3A_995 : vector<32x900xf32>
    %div3A_997 = arith.constant 3.53553391 : f32
    %div3A_998 = vector.broadcast %div3A_997 : f32 to vector<32x900xf32>
    %div3A_999 = arith.divf %sub3A_996, %div3A_998 : vector<32x900xf32>
    %erf3A_1000 = math.erf %div3A_999 : vector<32x900xf32>
    %add3A_1001 = arith.constant 1.000000e+00 : f32
    %add3A_1002 = vector.broadcast %add3A_1001 : f32 to vector<32x900xf32>
    %add3A_1003 = arith.addf %add3A_1002, %erf3A_1000 : vector<32x900xf32>
    %mul3A_1004 = arith.constant 5.000000e-01 : f32
    %mul3A_1005 = vector.broadcast %mul3A_1004 : f32 to vector<32x900xf32>
    %mul3A_1006 = arith.mulf %mul3A_1005, %add3A_1003 : vector<32x900xf32>
    %erf_inv3A_1007 = arith.constant 0.000000e+00 : f32
    %erf_inv3A_1008 = vector.broadcast %erf_inv3A_1007 : f32 to vector<32x900xf32>
    %erf_inv3A_1009 = arith.subf %erf_inv3A_1008, %mul3A_1006 : vector<32x900xf32>
    %erf_inv3A_1010 = arith.mulf %mul3A_1006, %erf_inv3A_1009 : vector<32x900xf32>
    %erf_inv3A_1011 = math.log1p %erf_inv3A_1010 : vector<32x900xf32>
    %erf_inv3A_1012 = arith.constant 0.000000e+00 : f32
    %erf_inv3A_1013 = vector.broadcast %erf_inv3A_1012 : f32 to vector<32x900xf32>
    %erf_inv3A_1014 = arith.subf %erf_inv3A_1013, %erf_inv3A_1011 : vector<32x900xf32>
    %erf_inv3A_1015 = arith.constant 5.000000e+00 : f32
    %erf_inv3A_1016 = vector.broadcast %erf_inv3A_1015 : f32 to vector<32x900xf32>
    %erf_inv3A_1017 = arith.cmpf olt, %erf_inv3A_1014, %erf_inv3A_1016 : vector<32x900xf32>
    %erf_inv3A_1018 = arith.constant 2.500000e+00 : f32
    %erf_inv3A_1019 = vector.broadcast %erf_inv3A_1018 : f32 to vector<32x900xf32>
    %erf_inv3A_1020 = arith.subf %erf_inv3A_1014, %erf_inv3A_1019 : vector<32x900xf32>
    %erf_inv3A_1021 = math.sqrt %erf_inv3A_1014 : vector<32x900xf32>
    %erf_inv3A_1022 = arith.constant 3.000000e+00 : f32
    %erf_inv3A_1023 = vector.broadcast %erf_inv3A_1022 : f32 to vector<32x900xf32>
    %erf_inv3A_1024 = arith.subf %erf_inv3A_1021, %erf_inv3A_1023 : vector<32x900xf32>
    %erf_inv3A_1025 = arith.select %erf_inv3A_1017, %erf_inv3A_1020, %erf_inv3A_1024 : vector<32x900xi1>, vector<32x900xf32>
    %erf_inv3A_1026 = arith.constant 2.81022636E-8 : f32
    %erf_inv3A_1027 = arith.constant -2.00214257E-4 : f32
    %erf_inv3A_1028 = vector.broadcast %erf_inv3A_1026 : f32 to vector<32x900xf32>
    %erf_inv3A_1029 = vector.broadcast %erf_inv3A_1027 : f32 to vector<32x900xf32>
    %erf_inv3A_1030 = arith.select %erf_inv3A_1017, %erf_inv3A_1028, %erf_inv3A_1029 : vector<32x900xi1>, vector<32x900xf32>
    %erf_inv3A_1031 = arith.constant 3.43273939E-7 : f32
    %erf_inv3A_1032 = arith.constant 1.00950558E-4 : f32
    %erf_inv3A_1033 = vector.broadcast %erf_inv3A_1031 : f32 to vector<32x900xf32>
    %erf_inv3A_1034 = vector.broadcast %erf_inv3A_1032 : f32 to vector<32x900xf32>
    %erf_inv3A_1035 = arith.select %erf_inv3A_1017, %erf_inv3A_1033, %erf_inv3A_1034 : vector<32x900xi1>, vector<32x900xf32>
    %erf_inv3A_1036 = arith.mulf %erf_inv3A_1030, %erf_inv3A_1025 : vector<32x900xf32>
    %erf_inv3A_1037 = arith.addf %erf_inv3A_1035, %erf_inv3A_1036 : vector<32x900xf32>
    %erf_inv3A_1038 = arith.constant -3.5233877E-6 : f32
    %erf_inv3A_1039 = arith.constant 0.00134934322 : f32
    %erf_inv3A_1040 = vector.broadcast %erf_inv3A_1038 : f32 to vector<32x900xf32>
    %erf_inv3A_1041 = vector.broadcast %erf_inv3A_1039 : f32 to vector<32x900xf32>
    %erf_inv3A_1042 = arith.select %erf_inv3A_1017, %erf_inv3A_1040, %erf_inv3A_1041 : vector<32x900xi1>, vector<32x900xf32>
    %erf_inv3A_1043 = arith.mulf %erf_inv3A_1037, %erf_inv3A_1025 : vector<32x900xf32>
    %erf_inv3A_1044 = arith.addf %erf_inv3A_1042, %erf_inv3A_1043 : vector<32x900xf32>
    %erf_inv3A_1045 = arith.constant -4.39150654E-6 : f32
    %erf_inv3A_1046 = arith.constant -0.00367342844 : f32
    %erf_inv3A_1047 = vector.broadcast %erf_inv3A_1045 : f32 to vector<32x900xf32>
    %erf_inv3A_1048 = vector.broadcast %erf_inv3A_1046 : f32 to vector<32x900xf32>
    %erf_inv3A_1049 = arith.select %erf_inv3A_1017, %erf_inv3A_1047, %erf_inv3A_1048 : vector<32x900xi1>, vector<32x900xf32>
    %erf_inv3A_1050 = arith.mulf %erf_inv3A_1044, %erf_inv3A_1025 : vector<32x900xf32>
    %erf_inv3A_1051 = arith.addf %erf_inv3A_1049, %erf_inv3A_1050 : vector<32x900xf32>
    %erf_inv3A_1052 = arith.constant 2.1858087E-4 : f32
    %erf_inv3A_1053 = arith.constant 0.00573950773 : f32
    %erf_inv3A_1054 = vector.broadcast %erf_inv3A_1052 : f32 to vector<32x900xf32>
    %erf_inv3A_1055 = vector.broadcast %erf_inv3A_1053 : f32 to vector<32x900xf32>
    %erf_inv3A_1056 = arith.select %erf_inv3A_1017, %erf_inv3A_1054, %erf_inv3A_1055 : vector<32x900xi1>, vector<32x900xf32>
    %erf_inv3A_1057 = arith.mulf %erf_inv3A_1051, %erf_inv3A_1025 : vector<32x900xf32>
    %erf_inv3A_1058 = arith.addf %erf_inv3A_1056, %erf_inv3A_1057 : vector<32x900xf32>
    %erf_inv3A_1059 = arith.constant -0.00125372503 : f32
    %erf_inv3A_1060 = arith.constant -0.0076224613 : f32
    %erf_inv3A_1061 = vector.broadcast %erf_inv3A_1059 : f32 to vector<32x900xf32>
    %erf_inv3A_1062 = vector.broadcast %erf_inv3A_1060 : f32 to vector<32x900xf32>
    %erf_inv3A_1063 = arith.select %erf_inv3A_1017, %erf_inv3A_1061, %erf_inv3A_1062 : vector<32x900xi1>, vector<32x900xf32>
    %erf_inv3A_1064 = arith.mulf %erf_inv3A_1058, %erf_inv3A_1025 : vector<32x900xf32>
    %erf_inv3A_1065 = arith.addf %erf_inv3A_1063, %erf_inv3A_1064 : vector<32x900xf32>
    %erf_inv3A_1066 = arith.constant -0.00417768164 : f32
    %erf_inv3A_1067 = arith.constant 0.00943887047 : f32
    %erf_inv3A_1068 = vector.broadcast %erf_inv3A_1066 : f32 to vector<32x900xf32>
    %erf_inv3A_1069 = vector.broadcast %erf_inv3A_1067 : f32 to vector<32x900xf32>
    %erf_inv3A_1070 = arith.select %erf_inv3A_1017, %erf_inv3A_1068, %erf_inv3A_1069 : vector<32x900xi1>, vector<32x900xf32>
    %erf_inv3A_1071 = arith.mulf %erf_inv3A_1065, %erf_inv3A_1025 : vector<32x900xf32>
    %erf_inv3A_1072 = arith.addf %erf_inv3A_1070, %erf_inv3A_1071 : vector<32x900xf32>
    %erf_inv3A_1073 = arith.constant 0.246640727 : f32
    %erf_inv3A_1074 = arith.constant 1.00167406 : f32
    %erf_inv3A_1075 = vector.broadcast %erf_inv3A_1073 : f32 to vector<32x900xf32>
    %erf_inv3A_1076 = vector.broadcast %erf_inv3A_1074 : f32 to vector<32x900xf32>
    %erf_inv3A_1077 = arith.select %erf_inv3A_1017, %erf_inv3A_1075, %erf_inv3A_1076 : vector<32x900xi1>, vector<32x900xf32>
    %erf_inv3A_1078 = arith.mulf %erf_inv3A_1072, %erf_inv3A_1025 : vector<32x900xf32>
    %erf_inv3A_1079 = arith.addf %erf_inv3A_1077, %erf_inv3A_1078 : vector<32x900xf32>
    %erf_inv3A_1080 = arith.constant 1.50140941 : f32
    %erf_inv3A_1081 = arith.constant 2.83297682 : f32
    %erf_inv3A_1082 = vector.broadcast %erf_inv3A_1080 : f32 to vector<32x900xf32>
    %erf_inv3A_1083 = vector.broadcast %erf_inv3A_1081 : f32 to vector<32x900xf32>
    %erf_inv3A_1084 = arith.select %erf_inv3A_1017, %erf_inv3A_1082, %erf_inv3A_1083 : vector<32x900xi1>, vector<32x900xf32>
    %erf_inv3A_1085 = arith.mulf %erf_inv3A_1079, %erf_inv3A_1025 : vector<32x900xf32>
    %erf_inv3A_1086 = arith.addf %erf_inv3A_1084, %erf_inv3A_1085 : vector<32x900xf32>
    %erf_inv3A_1087 = math.absf %mul3A_1006 : vector<32x900xf32>
    %erf_inv3A_1088 = arith.constant 1.000000e+00 : f32
    %erf_inv3A_1089 = vector.broadcast %erf_inv3A_1088 : f32 to vector<32x900xf32>
    %erf_inv3A_1090 = arith.cmpf oeq, %erf_inv3A_1087, %erf_inv3A_1089 : vector<32x900xf32>
    %erf_inv3A_1091 = arith.constant 0x7F800000 : f32
    %erf_inv3A_1092 = vector.broadcast %erf_inv3A_1091 : f32 to vector<32x900xf32>
    %erf_inv3A_1093 = arith.mulf %erf_inv3A_1092, %mul3A_1006 : vector<32x900xf32>
    %erf_inv3A_1094 = arith.mulf %erf_inv3A_1086, %mul3A_1006 : vector<32x900xf32>
    %erf_inv3A_1095 = arith.select %erf_inv3A_1090, %erf_inv3A_1093, %erf_inv3A_1094 : vector<32x900xi1>, vector<32x900xf32>
    %mul3A_1096 = arith.constant 0.424264073 : f32
    %mul3A_1097 = vector.broadcast %mul3A_1096 : f32 to vector<32x900xf32>
    %mul3A_1098 = arith.mulf %mul3A_1097, %erf_inv3A_1095 : vector<32x900xf32>
    %swap3A_1099 = arith.constant 96 : index
    %swap3A_1100 = arith.constant 0 : index
    %swap3A_1101 = vector.load %arg8[%swap3A_1099, %swap3A_1100] : memref<256x900xf32, #tpu.memory_space<vmem>>, vector<32x900xf32>
    tpu.vector_store %arg8[%swap3A_1099, %swap3A_1100], %mul3A_1098 {strides = array<i32>} : memref<256x900xf32, #tpu.memory_space<vmem>>, vector<32x900xf32>,
    %get3A_1102 = arith.constant 4 : index
    %get3A_1103 = arith.constant 0 : index
    %get3A_1104 = arith.constant 0 : index
    %get3A_1105 = vector.load %arg0[%get3A_1102, %get3A_1103, %get3A_1104] : memref<8x900x92xf32, #tpu.memory_space<vmem>>, vector<1x900x92xf32>
    %get3A_1106 = vector.shape_cast %get3A_1105 : vector<1x900x92xf32> to vector<900x92xf32>
    %reduce_max3A_1107 = arith.constant dense<0xFF800000> : vector<900xf32>
    %reduce_max3A_1108 = vector.multi_reduction <maximumf>, %get3A_1106, %reduce_max3A_1107 [1] : vector<900x92xf32> to vector<900xf32>
    %broadcast_in_dim3A_1109 = vector.shape_cast %reduce_max3A_1108 : vector<900xf32> to vector<900x1xf32>
    %sub3A_1110 = vector.broadcast %broadcast_in_dim3A_1109 : vector<900x1xf32> to vector<900x92xf32>
    %sub3A_1111 = arith.subf %get3A_1106, %sub3A_1110 : vector<900x92xf32>
    %exp3A_1112 = math.exp %sub3A_1111 : vector<900x92xf32>
    %reduce_sum3A_1113 = arith.constant dense<0.000000e+00> : vector<900xf32>
    %reduce_sum3A_1114 = vector.multi_reduction <add>, %exp3A_1112, %reduce_sum3A_1113 [1] : vector<900x92xf32> to vector<900xf32>
    %broadcast_in_dim3A_1115 = vector.shape_cast %reduce_sum3A_1114 : vector<900xf32> to vector<900x1xf32>
    %div3A_1116 = vector.broadcast %broadcast_in_dim3A_1115 : vector<900x1xf32> to vector<900x92xf32>
    %div3A_1117 = arith.divf %exp3A_1112, %div3A_1116 : vector<900x92xf32>
    %get3A_1118 = arith.constant 4 : index
    %get3A_1119 = arith.constant 0 : index
    %get3A_1120 = arith.constant 0 : index
    %get3A_1121 = vector.load %arg3[%get3A_1118, %get3A_1119, %get3A_1120] : memref<8x32x1xi32, #tpu.memory_space<vmem>>, vector<1x32x1xi32>
    %get3A_1122 = vector.shape_cast %get3A_1121 : vector<1x32x1xi32> to vector<32x1xi32>
    %iota3A_1123 = tpu.iota {dimensions = array<i32: 1>} : vector<32x92xi32>
    %eq3A_1124 = vector.broadcast %get3A_1122 : vector<32x1xi32> to vector<32x92xi32>
    %eq3A_1125 = arith.cmpi eq, %eq3A_1124, %iota3A_1123 : vector<32x92xi32>
    %convert_element_type3A_1126 = arith.extui %eq3A_1125 : vector<32x92xi1> to vector<32x92xi32>
    %convert_element_type3A_1127 = arith.sitofp %convert_element_type3A_1126 : vector<32x92xi32> to vector<32x92xf32>
    %dot_general3A_1128 = arith.constant dense<0.000000e+00> : vector<32x900xf32>
    %dot_general3A_1129 = tpu.matmul %convert_element_type3A_1127, %div3A_1117, %dot_general3A_1128 {dimension_numbers = #tpu.dot_dimension_numbers<[1], [1], [0], [0], [0, 0, 1, 0], [], []>, transpose_lhs_hint = false} : vector<32x92xf32>, vector<900x92xf32>, vector<32x900xf32> -> vector<32x900xf32>
    %get3A_1130 = arith.constant 4 : index
    %get3A_1131 = arith.constant 0 : index
    %get3A_1132 = arith.constant 0 : index
    %get3A_1133 = vector.load %arg1[%get3A_1130, %get3A_1131, %get3A_1132] : memref<8x4x900xf32, #tpu.memory_space<vmem>>, vector<1x4x900xf32>
    %get3A_1134 = vector.shape_cast %get3A_1133 : vector<1x4x900xf32> to vector<4x900xf32>
    %slice3A_1135 = vector.extract_strided_slice %get3A_1134 {offsets = [0, 0], sizes = [1, 900], strides = [1, 1]} : vector<4x900xf32> to vector<1x900xf32>
    %slice3A_1136 = vector.extract_strided_slice %get3A_1134 {offsets = [1, 0], sizes = [1, 900], strides = [1, 1]} : vector<4x900xf32> to vector<1x900xf32>
    %slice3A_1137 = vector.extract_strided_slice %get3A_1134 {offsets = [2, 0], sizes = [1, 900], strides = [1, 1]} : vector<4x900xf32> to vector<1x900xf32>
    %slice3A_1138 = vector.extract_strided_slice %get3A_1134 {offsets = [3, 0], sizes = [1, 900], strides = [1, 1]} : vector<4x900xf32> to vector<1x900xf32>
    %get3A_1139 = arith.constant 4 : index
    %get3A_1140 = arith.constant 0 : index
    %get3A_1141 = arith.constant 0 : index
    %get3A_1142 = vector.load %arg2[%get3A_1139, %get3A_1140, %get3A_1141] : memref<8x32x4xf32, #tpu.memory_space<vmem>>, vector<1x32x4xf32>
    %get3A_1143 = vector.shape_cast %get3A_1142 : vector<1x32x4xf32> to vector<32x4xf32>
    %slice3A_1144 = vector.extract_strided_slice %get3A_1143 {offsets = [0, 0], sizes = [32, 1], strides = [1, 1]} : vector<32x4xf32> to vector<32x1xf32>
    %slice3A_1145 = vector.extract_strided_slice %get3A_1143 {offsets = [0, 1], sizes = [32, 1], strides = [1, 1]} : vector<32x4xf32> to vector<32x1xf32>
    %slice3A_1146 = vector.extract_strided_slice %get3A_1143 {offsets = [0, 2], sizes = [32, 1], strides = [1, 1]} : vector<32x4xf32> to vector<32x1xf32>
    %slice3A_1147 = vector.extract_strided_slice %get3A_1143 {offsets = [0, 3], sizes = [32, 1], strides = [1, 1]} : vector<32x4xf32> to vector<32x1xf32>
    %sub3A_1148 = vector.broadcast %slice3A_1135 : vector<1x900xf32> to vector<32x900xf32>
    %sub3A_1149 = vector.broadcast %slice3A_1144 : vector<32x1xf32> to vector<32x900xf32>
    %sub3A_1150 = arith.subf %sub3A_1148, %sub3A_1149 : vector<32x900xf32>
    %abs3A_1151 = math.absf %sub3A_1150 : vector<32x900xf32>
    %sub3A_1152 = vector.broadcast %slice3A_1136 : vector<1x900xf32> to vector<32x900xf32>
    %sub3A_1153 = vector.broadcast %slice3A_1145 : vector<32x1xf32> to vector<32x900xf32>
    %sub3A_1154 = arith.subf %sub3A_1152, %sub3A_1153 : vector<32x900xf32>
    %abs3A_1155 = math.absf %sub3A_1154 : vector<32x900xf32>
    %add3A_1156 = arith.addf %abs3A_1151, %abs3A_1155 : vector<32x900xf32>
    %sub3A_1157 = vector.broadcast %slice3A_1137 : vector<1x900xf32> to vector<32x900xf32>
    %sub3A_1158 = vector.broadcast %slice3A_1146 : vector<32x1xf32> to vector<32x900xf32>
    %sub3A_1159 = arith.subf %sub3A_1157, %sub3A_1158 : vector<32x900xf32>
    %abs3A_1160 = math.absf %sub3A_1159 : vector<32x900xf32>
    %add3A_1161 = arith.addf %add3A_1156, %abs3A_1160 : vector<32x900xf32>
    %sub3A_1162 = vector.broadcast %slice3A_1138 : vector<1x900xf32> to vector<32x900xf32>
    %sub3A_1163 = vector.broadcast %slice3A_1147 : vector<32x1xf32> to vector<32x900xf32>
    %sub3A_1164 = arith.subf %sub3A_1162, %sub3A_1163 : vector<32x900xf32>
    %abs3A_1165 = math.absf %sub3A_1164 : vector<32x900xf32>
    %add3A_1166 = arith.addf %add3A_1161, %abs3A_1165 : vector<32x900xf32>
    %mul3A_1167 = arith.constant 5.000000e-01 : f32
    %mul3A_1168 = vector.broadcast %mul3A_1167 : f32 to vector<1x900xf32>
    %mul3A_1169 = arith.mulf %mul3A_1168, %slice3A_1137 : vector<1x900xf32>
    %sub3A_1170 = arith.subf %slice3A_1135, %mul3A_1169 : vector<1x900xf32>
    %mul3A_1171 = arith.constant 5.000000e-01 : f32
    %mul3A_1172 = vector.broadcast %mul3A_1171 : f32 to vector<1x900xf32>
    %mul3A_1173 = arith.mulf %mul3A_1172, %slice3A_1137 : vector<1x900xf32>
    %add3A_1174 = arith.addf %slice3A_1135, %mul3A_1173 : vector<1x900xf32>
    %mul3A_1175 = arith.constant 5.000000e-01 : f32
    %mul3A_1176 = vector.broadcast %mul3A_1175 : f32 to vector<1x900xf32>
    %mul3A_1177 = arith.mulf %mul3A_1176, %slice3A_1138 : vector<1x900xf32>
    %sub3A_1178 = arith.subf %slice3A_1136, %mul3A_1177 : vector<1x900xf32>
    %mul3A_1179 = arith.constant 5.000000e-01 : f32
    %mul3A_1180 = vector.broadcast %mul3A_1179 : f32 to vector<1x900xf32>
    %mul3A_1181 = arith.mulf %mul3A_1180, %slice3A_1138 : vector<1x900xf32>
    %add3A_1182 = arith.addf %slice3A_1136, %mul3A_1181 : vector<1x900xf32>
    %mul3A_1183 = arith.constant 5.000000e-01 : f32
    %mul3A_1184 = vector.broadcast %mul3A_1183 : f32 to vector<32x1xf32>
    %mul3A_1185 = arith.mulf %mul3A_1184, %slice3A_1146 : vector<32x1xf32>
    %sub3A_1186 = arith.subf %slice3A_1144, %mul3A_1185 : vector<32x1xf32>
    %mul3A_1187 = arith.constant 5.000000e-01 : f32
    %mul3A_1188 = vector.broadcast %mul3A_1187 : f32 to vector<32x1xf32>
    %mul3A_1189 = arith.mulf %mul3A_1188, %slice3A_1146 : vector<32x1xf32>
    %add3A_1190 = arith.addf %slice3A_1144, %mul3A_1189 : vector<32x1xf32>
    %mul3A_1191 = arith.constant 5.000000e-01 : f32
    %mul3A_1192 = vector.broadcast %mul3A_1191 : f32 to vector<32x1xf32>
    %mul3A_1193 = arith.mulf %mul3A_1192, %slice3A_1147 : vector<32x1xf32>
    %sub3A_1194 = arith.subf %slice3A_1145, %mul3A_1193 : vector<32x1xf32>
    %mul3A_1195 = arith.constant 5.000000e-01 : f32
    %mul3A_1196 = vector.broadcast %mul3A_1195 : f32 to vector<32x1xf32>
    %mul3A_1197 = arith.mulf %mul3A_1196, %slice3A_1147 : vector<32x1xf32>
    %add3A_1198 = arith.addf %slice3A_1145, %mul3A_1197 : vector<32x1xf32>
    %sub3A_1199 = arith.subf %add3A_1174, %sub3A_1170 : vector<1x900xf32>
    %sub3A_1200 = arith.subf %add3A_1182, %sub3A_1178 : vector<1x900xf32>
    %mul3A_1201 = arith.mulf %sub3A_1199, %sub3A_1200 : vector<1x900xf32>
    %sub3A_1202 = arith.subf %add3A_1190, %sub3A_1186 : vector<32x1xf32>
    %sub3A_1203 = arith.subf %add3A_1198, %sub3A_1194 : vector<32x1xf32>
    %mul3A_1204 = arith.mulf %sub3A_1202, %sub3A_1203 : vector<32x1xf32>
    %min3A_1205 = vector.broadcast %add3A_1174 : vector<1x900xf32> to vector<32x900xf32>
    %min3A_1206 = vector.broadcast %add3A_1190 : vector<32x1xf32> to vector<32x900xf32>
    %min3A_1207 = arith.minimumf %min3A_1205, %min3A_1206 : vector<32x900xf32>
    %max3A_1208 = vector.broadcast %sub3A_1170 : vector<1x900xf32> to vector<32x900xf32>
    %max3A_1209 = vector.broadcast %sub3A_1186 : vector<32x1xf32> to vector<32x900xf32>
    %max3A_1210 = arith.maximumf %max3A_1208, %max3A_1209 : vector<32x900xf32>
    %sub3A_1211 = arith.subf %min3A_1207, %max3A_1210 : vector<32x900xf32>
    %jit3A_1212 = arith.constant 0.000000e+00 : f32
    %max3A_1213 = vector.broadcast %jit3A_1212 : f32 to vector<32x900xf32>
    %max3A_1214 = arith.maximumf %max3A_1213, %sub3A_1211 : vector<32x900xf32>
    %min3A_1215 = vector.broadcast %add3A_1182 : vector<1x900xf32> to vector<32x900xf32>
    %min3A_1216 = vector.broadcast %add3A_1198 : vector<32x1xf32> to vector<32x900xf32>
    %min3A_1217 = arith.minimumf %min3A_1215, %min3A_1216 : vector<32x900xf32>
    %max3A_1218 = vector.broadcast %sub3A_1178 : vector<1x900xf32> to vector<32x900xf32>
    %max3A_1219 = vector.broadcast %sub3A_1194 : vector<32x1xf32> to vector<32x900xf32>
    %max3A_1220 = arith.maximumf %max3A_1218, %max3A_1219 : vector<32x900xf32>
    %sub3A_1221 = arith.subf %min3A_1217, %max3A_1220 : vector<32x900xf32>
    %jit3A_1222 = arith.constant 0.000000e+00 : f32
    %max3A_1223 = vector.broadcast %jit3A_1222 : f32 to vector<32x900xf32>
    %max3A_1224 = arith.maximumf %max3A_1223, %sub3A_1221 : vector<32x900xf32>
    %mul3A_1225 = arith.mulf %max3A_1214, %max3A_1224 : vector<32x900xf32>
    %add3A_1226 = vector.broadcast %mul3A_1201 : vector<1x900xf32> to vector<32x900xf32>
    %add3A_1227 = vector.broadcast %mul3A_1204 : vector<32x1xf32> to vector<32x900xf32>
    %add3A_1228 = arith.addf %add3A_1226, %add3A_1227 : vector<32x900xf32>
    %sub3A_1229 = arith.subf %add3A_1228, %mul3A_1225 : vector<32x900xf32>
    %div3A_1230 = arith.divf %mul3A_1225, %sub3A_1229 : vector<32x900xf32>
    %max3A_1231 = vector.broadcast %add3A_1174 : vector<1x900xf32> to vector<32x900xf32>
    %max3A_1232 = vector.broadcast %add3A_1190 : vector<32x1xf32> to vector<32x900xf32>
    %max3A_1233 = arith.maximumf %max3A_1231, %max3A_1232 : vector<32x900xf32>
    %min3A_1234 = vector.broadcast %sub3A_1170 : vector<1x900xf32> to vector<32x900xf32>
    %min3A_1235 = vector.broadcast %sub3A_1186 : vector<32x1xf32> to vector<32x900xf32>
    %min3A_1236 = arith.minimumf %min3A_1234, %min3A_1235 : vector<32x900xf32>
    %sub3A_1237 = arith.subf %max3A_1233, %min3A_1236 : vector<32x900xf32>
    %jit3A_1238 = arith.constant 0.000000e+00 : f32
    %max3A_1239 = vector.broadcast %jit3A_1238 : f32 to vector<32x900xf32>
    %max3A_1240 = arith.maximumf %max3A_1239, %sub3A_1237 : vector<32x900xf32>
    %max3A_1241 = vector.broadcast %add3A_1182 : vector<1x900xf32> to vector<32x900xf32>
    %max3A_1242 = vector.broadcast %add3A_1198 : vector<32x1xf32> to vector<32x900xf32>
    %max3A_1243 = arith.maximumf %max3A_1241, %max3A_1242 : vector<32x900xf32>
    %min3A_1244 = vector.broadcast %sub3A_1178 : vector<1x900xf32> to vector<32x900xf32>
    %min3A_1245 = vector.broadcast %sub3A_1194 : vector<32x1xf32> to vector<32x900xf32>
    %min3A_1246 = arith.minimumf %min3A_1244, %min3A_1245 : vector<32x900xf32>
    %sub3A_1247 = arith.subf %max3A_1243, %min3A_1246 : vector<32x900xf32>
    %jit3A_1248 = arith.constant 0.000000e+00 : f32
    %max3A_1249 = vector.broadcast %jit3A_1248 : f32 to vector<32x900xf32>
    %max3A_1250 = arith.maximumf %max3A_1249, %sub3A_1247 : vector<32x900xf32>
    %mul3A_1251 = arith.mulf %max3A_1240, %max3A_1250 : vector<32x900xf32>
    %sub3A_1252 = arith.subf %mul3A_1251, %sub3A_1229 : vector<32x900xf32>
    %div3A_1253 = arith.divf %sub3A_1252, %mul3A_1251 : vector<32x900xf32>
    %sub3A_1254 = arith.subf %div3A_1230, %div3A_1253 : vector<32x900xf32>
    %mul3A_1255 = arith.constant 5.000000e+00 : f32
    %mul3A_1256 = vector.broadcast %mul3A_1255 : f32 to vector<32x900xf32>
    %mul3A_1257 = arith.mulf %mul3A_1256, %add3A_1166 : vector<32x900xf32>
    %neg3A_1258 = arith.constant 0.000000e+00 : f32
    %neg3A_1259 = vector.broadcast %neg3A_1258 : f32 to vector<32x900xf32>
    %neg3A_1260 = arith.subf %neg3A_1259, %dot_general3A_1129 : vector<32x900xf32>
    %mul3A_1261 = arith.constant 1.000000e+00 : f32
    %mul3A_1262 = vector.broadcast %mul3A_1261 : f32 to vector<32x900xf32>
    %mul3A_1263 = arith.mulf %mul3A_1262, %neg3A_1260 : vector<32x900xf32>
    %add3A_1264 = arith.addf %mul3A_1257, %mul3A_1263 : vector<32x900xf32>
    %neg3A_1265 = arith.constant 0.000000e+00 : f32
    %neg3A_1266 = vector.broadcast %neg3A_1265 : f32 to vector<32x900xf32>
    %neg3A_1267 = arith.subf %neg3A_1266, %sub3A_1254 : vector<32x900xf32>
    %mul3A_1268 = arith.constant 2.000000e+00 : f32
    %mul3A_1269 = vector.broadcast %mul3A_1268 : f32 to vector<32x900xf32>
    %mul3A_1270 = arith.mulf %mul3A_1269, %neg3A_1267 : vector<32x900xf32>
    %add3A_1271 = arith.addf %add3A_1264, %mul3A_1270 : vector<32x900xf32>
    %neg3A_1272 = arith.constant 0.000000e+00 : f32
    %neg3A_1273 = vector.broadcast %neg3A_1272 : f32 to vector<32x900xf32>
    %neg3A_1274 = arith.subf %neg3A_1273, %add3A_1271 : vector<32x900xf32>
    %sub3A_1275 = arith.constant -5.500000e+00 : f32
    %sub3A_1276 = vector.broadcast %sub3A_1275 : f32 to vector<32x900xf32>
    %sub3A_1277 = arith.subf %neg3A_1274, %sub3A_1276 : vector<32x900xf32>
    %div3A_1278 = arith.constant 3.53553391 : f32
    %div3A_1279 = vector.broadcast %div3A_1278 : f32 to vector<32x900xf32>
    %div3A_1280 = arith.divf %sub3A_1277, %div3A_1279 : vector<32x900xf32>
    %erf3A_1281 = math.erf %div3A_1280 : vector<32x900xf32>
    %add3A_1282 = arith.constant 1.000000e+00 : f32
    %add3A_1283 = vector.broadcast %add3A_1282 : f32 to vector<32x900xf32>
    %add3A_1284 = arith.addf %add3A_1283, %erf3A_1281 : vector<32x900xf32>
    %mul3A_1285 = arith.constant 5.000000e-01 : f32
    %mul3A_1286 = vector.broadcast %mul3A_1285 : f32 to vector<32x900xf32>
    %mul3A_1287 = arith.mulf %mul3A_1286, %add3A_1284 : vector<32x900xf32>
    %erf_inv3A_1288 = arith.constant 0.000000e+00 : f32
    %erf_inv3A_1289 = vector.broadcast %erf_inv3A_1288 : f32 to vector<32x900xf32>
    %erf_inv3A_1290 = arith.subf %erf_inv3A_1289, %mul3A_1287 : vector<32x900xf32>
    %erf_inv3A_1291 = arith.mulf %mul3A_1287, %erf_inv3A_1290 : vector<32x900xf32>
    %erf_inv3A_1292 = math.log1p %erf_inv3A_1291 : vector<32x900xf32>
    %erf_inv3A_1293 = arith.constant 0.000000e+00 : f32
    %erf_inv3A_1294 = vector.broadcast %erf_inv3A_1293 : f32 to vector<32x900xf32>
    %erf_inv3A_1295 = arith.subf %erf_inv3A_1294, %erf_inv3A_1292 : vector<32x900xf32>
    %erf_inv3A_1296 = arith.constant 5.000000e+00 : f32
    %erf_inv3A_1297 = vector.broadcast %erf_inv3A_1296 : f32 to vector<32x900xf32>
    %erf_inv3A_1298 = arith.cmpf olt, %erf_inv3A_1295, %erf_inv3A_1297 : vector<32x900xf32>
    %erf_inv3A_1299 = arith.constant 2.500000e+00 : f32
    %erf_inv3A_1300 = vector.broadcast %erf_inv3A_1299 : f32 to vector<32x900xf32>
    %erf_inv3A_1301 = arith.subf %erf_inv3A_1295, %erf_inv3A_1300 : vector<32x900xf32>
    %erf_inv3A_1302 = math.sqrt %erf_inv3A_1295 : vector<32x900xf32>
    %erf_inv3A_1303 = arith.constant 3.000000e+00 : f32
    %erf_inv3A_1304 = vector.broadcast %erf_inv3A_1303 : f32 to vector<32x900xf32>
    %erf_inv3A_1305 = arith.subf %erf_inv3A_1302, %erf_inv3A_1304 : vector<32x900xf32>
    %erf_inv3A_1306 = arith.select %erf_inv3A_1298, %erf_inv3A_1301, %erf_inv3A_1305 : vector<32x900xi1>, vector<32x900xf32>
    %erf_inv3A_1307 = arith.constant 2.81022636E-8 : f32
    %erf_inv3A_1308 = arith.constant -2.00214257E-4 : f32
    %erf_inv3A_1309 = vector.broadcast %erf_inv3A_1307 : f32 to vector<32x900xf32>
    %erf_inv3A_1310 = vector.broadcast %erf_inv3A_1308 : f32 to vector<32x900xf32>
    %erf_inv3A_1311 = arith.select %erf_inv3A_1298, %erf_inv3A_1309, %erf_inv3A_1310 : vector<32x900xi1>, vector<32x900xf32>
    %erf_inv3A_1312 = arith.constant 3.43273939E-7 : f32
    %erf_inv3A_1313 = arith.constant 1.00950558E-4 : f32
    %erf_inv3A_1314 = vector.broadcast %erf_inv3A_1312 : f32 to vector<32x900xf32>
    %erf_inv3A_1315 = vector.broadcast %erf_inv3A_1313 : f32 to vector<32x900xf32>
    %erf_inv3A_1316 = arith.select %erf_inv3A_1298, %erf_inv3A_1314, %erf_inv3A_1315 : vector<32x900xi1>, vector<32x900xf32>
    %erf_inv3A_1317 = arith.mulf %erf_inv3A_1311, %erf_inv3A_1306 : vector<32x900xf32>
    %erf_inv3A_1318 = arith.addf %erf_inv3A_1316, %erf_inv3A_1317 : vector<32x900xf32>
    %erf_inv3A_1319 = arith.constant -3.5233877E-6 : f32
    %erf_inv3A_1320 = arith.constant 0.00134934322 : f32
    %erf_inv3A_1321 = vector.broadcast %erf_inv3A_1319 : f32 to vector<32x900xf32>
    %erf_inv3A_1322 = vector.broadcast %erf_inv3A_1320 : f32 to vector<32x900xf32>
    %erf_inv3A_1323 = arith.select %erf_inv3A_1298, %erf_inv3A_1321, %erf_inv3A_1322 : vector<32x900xi1>, vector<32x900xf32>
    %erf_inv3A_1324 = arith.mulf %erf_inv3A_1318, %erf_inv3A_1306 : vector<32x900xf32>
    %erf_inv3A_1325 = arith.addf %erf_inv3A_1323, %erf_inv3A_1324 : vector<32x900xf32>
    %erf_inv3A_1326 = arith.constant -4.39150654E-6 : f32
    %erf_inv3A_1327 = arith.constant -0.00367342844 : f32
    %erf_inv3A_1328 = vector.broadcast %erf_inv3A_1326 : f32 to vector<32x900xf32>
    %erf_inv3A_1329 = vector.broadcast %erf_inv3A_1327 : f32 to vector<32x900xf32>
    %erf_inv3A_1330 = arith.select %erf_inv3A_1298, %erf_inv3A_1328, %erf_inv3A_1329 : vector<32x900xi1>, vector<32x900xf32>
    %erf_inv3A_1331 = arith.mulf %erf_inv3A_1325, %erf_inv3A_1306 : vector<32x900xf32>
    %erf_inv3A_1332 = arith.addf %erf_inv3A_1330, %erf_inv3A_1331 : vector<32x900xf32>
    %erf_inv3A_1333 = arith.constant 2.1858087E-4 : f32
    %erf_inv3A_1334 = arith.constant 0.00573950773 : f32
    %erf_inv3A_1335 = vector.broadcast %erf_inv3A_1333 : f32 to vector<32x900xf32>
    %erf_inv3A_1336 = vector.broadcast %erf_inv3A_1334 : f32 to vector<32x900xf32>
    %erf_inv3A_1337 = arith.select %erf_inv3A_1298, %erf_inv3A_1335, %erf_inv3A_1336 : vector<32x900xi1>, vector<32x900xf32>
    %erf_inv3A_1338 = arith.mulf %erf_inv3A_1332, %erf_inv3A_1306 : vector<32x900xf32>
    %erf_inv3A_1339 = arith.addf %erf_inv3A_1337, %erf_inv3A_1338 : vector<32x900xf32>
    %erf_inv3A_1340 = arith.constant -0.00125372503 : f32
    %erf_inv3A_1341 = arith.constant -0.0076224613 : f32
    %erf_inv3A_1342 = vector.broadcast %erf_inv3A_1340 : f32 to vector<32x900xf32>
    %erf_inv3A_1343 = vector.broadcast %erf_inv3A_1341 : f32 to vector<32x900xf32>
    %erf_inv3A_1344 = arith.select %erf_inv3A_1298, %erf_inv3A_1342, %erf_inv3A_1343 : vector<32x900xi1>, vector<32x900xf32>
    %erf_inv3A_1345 = arith.mulf %erf_inv3A_1339, %erf_inv3A_1306 : vector<32x900xf32>
    %erf_inv3A_1346 = arith.addf %erf_inv3A_1344, %erf_inv3A_1345 : vector<32x900xf32>
    %erf_inv3A_1347 = arith.constant -0.00417768164 : f32
    %erf_inv3A_1348 = arith.constant 0.00943887047 : f32
    %erf_inv3A_1349 = vector.broadcast %erf_inv3A_1347 : f32 to vector<32x900xf32>
    %erf_inv3A_1350 = vector.broadcast %erf_inv3A_1348 : f32 to vector<32x900xf32>
    %erf_inv3A_1351 = arith.select %erf_inv3A_1298, %erf_inv3A_1349, %erf_inv3A_1350 : vector<32x900xi1>, vector<32x900xf32>
    %erf_inv3A_1352 = arith.mulf %erf_inv3A_1346, %erf_inv3A_1306 : vector<32x900xf32>
    %erf_inv3A_1353 = arith.addf %erf_inv3A_1351, %erf_inv3A_1352 : vector<32x900xf32>
    %erf_inv3A_1354 = arith.constant 0.246640727 : f32
    %erf_inv3A_1355 = arith.constant 1.00167406 : f32
    %erf_inv3A_1356 = vector.broadcast %erf_inv3A_1354 : f32 to vector<32x900xf32>
    %erf_inv3A_1357 = vector.broadcast %erf_inv3A_1355 : f32 to vector<32x900xf32>
    %erf_inv3A_1358 = arith.select %erf_inv3A_1298, %erf_inv3A_1356, %erf_inv3A_1357 : vector<32x900xi1>, vector<32x900xf32>
    %erf_inv3A_1359 = arith.mulf %erf_inv3A_1353, %erf_inv3A_1306 : vector<32x900xf32>
    %erf_inv3A_1360 = arith.addf %erf_inv3A_1358, %erf_inv3A_1359 : vector<32x900xf32>
    %erf_inv3A_1361 = arith.constant 1.50140941 : f32
    %erf_inv3A_1362 = arith.constant 2.83297682 : f32
    %erf_inv3A_1363 = vector.broadcast %erf_inv3A_1361 : f32 to vector<32x900xf32>
    %erf_inv3A_1364 = vector.broadcast %erf_inv3A_1362 : f32 to vector<32x900xf32>
    %erf_inv3A_1365 = arith.select %erf_inv3A_1298, %erf_inv3A_1363, %erf_inv3A_1364 : vector<32x900xi1>, vector<32x900xf32>
    %erf_inv3A_1366 = arith.mulf %erf_inv3A_1360, %erf_inv3A_1306 : vector<32x900xf32>
    %erf_inv3A_1367 = arith.addf %erf_inv3A_1365, %erf_inv3A_1366 : vector<32x900xf32>
    %erf_inv3A_1368 = math.absf %mul3A_1287 : vector<32x900xf32>
    %erf_inv3A_1369 = arith.constant 1.000000e+00 : f32
    %erf_inv3A_1370 = vector.broadcast %erf_inv3A_1369 : f32 to vector<32x900xf32>
    %erf_inv3A_1371 = arith.cmpf oeq, %erf_inv3A_1368, %erf_inv3A_1370 : vector<32x900xf32>
    %erf_inv3A_1372 = arith.constant 0x7F800000 : f32
    %erf_inv3A_1373 = vector.broadcast %erf_inv3A_1372 : f32 to vector<32x900xf32>
    %erf_inv3A_1374 = arith.mulf %erf_inv3A_1373, %mul3A_1287 : vector<32x900xf32>
    %erf_inv3A_1375 = arith.mulf %erf_inv3A_1367, %mul3A_1287 : vector<32x900xf32>
    %erf_inv3A_1376 = arith.select %erf_inv3A_1371, %erf_inv3A_1374, %erf_inv3A_1375 : vector<32x900xi1>, vector<32x900xf32>
    %mul3A_1377 = arith.constant 0.424264073 : f32
    %mul3A_1378 = vector.broadcast %mul3A_1377 : f32 to vector<32x900xf32>
    %mul3A_1379 = arith.mulf %mul3A_1378, %erf_inv3A_1376 : vector<32x900xf32>
    %swap3A_1380 = arith.constant 128 : index
    %swap3A_1381 = arith.constant 0 : index
    %swap3A_1382 = vector.load %arg8[%swap3A_1380, %swap3A_1381] : memref<256x900xf32, #tpu.memory_space<vmem>>, vector<32x900xf32>
    tpu.vector_store %arg8[%swap3A_1380, %swap3A_1381], %mul3A_1379 {strides = array<i32>} : memref<256x900xf32, #tpu.memory_space<vmem>>, vector<32x900xf32>,
    %get3A_1383 = arith.constant 5 : index
    %get3A_1384 = arith.constant 0 : index
    %get3A_1385 = arith.constant 0 : index
    %get3A_1386 = vector.load %arg0[%get3A_1383, %get3A_1384, %get3A_1385] : memref<8x900x92xf32, #tpu.memory_space<vmem>>, vector<1x900x92xf32>
    %get3A_1387 = vector.shape_cast %get3A_1386 : vector<1x900x92xf32> to vector<900x92xf32>
    %reduce_max3A_1388 = arith.constant dense<0xFF800000> : vector<900xf32>
    %reduce_max3A_1389 = vector.multi_reduction <maximumf>, %get3A_1387, %reduce_max3A_1388 [1] : vector<900x92xf32> to vector<900xf32>
    %broadcast_in_dim3A_1390 = vector.shape_cast %reduce_max3A_1389 : vector<900xf32> to vector<900x1xf32>
    %sub3A_1391 = vector.broadcast %broadcast_in_dim3A_1390 : vector<900x1xf32> to vector<900x92xf32>
    %sub3A_1392 = arith.subf %get3A_1387, %sub3A_1391 : vector<900x92xf32>
    %exp3A_1393 = math.exp %sub3A_1392 : vector<900x92xf32>
    %reduce_sum3A_1394 = arith.constant dense<0.000000e+00> : vector<900xf32>
    %reduce_sum3A_1395 = vector.multi_reduction <add>, %exp3A_1393, %reduce_sum3A_1394 [1] : vector<900x92xf32> to vector<900xf32>
    %broadcast_in_dim3A_1396 = vector.shape_cast %reduce_sum3A_1395 : vector<900xf32> to vector<900x1xf32>
    %div3A_1397 = vector.broadcast %broadcast_in_dim3A_1396 : vector<900x1xf32> to vector<900x92xf32>
    %div3A_1398 = arith.divf %exp3A_1393, %div3A_1397 : vector<900x92xf32>
    %get3A_1399 = arith.constant 5 : index
    %get3A_1400 = arith.constant 0 : index
    %get3A_1401 = arith.constant 0 : index
    %get3A_1402 = vector.load %arg3[%get3A_1399, %get3A_1400, %get3A_1401] : memref<8x32x1xi32, #tpu.memory_space<vmem>>, vector<1x32x1xi32>
    %get3A_1403 = vector.shape_cast %get3A_1402 : vector<1x32x1xi32> to vector<32x1xi32>
    %iota3A_1404 = tpu.iota {dimensions = array<i32: 1>} : vector<32x92xi32>
    %eq3A_1405 = vector.broadcast %get3A_1403 : vector<32x1xi32> to vector<32x92xi32>
    %eq3A_1406 = arith.cmpi eq, %eq3A_1405, %iota3A_1404 : vector<32x92xi32>
    %convert_element_type3A_1407 = arith.extui %eq3A_1406 : vector<32x92xi1> to vector<32x92xi32>
    %convert_element_type3A_1408 = arith.sitofp %convert_element_type3A_1407 : vector<32x92xi32> to vector<32x92xf32>
    %dot_general3A_1409 = arith.constant dense<0.000000e+00> : vector<32x900xf32>
    %dot_general3A_1410 = tpu.matmul %convert_element_type3A_1408, %div3A_1398, %dot_general3A_1409 {dimension_numbers = #tpu.dot_dimension_numbers<[1], [1], [0], [0], [0, 0, 1, 0], [], []>, transpose_lhs_hint = false} : vector<32x92xf32>, vector<900x92xf32>, vector<32x900xf32> -> vector<32x900xf32>
    %get3A_1411 = arith.constant 5 : index
    %get3A_1412 = arith.constant 0 : index
    %get3A_1413 = arith.constant 0 : index
    %get3A_1414 = vector.load %arg1[%get3A_1411, %get3A_1412, %get3A_1413] : memref<8x4x900xf32, #tpu.memory_space<vmem>>, vector<1x4x900xf32>
    %get3A_1415 = vector.shape_cast %get3A_1414 : vector<1x4x900xf32> to vector<4x900xf32>
    %slice3A_1416 = vector.extract_strided_slice %get3A_1415 {offsets = [0, 0], sizes = [1, 900], strides = [1, 1]} : vector<4x900xf32> to vector<1x900xf32>
    %slice3A_1417 = vector.extract_strided_slice %get3A_1415 {offsets = [1, 0], sizes = [1, 900], strides = [1, 1]} : vector<4x900xf32> to vector<1x900xf32>
    %slice3A_1418 = vector.extract_strided_slice %get3A_1415 {offsets = [2, 0], sizes = [1, 900], strides = [1, 1]} : vector<4x900xf32> to vector<1x900xf32>
    %slice3A_1419 = vector.extract_strided_slice %get3A_1415 {offsets = [3, 0], sizes = [1, 900], strides = [1, 1]} : vector<4x900xf32> to vector<1x900xf32>
    %get3A_1420 = arith.constant 5 : index
    %get3A_1421 = arith.constant 0 : index
    %get3A_1422 = arith.constant 0 : index
    %get3A_1423 = vector.load %arg2[%get3A_1420, %get3A_1421, %get3A_1422] : memref<8x32x4xf32, #tpu.memory_space<vmem>>, vector<1x32x4xf32>
    %get3A_1424 = vector.shape_cast %get3A_1423 : vector<1x32x4xf32> to vector<32x4xf32>
    %slice3A_1425 = vector.extract_strided_slice %get3A_1424 {offsets = [0, 0], sizes = [32, 1], strides = [1, 1]} : vector<32x4xf32> to vector<32x1xf32>
    %slice3A_1426 = vector.extract_strided_slice %get3A_1424 {offsets = [0, 1], sizes = [32, 1], strides = [1, 1]} : vector<32x4xf32> to vector<32x1xf32>
    %slice3A_1427 = vector.extract_strided_slice %get3A_1424 {offsets = [0, 2], sizes = [32, 1], strides = [1, 1]} : vector<32x4xf32> to vector<32x1xf32>
    %slice3A_1428 = vector.extract_strided_slice %get3A_1424 {offsets = [0, 3], sizes = [32, 1], strides = [1, 1]} : vector<32x4xf32> to vector<32x1xf32>
    %sub3A_1429 = vector.broadcast %slice3A_1416 : vector<1x900xf32> to vector<32x900xf32>
    %sub3A_1430 = vector.broadcast %slice3A_1425 : vector<32x1xf32> to vector<32x900xf32>
    %sub3A_1431 = arith.subf %sub3A_1429, %sub3A_1430 : vector<32x900xf32>
    %abs3A_1432 = math.absf %sub3A_1431 : vector<32x900xf32>
    %sub3A_1433 = vector.broadcast %slice3A_1417 : vector<1x900xf32> to vector<32x900xf32>
    %sub3A_1434 = vector.broadcast %slice3A_1426 : vector<32x1xf32> to vector<32x900xf32>
    %sub3A_1435 = arith.subf %sub3A_1433, %sub3A_1434 : vector<32x900xf32>
    %abs3A_1436 = math.absf %sub3A_1435 : vector<32x900xf32>
    %add3A_1437 = arith.addf %abs3A_1432, %abs3A_1436 : vector<32x900xf32>
    %sub3A_1438 = vector.broadcast %slice3A_1418 : vector<1x900xf32> to vector<32x900xf32>
    %sub3A_1439 = vector.broadcast %slice3A_1427 : vector<32x1xf32> to vector<32x900xf32>
    %sub3A_1440 = arith.subf %sub3A_1438, %sub3A_1439 : vector<32x900xf32>
    %abs3A_1441 = math.absf %sub3A_1440 : vector<32x900xf32>
    %add3A_1442 = arith.addf %add3A_1437, %abs3A_1441 : vector<32x900xf32>
    %sub3A_1443 = vector.broadcast %slice3A_1419 : vector<1x900xf32> to vector<32x900xf32>
    %sub3A_1444 = vector.broadcast %slice3A_1428 : vector<32x1xf32> to vector<32x900xf32>
    %sub3A_1445 = arith.subf %sub3A_1443, %sub3A_1444 : vector<32x900xf32>
    %abs3A_1446 = math.absf %sub3A_1445 : vector<32x900xf32>
    %add3A_1447 = arith.addf %add3A_1442, %abs3A_1446 : vector<32x900xf32>
    %mul3A_1448 = arith.constant 5.000000e-01 : f32
    %mul3A_1449 = vector.broadcast %mul3A_1448 : f32 to vector<1x900xf32>
    %mul3A_1450 = arith.mulf %mul3A_1449, %slice3A_1418 : vector<1x900xf32>
    %sub3A_1451 = arith.subf %slice3A_1416, %mul3A_1450 : vector<1x900xf32>
    %mul3A_1452 = arith.constant 5.000000e-01 : f32
    %mul3A_1453 = vector.broadcast %mul3A_1452 : f32 to vector<1x900xf32>
    %mul3A_1454 = arith.mulf %mul3A_1453, %slice3A_1418 : vector<1x900xf32>
    %add3A_1455 = arith.addf %slice3A_1416, %mul3A_1454 : vector<1x900xf32>
    %mul3A_1456 = arith.constant 5.000000e-01 : f32
    %mul3A_1457 = vector.broadcast %mul3A_1456 : f32 to vector<1x900xf32>
    %mul3A_1458 = arith.mulf %mul3A_1457, %slice3A_1419 : vector<1x900xf32>
    %sub3A_1459 = arith.subf %slice3A_1417, %mul3A_1458 : vector<1x900xf32>
    %mul3A_1460 = arith.constant 5.000000e-01 : f32
    %mul3A_1461 = vector.broadcast %mul3A_1460 : f32 to vector<1x900xf32>
    %mul3A_1462 = arith.mulf %mul3A_1461, %slice3A_1419 : vector<1x900xf32>
    %add3A_1463 = arith.addf %slice3A_1417, %mul3A_1462 : vector<1x900xf32>
    %mul3A_1464 = arith.constant 5.000000e-01 : f32
    %mul3A_1465 = vector.broadcast %mul3A_1464 : f32 to vector<32x1xf32>
    %mul3A_1466 = arith.mulf %mul3A_1465, %slice3A_1427 : vector<32x1xf32>
    %sub3A_1467 = arith.subf %slice3A_1425, %mul3A_1466 : vector<32x1xf32>
    %mul3A_1468 = arith.constant 5.000000e-01 : f32
    %mul3A_1469 = vector.broadcast %mul3A_1468 : f32 to vector<32x1xf32>
    %mul3A_1470 = arith.mulf %mul3A_1469, %slice3A_1427 : vector<32x1xf32>
    %add3A_1471 = arith.addf %slice3A_1425, %mul3A_1470 : vector<32x1xf32>
    %mul3A_1472 = arith.constant 5.000000e-01 : f32
    %mul3A_1473 = vector.broadcast %mul3A_1472 : f32 to vector<32x1xf32>
    %mul3A_1474 = arith.mulf %mul3A_1473, %slice3A_1428 : vector<32x1xf32>
    %sub3A_1475 = arith.subf %slice3A_1426, %mul3A_1474 : vector<32x1xf32>
    %mul3A_1476 = arith.constant 5.000000e-01 : f32
    %mul3A_1477 = vector.broadcast %mul3A_1476 : f32 to vector<32x1xf32>
    %mul3A_1478 = arith.mulf %mul3A_1477, %slice3A_1428 : vector<32x1xf32>
    %add3A_1479 = arith.addf %slice3A_1426, %mul3A_1478 : vector<32x1xf32>
    %sub3A_1480 = arith.subf %add3A_1455, %sub3A_1451 : vector<1x900xf32>
    %sub3A_1481 = arith.subf %add3A_1463, %sub3A_1459 : vector<1x900xf32>
    %mul3A_1482 = arith.mulf %sub3A_1480, %sub3A_1481 : vector<1x900xf32>
    %sub3A_1483 = arith.subf %add3A_1471, %sub3A_1467 : vector<32x1xf32>
    %sub3A_1484 = arith.subf %add3A_1479, %sub3A_1475 : vector<32x1xf32>
    %mul3A_1485 = arith.mulf %sub3A_1483, %sub3A_1484 : vector<32x1xf32>
    %min3A_1486 = vector.broadcast %add3A_1455 : vector<1x900xf32> to vector<32x900xf32>
    %min3A_1487 = vector.broadcast %add3A_1471 : vector<32x1xf32> to vector<32x900xf32>
    %min3A_1488 = arith.minimumf %min3A_1486, %min3A_1487 : vector<32x900xf32>
    %max3A_1489 = vector.broadcast %sub3A_1451 : vector<1x900xf32> to vector<32x900xf32>
    %max3A_1490 = vector.broadcast %sub3A_1467 : vector<32x1xf32> to vector<32x900xf32>
    %max3A_1491 = arith.maximumf %max3A_1489, %max3A_1490 : vector<32x900xf32>
    %sub3A_1492 = arith.subf %min3A_1488, %max3A_1491 : vector<32x900xf32>
    %jit3A_1493 = arith.constant 0.000000e+00 : f32
    %max3A_1494 = vector.broadcast %jit3A_1493 : f32 to vector<32x900xf32>
    %max3A_1495 = arith.maximumf %max3A_1494, %sub3A_1492 : vector<32x900xf32>
    %min3A_1496 = vector.broadcast %add3A_1463 : vector<1x900xf32> to vector<32x900xf32>
    %min3A_1497 = vector.broadcast %add3A_1479 : vector<32x1xf32> to vector<32x900xf32>
    %min3A_1498 = arith.minimumf %min3A_1496, %min3A_1497 : vector<32x900xf32>
    %max3A_1499 = vector.broadcast %sub3A_1459 : vector<1x900xf32> to vector<32x900xf32>
    %max3A_1500 = vector.broadcast %sub3A_1475 : vector<32x1xf32> to vector<32x900xf32>
    %max3A_1501 = arith.maximumf %max3A_1499, %max3A_1500 : vector<32x900xf32>
    %sub3A_1502 = arith.subf %min3A_1498, %max3A_1501 : vector<32x900xf32>
    %jit3A_1503 = arith.constant 0.000000e+00 : f32
    %max3A_1504 = vector.broadcast %jit3A_1503 : f32 to vector<32x900xf32>
    %max3A_1505 = arith.maximumf %max3A_1504, %sub3A_1502 : vector<32x900xf32>
    %mul3A_1506 = arith.mulf %max3A_1495, %max3A_1505 : vector<32x900xf32>
    %add3A_1507 = vector.broadcast %mul3A_1482 : vector<1x900xf32> to vector<32x900xf32>
    %add3A_1508 = vector.broadcast %mul3A_1485 : vector<32x1xf32> to vector<32x900xf32>
    %add3A_1509 = arith.addf %add3A_1507, %add3A_1508 : vector<32x900xf32>
    %sub3A_1510 = arith.subf %add3A_1509, %mul3A_1506 : vector<32x900xf32>
    %div3A_1511 = arith.divf %mul3A_1506, %sub3A_1510 : vector<32x900xf32>
    %max3A_1512 = vector.broadcast %add3A_1455 : vector<1x900xf32> to vector<32x900xf32>
    %max3A_1513 = vector.broadcast %add3A_1471 : vector<32x1xf32> to vector<32x900xf32>
    %max3A_1514 = arith.maximumf %max3A_1512, %max3A_1513 : vector<32x900xf32>
    %min3A_1515 = vector.broadcast %sub3A_1451 : vector<1x900xf32> to vector<32x900xf32>
    %min3A_1516 = vector.broadcast %sub3A_1467 : vector<32x1xf32> to vector<32x900xf32>
    %min3A_1517 = arith.minimumf %min3A_1515, %min3A_1516 : vector<32x900xf32>
    %sub3A_1518 = arith.subf %max3A_1514, %min3A_1517 : vector<32x900xf32>
    %jit3A_1519 = arith.constant 0.000000e+00 : f32
    %max3A_1520 = vector.broadcast %jit3A_1519 : f32 to vector<32x900xf32>
    %max3A_1521 = arith.maximumf %max3A_1520, %sub3A_1518 : vector<32x900xf32>
    %max3A_1522 = vector.broadcast %add3A_1463 : vector<1x900xf32> to vector<32x900xf32>
    %max3A_1523 = vector.broadcast %add3A_1479 : vector<32x1xf32> to vector<32x900xf32>
    %max3A_1524 = arith.maximumf %max3A_1522, %max3A_1523 : vector<32x900xf32>
    %min3A_1525 = vector.broadcast %sub3A_1459 : vector<1x900xf32> to vector<32x900xf32>
    %min3A_1526 = vector.broadcast %sub3A_1475 : vector<32x1xf32> to vector<32x900xf32>
    %min3A_1527 = arith.minimumf %min3A_1525, %min3A_1526 : vector<32x900xf32>
    %sub3A_1528 = arith.subf %max3A_1524, %min3A_1527 : vector<32x900xf32>
    %jit3A_1529 = arith.constant 0.000000e+00 : f32
    %max3A_1530 = vector.broadcast %jit3A_1529 : f32 to vector<32x900xf32>
    %max3A_1531 = arith.maximumf %max3A_1530, %sub3A_1528 : vector<32x900xf32>
    %mul3A_1532 = arith.mulf %max3A_1521, %max3A_1531 : vector<32x900xf32>
    %sub3A_1533 = arith.subf %mul3A_1532, %sub3A_1510 : vector<32x900xf32>
    %div3A_1534 = arith.divf %sub3A_1533, %mul3A_1532 : vector<32x900xf32>
    %sub3A_1535 = arith.subf %div3A_1511, %div3A_1534 : vector<32x900xf32>
    %mul3A_1536 = arith.constant 5.000000e+00 : f32
    %mul3A_1537 = vector.broadcast %mul3A_1536 : f32 to vector<32x900xf32>
    %mul3A_1538 = arith.mulf %mul3A_1537, %add3A_1447 : vector<32x900xf32>
    %neg3A_1539 = arith.constant 0.000000e+00 : f32
    %neg3A_1540 = vector.broadcast %neg3A_1539 : f32 to vector<32x900xf32>
    %neg3A_1541 = arith.subf %neg3A_1540, %dot_general3A_1410 : vector<32x900xf32>
    %mul3A_1542 = arith.constant 1.000000e+00 : f32
    %mul3A_1543 = vector.broadcast %mul3A_1542 : f32 to vector<32x900xf32>
    %mul3A_1544 = arith.mulf %mul3A_1543, %neg3A_1541 : vector<32x900xf32>
    %add3A_1545 = arith.addf %mul3A_1538, %mul3A_1544 : vector<32x900xf32>
    %neg3A_1546 = arith.constant 0.000000e+00 : f32
    %neg3A_1547 = vector.broadcast %neg3A_1546 : f32 to vector<32x900xf32>
    %neg3A_1548 = arith.subf %neg3A_1547, %sub3A_1535 : vector<32x900xf32>
    %mul3A_1549 = arith.constant 2.000000e+00 : f32
    %mul3A_1550 = vector.broadcast %mul3A_1549 : f32 to vector<32x900xf32>
    %mul3A_1551 = arith.mulf %mul3A_1550, %neg3A_1548 : vector<32x900xf32>
    %add3A_1552 = arith.addf %add3A_1545, %mul3A_1551 : vector<32x900xf32>
    %neg3A_1553 = arith.constant 0.000000e+00 : f32
    %neg3A_1554 = vector.broadcast %neg3A_1553 : f32 to vector<32x900xf32>
    %neg3A_1555 = arith.subf %neg3A_1554, %add3A_1552 : vector<32x900xf32>
    %sub3A_1556 = arith.constant -5.500000e+00 : f32
    %sub3A_1557 = vector.broadcast %sub3A_1556 : f32 to vector<32x900xf32>
    %sub3A_1558 = arith.subf %neg3A_1555, %sub3A_1557 : vector<32x900xf32>
    %div3A_1559 = arith.constant 3.53553391 : f32
    %div3A_1560 = vector.broadcast %div3A_1559 : f32 to vector<32x900xf32>
    %div3A_1561 = arith.divf %sub3A_1558, %div3A_1560 : vector<32x900xf32>
    %erf3A_1562 = math.erf %div3A_1561 : vector<32x900xf32>
    %add3A_1563 = arith.constant 1.000000e+00 : f32
    %add3A_1564 = vector.broadcast %add3A_1563 : f32 to vector<32x900xf32>
    %add3A_1565 = arith.addf %add3A_1564, %erf3A_1562 : vector<32x900xf32>
    %mul3A_1566 = arith.constant 5.000000e-01 : f32
    %mul3A_1567 = vector.broadcast %mul3A_1566 : f32 to vector<32x900xf32>
    %mul3A_1568 = arith.mulf %mul3A_1567, %add3A_1565 : vector<32x900xf32>
    %erf_inv3A_1569 = arith.constant 0.000000e+00 : f32
    %erf_inv3A_1570 = vector.broadcast %erf_inv3A_1569 : f32 to vector<32x900xf32>
    %erf_inv3A_1571 = arith.subf %erf_inv3A_1570, %mul3A_1568 : vector<32x900xf32>
    %erf_inv3A_1572 = arith.mulf %mul3A_1568, %erf_inv3A_1571 : vector<32x900xf32>
    %erf_inv3A_1573 = math.log1p %erf_inv3A_1572 : vector<32x900xf32>
    %erf_inv3A_1574 = arith.constant 0.000000e+00 : f32
    %erf_inv3A_1575 = vector.broadcast %erf_inv3A_1574 : f32 to vector<32x900xf32>
    %erf_inv3A_1576 = arith.subf %erf_inv3A_1575, %erf_inv3A_1573 : vector<32x900xf32>
    %erf_inv3A_1577 = arith.constant 5.000000e+00 : f32
    %erf_inv3A_1578 = vector.broadcast %erf_inv3A_1577 : f32 to vector<32x900xf32>
    %erf_inv3A_1579 = arith.cmpf olt, %erf_inv3A_1576, %erf_inv3A_1578 : vector<32x900xf32>
    %erf_inv3A_1580 = arith.constant 2.500000e+00 : f32
    %erf_inv3A_1581 = vector.broadcast %erf_inv3A_1580 : f32 to vector<32x900xf32>
    %erf_inv3A_1582 = arith.subf %erf_inv3A_1576, %erf_inv3A_1581 : vector<32x900xf32>
    %erf_inv3A_1583 = math.sqrt %erf_inv3A_1576 : vector<32x900xf32>
    %erf_inv3A_1584 = arith.constant 3.000000e+00 : f32
    %erf_inv3A_1585 = vector.broadcast %erf_inv3A_1584 : f32 to vector<32x900xf32>
    %erf_inv3A_1586 = arith.subf %erf_inv3A_1583, %erf_inv3A_1585 : vector<32x900xf32>
    %erf_inv3A_1587 = arith.select %erf_inv3A_1579, %erf_inv3A_1582, %erf_inv3A_1586 : vector<32x900xi1>, vector<32x900xf32>
    %erf_inv3A_1588 = arith.constant 2.81022636E-8 : f32
    %erf_inv3A_1589 = arith.constant -2.00214257E-4 : f32
    %erf_inv3A_1590 = vector.broadcast %erf_inv3A_1588 : f32 to vector<32x900xf32>
    %erf_inv3A_1591 = vector.broadcast %erf_inv3A_1589 : f32 to vector<32x900xf32>
    %erf_inv3A_1592 = arith.select %erf_inv3A_1579, %erf_inv3A_1590, %erf_inv3A_1591 : vector<32x900xi1>, vector<32x900xf32>
    %erf_inv3A_1593 = arith.constant 3.43273939E-7 : f32
    %erf_inv3A_1594 = arith.constant 1.00950558E-4 : f32
    %erf_inv3A_1595 = vector.broadcast %erf_inv3A_1593 : f32 to vector<32x900xf32>
    %erf_inv3A_1596 = vector.broadcast %erf_inv3A_1594 : f32 to vector<32x900xf32>
    %erf_inv3A_1597 = arith.select %erf_inv3A_1579, %erf_inv3A_1595, %erf_inv3A_1596 : vector<32x900xi1>, vector<32x900xf32>
    %erf_inv3A_1598 = arith.mulf %erf_inv3A_1592, %erf_inv3A_1587 : vector<32x900xf32>
    %erf_inv3A_1599 = arith.addf %erf_inv3A_1597, %erf_inv3A_1598 : vector<32x900xf32>
    %erf_inv3A_1600 = arith.constant -3.5233877E-6 : f32
    %erf_inv3A_1601 = arith.constant 0.00134934322 : f32
    %erf_inv3A_1602 = vector.broadcast %erf_inv3A_1600 : f32 to vector<32x900xf32>
    %erf_inv3A_1603 = vector.broadcast %erf_inv3A_1601 : f32 to vector<32x900xf32>
    %erf_inv3A_1604 = arith.select %erf_inv3A_1579, %erf_inv3A_1602, %erf_inv3A_1603 : vector<32x900xi1>, vector<32x900xf32>
    %erf_inv3A_1605 = arith.mulf %erf_inv3A_1599, %erf_inv3A_1587 : vector<32x900xf32>
    %erf_inv3A_1606 = arith.addf %erf_inv3A_1604, %erf_inv3A_1605 : vector<32x900xf32>
    %erf_inv3A_1607 = arith.constant -4.39150654E-6 : f32
    %erf_inv3A_1608 = arith.constant -0.00367342844 : f32
    %erf_inv3A_1609 = vector.broadcast %erf_inv3A_1607 : f32 to vector<32x900xf32>
    %erf_inv3A_1610 = vector.broadcast %erf_inv3A_1608 : f32 to vector<32x900xf32>
    %erf_inv3A_1611 = arith.select %erf_inv3A_1579, %erf_inv3A_1609, %erf_inv3A_1610 : vector<32x900xi1>, vector<32x900xf32>
    %erf_inv3A_1612 = arith.mulf %erf_inv3A_1606, %erf_inv3A_1587 : vector<32x900xf32>
    %erf_inv3A_1613 = arith.addf %erf_inv3A_1611, %erf_inv3A_1612 : vector<32x900xf32>
    %erf_inv3A_1614 = arith.constant 2.1858087E-4 : f32
    %erf_inv3A_1615 = arith.constant 0.00573950773 : f32
    %erf_inv3A_1616 = vector.broadcast %erf_inv3A_1614 : f32 to vector<32x900xf32>
    %erf_inv3A_1617 = vector.broadcast %erf_inv3A_1615 : f32 to vector<32x900xf32>
    %erf_inv3A_1618 = arith.select %erf_inv3A_1579, %erf_inv3A_1616, %erf_inv3A_1617 : vector<32x900xi1>, vector<32x900xf32>
    %erf_inv3A_1619 = arith.mulf %erf_inv3A_1613, %erf_inv3A_1587 : vector<32x900xf32>
    %erf_inv3A_1620 = arith.addf %erf_inv3A_1618, %erf_inv3A_1619 : vector<32x900xf32>
    %erf_inv3A_1621 = arith.constant -0.00125372503 : f32
    %erf_inv3A_1622 = arith.constant -0.0076224613 : f32
    %erf_inv3A_1623 = vector.broadcast %erf_inv3A_1621 : f32 to vector<32x900xf32>
    %erf_inv3A_1624 = vector.broadcast %erf_inv3A_1622 : f32 to vector<32x900xf32>
    %erf_inv3A_1625 = arith.select %erf_inv3A_1579, %erf_inv3A_1623, %erf_inv3A_1624 : vector<32x900xi1>, vector<32x900xf32>
    %erf_inv3A_1626 = arith.mulf %erf_inv3A_1620, %erf_inv3A_1587 : vector<32x900xf32>
    %erf_inv3A_1627 = arith.addf %erf_inv3A_1625, %erf_inv3A_1626 : vector<32x900xf32>
    %erf_inv3A_1628 = arith.constant -0.00417768164 : f32
    %erf_inv3A_1629 = arith.constant 0.00943887047 : f32
    %erf_inv3A_1630 = vector.broadcast %erf_inv3A_1628 : f32 to vector<32x900xf32>
    %erf_inv3A_1631 = vector.broadcast %erf_inv3A_1629 : f32 to vector<32x900xf32>
    %erf_inv3A_1632 = arith.select %erf_inv3A_1579, %erf_inv3A_1630, %erf_inv3A_1631 : vector<32x900xi1>, vector<32x900xf32>
    %erf_inv3A_1633 = arith.mulf %erf_inv3A_1627, %erf_inv3A_1587 : vector<32x900xf32>
    %erf_inv3A_1634 = arith.addf %erf_inv3A_1632, %erf_inv3A_1633 : vector<32x900xf32>
    %erf_inv3A_1635 = arith.constant 0.246640727 : f32
    %erf_inv3A_1636 = arith.constant 1.00167406 : f32
    %erf_inv3A_1637 = vector.broadcast %erf_inv3A_1635 : f32 to vector<32x900xf32>
    %erf_inv3A_1638 = vector.broadcast %erf_inv3A_1636 : f32 to vector<32x900xf32>
    %erf_inv3A_1639 = arith.select %erf_inv3A_1579, %erf_inv3A_1637, %erf_inv3A_1638 : vector<32x900xi1>, vector<32x900xf32>
    %erf_inv3A_1640 = arith.mulf %erf_inv3A_1634, %erf_inv3A_1587 : vector<32x900xf32>
    %erf_inv3A_1641 = arith.addf %erf_inv3A_1639, %erf_inv3A_1640 : vector<32x900xf32>
    %erf_inv3A_1642 = arith.constant 1.50140941 : f32
    %erf_inv3A_1643 = arith.constant 2.83297682 : f32
    %erf_inv3A_1644 = vector.broadcast %erf_inv3A_1642 : f32 to vector<32x900xf32>
    %erf_inv3A_1645 = vector.broadcast %erf_inv3A_1643 : f32 to vector<32x900xf32>
    %erf_inv3A_1646 = arith.select %erf_inv3A_1579, %erf_inv3A_1644, %erf_inv3A_1645 : vector<32x900xi1>, vector<32x900xf32>
    %erf_inv3A_1647 = arith.mulf %erf_inv3A_1641, %erf_inv3A_1587 : vector<32x900xf32>
    %erf_inv3A_1648 = arith.addf %erf_inv3A_1646, %erf_inv3A_1647 : vector<32x900xf32>
    %erf_inv3A_1649 = math.absf %mul3A_1568 : vector<32x900xf32>
    %erf_inv3A_1650 = arith.constant 1.000000e+00 : f32
    %erf_inv3A_1651 = vector.broadcast %erf_inv3A_1650 : f32 to vector<32x900xf32>
    %erf_inv3A_1652 = arith.cmpf oeq, %erf_inv3A_1649, %erf_inv3A_1651 : vector<32x900xf32>
    %erf_inv3A_1653 = arith.constant 0x7F800000 : f32
    %erf_inv3A_1654 = vector.broadcast %erf_inv3A_1653 : f32 to vector<32x900xf32>
    %erf_inv3A_1655 = arith.mulf %erf_inv3A_1654, %mul3A_1568 : vector<32x900xf32>
    %erf_inv3A_1656 = arith.mulf %erf_inv3A_1648, %mul3A_1568 : vector<32x900xf32>
    %erf_inv3A_1657 = arith.select %erf_inv3A_1652, %erf_inv3A_1655, %erf_inv3A_1656 : vector<32x900xi1>, vector<32x900xf32>
    %mul3A_1658 = arith.constant 0.424264073 : f32
    %mul3A_1659 = vector.broadcast %mul3A_1658 : f32 to vector<32x900xf32>
    %mul3A_1660 = arith.mulf %mul3A_1659, %erf_inv3A_1657 : vector<32x900xf32>
    %swap3A_1661 = arith.constant 160 : index
    %swap3A_1662 = arith.constant 0 : index
    %swap3A_1663 = vector.load %arg8[%swap3A_1661, %swap3A_1662] : memref<256x900xf32, #tpu.memory_space<vmem>>, vector<32x900xf32>
    tpu.vector_store %arg8[%swap3A_1661, %swap3A_1662], %mul3A_1660 {strides = array<i32>} : memref<256x900xf32, #tpu.memory_space<vmem>>, vector<32x900xf32>,
    %get3A_1664 = arith.constant 6 : index
    %get3A_1665 = arith.constant 0 : index
    %get3A_1666 = arith.constant 0 : index
    %get3A_1667 = vector.load %arg0[%get3A_1664, %get3A_1665, %get3A_1666] : memref<8x900x92xf32, #tpu.memory_space<vmem>>, vector<1x900x92xf32>
    %get3A_1668 = vector.shape_cast %get3A_1667 : vector<1x900x92xf32> to vector<900x92xf32>
    %reduce_max3A_1669 = arith.constant dense<0xFF800000> : vector<900xf32>
    %reduce_max3A_1670 = vector.multi_reduction <maximumf>, %get3A_1668, %reduce_max3A_1669 [1] : vector<900x92xf32> to vector<900xf32>
    %broadcast_in_dim3A_1671 = vector.shape_cast %reduce_max3A_1670 : vector<900xf32> to vector<900x1xf32>
    %sub3A_1672 = vector.broadcast %broadcast_in_dim3A_1671 : vector<900x1xf32> to vector<900x92xf32>
    %sub3A_1673 = arith.subf %get3A_1668, %sub3A_1672 : vector<900x92xf32>
    %exp3A_1674 = math.exp %sub3A_1673 : vector<900x92xf32>
    %reduce_sum3A_1675 = arith.constant dense<0.000000e+00> : vector<900xf32>
    %reduce_sum3A_1676 = vector.multi_reduction <add>, %exp3A_1674, %reduce_sum3A_1675 [1] : vector<900x92xf32> to vector<900xf32>
    %broadcast_in_dim3A_1677 = vector.shape_cast %reduce_sum3A_1676 : vector<900xf32> to vector<900x1xf32>
    %div3A_1678 = vector.broadcast %broadcast_in_dim3A_1677 : vector<900x1xf32> to vector<900x92xf32>
    %div3A_1679 = arith.divf %exp3A_1674, %div3A_1678 : vector<900x92xf32>
    %get3A_1680 = arith.constant 6 : index
    %get3A_1681 = arith.constant 0 : index
    %get3A_1682 = arith.constant 0 : index
    %get3A_1683 = vector.load %arg3[%get3A_1680, %get3A_1681, %get3A_1682] : memref<8x32x1xi32, #tpu.memory_space<vmem>>, vector<1x32x1xi32>
    %get3A_1684 = vector.shape_cast %get3A_1683 : vector<1x32x1xi32> to vector<32x1xi32>
    %iota3A_1685 = tpu.iota {dimensions = array<i32: 1>} : vector<32x92xi32>
    %eq3A_1686 = vector.broadcast %get3A_1684 : vector<32x1xi32> to vector<32x92xi32>
    %eq3A_1687 = arith.cmpi eq, %eq3A_1686, %iota3A_1685 : vector<32x92xi32>
    %convert_element_type3A_1688 = arith.extui %eq3A_1687 : vector<32x92xi1> to vector<32x92xi32>
    %convert_element_type3A_1689 = arith.sitofp %convert_element_type3A_1688 : vector<32x92xi32> to vector<32x92xf32>
    %dot_general3A_1690 = arith.constant dense<0.000000e+00> : vector<32x900xf32>
    %dot_general3A_1691 = tpu.matmul %convert_element_type3A_1689, %div3A_1679, %dot_general3A_1690 {dimension_numbers = #tpu.dot_dimension_numbers<[1], [1], [0], [0], [0, 0, 1, 0], [], []>, transpose_lhs_hint = false} : vector<32x92xf32>, vector<900x92xf32>, vector<32x900xf32> -> vector<32x900xf32>
    %get3A_1692 = arith.constant 6 : index
    %get3A_1693 = arith.constant 0 : index
    %get3A_1694 = arith.constant 0 : index
    %get3A_1695 = vector.load %arg1[%get3A_1692, %get3A_1693, %get3A_1694] : memref<8x4x900xf32, #tpu.memory_space<vmem>>, vector<1x4x900xf32>
    %get3A_1696 = vector.shape_cast %get3A_1695 : vector<1x4x900xf32> to vector<4x900xf32>
    %slice3A_1697 = vector.extract_strided_slice %get3A_1696 {offsets = [0, 0], sizes = [1, 900], strides = [1, 1]} : vector<4x900xf32> to vector<1x900xf32>
    %slice3A_1698 = vector.extract_strided_slice %get3A_1696 {offsets = [1, 0], sizes = [1, 900], strides = [1, 1]} : vector<4x900xf32> to vector<1x900xf32>
    %slice3A_1699 = vector.extract_strided_slice %get3A_1696 {offsets = [2, 0], sizes = [1, 900], strides = [1, 1]} : vector<4x900xf32> to vector<1x900xf32>
    %slice3A_1700 = vector.extract_strided_slice %get3A_1696 {offsets = [3, 0], sizes = [1, 900], strides = [1, 1]} : vector<4x900xf32> to vector<1x900xf32>
    %get3A_1701 = arith.constant 6 : index
    %get3A_1702 = arith.constant 0 : index
    %get3A_1703 = arith.constant 0 : index
    %get3A_1704 = vector.load %arg2[%get3A_1701, %get3A_1702, %get3A_1703] : memref<8x32x4xf32, #tpu.memory_space<vmem>>, vector<1x32x4xf32>
    %get3A_1705 = vector.shape_cast %get3A_1704 : vector<1x32x4xf32> to vector<32x4xf32>
    %slice3A_1706 = vector.extract_strided_slice %get3A_1705 {offsets = [0, 0], sizes = [32, 1], strides = [1, 1]} : vector<32x4xf32> to vector<32x1xf32>
    %slice3A_1707 = vector.extract_strided_slice %get3A_1705 {offsets = [0, 1], sizes = [32, 1], strides = [1, 1]} : vector<32x4xf32> to vector<32x1xf32>
    %slice3A_1708 = vector.extract_strided_slice %get3A_1705 {offsets = [0, 2], sizes = [32, 1], strides = [1, 1]} : vector<32x4xf32> to vector<32x1xf32>
    %slice3A_1709 = vector.extract_strided_slice %get3A_1705 {offsets = [0, 3], sizes = [32, 1], strides = [1, 1]} : vector<32x4xf32> to vector<32x1xf32>
    %sub3A_1710 = vector.broadcast %slice3A_1697 : vector<1x900xf32> to vector<32x900xf32>
    %sub3A_1711 = vector.broadcast %slice3A_1706 : vector<32x1xf32> to vector<32x900xf32>
    %sub3A_1712 = arith.subf %sub3A_1710, %sub3A_1711 : vector<32x900xf32>
    %abs3A_1713 = math.absf %sub3A_1712 : vector<32x900xf32>
    %sub3A_1714 = vector.broadcast %slice3A_1698 : vector<1x900xf32> to vector<32x900xf32>
    %sub3A_1715 = vector.broadcast %slice3A_1707 : vector<32x1xf32> to vector<32x900xf32>
    %sub3A_1716 = arith.subf %sub3A_1714, %sub3A_1715 : vector<32x900xf32>
    %abs3A_1717 = math.absf %sub3A_1716 : vector<32x900xf32>
    %add3A_1718 = arith.addf %abs3A_1713, %abs3A_1717 : vector<32x900xf32>
    %sub3A_1719 = vector.broadcast %slice3A_1699 : vector<1x900xf32> to vector<32x900xf32>
    %sub3A_1720 = vector.broadcast %slice3A_1708 : vector<32x1xf32> to vector<32x900xf32>
    %sub3A_1721 = arith.subf %sub3A_1719, %sub3A_1720 : vector<32x900xf32>
    %abs3A_1722 = math.absf %sub3A_1721 : vector<32x900xf32>
    %add3A_1723 = arith.addf %add3A_1718, %abs3A_1722 : vector<32x900xf32>
    %sub3A_1724 = vector.broadcast %slice3A_1700 : vector<1x900xf32> to vector<32x900xf32>
    %sub3A_1725 = vector.broadcast %slice3A_1709 : vector<32x1xf32> to vector<32x900xf32>
    %sub3A_1726 = arith.subf %sub3A_1724, %sub3A_1725 : vector<32x900xf32>
    %abs3A_1727 = math.absf %sub3A_1726 : vector<32x900xf32>
    %add3A_1728 = arith.addf %add3A_1723, %abs3A_1727 : vector<32x900xf32>
    %mul3A_1729 = arith.constant 5.000000e-01 : f32
    %mul3A_1730 = vector.broadcast %mul3A_1729 : f32 to vector<1x900xf32>
    %mul3A_1731 = arith.mulf %mul3A_1730, %slice3A_1699 : vector<1x900xf32>
    %sub3A_1732 = arith.subf %slice3A_1697, %mul3A_1731 : vector<1x900xf32>
    %mul3A_1733 = arith.constant 5.000000e-01 : f32
    %mul3A_1734 = vector.broadcast %mul3A_1733 : f32 to vector<1x900xf32>
    %mul3A_1735 = arith.mulf %mul3A_1734, %slice3A_1699 : vector<1x900xf32>
    %add3A_1736 = arith.addf %slice3A_1697, %mul3A_1735 : vector<1x900xf32>
    %mul3A_1737 = arith.constant 5.000000e-01 : f32
    %mul3A_1738 = vector.broadcast %mul3A_1737 : f32 to vector<1x900xf32>
    %mul3A_1739 = arith.mulf %mul3A_1738, %slice3A_1700 : vector<1x900xf32>
    %sub3A_1740 = arith.subf %slice3A_1698, %mul3A_1739 : vector<1x900xf32>
    %mul3A_1741 = arith.constant 5.000000e-01 : f32
    %mul3A_1742 = vector.broadcast %mul3A_1741 : f32 to vector<1x900xf32>
    %mul3A_1743 = arith.mulf %mul3A_1742, %slice3A_1700 : vector<1x900xf32>
    %add3A_1744 = arith.addf %slice3A_1698, %mul3A_1743 : vector<1x900xf32>
    %mul3A_1745 = arith.constant 5.000000e-01 : f32
    %mul3A_1746 = vector.broadcast %mul3A_1745 : f32 to vector<32x1xf32>
    %mul3A_1747 = arith.mulf %mul3A_1746, %slice3A_1708 : vector<32x1xf32>
    %sub3A_1748 = arith.subf %slice3A_1706, %mul3A_1747 : vector<32x1xf32>
    %mul3A_1749 = arith.constant 5.000000e-01 : f32
    %mul3A_1750 = vector.broadcast %mul3A_1749 : f32 to vector<32x1xf32>
    %mul3A_1751 = arith.mulf %mul3A_1750, %slice3A_1708 : vector<32x1xf32>
    %add3A_1752 = arith.addf %slice3A_1706, %mul3A_1751 : vector<32x1xf32>
    %mul3A_1753 = arith.constant 5.000000e-01 : f32
    %mul3A_1754 = vector.broadcast %mul3A_1753 : f32 to vector<32x1xf32>
    %mul3A_1755 = arith.mulf %mul3A_1754, %slice3A_1709 : vector<32x1xf32>
    %sub3A_1756 = arith.subf %slice3A_1707, %mul3A_1755 : vector<32x1xf32>
    %mul3A_1757 = arith.constant 5.000000e-01 : f32
    %mul3A_1758 = vector.broadcast %mul3A_1757 : f32 to vector<32x1xf32>
    %mul3A_1759 = arith.mulf %mul3A_1758, %slice3A_1709 : vector<32x1xf32>
    %add3A_1760 = arith.addf %slice3A_1707, %mul3A_1759 : vector<32x1xf32>
    %sub3A_1761 = arith.subf %add3A_1736, %sub3A_1732 : vector<1x900xf32>
    %sub3A_1762 = arith.subf %add3A_1744, %sub3A_1740 : vector<1x900xf32>
    %mul3A_1763 = arith.mulf %sub3A_1761, %sub3A_1762 : vector<1x900xf32>
    %sub3A_1764 = arith.subf %add3A_1752, %sub3A_1748 : vector<32x1xf32>
    %sub3A_1765 = arith.subf %add3A_1760, %sub3A_1756 : vector<32x1xf32>
    %mul3A_1766 = arith.mulf %sub3A_1764, %sub3A_1765 : vector<32x1xf32>
    %min3A_1767 = vector.broadcast %add3A_1736 : vector<1x900xf32> to vector<32x900xf32>
    %min3A_1768 = vector.broadcast %add3A_1752 : vector<32x1xf32> to vector<32x900xf32>
    %min3A_1769 = arith.minimumf %min3A_1767, %min3A_1768 : vector<32x900xf32>
    %max3A_1770 = vector.broadcast %sub3A_1732 : vector<1x900xf32> to vector<32x900xf32>
    %max3A_1771 = vector.broadcast %sub3A_1748 : vector<32x1xf32> to vector<32x900xf32>
    %max3A_1772 = arith.maximumf %max3A_1770, %max3A_1771 : vector<32x900xf32>
    %sub3A_1773 = arith.subf %min3A_1769, %max3A_1772 : vector<32x900xf32>
    %jit3A_1774 = arith.constant 0.000000e+00 : f32
    %max3A_1775 = vector.broadcast %jit3A_1774 : f32 to vector<32x900xf32>
    %max3A_1776 = arith.maximumf %max3A_1775, %sub3A_1773 : vector<32x900xf32>
    %min3A_1777 = vector.broadcast %add3A_1744 : vector<1x900xf32> to vector<32x900xf32>
    %min3A_1778 = vector.broadcast %add3A_1760 : vector<32x1xf32> to vector<32x900xf32>
    %min3A_1779 = arith.minimumf %min3A_1777, %min3A_1778 : vector<32x900xf32>
    %max3A_1780 = vector.broadcast %sub3A_1740 : vector<1x900xf32> to vector<32x900xf32>
    %max3A_1781 = vector.broadcast %sub3A_1756 : vector<32x1xf32> to vector<32x900xf32>
    %max3A_1782 = arith.maximumf %max3A_1780, %max3A_1781 : vector<32x900xf32>
    %sub3A_1783 = arith.subf %min3A_1779, %max3A_1782 : vector<32x900xf32>
    %jit3A_1784 = arith.constant 0.000000e+00 : f32
    %max3A_1785 = vector.broadcast %jit3A_1784 : f32 to vector<32x900xf32>
    %max3A_1786 = arith.maximumf %max3A_1785, %sub3A_1783 : vector<32x900xf32>
    %mul3A_1787 = arith.mulf %max3A_1776, %max3A_1786 : vector<32x900xf32>
    %add3A_1788 = vector.broadcast %mul3A_1763 : vector<1x900xf32> to vector<32x900xf32>
    %add3A_1789 = vector.broadcast %mul3A_1766 : vector<32x1xf32> to vector<32x900xf32>
    %add3A_1790 = arith.addf %add3A_1788, %add3A_1789 : vector<32x900xf32>
    %sub3A_1791 = arith.subf %add3A_1790, %mul3A_1787 : vector<32x900xf32>
    %div3A_1792 = arith.divf %mul3A_1787, %sub3A_1791 : vector<32x900xf32>
    %max3A_1793 = vector.broadcast %add3A_1736 : vector<1x900xf32> to vector<32x900xf32>
    %max3A_1794 = vector.broadcast %add3A_1752 : vector<32x1xf32> to vector<32x900xf32>
    %max3A_1795 = arith.maximumf %max3A_1793, %max3A_1794 : vector<32x900xf32>
    %min3A_1796 = vector.broadcast %sub3A_1732 : vector<1x900xf32> to vector<32x900xf32>
    %min3A_1797 = vector.broadcast %sub3A_1748 : vector<32x1xf32> to vector<32x900xf32>
    %min3A_1798 = arith.minimumf %min3A_1796, %min3A_1797 : vector<32x900xf32>
    %sub3A_1799 = arith.subf %max3A_1795, %min3A_1798 : vector<32x900xf32>
    %jit3A_1800 = arith.constant 0.000000e+00 : f32
    %max3A_1801 = vector.broadcast %jit3A_1800 : f32 to vector<32x900xf32>
    %max3A_1802 = arith.maximumf %max3A_1801, %sub3A_1799 : vector<32x900xf32>
    %max3A_1803 = vector.broadcast %add3A_1744 : vector<1x900xf32> to vector<32x900xf32>
    %max3A_1804 = vector.broadcast %add3A_1760 : vector<32x1xf32> to vector<32x900xf32>
    %max3A_1805 = arith.maximumf %max3A_1803, %max3A_1804 : vector<32x900xf32>
    %min3A_1806 = vector.broadcast %sub3A_1740 : vector<1x900xf32> to vector<32x900xf32>
    %min3A_1807 = vector.broadcast %sub3A_1756 : vector<32x1xf32> to vector<32x900xf32>
    %min3A_1808 = arith.minimumf %min3A_1806, %min3A_1807 : vector<32x900xf32>
    %sub3A_1809 = arith.subf %max3A_1805, %min3A_1808 : vector<32x900xf32>
    %jit3A_1810 = arith.constant 0.000000e+00 : f32
    %max3A_1811 = vector.broadcast %jit3A_1810 : f32 to vector<32x900xf32>
    %max3A_1812 = arith.maximumf %max3A_1811, %sub3A_1809 : vector<32x900xf32>
    %mul3A_1813 = arith.mulf %max3A_1802, %max3A_1812 : vector<32x900xf32>
    %sub3A_1814 = arith.subf %mul3A_1813, %sub3A_1791 : vector<32x900xf32>
    %div3A_1815 = arith.divf %sub3A_1814, %mul3A_1813 : vector<32x900xf32>
    %sub3A_1816 = arith.subf %div3A_1792, %div3A_1815 : vector<32x900xf32>
    %mul3A_1817 = arith.constant 5.000000e+00 : f32
    %mul3A_1818 = vector.broadcast %mul3A_1817 : f32 to vector<32x900xf32>
    %mul3A_1819 = arith.mulf %mul3A_1818, %add3A_1728 : vector<32x900xf32>
    %neg3A_1820 = arith.constant 0.000000e+00 : f32
    %neg3A_1821 = vector.broadcast %neg3A_1820 : f32 to vector<32x900xf32>
    %neg3A_1822 = arith.subf %neg3A_1821, %dot_general3A_1691 : vector<32x900xf32>
    %mul3A_1823 = arith.constant 1.000000e+00 : f32
    %mul3A_1824 = vector.broadcast %mul3A_1823 : f32 to vector<32x900xf32>
    %mul3A_1825 = arith.mulf %mul3A_1824, %neg3A_1822 : vector<32x900xf32>
    %add3A_1826 = arith.addf %mul3A_1819, %mul3A_1825 : vector<32x900xf32>
    %neg3A_1827 = arith.constant 0.000000e+00 : f32
    %neg3A_1828 = vector.broadcast %neg3A_1827 : f32 to vector<32x900xf32>
    %neg3A_1829 = arith.subf %neg3A_1828, %sub3A_1816 : vector<32x900xf32>
    %mul3A_1830 = arith.constant 2.000000e+00 : f32
    %mul3A_1831 = vector.broadcast %mul3A_1830 : f32 to vector<32x900xf32>
    %mul3A_1832 = arith.mulf %mul3A_1831, %neg3A_1829 : vector<32x900xf32>
    %add3A_1833 = arith.addf %add3A_1826, %mul3A_1832 : vector<32x900xf32>
    %neg3A_1834 = arith.constant 0.000000e+00 : f32
    %neg3A_1835 = vector.broadcast %neg3A_1834 : f32 to vector<32x900xf32>
    %neg3A_1836 = arith.subf %neg3A_1835, %add3A_1833 : vector<32x900xf32>
    %sub3A_1837 = arith.constant -5.500000e+00 : f32
    %sub3A_1838 = vector.broadcast %sub3A_1837 : f32 to vector<32x900xf32>
    %sub3A_1839 = arith.subf %neg3A_1836, %sub3A_1838 : vector<32x900xf32>
    %div3A_1840 = arith.constant 3.53553391 : f32
    %div3A_1841 = vector.broadcast %div3A_1840 : f32 to vector<32x900xf32>
    %div3A_1842 = arith.divf %sub3A_1839, %div3A_1841 : vector<32x900xf32>
    %erf3A_1843 = math.erf %div3A_1842 : vector<32x900xf32>
    %add3A_1844 = arith.constant 1.000000e+00 : f32
    %add3A_1845 = vector.broadcast %add3A_1844 : f32 to vector<32x900xf32>
    %add3A_1846 = arith.addf %add3A_1845, %erf3A_1843 : vector<32x900xf32>
    %mul3A_1847 = arith.constant 5.000000e-01 : f32
    %mul3A_1848 = vector.broadcast %mul3A_1847 : f32 to vector<32x900xf32>
    %mul3A_1849 = arith.mulf %mul3A_1848, %add3A_1846 : vector<32x900xf32>
    %erf_inv3A_1850 = arith.constant 0.000000e+00 : f32
    %erf_inv3A_1851 = vector.broadcast %erf_inv3A_1850 : f32 to vector<32x900xf32>
    %erf_inv3A_1852 = arith.subf %erf_inv3A_1851, %mul3A_1849 : vector<32x900xf32>
    %erf_inv3A_1853 = arith.mulf %mul3A_1849, %erf_inv3A_1852 : vector<32x900xf32>
    %erf_inv3A_1854 = math.log1p %erf_inv3A_1853 : vector<32x900xf32>
    %erf_inv3A_1855 = arith.constant 0.000000e+00 : f32
    %erf_inv3A_1856 = vector.broadcast %erf_inv3A_1855 : f32 to vector<32x900xf32>
    %erf_inv3A_1857 = arith.subf %erf_inv3A_1856, %erf_inv3A_1854 : vector<32x900xf32>
    %erf_inv3A_1858 = arith.constant 5.000000e+00 : f32
    %erf_inv3A_1859 = vector.broadcast %erf_inv3A_1858 : f32 to vector<32x900xf32>
    %erf_inv3A_1860 = arith.cmpf olt, %erf_inv3A_1857, %erf_inv3A_1859 : vector<32x900xf32>
    %erf_inv3A_1861 = arith.constant 2.500000e+00 : f32
    %erf_inv3A_1862 = vector.broadcast %erf_inv3A_1861 : f32 to vector<32x900xf32>
    %erf_inv3A_1863 = arith.subf %erf_inv3A_1857, %erf_inv3A_1862 : vector<32x900xf32>
    %erf_inv3A_1864 = math.sqrt %erf_inv3A_1857 : vector<32x900xf32>
    %erf_inv3A_1865 = arith.constant 3.000000e+00 : f32
    %erf_inv3A_1866 = vector.broadcast %erf_inv3A_1865 : f32 to vector<32x900xf32>
    %erf_inv3A_1867 = arith.subf %erf_inv3A_1864, %erf_inv3A_1866 : vector<32x900xf32>
    %erf_inv3A_1868 = arith.select %erf_inv3A_1860, %erf_inv3A_1863, %erf_inv3A_1867 : vector<32x900xi1>, vector<32x900xf32>
    %erf_inv3A_1869 = arith.constant 2.81022636E-8 : f32
    %erf_inv3A_1870 = arith.constant -2.00214257E-4 : f32
    %erf_inv3A_1871 = vector.broadcast %erf_inv3A_1869 : f32 to vector<32x900xf32>
    %erf_inv3A_1872 = vector.broadcast %erf_inv3A_1870 : f32 to vector<32x900xf32>
    %erf_inv3A_1873 = arith.select %erf_inv3A_1860, %erf_inv3A_1871, %erf_inv3A_1872 : vector<32x900xi1>, vector<32x900xf32>
    %erf_inv3A_1874 = arith.constant 3.43273939E-7 : f32
    %erf_inv3A_1875 = arith.constant 1.00950558E-4 : f32
    %erf_inv3A_1876 = vector.broadcast %erf_inv3A_1874 : f32 to vector<32x900xf32>
    %erf_inv3A_1877 = vector.broadcast %erf_inv3A_1875 : f32 to vector<32x900xf32>
    %erf_inv3A_1878 = arith.select %erf_inv3A_1860, %erf_inv3A_1876, %erf_inv3A_1877 : vector<32x900xi1>, vector<32x900xf32>
    %erf_inv3A_1879 = arith.mulf %erf_inv3A_1873, %erf_inv3A_1868 : vector<32x900xf32>
    %erf_inv3A_1880 = arith.addf %erf_inv3A_1878, %erf_inv3A_1879 : vector<32x900xf32>
    %erf_inv3A_1881 = arith.constant -3.5233877E-6 : f32
    %erf_inv3A_1882 = arith.constant 0.00134934322 : f32
    %erf_inv3A_1883 = vector.broadcast %erf_inv3A_1881 : f32 to vector<32x900xf32>
    %erf_inv3A_1884 = vector.broadcast %erf_inv3A_1882 : f32 to vector<32x900xf32>
    %erf_inv3A_1885 = arith.select %erf_inv3A_1860, %erf_inv3A_1883, %erf_inv3A_1884 : vector<32x900xi1>, vector<32x900xf32>
    %erf_inv3A_1886 = arith.mulf %erf_inv3A_1880, %erf_inv3A_1868 : vector<32x900xf32>
    %erf_inv3A_1887 = arith.addf %erf_inv3A_1885, %erf_inv3A_1886 : vector<32x900xf32>
    %erf_inv3A_1888 = arith.constant -4.39150654E-6 : f32
    %erf_inv3A_1889 = arith.constant -0.00367342844 : f32
    %erf_inv3A_1890 = vector.broadcast %erf_inv3A_1888 : f32 to vector<32x900xf32>
    %erf_inv3A_1891 = vector.broadcast %erf_inv3A_1889 : f32 to vector<32x900xf32>
    %erf_inv3A_1892 = arith.select %erf_inv3A_1860, %erf_inv3A_1890, %erf_inv3A_1891 : vector<32x900xi1>, vector<32x900xf32>
    %erf_inv3A_1893 = arith.mulf %erf_inv3A_1887, %erf_inv3A_1868 : vector<32x900xf32>
    %erf_inv3A_1894 = arith.addf %erf_inv3A_1892, %erf_inv3A_1893 : vector<32x900xf32>
    %erf_inv3A_1895 = arith.constant 2.1858087E-4 : f32
    %erf_inv3A_1896 = arith.constant 0.00573950773 : f32
    %erf_inv3A_1897 = vector.broadcast %erf_inv3A_1895 : f32 to vector<32x900xf32>
    %erf_inv3A_1898 = vector.broadcast %erf_inv3A_1896 : f32 to vector<32x900xf32>
    %erf_inv3A_1899 = arith.select %erf_inv3A_1860, %erf_inv3A_1897, %erf_inv3A_1898 : vector<32x900xi1>, vector<32x900xf32>
    %erf_inv3A_1900 = arith.mulf %erf_inv3A_1894, %erf_inv3A_1868 : vector<32x900xf32>
    %erf_inv3A_1901 = arith.addf %erf_inv3A_1899, %erf_inv3A_1900 : vector<32x900xf32>
    %erf_inv3A_1902 = arith.constant -0.00125372503 : f32
    %erf_inv3A_1903 = arith.constant -0.0076224613 : f32
    %erf_inv3A_1904 = vector.broadcast %erf_inv3A_1902 : f32 to vector<32x900xf32>
    %erf_inv3A_1905 = vector.broadcast %erf_inv3A_1903 : f32 to vector<32x900xf32>
    %erf_inv3A_1906 = arith.select %erf_inv3A_1860, %erf_inv3A_1904, %erf_inv3A_1905 : vector<32x900xi1>, vector<32x900xf32>
    %erf_inv3A_1907 = arith.mulf %erf_inv3A_1901, %erf_inv3A_1868 : vector<32x900xf32>
    %erf_inv3A_1908 = arith.addf %erf_inv3A_1906, %erf_inv3A_1907 : vector<32x900xf32>
    %erf_inv3A_1909 = arith.constant -0.00417768164 : f32
    %erf_inv3A_1910 = arith.constant 0.00943887047 : f32
    %erf_inv3A_1911 = vector.broadcast %erf_inv3A_1909 : f32 to vector<32x900xf32>
    %erf_inv3A_1912 = vector.broadcast %erf_inv3A_1910 : f32 to vector<32x900xf32>
    %erf_inv3A_1913 = arith.select %erf_inv3A_1860, %erf_inv3A_1911, %erf_inv3A_1912 : vector<32x900xi1>, vector<32x900xf32>
    %erf_inv3A_1914 = arith.mulf %erf_inv3A_1908, %erf_inv3A_1868 : vector<32x900xf32>
    %erf_inv3A_1915 = arith.addf %erf_inv3A_1913, %erf_inv3A_1914 : vector<32x900xf32>
    %erf_inv3A_1916 = arith.constant 0.246640727 : f32
    %erf_inv3A_1917 = arith.constant 1.00167406 : f32
    %erf_inv3A_1918 = vector.broadcast %erf_inv3A_1916 : f32 to vector<32x900xf32>
    %erf_inv3A_1919 = vector.broadcast %erf_inv3A_1917 : f32 to vector<32x900xf32>
    %erf_inv3A_1920 = arith.select %erf_inv3A_1860, %erf_inv3A_1918, %erf_inv3A_1919 : vector<32x900xi1>, vector<32x900xf32>
    %erf_inv3A_1921 = arith.mulf %erf_inv3A_1915, %erf_inv3A_1868 : vector<32x900xf32>
    %erf_inv3A_1922 = arith.addf %erf_inv3A_1920, %erf_inv3A_1921 : vector<32x900xf32>
    %erf_inv3A_1923 = arith.constant 1.50140941 : f32
    %erf_inv3A_1924 = arith.constant 2.83297682 : f32
    %erf_inv3A_1925 = vector.broadcast %erf_inv3A_1923 : f32 to vector<32x900xf32>
    %erf_inv3A_1926 = vector.broadcast %erf_inv3A_1924 : f32 to vector<32x900xf32>
    %erf_inv3A_1927 = arith.select %erf_inv3A_1860, %erf_inv3A_1925, %erf_inv3A_1926 : vector<32x900xi1>, vector<32x900xf32>
    %erf_inv3A_1928 = arith.mulf %erf_inv3A_1922, %erf_inv3A_1868 : vector<32x900xf32>
    %erf_inv3A_1929 = arith.addf %erf_inv3A_1927, %erf_inv3A_1928 : vector<32x900xf32>
    %erf_inv3A_1930 = math.absf %mul3A_1849 : vector<32x900xf32>
    %erf_inv3A_1931 = arith.constant 1.000000e+00 : f32
    %erf_inv3A_1932 = vector.broadcast %erf_inv3A_1931 : f32 to vector<32x900xf32>
    %erf_inv3A_1933 = arith.cmpf oeq, %erf_inv3A_1930, %erf_inv3A_1932 : vector<32x900xf32>
    %erf_inv3A_1934 = arith.constant 0x7F800000 : f32
    %erf_inv3A_1935 = vector.broadcast %erf_inv3A_1934 : f32 to vector<32x900xf32>
    %erf_inv3A_1936 = arith.mulf %erf_inv3A_1935, %mul3A_1849 : vector<32x900xf32>
    %erf_inv3A_1937 = arith.mulf %erf_inv3A_1929, %mul3A_1849 : vector<32x900xf32>
    %erf_inv3A_1938 = arith.select %erf_inv3A_1933, %erf_inv3A_1936, %erf_inv3A_1937 : vector<32x900xi1>, vector<32x900xf32>
    %mul3A_1939 = arith.constant 0.424264073 : f32
    %mul3A_1940 = vector.broadcast %mul3A_1939 : f32 to vector<32x900xf32>
    %mul3A_1941 = arith.mulf %mul3A_1940, %erf_inv3A_1938 : vector<32x900xf32>
    %swap3A_1942 = arith.constant 192 : index
    %swap3A_1943 = arith.constant 0 : index
    %swap3A_1944 = vector.load %arg8[%swap3A_1942, %swap3A_1943] : memref<256x900xf32, #tpu.memory_space<vmem>>, vector<32x900xf32>
    tpu.vector_store %arg8[%swap3A_1942, %swap3A_1943], %mul3A_1941 {strides = array<i32>} : memref<256x900xf32, #tpu.memory_space<vmem>>, vector<32x900xf32>,
    %get3A_1945 = arith.constant 7 : index
    %get3A_1946 = arith.constant 0 : index
    %get3A_1947 = arith.constant 0 : index
    %get3A_1948 = vector.load %arg0[%get3A_1945, %get3A_1946, %get3A_1947] : memref<8x900x92xf32, #tpu.memory_space<vmem>>, vector<1x900x92xf32>
    %get3A_1949 = vector.shape_cast %get3A_1948 : vector<1x900x92xf32> to vector<900x92xf32>
    %reduce_max3A_1950 = arith.constant dense<0xFF800000> : vector<900xf32>
    %reduce_max3A_1951 = vector.multi_reduction <maximumf>, %get3A_1949, %reduce_max3A_1950 [1] : vector<900x92xf32> to vector<900xf32>
    %broadcast_in_dim3A_1952 = vector.shape_cast %reduce_max3A_1951 : vector<900xf32> to vector<900x1xf32>
    %sub3A_1953 = vector.broadcast %broadcast_in_dim3A_1952 : vector<900x1xf32> to vector<900x92xf32>
    %sub3A_1954 = arith.subf %get3A_1949, %sub3A_1953 : vector<900x92xf32>
    %exp3A_1955 = math.exp %sub3A_1954 : vector<900x92xf32>
    %reduce_sum3A_1956 = arith.constant dense<0.000000e+00> : vector<900xf32>
    %reduce_sum3A_1957 = vector.multi_reduction <add>, %exp3A_1955, %reduce_sum3A_1956 [1] : vector<900x92xf32> to vector<900xf32>
    %broadcast_in_dim3A_1958 = vector.shape_cast %reduce_sum3A_1957 : vector<900xf32> to vector<900x1xf32>
    %div3A_1959 = vector.broadcast %broadcast_in_dim3A_1958 : vector<900x1xf32> to vector<900x92xf32>
    %div3A_1960 = arith.divf %exp3A_1955, %div3A_1959 : vector<900x92xf32>
    %get3A_1961 = arith.constant 7 : index
    %get3A_1962 = arith.constant 0 : index
    %get3A_1963 = arith.constant 0 : index
    %get3A_1964 = vector.load %arg3[%get3A_1961, %get3A_1962, %get3A_1963] : memref<8x32x1xi32, #tpu.memory_space<vmem>>, vector<1x32x1xi32>
    %get3A_1965 = vector.shape_cast %get3A_1964 : vector<1x32x1xi32> to vector<32x1xi32>
    %iota3A_1966 = tpu.iota {dimensions = array<i32: 1>} : vector<32x92xi32>
    %eq3A_1967 = vector.broadcast %get3A_1965 : vector<32x1xi32> to vector<32x92xi32>
    %eq3A_1968 = arith.cmpi eq, %eq3A_1967, %iota3A_1966 : vector<32x92xi32>
    %convert_element_type3A_1969 = arith.extui %eq3A_1968 : vector<32x92xi1> to vector<32x92xi32>
    %convert_element_type3A_1970 = arith.sitofp %convert_element_type3A_1969 : vector<32x92xi32> to vector<32x92xf32>
    %dot_general3A_1971 = arith.constant dense<0.000000e+00> : vector<32x900xf32>
    %dot_general3A_1972 = tpu.matmul %convert_element_type3A_1970, %div3A_1960, %dot_general3A_1971 {dimension_numbers = #tpu.dot_dimension_numbers<[1], [1], [0], [0], [0, 0, 1, 0], [], []>, transpose_lhs_hint = false} : vector<32x92xf32>, vector<900x92xf32>, vector<32x900xf32> -> vector<32x900xf32>
    %get3A_1973 = arith.constant 7 : index
    %get3A_1974 = arith.constant 0 : index
    %get3A_1975 = arith.constant 0 : index
    %get3A_1976 = vector.load %arg1[%get3A_1973, %get3A_1974, %get3A_1975] : memref<8x4x900xf32, #tpu.memory_space<vmem>>, vector<1x4x900xf32>
    %get3A_1977 = vector.shape_cast %get3A_1976 : vector<1x4x900xf32> to vector<4x900xf32>
    %slice3A_1978 = vector.extract_strided_slice %get3A_1977 {offsets = [0, 0], sizes = [1, 900], strides = [1, 1]} : vector<4x900xf32> to vector<1x900xf32>
    %slice3A_1979 = vector.extract_strided_slice %get3A_1977 {offsets = [1, 0], sizes = [1, 900], strides = [1, 1]} : vector<4x900xf32> to vector<1x900xf32>
    %slice3A_1980 = vector.extract_strided_slice %get3A_1977 {offsets = [2, 0], sizes = [1, 900], strides = [1, 1]} : vector<4x900xf32> to vector<1x900xf32>
    %slice3A_1981 = vector.extract_strided_slice %get3A_1977 {offsets = [3, 0], sizes = [1, 900], strides = [1, 1]} : vector<4x900xf32> to vector<1x900xf32>
    %get3A_1982 = arith.constant 7 : index
    %get3A_1983 = arith.constant 0 : index
    %get3A_1984 = arith.constant 0 : index
    %get3A_1985 = vector.load %arg2[%get3A_1982, %get3A_1983, %get3A_1984] : memref<8x32x4xf32, #tpu.memory_space<vmem>>, vector<1x32x4xf32>
    %get3A_1986 = vector.shape_cast %get3A_1985 : vector<1x32x4xf32> to vector<32x4xf32>
    %slice3A_1987 = vector.extract_strided_slice %get3A_1986 {offsets = [0, 0], sizes = [32, 1], strides = [1, 1]} : vector<32x4xf32> to vector<32x1xf32>
    %slice3A_1988 = vector.extract_strided_slice %get3A_1986 {offsets = [0, 1], sizes = [32, 1], strides = [1, 1]} : vector<32x4xf32> to vector<32x1xf32>
    %slice3A_1989 = vector.extract_strided_slice %get3A_1986 {offsets = [0, 2], sizes = [32, 1], strides = [1, 1]} : vector<32x4xf32> to vector<32x1xf32>
    %slice3A_1990 = vector.extract_strided_slice %get3A_1986 {offsets = [0, 3], sizes = [32, 1], strides = [1, 1]} : vector<32x4xf32> to vector<32x1xf32>
    %sub3A_1991 = vector.broadcast %slice3A_1978 : vector<1x900xf32> to vector<32x900xf32>
    %sub3A_1992 = vector.broadcast %slice3A_1987 : vector<32x1xf32> to vector<32x900xf32>
    %sub3A_1993 = arith.subf %sub3A_1991, %sub3A_1992 : vector<32x900xf32>
    %abs3A_1994 = math.absf %sub3A_1993 : vector<32x900xf32>
    %sub3A_1995 = vector.broadcast %slice3A_1979 : vector<1x900xf32> to vector<32x900xf32>
    %sub3A_1996 = vector.broadcast %slice3A_1988 : vector<32x1xf32> to vector<32x900xf32>
    %sub3A_1997 = arith.subf %sub3A_1995, %sub3A_1996 : vector<32x900xf32>
    %abs3A_1998 = math.absf %sub3A_1997 : vector<32x900xf32>
    %add3A_1999 = arith.addf %abs3A_1994, %abs3A_1998 : vector<32x900xf32>
    %sub3A_2000 = vector.broadcast %slice3A_1980 : vector<1x900xf32> to vector<32x900xf32>
    %sub3A_2001 = vector.broadcast %slice3A_1989 : vector<32x1xf32> to vector<32x900xf32>
    %sub3A_2002 = arith.subf %sub3A_2000, %sub3A_2001 : vector<32x900xf32>
    %abs3A_2003 = math.absf %sub3A_2002 : vector<32x900xf32>
    %add3A_2004 = arith.addf %add3A_1999, %abs3A_2003 : vector<32x900xf32>
    %sub3A_2005 = vector.broadcast %slice3A_1981 : vector<1x900xf32> to vector<32x900xf32>
    %sub3A_2006 = vector.broadcast %slice3A_1990 : vector<32x1xf32> to vector<32x900xf32>
    %sub3A_2007 = arith.subf %sub3A_2005, %sub3A_2006 : vector<32x900xf32>
    %abs3A_2008 = math.absf %sub3A_2007 : vector<32x900xf32>
    %add3A_2009 = arith.addf %add3A_2004, %abs3A_2008 : vector<32x900xf32>
    %mul3A_2010 = arith.constant 5.000000e-01 : f32
    %mul3A_2011 = vector.broadcast %mul3A_2010 : f32 to vector<1x900xf32>
    %mul3A_2012 = arith.mulf %mul3A_2011, %slice3A_1980 : vector<1x900xf32>
    %sub3A_2013 = arith.subf %slice3A_1978, %mul3A_2012 : vector<1x900xf32>
    %mul3A_2014 = arith.constant 5.000000e-01 : f32
    %mul3A_2015 = vector.broadcast %mul3A_2014 : f32 to vector<1x900xf32>
    %mul3A_2016 = arith.mulf %mul3A_2015, %slice3A_1980 : vector<1x900xf32>
    %add3A_2017 = arith.addf %slice3A_1978, %mul3A_2016 : vector<1x900xf32>
    %mul3A_2018 = arith.constant 5.000000e-01 : f32
    %mul3A_2019 = vector.broadcast %mul3A_2018 : f32 to vector<1x900xf32>
    %mul3A_2020 = arith.mulf %mul3A_2019, %slice3A_1981 : vector<1x900xf32>
    %sub3A_2021 = arith.subf %slice3A_1979, %mul3A_2020 : vector<1x900xf32>
    %mul3A_2022 = arith.constant 5.000000e-01 : f32
    %mul3A_2023 = vector.broadcast %mul3A_2022 : f32 to vector<1x900xf32>
    %mul3A_2024 = arith.mulf %mul3A_2023, %slice3A_1981 : vector<1x900xf32>
    %add3A_2025 = arith.addf %slice3A_1979, %mul3A_2024 : vector<1x900xf32>
    %mul3A_2026 = arith.constant 5.000000e-01 : f32
    %mul3A_2027 = vector.broadcast %mul3A_2026 : f32 to vector<32x1xf32>
    %mul3A_2028 = arith.mulf %mul3A_2027, %slice3A_1989 : vector<32x1xf32>
    %sub3A_2029 = arith.subf %slice3A_1987, %mul3A_2028 : vector<32x1xf32>
    %mul3A_2030 = arith.constant 5.000000e-01 : f32
    %mul3A_2031 = vector.broadcast %mul3A_2030 : f32 to vector<32x1xf32>
    %mul3A_2032 = arith.mulf %mul3A_2031, %slice3A_1989 : vector<32x1xf32>
    %add3A_2033 = arith.addf %slice3A_1987, %mul3A_2032 : vector<32x1xf32>
    %mul3A_2034 = arith.constant 5.000000e-01 : f32
    %mul3A_2035 = vector.broadcast %mul3A_2034 : f32 to vector<32x1xf32>
    %mul3A_2036 = arith.mulf %mul3A_2035, %slice3A_1990 : vector<32x1xf32>
    %sub3A_2037 = arith.subf %slice3A_1988, %mul3A_2036 : vector<32x1xf32>
    %mul3A_2038 = arith.constant 5.000000e-01 : f32
    %mul3A_2039 = vector.broadcast %mul3A_2038 : f32 to vector<32x1xf32>
    %mul3A_2040 = arith.mulf %mul3A_2039, %slice3A_1990 : vector<32x1xf32>
    %add3A_2041 = arith.addf %slice3A_1988, %mul3A_2040 : vector<32x1xf32>
    %sub3A_2042 = arith.subf %add3A_2017, %sub3A_2013 : vector<1x900xf32>
    %sub3A_2043 = arith.subf %add3A_2025, %sub3A_2021 : vector<1x900xf32>
    %mul3A_2044 = arith.mulf %sub3A_2042, %sub3A_2043 : vector<1x900xf32>
    %sub3A_2045 = arith.subf %add3A_2033, %sub3A_2029 : vector<32x1xf32>
    %sub3A_2046 = arith.subf %add3A_2041, %sub3A_2037 : vector<32x1xf32>
    %mul3A_2047 = arith.mulf %sub3A_2045, %sub3A_2046 : vector<32x1xf32>
    %min3A_2048 = vector.broadcast %add3A_2017 : vector<1x900xf32> to vector<32x900xf32>
    %min3A_2049 = vector.broadcast %add3A_2033 : vector<32x1xf32> to vector<32x900xf32>
    %min3A_2050 = arith.minimumf %min3A_2048, %min3A_2049 : vector<32x900xf32>
    %max3A_2051 = vector.broadcast %sub3A_2013 : vector<1x900xf32> to vector<32x900xf32>
    %max3A_2052 = vector.broadcast %sub3A_2029 : vector<32x1xf32> to vector<32x900xf32>
    %max3A_2053 = arith.maximumf %max3A_2051, %max3A_2052 : vector<32x900xf32>
    %sub3A_2054 = arith.subf %min3A_2050, %max3A_2053 : vector<32x900xf32>
    %jit3A_2055 = arith.constant 0.000000e+00 : f32
    %max3A_2056 = vector.broadcast %jit3A_2055 : f32 to vector<32x900xf32>
    %max3A_2057 = arith.maximumf %max3A_2056, %sub3A_2054 : vector<32x900xf32>
    %min3A_2058 = vector.broadcast %add3A_2025 : vector<1x900xf32> to vector<32x900xf32>
    %min3A_2059 = vector.broadcast %add3A_2041 : vector<32x1xf32> to vector<32x900xf32>
    %min3A_2060 = arith.minimumf %min3A_2058, %min3A_2059 : vector<32x900xf32>
    %max3A_2061 = vector.broadcast %sub3A_2021 : vector<1x900xf32> to vector<32x900xf32>
    %max3A_2062 = vector.broadcast %sub3A_2037 : vector<32x1xf32> to vector<32x900xf32>
    %max3A_2063 = arith.maximumf %max3A_2061, %max3A_2062 : vector<32x900xf32>
    %sub3A_2064 = arith.subf %min3A_2060, %max3A_2063 : vector<32x900xf32>
    %jit3A_2065 = arith.constant 0.000000e+00 : f32
    %max3A_2066 = vector.broadcast %jit3A_2065 : f32 to vector<32x900xf32>
    %max3A_2067 = arith.maximumf %max3A_2066, %sub3A_2064 : vector<32x900xf32>
    %mul3A_2068 = arith.mulf %max3A_2057, %max3A_2067 : vector<32x900xf32>
    %add3A_2069 = vector.broadcast %mul3A_2044 : vector<1x900xf32> to vector<32x900xf32>
    %add3A_2070 = vector.broadcast %mul3A_2047 : vector<32x1xf32> to vector<32x900xf32>
    %add3A_2071 = arith.addf %add3A_2069, %add3A_2070 : vector<32x900xf32>
    %sub3A_2072 = arith.subf %add3A_2071, %mul3A_2068 : vector<32x900xf32>
    %div3A_2073 = arith.divf %mul3A_2068, %sub3A_2072 : vector<32x900xf32>
    %max3A_2074 = vector.broadcast %add3A_2017 : vector<1x900xf32> to vector<32x900xf32>
    %max3A_2075 = vector.broadcast %add3A_2033 : vector<32x1xf32> to vector<32x900xf32>
    %max3A_2076 = arith.maximumf %max3A_2074, %max3A_2075 : vector<32x900xf32>
    %min3A_2077 = vector.broadcast %sub3A_2013 : vector<1x900xf32> to vector<32x900xf32>
    %min3A_2078 = vector.broadcast %sub3A_2029 : vector<32x1xf32> to vector<32x900xf32>
    %min3A_2079 = arith.minimumf %min3A_2077, %min3A_2078 : vector<32x900xf32>
    %sub3A_2080 = arith.subf %max3A_2076, %min3A_2079 : vector<32x900xf32>
    %jit3A_2081 = arith.constant 0.000000e+00 : f32
    %max3A_2082 = vector.broadcast %jit3A_2081 : f32 to vector<32x900xf32>
    %max3A_2083 = arith.maximumf %max3A_2082, %sub3A_2080 : vector<32x900xf32>
    %max3A_2084 = vector.broadcast %add3A_2025 : vector<1x900xf32> to vector<32x900xf32>
    %max3A_2085 = vector.broadcast %add3A_2041 : vector<32x1xf32> to vector<32x900xf32>
    %max3A_2086 = arith.maximumf %max3A_2084, %max3A_2085 : vector<32x900xf32>
    %min3A_2087 = vector.broadcast %sub3A_2021 : vector<1x900xf32> to vector<32x900xf32>
    %min3A_2088 = vector.broadcast %sub3A_2037 : vector<32x1xf32> to vector<32x900xf32>
    %min3A_2089 = arith.minimumf %min3A_2087, %min3A_2088 : vector<32x900xf32>
    %sub3A_2090 = arith.subf %max3A_2086, %min3A_2089 : vector<32x900xf32>
    %jit3A_2091 = arith.constant 0.000000e+00 : f32
    %max3A_2092 = vector.broadcast %jit3A_2091 : f32 to vector<32x900xf32>
    %max3A_2093 = arith.maximumf %max3A_2092, %sub3A_2090 : vector<32x900xf32>
    %mul3A_2094 = arith.mulf %max3A_2083, %max3A_2093 : vector<32x900xf32>
    %sub3A_2095 = arith.subf %mul3A_2094, %sub3A_2072 : vector<32x900xf32>
    %div3A_2096 = arith.divf %sub3A_2095, %mul3A_2094 : vector<32x900xf32>
    %sub3A_2097 = arith.subf %div3A_2073, %div3A_2096 : vector<32x900xf32>
    %mul3A_2098 = arith.constant 5.000000e+00 : f32
    %mul3A_2099 = vector.broadcast %mul3A_2098 : f32 to vector<32x900xf32>
    %mul3A_2100 = arith.mulf %mul3A_2099, %add3A_2009 : vector<32x900xf32>
    %neg3A_2101 = arith.constant 0.000000e+00 : f32
    %neg3A_2102 = vector.broadcast %neg3A_2101 : f32 to vector<32x900xf32>
    %neg3A_2103 = arith.subf %neg3A_2102, %dot_general3A_1972 : vector<32x900xf32>
    %mul3A_2104 = arith.constant 1.000000e+00 : f32
    %mul3A_2105 = vector.broadcast %mul3A_2104 : f32 to vector<32x900xf32>
    %mul3A_2106 = arith.mulf %mul3A_2105, %neg3A_2103 : vector<32x900xf32>
    %add3A_2107 = arith.addf %mul3A_2100, %mul3A_2106 : vector<32x900xf32>
    %neg3A_2108 = arith.constant 0.000000e+00 : f32
    %neg3A_2109 = vector.broadcast %neg3A_2108 : f32 to vector<32x900xf32>
    %neg3A_2110 = arith.subf %neg3A_2109, %sub3A_2097 : vector<32x900xf32>
    %mul3A_2111 = arith.constant 2.000000e+00 : f32
    %mul3A_2112 = vector.broadcast %mul3A_2111 : f32 to vector<32x900xf32>
    %mul3A_2113 = arith.mulf %mul3A_2112, %neg3A_2110 : vector<32x900xf32>
    %add3A_2114 = arith.addf %add3A_2107, %mul3A_2113 : vector<32x900xf32>
    %neg3A_2115 = arith.constant 0.000000e+00 : f32
    %neg3A_2116 = vector.broadcast %neg3A_2115 : f32 to vector<32x900xf32>
    %neg3A_2117 = arith.subf %neg3A_2116, %add3A_2114 : vector<32x900xf32>
    %sub3A_2118 = arith.constant -5.500000e+00 : f32
    %sub3A_2119 = vector.broadcast %sub3A_2118 : f32 to vector<32x900xf32>
    %sub3A_2120 = arith.subf %neg3A_2117, %sub3A_2119 : vector<32x900xf32>
    %div3A_2121 = arith.constant 3.53553391 : f32
    %div3A_2122 = vector.broadcast %div3A_2121 : f32 to vector<32x900xf32>
    %div3A_2123 = arith.divf %sub3A_2120, %div3A_2122 : vector<32x900xf32>
    %erf3A_2124 = math.erf %div3A_2123 : vector<32x900xf32>
    %add3A_2125 = arith.constant 1.000000e+00 : f32
    %add3A_2126 = vector.broadcast %add3A_2125 : f32 to vector<32x900xf32>
    %add3A_2127 = arith.addf %add3A_2126, %erf3A_2124 : vector<32x900xf32>
    %mul3A_2128 = arith.constant 5.000000e-01 : f32
    %mul3A_2129 = vector.broadcast %mul3A_2128 : f32 to vector<32x900xf32>
    %mul3A_2130 = arith.mulf %mul3A_2129, %add3A_2127 : vector<32x900xf32>
    %erf_inv3A_2131 = arith.constant 0.000000e+00 : f32
    %erf_inv3A_2132 = vector.broadcast %erf_inv3A_2131 : f32 to vector<32x900xf32>
    %erf_inv3A_2133 = arith.subf %erf_inv3A_2132, %mul3A_2130 : vector<32x900xf32>
    %erf_inv3A_2134 = arith.mulf %mul3A_2130, %erf_inv3A_2133 : vector<32x900xf32>
    %erf_inv3A_2135 = math.log1p %erf_inv3A_2134 : vector<32x900xf32>
    %erf_inv3A_2136 = arith.constant 0.000000e+00 : f32
    %erf_inv3A_2137 = vector.broadcast %erf_inv3A_2136 : f32 to vector<32x900xf32>
    %erf_inv3A_2138 = arith.subf %erf_inv3A_2137, %erf_inv3A_2135 : vector<32x900xf32>
    %erf_inv3A_2139 = arith.constant 5.000000e+00 : f32
    %erf_inv3A_2140 = vector.broadcast %erf_inv3A_2139 : f32 to vector<32x900xf32>
    %erf_inv3A_2141 = arith.cmpf olt, %erf_inv3A_2138, %erf_inv3A_2140 : vector<32x900xf32>
    %erf_inv3A_2142 = arith.constant 2.500000e+00 : f32
    %erf_inv3A_2143 = vector.broadcast %erf_inv3A_2142 : f32 to vector<32x900xf32>
    %erf_inv3A_2144 = arith.subf %erf_inv3A_2138, %erf_inv3A_2143 : vector<32x900xf32>
    %erf_inv3A_2145 = math.sqrt %erf_inv3A_2138 : vector<32x900xf32>
    %erf_inv3A_2146 = arith.constant 3.000000e+00 : f32
    %erf_inv3A_2147 = vector.broadcast %erf_inv3A_2146 : f32 to vector<32x900xf32>
    %erf_inv3A_2148 = arith.subf %erf_inv3A_2145, %erf_inv3A_2147 : vector<32x900xf32>
    %erf_inv3A_2149 = arith.select %erf_inv3A_2141, %erf_inv3A_2144, %erf_inv3A_2148 : vector<32x900xi1>, vector<32x900xf32>
    %erf_inv3A_2150 = arith.constant 2.81022636E-8 : f32
    %erf_inv3A_2151 = arith.constant -2.00214257E-4 : f32
    %erf_inv3A_2152 = vector.broadcast %erf_inv3A_2150 : f32 to vector<32x900xf32>
    %erf_inv3A_2153 = vector.broadcast %erf_inv3A_2151 : f32 to vector<32x900xf32>
    %erf_inv3A_2154 = arith.select %erf_inv3A_2141, %erf_inv3A_2152, %erf_inv3A_2153 : vector<32x900xi1>, vector<32x900xf32>
    %erf_inv3A_2155 = arith.constant 3.43273939E-7 : f32
    %erf_inv3A_2156 = arith.constant 1.00950558E-4 : f32
    %erf_inv3A_2157 = vector.broadcast %erf_inv3A_2155 : f32 to vector<32x900xf32>
    %erf_inv3A_2158 = vector.broadcast %erf_inv3A_2156 : f32 to vector<32x900xf32>
    %erf_inv3A_2159 = arith.select %erf_inv3A_2141, %erf_inv3A_2157, %erf_inv3A_2158 : vector<32x900xi1>, vector<32x900xf32>
    %erf_inv3A_2160 = arith.mulf %erf_inv3A_2154, %erf_inv3A_2149 : vector<32x900xf32>
    %erf_inv3A_2161 = arith.addf %erf_inv3A_2159, %erf_inv3A_2160 : vector<32x900xf32>
    %erf_inv3A_2162 = arith.constant -3.5233877E-6 : f32
    %erf_inv3A_2163 = arith.constant 0.00134934322 : f32
    %erf_inv3A_2164 = vector.broadcast %erf_inv3A_2162 : f32 to vector<32x900xf32>
    %erf_inv3A_2165 = vector.broadcast %erf_inv3A_2163 : f32 to vector<32x900xf32>
    %erf_inv3A_2166 = arith.select %erf_inv3A_2141, %erf_inv3A_2164, %erf_inv3A_2165 : vector<32x900xi1>, vector<32x900xf32>
    %erf_inv3A_2167 = arith.mulf %erf_inv3A_2161, %erf_inv3A_2149 : vector<32x900xf32>
    %erf_inv3A_2168 = arith.addf %erf_inv3A_2166, %erf_inv3A_2167 : vector<32x900xf32>
    %erf_inv3A_2169 = arith.constant -4.39150654E-6 : f32
    %erf_inv3A_2170 = arith.constant -0.00367342844 : f32
    %erf_inv3A_2171 = vector.broadcast %erf_inv3A_2169 : f32 to vector<32x900xf32>
    %erf_inv3A_2172 = vector.broadcast %erf_inv3A_2170 : f32 to vector<32x900xf32>
    %erf_inv3A_2173 = arith.select %erf_inv3A_2141, %erf_inv3A_2171, %erf_inv3A_2172 : vector<32x900xi1>, vector<32x900xf32>
    %erf_inv3A_2174 = arith.mulf %erf_inv3A_2168, %erf_inv3A_2149 : vector<32x900xf32>
    %erf_inv3A_2175 = arith.addf %erf_inv3A_2173, %erf_inv3A_2174 : vector<32x900xf32>
    %erf_inv3A_2176 = arith.constant 2.1858087E-4 : f32
    %erf_inv3A_2177 = arith.constant 0.00573950773 : f32
    %erf_inv3A_2178 = vector.broadcast %erf_inv3A_2176 : f32 to vector<32x900xf32>
    %erf_inv3A_2179 = vector.broadcast %erf_inv3A_2177 : f32 to vector<32x900xf32>
    %erf_inv3A_2180 = arith.select %erf_inv3A_2141, %erf_inv3A_2178, %erf_inv3A_2179 : vector<32x900xi1>, vector<32x900xf32>
    %erf_inv3A_2181 = arith.mulf %erf_inv3A_2175, %erf_inv3A_2149 : vector<32x900xf32>
    %erf_inv3A_2182 = arith.addf %erf_inv3A_2180, %erf_inv3A_2181 : vector<32x900xf32>
    %erf_inv3A_2183 = arith.constant -0.00125372503 : f32
    %erf_inv3A_2184 = arith.constant -0.0076224613 : f32
    %erf_inv3A_2185 = vector.broadcast %erf_inv3A_2183 : f32 to vector<32x900xf32>
    %erf_inv3A_2186 = vector.broadcast %erf_inv3A_2184 : f32 to vector<32x900xf32>
    %erf_inv3A_2187 = arith.select %erf_inv3A_2141, %erf_inv3A_2185, %erf_inv3A_2186 : vector<32x900xi1>, vector<32x900xf32>
    %erf_inv3A_2188 = arith.mulf %erf_inv3A_2182, %erf_inv3A_2149 : vector<32x900xf32>
    %erf_inv3A_2189 = arith.addf %erf_inv3A_2187, %erf_inv3A_2188 : vector<32x900xf32>
    %erf_inv3A_2190 = arith.constant -0.00417768164 : f32
    %erf_inv3A_2191 = arith.constant 0.00943887047 : f32
    %erf_inv3A_2192 = vector.broadcast %erf_inv3A_2190 : f32 to vector<32x900xf32>
    %erf_inv3A_2193 = vector.broadcast %erf_inv3A_2191 : f32 to vector<32x900xf32>
    %erf_inv3A_2194 = arith.select %erf_inv3A_2141, %erf_inv3A_2192, %erf_inv3A_2193 : vector<32x900xi1>, vector<32x900xf32>
    %erf_inv3A_2195 = arith.mulf %erf_inv3A_2189, %erf_inv3A_2149 : vector<32x900xf32>
    %erf_inv3A_2196 = arith.addf %erf_inv3A_2194, %erf_inv3A_2195 : vector<32x900xf32>
    %erf_inv3A_2197 = arith.constant 0.246640727 : f32
    %erf_inv3A_2198 = arith.constant 1.00167406 : f32
    %erf_inv3A_2199 = vector.broadcast %erf_inv3A_2197 : f32 to vector<32x900xf32>
    %erf_inv3A_2200 = vector.broadcast %erf_inv3A_2198 : f32 to vector<32x900xf32>
    %erf_inv3A_2201 = arith.select %erf_inv3A_2141, %erf_inv3A_2199, %erf_inv3A_2200 : vector<32x900xi1>, vector<32x900xf32>
    %erf_inv3A_2202 = arith.mulf %erf_inv3A_2196, %erf_inv3A_2149 : vector<32x900xf32>
    %erf_inv3A_2203 = arith.addf %erf_inv3A_2201, %erf_inv3A_2202 : vector<32x900xf32>
    %erf_inv3A_2204 = arith.constant 1.50140941 : f32
    %erf_inv3A_2205 = arith.constant 2.83297682 : f32
    %erf_inv3A_2206 = vector.broadcast %erf_inv3A_2204 : f32 to vector<32x900xf32>
    %erf_inv3A_2207 = vector.broadcast %erf_inv3A_2205 : f32 to vector<32x900xf32>
    %erf_inv3A_2208 = arith.select %erf_inv3A_2141, %erf_inv3A_2206, %erf_inv3A_2207 : vector<32x900xi1>, vector<32x900xf32>
    %erf_inv3A_2209 = arith.mulf %erf_inv3A_2203, %erf_inv3A_2149 : vector<32x900xf32>
    %erf_inv3A_2210 = arith.addf %erf_inv3A_2208, %erf_inv3A_2209 : vector<32x900xf32>
    %erf_inv3A_2211 = math.absf %mul3A_2130 : vector<32x900xf32>
    %erf_inv3A_2212 = arith.constant 1.000000e+00 : f32
    %erf_inv3A_2213 = vector.broadcast %erf_inv3A_2212 : f32 to vector<32x900xf32>
    %erf_inv3A_2214 = arith.cmpf oeq, %erf_inv3A_2211, %erf_inv3A_2213 : vector<32x900xf32>
    %erf_inv3A_2215 = arith.constant 0x7F800000 : f32
    %erf_inv3A_2216 = vector.broadcast %erf_inv3A_2215 : f32 to vector<32x900xf32>
    %erf_inv3A_2217 = arith.mulf %erf_inv3A_2216, %mul3A_2130 : vector<32x900xf32>
    %erf_inv3A_2218 = arith.mulf %erf_inv3A_2210, %mul3A_2130 : vector<32x900xf32>
    %erf_inv3A_2219 = arith.select %erf_inv3A_2214, %erf_inv3A_2217, %erf_inv3A_2218 : vector<32x900xi1>, vector<32x900xf32>
    %mul3A_2220 = arith.constant 0.424264073 : f32
    %mul3A_2221 = vector.broadcast %mul3A_2220 : f32 to vector<32x900xf32>
    %mul3A_2222 = arith.mulf %mul3A_2221, %erf_inv3A_2219 : vector<32x900xf32>
    %swap3A_2223 = arith.constant 224 : index
    %swap3A_2224 = arith.constant 0 : index
    %swap3A_2225 = vector.load %arg8[%swap3A_2223, %swap3A_2224] : memref<256x900xf32, #tpu.memory_space<vmem>>, vector<32x900xf32>
    tpu.vector_store %arg8[%swap3A_2223, %swap3A_2224], %mul3A_2222 {strides = array<i32>} : memref<256x900xf32, #tpu.memory_space<vmem>>, vector<32x900xf32>,
    %iota3A_2226 = tpu.iota {dimensions = array<i32: 0>} : vector<256x1xi32>
    %iota3A_2227 = tpu.iota {dimensions = array<i32: 1>} : vector<256x900xi32>
    %jit3A_2228 = arith.constant 32 : i32
    %eq3A_2229 = arith.constant 0 : i32
    %eq3A_2230 = arith.cmpi eq, %jit3A_2228, %eq3A_2229 : i32
    %jit3A_2231 = arith.constant 1 : i32
    %select_n3A = arith.select %eq3A_2230, %jit3A_2231, %jit3A_2228 : i32
    %rem3A = vector.broadcast %select_n3A : i32 to vector<256x1xi32>
    %rem3A_2232 = arith.remsi %iota3A_2226, %rem3A : vector<256x1xi32>
    %ne3A = arith.constant 0 : i32
    %ne3A_2233 = vector.broadcast %ne3A : i32 to vector<256x1xi32>
    %ne3A_2234 = arith.cmpi ne, %rem3A_2232, %ne3A_2233 : vector<256x1xi32>
    %lt3A = arith.constant 0 : i32
    %lt3A_2235 = vector.broadcast %lt3A : i32 to vector<256x1xi32>
    %lt3A_2236 = arith.cmpi slt, %rem3A_2232, %lt3A_2235 : vector<256x1xi32>
    %lt3A_2237 = arith.constant 0 : i32
    %lt3A_2238 = arith.cmpi slt, %select_n3A, %lt3A_2237 : i32
    %ne3A_2239 = vector.broadcast %lt3A_2238 : i1 to vector<256x1xi1>
    %ne3A_2240 = vector.broadcast %ne3A_2239 : vector<256x1xi1> to vector<256x1xi1>
    %ne3A_2241 = arith.xori %lt3A_2236, %ne3A_2240 : vector<256x1xi1>
    %and3A = arith.andi %ne3A_2241, %ne3A_2234 : vector<256x1xi1>
    %add3A_2242 = vector.broadcast %select_n3A : i32 to vector<256x1xi32>
    %add3A_2243 = arith.addi %rem3A_2232, %add3A_2242 : vector<256x1xi32>
    %select_n3A_2244 = arith.select %and3A, %add3A_2243, %rem3A_2232 : vector<256x1xi1>, vector<256x1xi32>
    %ge3A = arith.constant 25 : i32
    %ge3A_2245 = vector.broadcast %ge3A : i32 to vector<256x1xi32>
    %ge3A_2246 = arith.cmpi sge, %select_n3A_2244, %ge3A_2245 : vector<256x1xi32>
    %get3A_2247 = arith.constant 0 : index
    %get3A_2248 = arith.constant 0 : index
    %get3A_2249 = vector.load %arg8[%get3A_2247, %get3A_2248] : memref<256x900xf32, #tpu.memory_space<vmem>>, vector<256x900xf32>
    %min3A_2250 = arith.constant 1.000000e+02 : f32
    %min3A_2251 = vector.broadcast %min3A_2250 : f32 to vector<256x900xf32>
    %min3A_2252 = arith.minimumf %get3A_2249, %min3A_2251 : vector<256x900xf32>
    %reduce_max3A_2253 = arith.constant dense<0xFF800000> : vector<256xf32>
    %reduce_max3A_2254 = vector.multi_reduction <maximumf>, %min3A_2252, %reduce_max3A_2253 [1] : vector<256x900xf32> to vector<256xf32>
    %broadcast_in_dim3A_2255 = vector.shape_cast %reduce_max3A_2254 : vector<256xf32> to vector<256x1xf32>
    %eq3A_2256 = vector.broadcast %broadcast_in_dim3A_2255 : vector<256x1xf32> to vector<256x900xf32>
    %eq3A_2257 = arith.cmpf oeq, %min3A_2252, %eq3A_2256 : vector<256x900xf32>
    %jit3A_2258 = arith.constant 900 : i32
    %broadcast_in_dim3A_2259 = vector.broadcast %jit3A_2258 : i32 to vector<256x900xi32>
    %select_n3A_2260 = arith.select %eq3A_2257, %iota3A_2227, %broadcast_in_dim3A_2259 : vector<256x900xi1>, vector<256x900xi32>
    %reduce_min3A = arith.constant dense<2147483647> : vector<256xi32>
    %reduce_min3A_2261 = vector.multi_reduction <minsi>, %select_n3A_2260, %reduce_min3A [1] : vector<256x900xi32> to vector<256xi32>
    %broadcast_in_dim3A_2262 = vector.shape_cast %reduce_min3A_2261 : vector<256xi32> to vector<256x1xi32>
    %eq3A_2263 = vector.broadcast %broadcast_in_dim3A_2262 : vector<256x1xi32> to vector<256x900xi32>
    %eq3A_2264 = arith.cmpi eq, %iota3A_2227, %eq3A_2263 : vector<256x900xi32>
    %jit3A_2265 = arith.constant -3.000000e+38 : f32
    %broadcast_in_dim3A_2266 = vector.broadcast %jit3A_2265 : f32 to vector<256x900xf32>
    %select_n3A_2267 = arith.select %eq3A_2264, %broadcast_in_dim3A_2266, %min3A_2252 : vector<256x900xi1>, vector<256x900xf32>
    %reduce_max3A_2268 = arith.constant dense<0xFF800000> : vector<256xf32>
    %reduce_max3A_2269 = vector.multi_reduction <maximumf>, %select_n3A_2267, %reduce_max3A_2268 [1] : vector<256x900xf32> to vector<256xf32>
    %broadcast_in_dim3A_2270 = vector.shape_cast %reduce_max3A_2269 : vector<256xf32> to vector<256x1xf32>
    %sub3A_2271 = arith.subf %broadcast_in_dim3A_2255, %broadcast_in_dim3A_2270 : vector<256x1xf32>
    %jit3A_2272 = arith.constant -1.000000e+00 : f32
    %broadcast_in_dim3A_2273 = vector.broadcast %jit3A_2272 : f32 to vector<256x1xf32>
    %select_n3A_2274 = arith.select %ge3A_2246, %broadcast_in_dim3A_2273, %sub3A_2271 : vector<256x1xi1>, vector<256x1xf32>
    %swap3A_2275 = arith.constant 0 : index
    %swap3A_2276 = arith.constant 0 : index
    %swap3A_2277 = vector.load %arg4[%swap3A_2275, %swap3A_2276] : memref<256x1xf32, #tpu.memory_space<vmem>>, vector<256x1xf32>
    tpu.vector_store %arg4[%swap3A_2275, %swap3A_2276], %select_n3A_2274 {strides = array<i32>} : memref<256x1xf32, #tpu.memory_space<vmem>>, vector<256x1xf32>,
    %reduce_max3A_2278 = arith.constant dense<0xFF800000> : vector<256xf32>
    %reduce_max3A_2279 = vector.multi_reduction <maximumf>, %get3A_2249, %reduce_max3A_2278 [1] : vector<256x900xf32> to vector<256xf32>
    %broadcast_in_dim3A_2280 = vector.shape_cast %reduce_max3A_2279 : vector<256xf32> to vector<256x1xf32>
    %eq3A_2281 = vector.broadcast %broadcast_in_dim3A_2280 : vector<256x1xf32> to vector<256x900xf32>
    %eq3A_2282 = arith.cmpf oeq, %get3A_2249, %eq3A_2281 : vector<256x900xf32>
    %jit3A_2283 = arith.constant 900 : i32
    %broadcast_in_dim3A_2284 = vector.broadcast %jit3A_2283 : i32 to vector<256x900xi32>
    %select_n3A_2285 = arith.select %eq3A_2282, %iota3A_2227, %broadcast_in_dim3A_2284 : vector<256x900xi1>, vector<256x900xi32>
    %reduce_min3A_2286 = arith.constant dense<2147483647> : vector<256xi32>
    %reduce_min3A_2287 = vector.multi_reduction <minsi>, %select_n3A_2285, %reduce_min3A_2286 [1] : vector<256x900xi32> to vector<256xi32>
    %broadcast_in_dim3A_2288 = vector.shape_cast %reduce_min3A_2287 : vector<256xi32> to vector<256x1xi32>
    %swap3A_2289 = arith.constant 0 : index
    %swap3A_2290 = arith.constant 0 : index
    %swap3A_2291 = vector.load %arg5[%swap3A_2289, %swap3A_2290] : memref<256x1xi32, #tpu.memory_space<vmem>>, vector<256x1xi32>
    tpu.vector_store %arg5[%swap3A_2289, %swap3A_2290], %broadcast_in_dim3A_2288 {strides = array<i32>} : memref<256x1xi32, #tpu.memory_space<vmem>>, vector<256x1xi32>,
    %get3A_2292 = arith.constant 0 : index
    %get3A_2293 = arith.constant 0 : index
    %get3A_2294 = vector.load %arg8[%get3A_2292, %get3A_2293] : memref<256x900xf32, #tpu.memory_space<vmem>>, vector<1x900xf32>
    %swap3A_2295 = arith.constant 0 : index
    %swap3A_2296 = arith.constant 0 : index
    %swap3A_2297 = vector.load %arg6[%swap3A_2295, %swap3A_2296] : memref<1x912xf32, #tpu.memory_space<vmem>>, vector<1x900xf32>
    tpu.vector_store %arg6[%swap3A_2295, %swap3A_2296], %get3A_2294 {strides = array<i32>} : memref<1x912xf32, #tpu.memory_space<vmem>>, vector<1x900xf32>,
    %broadcast_in_dim3A_2298 = arith.constant -3.000000e+38 : f32
    %broadcast_in_dim3A_2299 = vector.broadcast %broadcast_in_dim3A_2298 : f32 to vector<1x12xf32>
    %swap3A_2300 = arith.constant 0 : index
    %swap3A_2301 = arith.constant 900 : index
    %swap3A_2302 = vector.load %arg6[%swap3A_2300, %swap3A_2301] : memref<1x912xf32, #tpu.memory_space<vmem>>, vector<1x12xf32>
    tpu.vector_store %arg6[%swap3A_2300, %swap3A_2301], %broadcast_in_dim3A_2299 {strides = array<i32>} : memref<1x912xf32, #tpu.memory_space<vmem>>, vector<1x12xf32>,
    %get3A_2303 = arith.constant 1 : index
    %get3A_2304 = arith.constant 0 : index
    %get3A_2305 = vector.load %arg8[%get3A_2303, %get3A_2304] : memref<256x900xf32, #tpu.memory_space<vmem>>, vector<1x900xf32>
    %swap3A_2306 = arith.constant 0 : index
    %swap3A_2307 = arith.constant 0 : index
    %swap3A_2308 = vector.load %arg7[%swap3A_2306, %swap3A_2307] : memref<1x912xf32, #tpu.memory_space<vmem>>, vector<1x900xf32>
    tpu.vector_store %arg7[%swap3A_2306, %swap3A_2307], %get3A_2305 {strides = array<i32>} : memref<1x912xf32, #tpu.memory_space<vmem>>, vector<1x900xf32>,
    %broadcast_in_dim3A_2309 = arith.constant -3.000000e+38 : f32
    %broadcast_in_dim3A_2310 = vector.broadcast %broadcast_in_dim3A_2309 : f32 to vector<1x12xf32>
    %swap3A_2311 = arith.constant 0 : index
    %swap3A_2312 = arith.constant 900 : index
    %swap3A_2313 = vector.load %arg7[%swap3A_2311, %swap3A_2312] : memref<1x912xf32, #tpu.memory_space<vmem>>, vector<1x12xf32>
    tpu.vector_store %arg7[%swap3A_2311, %swap3A_2312], %broadcast_in_dim3A_2310 {strides = array<i32>} : memref<1x912xf32, #tpu.memory_space<vmem>>, vector<1x12xf32>,
    return
  }
}

</mosaic_0001>

<sc_bundles>
// kernel: kernel.5.cloned.1.call-start
scs
__scs_entry_jumppad:
0x0: {  	(pc) =	sbr.rel $0x88, $3  }
0x1: {  	(tag) =	ssettag $0x0;
	lr =	simm.s32 $0x1  }
0x2: {  	[smem:$0x3F9D] =	sst lr;
	_ =	strace $0xD0000000  }
0x3: {  	_ = 	snop  }
0x4: {  	_ = 	snop  }
0x5: {  	_ = 	snop  }
0x6: {  	_ = 	snop  }
0x7: {  	_ = 	snop  }
__scs_overlays_trampoline_lowered:
0x8: {  	[smem:$0x3FAC] =	sst s0  }
0x9: {  	[smem:$0x3FAD] =	sst s1  }
0xa: {  	[smem:$0x3FAE] =	sst s2  }
0xb: {  	[smem:$0x3FAF] =	sst s3  }
0xc: {  	[smem:$0x3FB0] =	sst s4  }
0xd: {  	[smem:$0x3FB1] =	sst s5  }
0xe: {  	[smem:$0x3FB2] =	sst s6  }
0xf: {  	[smem:$0x3FB3] =	sst s7  }
0x10: {  	[smem:$0x3FB4] =	sst s8  }
0x11: {  	[smem:$0x3FB5] =	sst s9;
	s0 =	simm.s32 @!p0 $0x0  }
0x12: {  	s1 =	sld [smem:$0x3F9B];
	s0 =	simm.s32 @p0 $0x1  }
0x13: {  	[smem:$0x3FB6] =	sst s0;
	s0 =	simm.s32 @!p1 $0x0  }
0x14: {  	s2 =	sld [smem:$0x3F9A];
	s0 =	simm.s32 @p1 $0x1  }
0x15: {  	[smem:$0x3FB7] =	sst s0;
	s0 =	simm.s32 @!p2 $0x0  }
0x16: {  	s3 =	sld [smem:$0x3FDB];
	s0 =	simm.s32 @p2 $0x1  }
0x17: {  	s4 =	simm.s32 $0x1BF5;
	[smem:$0x3FB9] =	sst s0  }
0x18: {  	s0 =	sld [smem:$0x3F9C];
	_ =	swait.ge [sflag:s4], $0x0  }
0x19: {  	s7 =	sld [smem:$0x3F9D]  }
0x1a: {  	s8 =	sadd.s32 $0xFFFFE003, lr  }
0x1b: {  	s9 =	sadd.s32 $0xFFFFFEF7, lr;
	s5 =	simm.s32 $0xFFFFFFFF;
	p2 =	slt.u32 s8, $0xFFFFF086  }
0x1c: {  	p1 =	slt.u32 s9, $0xF7A;
	s5 =	simm.s32 @!p2 $0x0  }
0x1d: {  	s5 =	simm.s32 @p1 $0x1;
	p0 =	seq.s32 s7, s2  }
0x1e: {  	s7 =	smul.u32 @!p0 $0xF7A, s2;
	p2 =	seq.s32 @!p0 s5, $0x0  }
0x1f: {  	s9 =	smul.u32 $0xF7A, s1;
	s8 =	simm.s32 @!p0 $0x1BF5;
	p2 =	por !p2, p0  }
0x20: {  	[sflag:s8] =	ssyncset.s32 @!p0 $0xFFFFF086;
	s6 =	sadd.s32 @!p0 s3, s7;
	s7 =	simm.s32 @!p0 $0x108  }
0x21: {  	s3 =	sadd.s32 s3, s9;
	s6 =	sadd.s32 @!p0 $0x88, s6;
	s7 =	simm.s32 @p2 $0x1082  }
0x22: {  	[simem:s7], [sflag:s8] =	dma.local @!p0 [hbm:s6], $0xF7A  }
0x23: {  	s9 =	sor.u32 $0xD0000000, s2;
	s6 =	simm.s32 $0x108;
	_ =	swait.ge @!p0 [sflag:s8], $0x0  }
0x24: {  	s3 =	sadd.s32 $0x88, s3;
	s6 =	simm.s32 @!p1 $0x1082;
	[sflag:s4] =	ssyncset.s32 $0xFFFFF086  }
0x25: {  	[simem:s6], [sflag:s4] =	dma.local [hbm:s3], $0xF7A  }
0x26: {  	[smem:$0x3F9D] =	sst s1;
	(tag) =	ssettag s2;
	_ =	strace s9  }
0x27: {  	s1 =	sld [smem:$0x3FAD]  }
0x28: {  	s2 =	sld [smem:$0x3FAE]  }
0x29: {  	s4 =	sld [smem:$0x3FB0]  }
0x2a: {  	p0 =	seq.s32 s5, $0x0;
	s5 =	sld [smem:$0x3FB1]  }
0x2b: {  	s6 =	sld [smem:$0x3FB2]  }
0x2c: {  	s7 =	sld [smem:$0x3FB3]  }
0x2d: {  	s3 =	simm.s32 $0x108;
	s8 =	sld [smem:$0x3FB4]  }
0x2e: {  	s3 =	simm.s32 @!p0 $0x1082;
	s9 =	sld [smem:$0x3FB5]  }
0x2f: {  	lr =	sadd.s32 s0, s3;
	s0 =	sld [smem:$0x3FAC]  }
0x30: {  	s3 =	sld [smem:$0x3FAF]  }
0x31: {  	[smem:$0x3FB8] =	sst s10  }
0x32: {  	s10 =	sld [smem:$0x3FB6];
	_ =	sdelay $0x3  }
0x33: {  	p0 =	seq.s32 s10, $0x1;
	s10 =	sld [smem:$0x3FB8];
	_ =	sdelay $0x3  }
0x34: {  	[smem:$0x3FB8] =	sst s10  }
0x35: {  	s10 =	sld [smem:$0x3FB7];
	_ =	sdelay $0x3  }
0x36: {  	p1 =	seq.s32 s10, $0x1;
	s10 =	sld [smem:$0x3FB8];
	_ =	sdelay $0x3  }
0x37: {  	[smem:$0x3FB8] =	sst s10  }
0x38: {  	s10 =	sld [smem:$0x3FB9]  }
0x39: {  	_ = 	snop;
	(pc) =	sbr.ind lr, $3  }
0x3a: {  	_ = 	snop  }
0x3b: {  	_ = 	snop  }
0x3c: {  	p2 =	seq.s32 s10, $0x1;
	s10 =	sld [smem:$0x3FB8]  }
0x3d: {  	_ =	shalt  }
0x3e: {  	_ =	shalt  }
0x3f: {  	_ =	shalt  }
0x40: {  	_ =	shalt  }
0x41: {  	_ =	shalt  }
0x42: {  	_ =	shalt  }
0x43: {  	_ =	shalt  }
0x44: {  	_ =	shalt  }
0x45: {  	_ =	shalt  }
0x46: {  	_ =	shalt  }
0x47: {  	_ =	shalt  }
0x48: {  	_ =	shalt  }
0x49: {  	_ =	shalt  }
0x4a: {  	_ =	shalt  }
0x4b: {  	_ =	shalt  }
0x4c: {  	_ =	shalt  }
0x4d: {  	_ =	shalt  }
0x4e: {  	_ =	shalt  }
0x4f: {  	_ =	shalt  }
0x50: {  	_ =	shalt  }
0x51: {  	_ =	shalt  }
0x52: {  	_ =	shalt  }
0x53: {  	_ =	shalt  }
0x54: {  	_ =	shalt  }
0x55: {  	_ =	shalt  }
0x56: {  	_ =	shalt  }
0x57: {  	_ =	shalt  }
0x58: {  	_ =	shalt  }
0x59: {  	_ =	shalt  }
0x5a: {  	_ =	shalt  }
0x5b: {  	_ =	shalt  }
0x5c: {  	_ =	shalt  }
0x5d: {  	_ =	shalt  }
0x5e: {  	_ =	shalt  }
0x5f: {  	_ =	shalt  }
0x60: {  	_ =	shalt  }
0x61: {  	_ =	shalt  }
0x62: {  	_ =	shalt  }
0x63: {  	_ =	shalt  }
0x64: {  	_ =	shalt  }
0x65: {  	_ =	shalt  }
0x66: {  	_ =	shalt  }
0x67: {  	_ =	shalt  }
0x68: {  	_ =	shalt  }
0x69: {  	_ =	shalt  }
0x6a: {  	_ =	shalt  }
0x6b: {  	_ =	shalt  }
0x6c: {  	_ =	shalt  }
0x6d: {  	_ =	shalt  }
0x6e: {  	_ =	shalt  }
0x6f: {  	_ =	shalt  }
0x70: {  	_ =	shalt  }
0x71: {  	_ =	shalt  }
0x72: {  	_ =	shalt  }
0x73: {  	_ =	shalt  }
0x74: {  	_ =	shalt  }
0x75: {  	_ =	shalt  }
0x76: {  	_ =	shalt  }
0x77: {  	_ =	shalt  }
0x78: {  	_ =	shalt  }
0x79: {  	_ =	shalt  }
0x7a: {  	_ =	shalt  }
0x7b: {  	_ =	shalt  }
0x7c: {  	_ =	shalt  }
0x7d: {  	_ =	shalt  }
0x7e: {  	_ =	shalt  }
0x7f: {  	_ =	shalt  }
0x80: {  	_ =	shalt  }
0x81: {  	_ =	shalt  }
0x82: {  	_ =	shalt  }
0x83: {  	_ =	shalt  }
0x84: {  	_ =	shalt  }
0x85: {  	_ =	shalt  }
0x86: {  	_ =	shalt  }
0x87: {  	_ =	shalt  }
.Lfunc_end0:
.L_simem_size_0:
called_computation_lowered:
.L_overlay_start_0:
0x88: {  	s2 =	sld [smem:$0x3FD9]  }
0x89: {  	s3 =	sld [smem:$0x3FFE];
	_ =	sdelay $0x1  }
0x8a: {  	s1 =	srdreg.scid  }
0x8b: {  	s0 =	sand.u32 $0x1, s1  }
0x8c: {  	s17 =	sshll.u32 s0, $0xA;
	s2 =	sadd.s32 s3, s2  }
0x8d: {  	s2 =	sadd.s32 s2, s17  }
0x8e: {  	[smem:$0x3FC4] =	sst s2  }
0x8f: {  	_ = 	snop  }
0x90: {  	s2 =	sld [smem:$0x3FD0];
	(tm) =	ssettm $0x1  }
0x91: {  	s18 =	sld [smem:$0x3FFB];
	_ =	sdelay $0x3  }
0x92: {  	_ =	strace s18  }
0x93: {  	s3 =	sld [smem:$0x3FFC];
	_ =	sdelay $0x3  }
0x94: {  	_ =	strace s3  }
0x95: {  	s3 =	sld [smem:$0x3FFD];
	_ =	sdelay $0x3  }
0x96: {  	_ =	strace s3  }
0x97: {  	_ =	strace $0x8FFFFFFF  }
0x98: {  	s19 =	sld [smem:$0x3FDB];
	_ =	sdelay $0x1  }
0x99: {  	s4 =	simm.s32 $_scs_section_size  }
0x9a: {  	s5 =	simm.s32 $_size__tile_overlayer_lowered;
	s6 =	simm.s32 $_tile_overlayer_lowered  }
0x9b: {  	s22 =	simm.s32 $0x1BFF;
	s21 =	sshll.u32 s6, $0x1;
	s3 =	sadd.s32 s4, s19  }
0x9c: {  	s7 =	simm.s32 $0x0;
	s20 =	sshll.u32 s5, $0x1;
	s5 =	sadd.s32 s21, s3  }
0x9d: {  	[timem:s7], [sflag:s22] =	dma.local [hbm:s5], s20  }
0x9e: {  	_ =	swait.ge [sflag:s22], s20  }
0x9f: {  	s4 =	ssub.s32 $0x0, s20;
	[sflag:s22] =	ssyncset.done $0x0  }
0xa0: {  	[sflag:s22] =	ssyncadd.s32 s4;
	_ =	sdelay $0x1  }
0xa1: {  	s23 =	simm.s32 $0x1B8B  }
0xa2: {  	_ =	swait.ge [sflag:s23], $0x1  }
0xa3: {  	[sflag:s23] =	ssyncset.done $0x0  }
0xa4: {  	s25 =	simm.s32 $0x1B8E;
	s24 =	sld [smem:$0x3FFE];
	[sflag:s23] =	ssyncadd.s32 $0xFFFFFFFF  }
0xa5: {  	s26 =	simm.s32 $execute0_lowered;
	[smem:$0x3FD2] =	sst s25  }
0xa6: {  	s5 =	sshll.u32 s26, $0x1;
	_ =	strace $0x80000046;
	[dreg:$0x1] =	wrdreg $0xFFFFFFFF  }
0xa7: {  	s28 =	simm.s32 $_size_execute0_lowered;
	s3 =	sadd.s32 s3, s5;
	[dreg:$0x0] =	wrdreg $0x0  }
0xa8: {  	s5 =	sshll.u32 s28, $0x1;
	[dreg:$0x2] =	wrdreg s3  }
0xa9: {  	[dreg:$0x3] =	wrdreg s5  }
0xaa: {  	[dreg:$0x4] =	wrdreg $0xC0  }
0xab: {  	_ =	task [dreg:s7], $0x5FFFF  }
0xac: {  	[dreg:$0x1] =	wrdreg $0xFFFFFFFF  }
0xad: {  	[dreg:$0x0] =	wrdreg $0x60  }
0xae: {  	[dreg:$0x2] =	wrdreg s24  }
0xaf: {  	[dreg:$0x3] =	wrdreg s2  }
0xb0: {  	[dreg:$0x4] =	wrdreg $0x9  }
0xb1: {  	_ =	task.clear_ibuf [dreg:s7], $0x5FFFF;
	_ =	strace $0x90000046  }
0xb2: {  	s29 =	simm.s32 $0x9;
	_ =	strace $0x80000048  }
0xb3: {  	_ =	swait.ge [sflag:s29], $0x1  }
0xb4: {  	[sflag:s29] =	ssyncadd.s32 $0xFFFFFFFF  }
0xb5: {  	_ =	strace $0x90000048  }
0xb6: {  	_ =	sfence  }
0xb7: {  	s30 =	sld [smem:$0x0];
	_ =	sdelay $0x2  }
0xb8: {  	s31 =	sshll.u32 s1, $0xD;
	s1 =	sshrl.u32 s1, $0x2  }
0xb9: {  	s3 =	sand.u32 $0x4000, s31;
	s1 =	sadd.s32 s1, s30  }
0xba: {  	s0 =	sor.u32 s3, s0;
	s1 =	sshll.u32 s1, $0x11  }
0xbb: {  	s0 =	sor.u32 s1, s0  }
0xbc: {  	s0 =	sadd.s32 $0x8F2B, s0  }
0xbd: {  	[sflag:s0] =	ssyncadd.remote.s32 $0x1  }
0xbe: {  	_ =	sfence.sel $0xFFFF  }
0xbf: {  	[dreg:$0x0] =	wrdreg $0xFFFFFFFF;
	(pc) =	sbr.abs _section_cstart, $3  }
0xc0: {  	[dreg:$0x1] =	wrdreg $0xFFFFFFFF  }
0xc1: {  	_ =	task.clear_ibuf [dreg:s7], $0x2FFFF;
	_ =	strace $0x9FFFFFFF  }
0xc2: {  	(tm) =	ssettm $0x7FFFFFFF  }
0xc3: {  	_ =	shalt  }
tec
execute0_lowered:
.L_overlay_start_1:
0x0: {  	(tag) =	ssettag $0x1  }
0x1: {  	s0 =	srdreg.scid  }
0x2: {  	s31 =	stileid.u32;
	s4 =	sand.u32 $0x1, s0  }
0x3: {  	s3 =	sor.u32 s31, s4  }
0x4: {  	p0 =	sne.s32 s3, $0x0  }
.Ltmp0:
0x5: {  	_ = 	snop;
	(pc) =	sbr.rel @!p0 .LBB2_1-.Ltmp0, $3  }
0x6: {  	_ =	sdelay $0x1  }
0x7: {  	s1 =	rddreg [dreg:$0x0]  }
0x8: {  	s2 =	rddreg [dreg:$0x1];
	_ =	strace $0x80000047  }
.LBB2_35:
0x9: {  	_ =	sfence.sel $0x180000  }
0xa: {  	[bflag:$0x0] =	sbarrier.arrive $0xFFFF  }
0xb: {  	_ =	strace $0x90000047  }
0xc: {  	s0 =	stileid.u32;
	[bflag:$0x2] =	sbarrier.arrive $0xFFFF  }
0xd: {  	p0 =	sne.s32 s0, $0x0;
	s0 =	rddreg [dreg:$0x2]  }
0xe: {  	s0 =	sadd.s32 @!p0 $0x100000, s0  }
0xf: {  	[sflag:s0] =	ssyncadd.tile.s32 @!p0 $0x1;
	_ =	shalt  }
.LBB2_1:
0x10: {  	v0 =	vimm.s32 $0xFFFFFFFF;
	v1 =	vlaneseq.u32;
	vm0 =	vmmov $0x1  }
0x11: {  	vm1 =	vmmov $0x3;
	vm2 =	vmmov $0x7;
	v2 =	vimm.s32 $0x0  }
0x12: {  	vm5 =	vmmov $0x3f;
	vm6 =	vmmov $0x7f;
	vm7 =	vmmov $0xff  }
0x13: {  	vm8 =	vmmov $0x1ff;
	vm9 =	vmmov $0x3ff;
	v2 =	vsel vm2, $0xFFFFFFFF, v2  }
.Ltmp1:
0x14: {  	s3 =	sadd.s32 $0xC00, s1;
	s7 =	ssub.s32 $0x2, s4;
	vm10 =	vmmov $0x7ff;
	vm2 =	vmmov $0xf;
	[tilespmem:$0x1FFD0] =	vst v2;
	v2 =	vimm.s32 $0x0;
	(pc) =	sbr.rel .LBB2_2-.Ltmp1, $4  }
0x15: {  	s4 =	sadd.s32 $0xE00, s1;
	s5 =	sadd.s32 $0xA00, s1;
	s6 =	sadd.s32 $0x1000, s1;
	vm11 =	vmmov $0xfff;
	vm12 =	vmmov $0x1fff;
	v2 =	vsel vm2, $0xFFFFFFFF, v2  }
0x16: {  	s9 =	simm.s32 $0x1;
	s10 =	simm.s32 $0x100;
	s11 =	simm.s32 $0x600;
	vm13 =	vmmov $0x3fff;
	vm2 =	vmmov $0x1f;
	[tilespmem:$0x1FFE0] =	vst v2;
	v2 =	vimm.s32 $0x0  }
0x17: {  	vm14 =	vmmov $0x7fff;
	v3 =	vimm.f32 $0.0e+00;
	s12 =	simm.s32 $0xA00;
	s13 =	simm.s32 $0x200;
	s8 =	sshrl.u32 s7, $0x1;
	v2 =	vsel vm2, $0xFFFFFFFF, v2  }
0x18: {  	v4 =	vimm.f32 $-3.000000010e+38;
	v5 =	vimm.s32 $0x7FFFFFFF;
	s14 =	simm.s32 $0x0;
	s7 =	ssub.s32 s7, s8;
	s8 =	simm.s32 $0x0;
	[tilespmem:$0x1FFF0] =	vst v2;
	v2 =	vor.u32 $0x80000000, v1  }
.LBB2_34:
0x19: {  	s14 =	sadd.s32 $0x1, s14  }
0x1a: {  	p0 =	sne.s32 s14, s7  }
.Ltmp2:
0x1b: {  	_ = 	snop;
	(pc) =	sbr.rel @!p0 .LBB2_35-.Ltmp2, $4  }
0x1c: {  	[hbm4b:s6+s8] =	stream.linear.scatter [tilespmem:s12], [sflag:$0x1], $0x100, $0x38;
	[tilespmem:$0xB00] =	vst v63  }
0x1d: {  	_ =	swait.ge [sflag:s9], $0x100  }
0x1e: {  	[sflag:s9] =	ssyncset.done $0x0  }
0x1f: {  	[sflag:s9] =	ssyncadd.s32 $0xFFFFFF00  }
.LBB2_2:
0x20: {  	[tilespmem:s8], [sflag:$0x1] =	stream.linear.gather [hbm4b:s3+s8], $0x100, $0x38;
	[tilespmem:$0xB00] =	vst v63  }
0x21: {  	_ =	swait.ge [sflag:s9], $0x100  }
0x22: {  	[sflag:s9] =	ssyncset.done $0x0  }
0x23: {  	[sflag:s9] =	ssyncadd.s32 $0xFFFFFF00  }
0x24: {  	[tilespmem:s10], [sflag:$0x1] =	stream.linear.gather [hbm4b:s4+s8], $0x100, $0x38;
	[tilespmem:$0xB00] =	vst v63  }
0x25: {  	_ =	swait.ge [sflag:s9], $0x100  }
0x26: {  	[sflag:s9] =	ssyncset.done $0x0  }
0x27: {  	[sflag:s9] =	ssyncadd.s32 $0xFFFFFF00  }
0x28: {  	[tilespmem:s13], [sflag:$0x1] =	stream.linear.gather [hbm4b:s2+s8], $0x400, $0x38;
	[tilespmem:$0xB00] =	vst v63  }
0x29: {  	_ =	swait.ge [sflag:s9], $0x400  }
0x2a: {  	[sflag:s9] =	ssyncset.done $0x0  }
0x2b: {  	[sflag:s9] =	ssyncadd.s32 $0xFFFFFC00  }
0x2c: {  	[tilespmem:s11], [sflag:$0x1] =	stream.linear.gather [hbm4b:s5+s8], $0x400, $0x38;
	[tilespmem:$0xB00] =	vst v63  }
0x2d: {  	_ =	swait.ge [sflag:s9], $0x400  }
0x2e: {  	[sflag:s9] =	ssyncset.done $0x0  }
0x2f: {  	[sflag:s9] =	ssyncadd.s32 $0xFFFFFC00  }
0x30: {  	[tilespmem:$0xA00] =	vst v0  }
0x31: {  	[tilespmem:$0xA10] =	vst v0  }
0x32: {  	[tilespmem:$0xA20] =	vst v0  }
0x33: {  	[tilespmem:$0xA30] =	vst v0  }
0x34: {  	[tilespmem:$0xA40] =	vst v0  }
0x35: {  	[tilespmem:$0xA50] =	vst v0  }
0x36: {  	[tilespmem:$0xA60] =	vst v0  }
0x37: {  	[tilespmem:$0xA70] =	vst v0  }
0x38: {  	[tilespmem:$0xA80] =	vst v0  }
0x39: {  	[tilespmem:$0xA90] =	vst v0  }
0x3a: {  	[tilespmem:$0xAA0] =	vst v0  }
0x3b: {  	[tilespmem:$0xAB0] =	vst v0  }
0x3c: {  	[tilespmem:$0xAC0] =	vst v0  }
0x3d: {  	[tilespmem:$0xAD0] =	vst v0  }
0x3e: {  	[tilespmem:$0xAE0] =	vst v0  }
0x3f: {  	[tilespmem:$0xAF0] =	vst v0  }
0x40: {  	v9 =	vld [tilespmem:s13+$0x0];
	_ =	sdelay $0x3  }
0x41: {  	v7 =	vimm.f32 $-3.000000010e+38;
	v6 =	vimm.f32 $-3.000000010e+38  }
0x42: {  	s15 =	simm.s32 $0x10;
	s16 =	simm.s32 $0x210;
	s1 =	simm.s32 $0x0;
	v10 =	vimm.s32 $0x7FFFFFFF;
	v8 =	vimm.s32 $0x7FFFFFFF;
	v11 =	vmin.f32 v9, $1.000000000e+02  }
.LBB2_3:
0x43: {  	v12 =	vld [tilespmem:s16+$0x0];
	p0 =	sne.s32 s15, $0x380;
	v13 =	vor.u32 s1, v1;
	vm2 =	vgt.f32 v9, v7;
	vm3 =	vgt.f32 v11, v6;
	s1 =	smov.u32 s15;
	s15 =	sadd.s32 $0x10, s15  }
.Ltmp3:
0x44: {  	v7 =	vsel vm2, v9, v7;
	v6 =	vsel vm3, v11, v6;
	v10 =	vsel vm3, v13, v10;
	(pc) =	sbr.rel @p0 .LBB2_3-.Ltmp3, $2  }
0x45: {  	v8 =	vsel vm2, v13, v8;
	_ =	sdelay $0x2  }
0x46: {  	s16 =	sadd.s32 $0x10, s16;
	v11 =	vmin.f32 v12, $1.000000000e+02;
	v9 =	vmov v12  }
0x47: {  	vm2 =	vgt.f32 v11, v6  }
0x48: {  	v11 =	vsel vm2, v11, v6  }
0x49: {  	(xrf0) =	vmax.scan.msk.f32 $0xffff, v11;
	_ =	sdelay $0x5  }
0x4a: {  	v6, _, _ =	vpop (xrf0)  }
0x4b: {  	v12 =	vor.u32 s1, v1;
	v13 =	vbroadcast v6, $0xF  }
0x4c: {  	v10 =	vsel vm2, v12, v10  }
0x4d: {  	v10 =	vxor.u32 $0x80000000, v10;
	vm2 =	veq.f32 v11, v13  }
0x4e: {  	v10 =	vnsel vm2, $0xFFFFFFFF, v10  }
0x4f: {  	(xrf0) =	vmin.scan.msk.u32 $0xffff, v10;
	_ =	sdelay $0x5  }
0x50: {  	v10, _, _ =	vpop (xrf0)  }
0x51: {  	(v2sf) =	vpush v10, $0xF;
	_ =	sdelay $0xb  }
0x52: {  	s30 =	simm.s32 $0x200  }
0x53: {  	v10 =	vld [tilespmem:s30+$0x0];
	_ =	sdelay $0x1  }
0x54: {  	s15 =	simm.s32 $0x0;
	s31 =	spop (v2sf)  }
0x55: {  	v11 =	vimm.f32 $-3.000000010e+38;
	v13 =	vor.u32 s15, v1;
	vm2 =	vgt.f32 v9, v7;
	s17 =	sxor.u32 $0x80000000, s31  }
0x56: {  	v7 =	vsel vm2, v9, v7;
	v8 =	vsel vm2, v12, v8;
	v9 =	vmov s17  }
0x57: {  	s1 =	simm.s32 $0x10;
	s16 =	simm.s32 $0x210;
	v12 =	vmin.f32 v10, $1.000000000e+02;
	v10 =	vimm.f32 $-3.000000010e+38;
	vm2 =	veq.s32 v13, v9  }
.LBB2_5:
0x58: {  	v13 =	vld [tilespmem:s16+$0x0];
	p0 =	sne.s32 s1, $0x380;
	v12 =	vsel vm2, $0xFF61B1E6, v12;
	s18 =	smov.u32 s1;
	s1 =	sadd.s32 $0x10, s1  }
.Ltmp4:
0x59: {  	v10 =	vmax.f32 v10, v12;
	(pc) =	sbr.rel @p0 .LBB2_5-.Ltmp4, $3  }
0x5a: {  	_ =	sdelay $0x1  }
0x5b: {  	v14 =	vor.u32 s18, v1  }
0x5c: {  	s16 =	sadd.s32 $0x10, s16;
	vm2 =	veq.s32 v14, v9;
	v12 =	vmin.f32 v13, $1.000000000e+02  }
0x5d: {  	s1 =	simm.s32 $0x600  }
0x5e: {  	v13 =	vld [tilespmem:s1+$0x0];
	_ =	sdelay $0x3  }
0x5f: {  	v9 =	vsel vm2, $0xFF61B1E6, v12;
	v14 =	vimm.s32 $0x7FFFFFFF;
	v12 =	vimm.s32 $0x7FFFFFFF  }
0x60: {  	s16 =	simm.s32 $0x610;
	v10 =	vmax.f32 v10, v9;
	s1 =	simm.s32 $0x10;
	v9 =	vimm.f32 $-3.000000010e+38;
	v15 =	vmin.f32 v13, $1.000000000e+02  }
.LBB2_7:
0x61: {  	v16 =	vld [tilespmem:s16+$0x0];
	p0 =	sne.s32 s1, $0x380;
	v17 =	vor.u32 s15, v1;
	vm2 =	vgt.f32 v13, v11;
	vm3 =	vgt.f32 v15, v9;
	s15 =	smov.u32 s1;
	s1 =	sadd.s32 $0x10, s1  }
.Ltmp5:
0x62: {  	v11 =	vsel vm2, v13, v11;
	v9 =	vsel vm3, v15, v9;
	v14 =	vsel vm3, v17, v14;
	(pc) =	sbr.rel @p0 .LBB2_7-.Ltmp5, $2  }
0x63: {  	v12 =	vsel vm2, v17, v12;
	_ =	sdelay $0x2  }
0x64: {  	s16 =	sadd.s32 $0x10, s16;
	v15 =	vmin.f32 v16, $1.000000000e+02;
	v13 =	vmov v16  }
0x65: {  	vm2 =	vgt.f32 v15, v9  }
0x66: {  	v15 =	vsel vm2, v15, v9  }
0x67: {  	(xrf0) =	vmax.scan.msk.f32 $0xffff, v15;
	_ =	sdelay $0x5  }
0x68: {  	v9, _, _ =	vpop (xrf0)  }
0x69: {  	v16 =	vor.u32 s15, v1;
	v17 =	vbroadcast v9, $0xF  }
0x6a: {  	v14 =	vsel vm2, v16, v14  }
0x6b: {  	v14 =	vxor.u32 $0x80000000, v14;
	vm2 =	veq.f32 v15, v17  }
0x6c: {  	v14 =	vnsel vm2, $0xFFFFFFFF, v14  }
0x6d: {  	(xrf0) =	vmin.scan.msk.u32 $0xffff, v14;
	_ =	sdelay $0x5  }
0x6e: {  	v14, _, _ =	vpop (xrf0)  }
0x6f: {  	(v2sf) =	vpush v14, $0xF;
	_ =	sdelay $0xb  }
0x70: {  	s1 =	simm.s32 $0x600  }
0x71: {  	v14 =	vld [tilespmem:s1+$0x0];
	_ =	sdelay $0x1  }
0x72: {  	vm2 =	vgt.f32 v13, v11;
	s30 =	spop (v2sf)  }
0x73: {  	s31 =	simm.s32 $0x0;
	v11 =	vsel vm2, v13, v11;
	s15 =	sxor.u32 $0x80000000, s30  }
0x74: {  	v13 =	vsel vm2, v16, v12;
	v16 =	vor.u32 s31, v1;
	v15 =	vmov s15  }
0x75: {  	s16 =	simm.s32 $0x610;
	v12 =	vimm.f32 $-3.000000010e+38;
	s1 =	simm.s32 $0x10;
	v14 =	vmin.f32 v14, $1.000000000e+02;
	vm2 =	veq.s32 v16, v15  }
.LBB2_9:
0x76: {  	v16 =	vld [tilespmem:s16+$0x0];
	p0 =	sne.s32 s1, $0x380;
	v14 =	vsel vm2, $0xFF61B1E6, v14;
	s18 =	smov.u32 s1;
	s1 =	sadd.s32 $0x10, s1  }
.Ltmp6:
0x77: {  	v12 =	vmax.f32 v12, v14;
	(pc) =	sbr.rel @p0 .LBB2_9-.Ltmp6, $3  }
0x78: {  	_ =	sdelay $0x1  }
0x79: {  	v17 =	vor.u32 s18, v1  }
0x7a: {  	s16 =	sadd.s32 $0x10, s16;
	vm2 =	veq.s32 v17, v15;
	v14 =	vmin.f32 v16, $1.000000000e+02  }
0x7b: {  	(xrf0) =	vmax.scan.msk.f32 $0xffff, v7;
	_ =	sdelay $0x5  }
0x7c: {  	v15, _, _ =	vpop (xrf0)  }
0x7d: {  	v15 =	vbroadcast v15, $0xF;
	_ =	sdelay $0x1  }
0x7e: {  	vm3 =	veq.f32 v7, v15;
	v7 =	vxor.u32 $0x80000000, v8  }
0x7f: {  	v7 =	vnsel vm3, $0xFFFFFFFF, v7  }
0x80: {  	(xrf0) =	vmin.scan.msk.u32 $0xffff, v7  }
0x81: {  	(xrf0) =	vmax.scan.msk.f32 $0xffff, v10  }
0x82: {  	(xrf0) =	vmax.scan.msk.f32 $0xffff, v11;
	_ =	sdelay $0x3  }
0x83: {  	v7, _, _ =	vpop (xrf0)  }
0x84: {  	v30 =	vld [tilespmem:$0x0];
	v8, _, _ =	vpop (xrf0)  }
0x85: {  	v32 =	vld [tilespmem:$0x10];
	v29, _, _ =	vpop (xrf0)  }
0x86: {  	v34 =	vld [tilespmem:$0x20];
	v10 =	vbroadcast v29, $0xF  }
0x87: {  	v35 =	vld [tilespmem:$0x30]  }
0x88: {  	v31 =	vxor.u32 $0x80000000, v13;
	v36 =	vld [tilespmem:$0x40];
	vm3 =	veq.f32 v11, v10  }
0x89: {  	v33 =	vsel vm2, $0xFF61B1E6, v14;
	v37 =	vld [tilespmem:$0x50];
	v10 =	vnsel vm3, $0xFFFFFFFF, v31  }
0x8a: {  	v38 =	vld [tilespmem:$0x60];
	v12 =	vmax.f32 v12, v33;
	(xrf0) =	vmin.scan.msk.u32 $0xffff, v10  }
0x8b: {  	v39 =	vld [tilespmem:$0x70];
	(xrf0) =	vmax.scan.msk.f32 $0xffff, v12  }
0x8c: {  	v40 =	vld [tilespmem:$0x80];
	(xrf0) =	vmax.scan.msk.f32 $0xffff, v30  }
0x8d: {  	v41 =	vld [tilespmem:$0x90];
	(xrf0) =	vmax.scan.msk.f32 $0xffff, v32  }
0x8e: {  	v42 =	vld [tilespmem:$0xA0];
	(xrf0) =	vmax.scan.msk.f32 $0xffff, v34  }
0x8f: {  	v43 =	vld [tilespmem:$0xB0];
	(xrf0) =	vmax.scan.msk.f32 $0xffff, v35  }
0x90: {  	v44 =	vld [tilespmem:$0xC0];
	(v2sf) =	vpush v7, $0xF;
	v7, _, _ =	vpop (xrf0);
	(xrf0) =	vmax.scan.msk.f32 $0xffff, v36  }
0x91: {  	v46 =	vld [tilespmem:$0xD0];
	(v2sf) =	vpush v6, $0xF;
	v6, _, _ =	vpop (xrf0);
	(xrf0) =	vmax.scan.msk.f32 $0xffff, v37  }
0x92: {  	v51 =	vld [tilespmem:$0x1FFD0];
	(v2sf) =	vpush v8, $0xF;
	v8, _, _ =	vpop (xrf0);
	(xrf0) =	vmax.scan.msk.f32 $0xffff, v38  }
0x93: {  	v54 =	vld [tilespmem:$0x1FFE0];
	(v2sf) =	vpush v7, $0xF;
	v7, _, _ =	vpop (xrf0);
	(xrf0) =	vmax.scan.msk.f32 $0xffff, v39  }
0x94: {  	v56 =	vld [tilespmem:$0x1FFF0];
	(v2sf) =	vpush v9, $0xF;
	v8 =	vbroadcast v8, $0xF;
	v7 =	vbroadcast v7, $0xF;
	v45, _, _ =	vpop (xrf0);
	(xrf0) =	vmax.scan.msk.f32 $0xffff, v40  }
0x95: {  	v48 =	vld [tilespmem:$0xE0];
	(v2sf) =	vpush v6, $0xF;
	v6 =	vbroadcast v45, $0xF;
	v47, _, _ =	vpop (xrf0);
	(xrf0) =	vmax.scan.msk.f32 $0xffff, v41  }
0x96: {  	v7 =	vsel vm0, v8, v7;
	v8 =	vbroadcast v47, $0xF;
	v49, _, _ =	vpop (xrf0);
	(xrf0) =	vmax.scan.msk.f32 $0xffff, v42  }
0x97: {  	vm2 =	vnez.u8 v51;
	v6 =	vsel vm1, v7, v6;
	v7 =	vbroadcast v49, $0xF;
	v50, _, _ =	vpop (xrf0);
	(xrf0) =	vmax.scan.msk.f32 $0xffff, v43  }
0x98: {  	v6 =	vsel vm2, v6, v8;
	v8 =	vbroadcast v50, $0xF;
	v52, _, _ =	vpop (xrf0);
	(xrf0) =	vmax.scan.msk.f32 $0xffff, v44;
	vm2 =	vnez.u8 v54  }
0x99: {  	v6 =	vsel vm2, v6, v7;
	v7 =	vbroadcast v52, $0xF;
	v55, _, _ =	vpop (xrf0);
	(xrf0) =	vmax.scan.msk.f32 $0xffff, v46;
	vm2 =	vnez.u8 v56  }
0x9a: {  	v53 =	vld [tilespmem:$0xF0];
	v6 =	vsel vm2, v6, v8;
	v8 =	vbroadcast v55, $0xF;
	v57, _, _ =	vpop (xrf0);
	(xrf0) =	vmax.scan.msk.f32 $0xffff, v48  }
0x9b: {  	v58, _, _ =	vpop (xrf0);
	v6 =	vsel vm5, v6, v7;
	v7 =	vbroadcast v57, $0xF  }
0x9c: {  	v59, _, _ =	vpop (xrf0);
	v6 =	vsel vm6, v6, v8;
	v8 =	vbroadcast v58, $0xF  }
0x9d: {  	v6 =	vsel vm7, v6, v7;
	v7 =	vbroadcast v59, $0xF;
	v60, _, _ =	vpop (xrf0)  }
0x9e: {  	v61, _, _ =	vpop (xrf0);
	v6 =	vsel vm8, v6, v8;
	v8 =	vbroadcast v60, $0xF  }
0x9f: {  	(xrf0) =	vmax.scan.msk.f32 $0xffff, v53;
	v62, _, _ =	vpop (xrf0);
	v6 =	vsel vm9, v6, v7;
	v7 =	vbroadcast v61, $0xF  }
0xa0: {  	v63, _, _ =	vpop (xrf0);
	v6 =	vsel vm10, v6, v8  }
0xa1: {  	s1 =	spop (v2sf);
	v6 =	vsel vm11, v6, v7;
	v7 =	vbroadcast v63, $0xF  }
.Ltmp7:
0xa2: {  	s22 =	spop (v2sf);
	v8 =	vbroadcast v62, $0xF;
	(pc) =	sbr.rel .LBB2_11-.Ltmp7, $4  }
0xa3: {  	s23 =	spop (v2sf)  }
0xa4: {  	s16 =	spop (v2sf);
	v6 =	vsel vm12, v6, v8  }
0xa5: {  	s25 =	sxor.u32 $0x80000000, s1;
	s24 =	spop (v2sf);
	v6 =	vsel vm13, v6, v7;
	v7, _, _ =	vpop (xrf0)  }
0xa6: {  	s28 =	sxor.u32 $0x80000000, s16;
	s16 =	simm.s32 $0x0;
	s26 =	spop (v2sf);
	v6 =	vsel vm14, v6, v7  }
.LBB2_24:
0xa7: {  	s21 =	smov.u32 s17  }
.LBB2_15:
0xa8: {  	v7 =	vld [tilespmem:s29+$0x600];
	_ =	sdelay $0x2  }
0xa9: {  	v8 =	vmov s30  }
0xaa: {  	vm2 =	veq.s32 v8, v1  }
0xab: {  	v8 =	vnsel vm2, $0xFF61B1E6, v7  }
0xac: {  	(xrf0) =	vmax.scan.msk.f32 $0xffff, v8;
	_ =	sdelay $0x5  }
0xad: {  	v8, _, _ =	vpop (xrf0)  }
0xae: {  	(v2sf) =	vpush v8, $0xF;
	_ =	sdelay $0xe  }
0xaf: {  	s0 =	spop (v2sf)  }
0xb0: {  	p2 =	slt.f32 s0, $0.0e+00;
	_ =	sdelay $0x1  }
0xb1: {  	p0 =	seq.s32 @!p2 s1, s28  }
0xb2: {  	p1 =	por p2, p0  }
0xb3: {  	p0 =	seq.s32 @!p1 s1, s15  }
0xb4: {  	s0 =	smin.f32 s0, $1.000000000e+02;
	p0 =	por p1, p0  }
0xb5: {  	p3 =	sge.f32 @!p0 s0, s26;
	_ =	sdelay $0x1  }
0xb6: {  	p3 =	por p0, p3  }
.Ltmp8:
0xb7: {  	_ = 	snop;
	(pc) =	sbr.rel @p3 .LBB2_28-.Ltmp8, $3  }
0xb8: {  	_ =	sdelay $0x1  }
0xb9: {  	v7 =	vsel vm2, $0x0, v7  }
0xba: {  	[tilespmem:s29+$0x600] =	vst v7  }
0xbb: {  	s17 =	smov.u32 s21;
	s21 =	smov.u32 s28  }
.LBB2_33:
0xbc: {  	v7 =	vld [tilespmem:$0xA00];
	_ =	sdelay $0x4  }
0xbd: {  	vm2 =	veq.s32 v7, s1  }
0xbe: {  	vm2 =	vmand vm2, vm1  }
0xbf: {  	v7 =	vsel vm2, $0xFFFFFFFF, v7  }
0xc0: {  	[tilespmem:$0xA00] =	vst v7  }
0xc1: {  	v7 =	vld [tilespmem:s18+$0x0];
	_ =	sdelay $0x4  }
0xc2: {  	v7 =	vsel vm15, $0x0, v7  }
0xc3: {  	(xrf0) =	vmax.scan.msk.f32 $0xffff, v7;
	_ =	sdelay $0x1  }
0xc4: {  	v8 =	vld [tilespmem:s18+$0xA00]  }
0xc5: {  	s16 =	sadd.s32 $0x1, s16  }
0xc6: {  	p0 =	sne.s32 s16, $0xC8  }
.Ltmp9:
0xc7: {  	_ = 	snop;
	(pc) =	sbr.rel @!p0 .LBB2_34-.Ltmp9, $4  }
0xc8: {  	s0 =	sxor.u32 $0x80000000, s19;
	v9, _, _ =	vpop (xrf0)  }
0xc9: {  	v10 =	vmov s0;
	v8 =	vsel vm15, s1, v8;
	v9 =	vbroadcast v9, $0xF  }
0xca: {  	vm2 =	veq.s32 v10, v1;
	[tilespmem:s18+$0xA00] =	vst v8  }
0xcb: {  	s28 =	smov.u32 s21;
	[tilespmem:s18+$0x0] =	vst v7;
	v6 =	vsel vm2, v9, v6  }
.LBB2_11:
0xcc: {  	v7 =	vld [tilespmem:$0x0];
	_ =	sdelay $0x2  }
0xcd: {  	s1 =	ssub.f32 s22, s23  }
0xce: {  	vm2 =	veq.s32 v1, $0x0;
	s18 =	ssub.f32 s24, s26  }
0xcf: {  	v7 =	vsel vm2, s1, v7;
	vm2 =	veq.s32 v1, $0x1  }
0xd0: {  	v7 =	vsel vm2, s18, v7  }
0xd1: {  	(xrf0) =	vmax.scan.msk.f32 $0xffff, v7;
	_ =	sdelay $0x5  }
0xd2: {  	v8, _, _ =	vpop (xrf0)  }
0xd3: {  	v8 =	vbroadcast v8, $0xF;
	_ =	sdelay $0x1  }
0xd4: {  	v6 =	vsel vm0, v8, v6  }
0xd5: {  	(xrf0) =	vmax.scan.msk.f32 $0xffff, v6;
	_ =	sdelay $0x5  }
0xd6: {  	v8, _, _ =	vpop (xrf0)  }
0xd7: {  	v8 =	vbroadcast v8, $0xF;
	_ =	sdelay $0x1  }
0xd8: {  	vm2 =	veq.f32 v6, v8  }
0xd9: {  	v9 =	vnsel vm2, $0xFFFFFFFF, v2  }
0xda: {  	(xrf0) =	vmin.scan.msk.u32 $0xffff, v9;
	_ =	sdelay $0x5  }
0xdb: {  	v9, _, _ =	vpop (xrf0)  }
0xdc: {  	(v2sf) =	vpush v9, $0xF;
	_ =	sdelay $0xe  }
0xdd: {  	s19 =	spop (v2sf)  }
0xde: {  	[tilespmem:$0x0] =	vst v7;
	s18 =	sshll.u32 s19, $0x4  }
0xdf: {  	v7 =	vld [tilespmem:s18+$0x0];
	_ =	sdelay $0x4  }
0xe0: {  	vm2 =	veq.f32 v7, v8  }
0xe1: {  	v7 =	vnsel vm2, $0xFFFFFFFF, v2  }
0xe2: {  	(xrf0) =	vmin.scan.msk.u32 $0xffff, v7;
	_ =	sdelay $0x5  }
0xe3: {  	v7, _, _ =	vpop (xrf0)  }
0xe4: {  	(v2sf) =	vpush v7, $0xF;
	_ =	sdelay $0xc  }
0xe5: {  	v7 =	vld [tilespmem:s18+$0x100];
	_ =	sdelay $0x1  }
0xe6: {  	s20 =	spop (v2sf)  }
0xe7: {  	s1 =	sxor.u32 $0x80000000, s20  }
0xe8: {  	v8 =	vmov s1  }
0xe9: {  	vm15 =	veq.s32 v8, v1;
	v8 =	vxor.u32 $0x80000000, v7  }
0xea: {  	v8 =	vnsel vm15, $0x1, v8  }
0xeb: {  	(xrf0) =	vmax.scan.msk.u32 $0xffff, v8;
	_ =	sdelay $0x5  }
0xec: {  	v8, _, _ =	vpop (xrf0)  }
0xed: {  	(v2sf) =	vpush v8, $0xF;
	_ =	sdelay $0xe  }
0xee: {  	s31 =	sadd.s32 s1, s18;
	s21 =	spop (v2sf)  }
0xef: {  	p0 =	seq.s32 s31, $0x1;
	s20 =	sxor.u32 $0x80000000, s21  }
0xf0: {  	s20 =	smov.u32 @p0 s28  }
0xf1: {  	p0 =	seq.s32 s31, $0x0;
	s1 =	smov.u32 s20  }
0xf2: {  	s1 =	smov.u32 @p0 s25  }
0xf3: {  	s21 =	sand.u32 $0xF, s1  }
0xf4: {  	p0 =	slt.s32 s1, $0x1;
	p1 =	sne.s32 s21, $0x0  }
0xf5: {  	p0 =	por !p0, !p1  }
0xf6: {  	s30 =	simm.s32 $0x1;
	s29 =	sshra.s32 s1, $0x1F;
	p0 =	por !p0, !p0  }
0xf7: {  	s0 =	sshrl.u32 s29, $0x1C;
	s30 =	simm.s32 @!p0 $0x0;
	p0 =	sne.s32 s31, $0x0  }
.Ltmp10:
0xf8: {  	s29 =	sadd.s32 s0, s1;
	(pc) =	sbr.rel @!p0 .LBB2_12-.Ltmp10, $4  }
0xf9: {  	p2 =	seq.s32 s1, $0x0;
	s21 =	simm.s32 $0x1;
	s29 =	sshrl.u32 s29, $0x4  }
0xfa: {  	s21 =	simm.s32 @!p2 $0x0;
	s29 =	ssub.s32 s29, s30  }
0xfb: {  	v7 =	vsel vm15, s21, v7;
	s29 =	sshll.u32 s29, $0x4  }
0xfc: {  	[tilespmem:s18+$0x100] =	vst v7;
	s30 =	ssub.s32 s1, s29  }
0xfd: {  	v7 =	vld [tilespmem:s29+$0x200];
	_ =	sdelay $0x2  }
0xfe: {  	v8 =	vmov s30  }
0xff: {  	vm2 =	veq.s32 v8, v1  }
0x100: {  	v8 =	vnsel vm2, $0xFF61B1E6, v7  }
0x101: {  	(xrf0) =	vmax.scan.msk.f32 $0xffff, v8;
	_ =	sdelay $0x5  }
0x102: {  	v8, _, _ =	vpop (xrf0)  }
0x103: {  	(v2sf) =	vpush v8, $0xF;
	_ =	sdelay $0xe  }
0x104: {  	s0 =	spop (v2sf)  }
0x105: {  	p2 =	slt.f32 s0, $0.0e+00;
	_ =	sdelay $0x1  }
0x106: {  	p0 =	seq.s32 @!p2 s20, s25  }
0x107: {  	p1 =	por p2, p0  }
0x108: {  	p0 =	seq.s32 @!p1 s20, s17  }
0x109: {  	s0 =	smin.f32 s0, $1.000000000e+02;
	p0 =	por p1, p0  }
0x10a: {  	p3 =	sge.f32 @!p0 s0, s23;
	_ =	sdelay $0x1  }
0x10b: {  	p3 =	por p0, p3  }
.Ltmp11:
0x10c: {  	_ = 	snop;
	(pc) =	sbr.rel @p3 .LBB2_18-.Ltmp11, $3  }
0x10d: {  	_ =	sdelay $0x1  }
0x10e: {  	v7 =	vsel vm2, $0x0, v7  }
0x10f: {  	[tilespmem:s29+$0x200] =	vst v7  }
.LBB2_23:
0x110: {  	p0 =	sne.s32 s31, $0x1  }
.Ltmp12:
0x111: {  	_ = 	snop;
	(pc) =	sbr.rel @p0 .LBB2_24-.Ltmp12, $1  }
0x112: {  	_ =	sdelay $0x3  }
0x113: {  	s15 =	simm.s32 $0x40;
	s20 =	simm.s32 $0x0  }
.LBB2_26:
0x114: {  	p0 =	sne.s32 s15, $0xE00;
	[tilespmem:s20+$0x600] =	vst v3;
	s0 =	smov.u32 s15;
	s15 =	sadd.s32 $0x40, s15  }
.Ltmp13:
0x115: {  	(pc) =	sbr.rel @p0 .LBB2_26-.Ltmp13, $2  }
0x116: {  	_ =	sdelay $0x2  }
0x117: {  	s20 =	sshra.s32 s0, $0x2  }
0x118: {  	[tilespmem:s20+$0x600] =	vst v3  }
0x119: {  	v7 =	vld [tilespmem:s29+$0x600];
	_ =	sdelay $0x1  }
.Ltmp14:
0x11a: {  	_ = 	snop;
	(pc) =	sbr.rel .LBB2_33-.Ltmp14, $3  }
0x11b: {  	_ =	sdelay $0x1  }
0x11c: {  	v7 =	vsel vm2, $0xB3D6BF95, v7  }
0x11d: {  	s24 =	simm.f32 $0.0e+00;
	s15 =	smov.u32 s21;
	s26 =	simm.f32 $0.0e+00;
	[tilespmem:s29+$0x600] =	vst v7  }
.LBB2_12:
0x11e: {  	s17 =	simm.s32 $0x40;
	s20 =	simm.s32 $0x0  }
.LBB2_13:
0x11f: {  	p0 =	sne.s32 s17, $0xE00;
	[tilespmem:s20+$0x200] =	vst v3;
	s20 =	smov.u32 s17;
	s17 =	sadd.s32 $0x40, s17  }
.Ltmp15:
0x120: {  	(pc) =	sbr.rel @p0 .LBB2_13-.Ltmp15, $2  }
0x121: {  	_ =	sdelay $0x2  }
0x122: {  	s20 =	sshra.s32 s20, $0x2  }
0x123: {  	[tilespmem:s20+$0x200] =	vst v3  }
0x124: {  	v7 =	vld [tilespmem:s29+$0x200];
	_ =	sdelay $0x1  }
.Ltmp16:
0x125: {  	_ = 	snop;
	(pc) =	sbr.rel .LBB2_15-.Ltmp16, $4  }
0x126: {  	v8 =	vmov s30  }
0x127: {  	vm2 =	veq.s32 v8, v1  }
0x128: {  	v7 =	vsel vm2, $0xB3D6BF95, v7  }
0x129: {  	s23 =	simm.f32 $0.0e+00;
	s22 =	simm.f32 $0.0e+00;
	s25 =	smov.u32 s21;
	[tilespmem:s29+$0x200] =	vst v7  }
.LBB2_28:
0x12a: {  	s0 =	simm.s32 $0x600;
	s15 =	simm.s32 $0x0  }
0x12b: {  	s0 =	simm.s32 @p2 $0x600;
	s15 =	simm.s32 @p2 $0x0  }
0x12c: {  	s0 =	simm.s32 @!p1 $0x600;
	s15 =	simm.s32 @!p1 $0x0  }
0x12d: {  	v7 =	vpsel p2, $0x7FFFFFFF, v5;
	v8 =	vpsel p2, $0xFF61B1E6, v4;
	s0 =	simm.s32 @!p0 $0x600;
	s15 =	simm.s32 @!p0 $0x0  }
0x12e: {  	v10 =	vpsel !p1, $0x7FFFFFFF, v7;
	v12 =	vpsel !p1, $0xFF61B1E6, v8;
	v9 =	vld [tilespmem:s0+$0x0];
	p1 =	sne.s32 s15, $0x380  }
.Ltmp17:
0x12f: {  	_ = 	snop;
	(pc) =	sbr.rel @!p1 .LBB2_30-.Ltmp17, $3  }
0x130: {  	_ =	sdelay $0x1  }
0x131: {  	v11 =	vpsel !p0, $0x7FFFFFFF, v10;
	v7 =	vpsel !p0, $0xFF61B1E6, v12  }
0x132: {  	v8 =	vpsel !p0, $0x7FFFFFFF, v10;
	v10 =	vpsel !p0, $0xFF61B1E6, v12;
	s17 =	sadd.s32 $0x10, s15;
	s20 =	sadd.s32 $0x10, s0;
	v12 =	vmin.f32 v9, $1.000000000e+02  }
.LBB2_29:
0x133: {  	v13 =	vld [tilespmem:s20+$0x0];
	p0 =	sne.s32 s17, $0x380;
	v14 =	vor.u32 s15, v1;
	vm2 =	vgt.f32 v9, v10;
	vm3 =	vgt.f32 v12, v7;
	s15 =	smov.u32 s17;
	s17 =	sadd.s32 $0x10, s17  }
.Ltmp18:
0x134: {  	v10 =	vsel vm2, v9, v10;
	v7 =	vsel vm3, v12, v7;
	v11 =	vsel vm3, v14, v11;
	(pc) =	sbr.rel @p0 .LBB2_29-.Ltmp18, $2  }
0x135: {  	v8 =	vsel vm2, v14, v8;
	_ =	sdelay $0x2  }
0x136: {  	s20 =	sadd.s32 $0x10, s20;
	v12 =	vmin.f32 v13, $1.000000000e+02;
	v9 =	vmov v13  }
.LBB2_30:
0x137: {  	vm2 =	vgt.f32 v12, v7  }
0x138: {  	v12 =	vsel vm2, v12, v7  }
0x139: {  	(xrf0) =	vmax.scan.msk.f32 $0xffff, v12;
	_ =	sdelay $0x5  }
0x13a: {  	v7, _, _ =	vpop (xrf0)  }
0x13b: {  	v13 =	vor.u32 s15, v1;
	v14 =	vbroadcast v7, $0xF  }
0x13c: {  	v11 =	vsel vm2, v13, v11  }
0x13d: {  	v11 =	vxor.u32 $0x80000000, v11;
	vm2 =	veq.f32 v12, v14  }
0x13e: {  	v11 =	vnsel vm2, $0xFFFFFFFF, v11  }
0x13f: {  	(xrf0) =	vmin.scan.msk.u32 $0xffff, v11;
	_ =	sdelay $0x5  }
0x140: {  	v11, _, _ =	vpop (xrf0)  }
0x141: {  	(v2sf) =	vpush v11, $0xF;
	_ =	sdelay $0xb  }
0x142: {  	s0 =	simm.s32 $0x600  }
0x143: {  	v12 =	vld [tilespmem:s0+$0x0];
	_ =	sdelay $0x1  }
0x144: {  	vm2 =	vgt.f32 v9, v10;
	s30 =	spop (v2sf)  }
0x145: {  	s31 =	simm.s32 $0x0;
	v9 =	vsel vm2, v9, v10;
	s15 =	sxor.u32 $0x80000000, s30  }
0x146: {  	v10 =	vsel vm2, v13, v8;
	v13 =	vor.u32 s31, v1;
	v11 =	vmov s15  }
0x147: {  	s17 =	simm.s32 $0x10;
	s20 =	simm.s32 $0x610;
	v8 =	vimm.f32 $-3.000000010e+38;
	v12 =	vmin.f32 v12, $1.000000000e+02;
	vm2 =	veq.s32 v13, v11  }
.LBB2_31:
0x148: {  	v13 =	vld [tilespmem:s20+$0x0];
	p0 =	sne.s32 s17, $0x380;
	v12 =	vsel vm2, $0xFF61B1E6, v12;
	s0 =	smov.u32 s17;
	s17 =	sadd.s32 $0x10, s17  }
.Ltmp19:
0x149: {  	v8 =	vmax.f32 v8, v12;
	(pc) =	sbr.rel @p0 .LBB2_31-.Ltmp19, $3  }
0x14a: {  	_ =	sdelay $0x1  }
0x14b: {  	v14 =	vor.u32 s0, v1  }
0x14c: {  	s20 =	sadd.s32 $0x10, s20;
	vm2 =	veq.s32 v14, v11;
	v12 =	vmin.f32 v13, $1.000000000e+02  }
0x14d: {  	(xrf0) =	vmax.scan.msk.f32 $0xffff, v9;
	_ =	sdelay $0x5  }
0x14e: {  	v11, _, _ =	vpop (xrf0)  }
0x14f: {  	v11 =	vbroadcast v11, $0xF;
	_ =	sdelay $0x1  }
0x150: {  	v62 =	vxor.u32 $0x80000000, v10;
	vm3 =	veq.f32 v9, v11  }
0x151: {  	v9 =	vnsel vm3, $0xFFFFFFFF, v62  }
0x152: {  	v63 =	vsel vm2, $0xFF61B1E6, v12;
	(xrf0) =	vmin.scan.msk.u32 $0xffff, v9  }
0x153: {  	v8 =	vmax.f32 v8, v63  }
0x154: {  	(xrf0) =	vmax.scan.msk.f32 $0xffff, v8;
	_ =	sdelay $0x3  }
0x155: {  	v8, _, _ =	vpop (xrf0)  }
0x156: {  	(v2sf) =	vpush v8, $0xF  }
0x157: {  	(v2sf) =	vpush v7, $0xF;
	v7, _, _ =	vpop (xrf0)  }
0x158: {  	(v2sf) =	vpush v7, $0xF;
	_ =	sdelay $0xa  }
.Ltmp20:
0x159: {  	_ = 	snop;
	(pc) =	sbr.rel .LBB2_33-.Ltmp20, $4  }
0x15a: {  	_ = 	snop  }
0x15b: {  	s0 =	spop (v2sf)  }
0x15c: {  	s24 =	spop (v2sf);
	s0 =	sxor.u32 $0x80000000, s0  }
0x15d: {  	s17 =	smov.u32 s21;
	s26 =	spop (v2sf);
	s21 =	smov.u32 s0  }
.LBB2_18:
0x15e: {  	s0 =	simm.s32 $0x200;
	s17 =	simm.s32 $0x0  }
0x15f: {  	s0 =	simm.s32 @p2 $0x200;
	s17 =	simm.s32 @p2 $0x0  }
0x160: {  	s0 =	simm.s32 @!p1 $0x200;
	s17 =	simm.s32 @!p1 $0x0  }
0x161: {  	v7 =	vpsel p2, $0x7FFFFFFF, v5;
	v8 =	vpsel p2, $0xFF61B1E6, v4;
	s0 =	simm.s32 @!p0 $0x200;
	s17 =	simm.s32 @!p0 $0x0  }
0x162: {  	v10 =	vpsel !p1, $0x7FFFFFFF, v7;
	v12 =	vpsel !p1, $0xFF61B1E6, v8;
	v9 =	vld [tilespmem:s0+$0x0];
	p1 =	sne.s32 s17, $0x380  }
.Ltmp21:
0x163: {  	_ = 	snop;
	(pc) =	sbr.rel @!p1 .LBB2_20-.Ltmp21, $3  }
0x164: {  	_ =	sdelay $0x1  }
0x165: {  	v11 =	vpsel !p0, $0x7FFFFFFF, v10;
	v7 =	vpsel !p0, $0xFF61B1E6, v12  }
0x166: {  	v8 =	vpsel !p0, $0x7FFFFFFF, v10;
	v10 =	vpsel !p0, $0xFF61B1E6, v12;
	s20 =	sadd.s32 $0x10, s17;
	s22 =	sadd.s32 $0x10, s0;
	v12 =	vmin.f32 v9, $1.000000000e+02  }
.LBB2_19:
0x167: {  	v13 =	vld [tilespmem:s22+$0x0];
	p0 =	sne.s32 s20, $0x380;
	v14 =	vor.u32 s17, v1;
	vm3 =	vgt.f32 v9, v10;
	vm4 =	vgt.f32 v12, v7;
	s17 =	smov.u32 s20;
	s20 =	sadd.s32 $0x10, s20  }
.Ltmp22:
0x168: {  	v10 =	vsel vm3, v9, v10;
	v7 =	vsel vm4, v12, v7;
	v11 =	vsel vm4, v14, v11;
	(pc) =	sbr.rel @p0 .LBB2_19-.Ltmp22, $2  }
0x169: {  	v8 =	vsel vm3, v14, v8;
	_ =	sdelay $0x2  }
0x16a: {  	s22 =	sadd.s32 $0x10, s22;
	v12 =	vmin.f32 v13, $1.000000000e+02;
	v9 =	vmov v13  }
.LBB2_20:
0x16b: {  	vm3 =	vgt.f32 v12, v7  }
0x16c: {  	v12 =	vsel vm3, v12, v7  }
0x16d: {  	(xrf0) =	vmax.scan.msk.f32 $0xffff, v12;
	_ =	sdelay $0x5  }
0x16e: {  	v7, _, _ =	vpop (xrf0)  }
0x16f: {  	v13 =	vor.u32 s17, v1;
	v14 =	vbroadcast v7, $0xF  }
0x170: {  	v11 =	vsel vm3, v13, v11  }
0x171: {  	v11 =	vxor.u32 $0x80000000, v11;
	vm3 =	veq.f32 v12, v14  }
0x172: {  	v11 =	vnsel vm3, $0xFFFFFFFF, v11  }
0x173: {  	(xrf0) =	vmin.scan.msk.u32 $0xffff, v11;
	_ =	sdelay $0x5  }
0x174: {  	v11, _, _ =	vpop (xrf0)  }
0x175: {  	(v2sf) =	vpush v11, $0xF;
	_ =	sdelay $0xb  }
0x176: {  	s0 =	simm.s32 $0x200  }
0x177: {  	v12 =	vld [tilespmem:s0+$0x0];
	_ =	sdelay $0x1  }
0x178: {  	vm3 =	vgt.f32 v9, v10;
	s23 =	spop (v2sf)  }
0x179: {  	s25 =	simm.s32 $0x0;
	v9 =	vsel vm3, v9, v10;
	s17 =	sxor.u32 $0x80000000, s23  }
0x17a: {  	v10 =	vsel vm3, v13, v8;
	v13 =	vor.u32 s25, v1;
	v11 =	vmov s17  }
0x17b: {  	s20 =	simm.s32 $0x10;
	s22 =	simm.s32 $0x210;
	v8 =	vimm.f32 $-3.000000010e+38;
	v12 =	vmin.f32 v12, $1.000000000e+02;
	vm3 =	veq.s32 v13, v11  }
.LBB2_21:
0x17c: {  	v13 =	vld [tilespmem:s22+$0x0];
	p0 =	sne.s32 s20, $0x380;
	v12 =	vsel vm3, $0xFF61B1E6, v12;
	s0 =	smov.u32 s20;
	s20 =	sadd.s32 $0x10, s20  }
.Ltmp23:
0x17d: {  	v8 =	vmax.f32 v8, v12;
	(pc) =	sbr.rel @p0 .LBB2_21-.Ltmp23, $3  }
0x17e: {  	_ =	sdelay $0x1  }
0x17f: {  	v14 =	vor.u32 s0, v1  }
0x180: {  	s22 =	sadd.s32 $0x10, s22;
	vm3 =	veq.s32 v14, v11;
	v12 =	vmin.f32 v13, $1.000000000e+02  }
0x181: {  	(xrf0) =	vmax.scan.msk.f32 $0xffff, v9;
	_ =	sdelay $0x5  }
0x182: {  	v11, _, _ =	vpop (xrf0)  }
0x183: {  	v11 =	vbroadcast v11, $0xF;
	_ =	sdelay $0x1  }
0x184: {  	v62 =	vxor.u32 $0x80000000, v10;
	vm4 =	veq.f32 v9, v11  }
0x185: {  	v9 =	vnsel vm4, $0xFFFFFFFF, v62  }
0x186: {  	v63 =	vsel vm3, $0xFF61B1E6, v12;
	(xrf0) =	vmin.scan.msk.u32 $0xffff, v9  }
0x187: {  	v8 =	vmax.f32 v8, v63  }
0x188: {  	(xrf0) =	vmax.scan.msk.f32 $0xffff, v8;
	_ =	sdelay $0x3  }
0x189: {  	v8, _, _ =	vpop (xrf0)  }
0x18a: {  	(v2sf) =	vpush v8, $0xF  }
0x18b: {  	(v2sf) =	vpush v7, $0xF;
	v7, _, _ =	vpop (xrf0)  }
0x18c: {  	(v2sf) =	vpush v7, $0xF;
	_ =	sdelay $0xa  }
.Ltmp24:
0x18d: {  	_ = 	snop;
	(pc) =	sbr.rel .LBB2_23-.Ltmp24, $4  }
0x18e: {  	_ = 	snop  }
0x18f: {  	s0 =	spop (v2sf)  }
0x190: {  	s22 =	spop (v2sf)  }
0x191: {  	s25 =	sxor.u32 $0x80000000, s0;
	s23 =	spop (v2sf)  }
.Lfunc_end2:
_tile_overlayer_lowered:
.L_overlay_start_2:
0x192: {  	(tag) =	ssettag $0x2  }
0x193: {  	s0 =	rddreg [dreg:$0x0];
	s2 =	stileid.u32  }
0x194: {  	s1 =	rddreg [dreg:$0x1];
	p0 =	sne.s32 s2, $0x0  }
0x195: {  	s3 =	rddreg [dreg:$0x2];
	[bflag:$0x3] =	sbarrier.arrive $0xFFFF;
	s2 =	simm.s32 @!p0 $0x1C01  }
0x196: {  	[timem:s3], [sflag:s2] =	dma.local @!p0 [hbm:s0], s1  }
0x197: {  	s0 =	simm.s32 @!p0 $0x1  }
0x198: {  	_ =	swait.ge @!p0 [sflag:s0], s1  }
0x199: {  	s1 =	ssub.s32 @!p0 $0x0, s1;
	[sflag:s0] =	ssyncset.done @!p0 $0x0  }
0x19a: {  	[sflag:s0] =	ssyncadd.s32 @!p0 s1  }
0x19b: {  	[bflag:$0x3] =	sbarrier.arrive $0xFFFF  }
0x19c: {  	_ =	shalt  }

</sc_bundles>
